<compile_context>
chip_gen: v7x
topology: tpu7x:2x2x1
jax: 0.10.2.dev20260603
libtpu: 0.0.44.dev20260713+nightly
codegen_flags: <defaults>
</compile_context>

<pallas_src>
import functools

import jax
import jax.numpy as jnp
from jax import lax
from jax.experimental import pallas as pl
from jax.experimental.pallas import tpu as pltpu
from jax.experimental.pallas import tpu_sc as plsc

N = 10000
E = 640000
T_ENC = 24
FORECAST = 4
H = 64

NUM_WORKERS = 32
SUB = 16
E_PAD = 655360
EPT = E_PAD // NUM_WORKERS
ROWS = 10112
RPT = ROWS // SUB
DUMMY_ROW = N

BN = 2048
N_PAD = 10240
BE = 16384

GC = 1024
SC_CHUNK = 1024
SC_K = SC_CHUNK // 128



def _rnn_body(xseq, targ, w0c, bih0, bhh0, whh0, wih1, bih1, bhh1, whh1,
              out1W, out1b, out2c, out2b, enc_out, ydec):
    w0 = w0c[...]
    b_ih0 = bih0[...]
    b_hh0 = bhh0[...]
    W0 = whh0[...]
    Wi1 = wih1[...]
    b_ih1 = bih1[...]
    b_hh1 = bhh1[...]
    W1 = whh1[...]
    O1 = out1W[...]
    o1b = out1b[...]
    o2 = out2c[...]
    o2b = out2b[0, 0]

    def gru_cell(gi, h, whh, bhhc):
        gh = jnp.dot(whh, h, preferred_element_type=jnp.float32) + bhhc
        r = jax.nn.sigmoid(gi[0:H] + gh[0:H])
        z = jax.nn.sigmoid(gi[H:2 * H] + gh[H:2 * H])
        n = jnp.tanh(gi[2 * H:3 * H] + r * gh[2 * H:3 * H])
        return (1.0 - z) * n + z * h

    def cell2(xrow, h0, h1):
        gi0 = w0 * xrow + b_ih0
        h0n = gru_cell(gi0, h0, W0, b_hh0)
        gi1 = jnp.dot(Wi1, h0n, preferred_element_type=jnp.float32) + b_ih1
        h1n = gru_cell(gi1, h1, W1, b_hh1)
        return h0n, h1n

    def out_row(h1):
        o64 = jax.nn.relu(jnp.dot(O1, h1, preferred_element_type=jnp.float32) + o1b)
        return jnp.sum(o64 * o2, axis=0, keepdims=True) + o2b

    def step(t, carry):
        h0, h1 = carry
        h0, h1 = cell2(xseq[pl.ds(t, 1), :], h0, h1)
        enc_out[pl.ds(t, 1), :] = out_row(h1)
        return h0, h1

    h0 = jnp.zeros((H, BN), jnp.float32)
    h1 = jnp.zeros((H, BN), jnp.float32)
    h0, h1 = lax.fori_loop(0, T_ENC, step, (h0, h1))

    y = enc_out[T_ENC - 1:T_ENC, :]
    for i in range(FORECAST):
        h0, h1 = cell2(y, h0, h1)
        ydec[i:i + 1, :] = out_row(h1)
        y = targ[i:i + 1, :]


def _run_rnn(enc_xT, targT, wts):
    grid = (N_PAD // BN,)
    blk = lambda r, c: pl.BlockSpec((r, c), lambda i: (0, i))
    full = lambda a: pl.BlockSpec(a.shape, lambda i: (0,) * a.ndim)
    w_specs = [full(w) for w in wts]
    return pl.pallas_call(
        _rnn_body,
        grid=grid,
        in_specs=[blk(T_ENC, BN), blk(FORECAST, BN)] + w_specs,
        out_specs=[blk(T_ENC, BN), blk(FORECAST, BN)],
        out_shape=[
            jax.ShapeDtypeStruct((T_ENC, N_PAD), jnp.float32),
            jax.ShapeDtypeStruct((FORECAST, N_PAD), jnp.float32),
        ],
    )(enc_xT, targT, *wts)



def _gather_body(xtab, srcp, dstp, xsrc_out, xdst_out,
                 si0, di0, sr0, dr0, si1, di1, sr1, dr1, sem_s0, sem_d0,
                 sem_s1, sem_d1):
    wid = lax.axis_index("c") * SUB + lax.axis_index("s")
    base0 = wid * EPT
    NCH = EPT // GC
    bufs = ((si0, di0, sr0, dr0, sem_s0, sem_d0),
            (si1, di1, sr1, dr1, sem_s1, sem_d1))

    def start(ci, b):
        si, di, sr, dr, ss, sd = bufs[b]
        base = base0 + ci * GC
        pltpu.sync_copy(srcp.at[pl.ds(base, GC)], si)
        pltpu.sync_copy(dstp.at[pl.ds(base, GC)], di)
        pltpu.async_copy(xtab.at[si], sr, ss)
        pltpu.async_copy(xtab.at[di], dr, sd)

    def drain(ci, b):
        si, di, sr, dr, ss, sd = bufs[b]
        base = base0 + ci * GC
        pltpu.make_async_copy(xtab.at[si], sr, ss).wait()
        pltpu.make_async_copy(xtab.at[di], dr, sd).wait()
        pltpu.sync_copy(sr, xsrc_out.at[pl.ds(base, GC), :])
        pltpu.sync_copy(dr, xdst_out.at[pl.ds(base, GC), :])

    start(0, 0)

    def pair(k, carry):
        c0 = 2 * k
        start(c0 + 1, 1)
        drain(c0, 0)

        @pl.when(c0 + 2 < NCH)
        def _():
            start(c0 + 2, 0)

        drain(c0 + 1, 1)
        return carry

    lax.fori_loop(0, NCH // 2, pair, 0)


@functools.cache
def _gather_call():
    return pl.kernel(
        _gather_body,
        out_type=[
            jax.ShapeDtypeStruct((E_PAD, 16), jnp.float32),
            jax.ShapeDtypeStruct((E_PAD, 16), jnp.float32),
        ],
        mesh=plsc.VectorSubcoreMesh(core_axis_name="c", subcore_axis_name="s"),
        compiler_params=pltpu.CompilerParams(use_tc_tiling_on_sc=False),
        scratch_types=[
            pltpu.VMEM((GC,), jnp.int32),
            pltpu.VMEM((GC,), jnp.int32),
            pltpu.VMEM((GC, 16), jnp.float32),
            pltpu.VMEM((GC, 16), jnp.float32),
            pltpu.VMEM((GC,), jnp.int32),
            pltpu.VMEM((GC,), jnp.int32),
            pltpu.VMEM((GC, 16), jnp.float32),
            pltpu.VMEM((GC, 16), jnp.float32),
            pltpu.SemaphoreType.DMA,
            pltpu.SemaphoreType.DMA,
            pltpu.SemaphoreType.DMA,
            pltpu.SemaphoreType.DMA,
        ],
    )



def _mlp_body(xs, xd, w, WJT, WIT, b1c, W2T, b2c, W3T, b3s, out):
    xsT = xs[...].T
    xdT = xd[...].T
    wrow = w[...]
    b3 = b3s[0, 0]
    G = BE // 8
    out[5:8, :] = jnp.zeros((3, BE), jnp.float32)
    for e in range(8):
        xet = xsT[16 * e:16 * e + 16, :]
        xdet = xdT[16 * e:16 * e + 16, :]
        h1t = jax.nn.relu(
            jnp.dot(WJT[...], xet, preferred_element_type=jnp.float32)
            + jnp.dot(WIT[...], xdet, preferred_element_type=jnp.float32)
            + b1c[...])
        h2t = jax.nn.relu(
            jnp.dot(W2T[...], h1t, preferred_element_type=jnp.float32)
            + b2c[...])
        m4t = jnp.dot(W3T[...], h2t, preferred_element_type=jnp.float32) + b3
        we = wrow[:, G * e:G * e + G]
        out[0:4, pl.ds(G * e, G)] = m4t * we
        out[4:5, pl.ds(G * e, G)] = we


def _run_mlp(xsrc, xdst, w_row, wts):
    grid = (E_PAD // BE,)
    full = lambda a: pl.BlockSpec(a.shape, lambda i: (0,) * a.ndim)
    return pl.pallas_call(
        _mlp_body,
        grid=grid,
        in_specs=[pl.BlockSpec((BE // 8, 128), lambda i: (i, 0)),
                  pl.BlockSpec((BE // 8, 128), lambda i: (i, 0)),
                  pl.BlockSpec((1, BE), lambda i: (0, i))]
        + [full(w) for w in wts],
        out_specs=pl.BlockSpec((8, BE), lambda i: (0, i)),
        out_shape=jax.ShapeDtypeStruct((8, E_PAD), jnp.float32),
    )(xsrc, xdst, w_row, *wts)



def _scatter_body(msgs, dst2d, zrow, out, val_v, idx_v, a0, a1, a2, a3, a4,
                  sem):
    cid = lax.axis_index("c")
    sid = lax.axis_index("s")
    wid = cid * SUB + sid
    accs = (a0, a1, a2, a3, a4)

    for acc in accs:
        pltpu.sync_copy(zrow.at[pl.ds(sid * RPT, RPT)],
                        acc.at[pl.ds(sid * RPT, RPT)])
    plsc.subcore_barrier()

    def chunk(ci, carry):
        base = wid * EPT + ci * SC_CHUNK
        row = wid * (EPT // 128) + ci * SC_K
        pltpu.sync_copy(dst2d.at[pl.ds(row, SC_K), :], idx_v)
        for c in range(5):
            pltpu.sync_copy(msgs.at[c, pl.ds(base, SC_CHUNK)],
                            val_v.at[c])
        cps = []
        for c in range(5):
            for j in range(SC_K):
                cps.append(pltpu.async_copy(
                    val_v.at[c, pl.ds(j * 128, 128)],
                    accs[c].at[idx_v.at[j]], sem, add=True))
        for cp in cps:
            cp.wait()
        return carry

    lax.fori_loop(0, EPT // SC_CHUNK, chunk, 0)
    plsc.subcore_barrier()
    for c in range(5):
        pltpu.sync_copy(accs[c].at[pl.ds(sid * RPT, RPT)],
                        out.at[cid, c, pl.ds(sid * RPT, RPT)])


@functools.cache
def _scatter_call():
    return pl.kernel(
        _scatter_body,
        out_type=jax.ShapeDtypeStruct((2, 5, ROWS), jnp.float32),
        mesh=plsc.VectorSubcoreMesh(core_axis_name="c", subcore_axis_name="s"),
        compiler_params=pltpu.CompilerParams(use_tc_tiling_on_sc=False),
        scratch_types=[
            pltpu.VMEM((5, SC_CHUNK), jnp.float32),
            pltpu.VMEM((SC_K, 128), jnp.int32),
            pltpu.VMEM_SHARED((ROWS,), jnp.float32),
            pltpu.VMEM_SHARED((ROWS,), jnp.float32),
            pltpu.VMEM_SHARED((ROWS,), jnp.float32),
            pltpu.VMEM_SHARED((ROWS,), jnp.float32),
            pltpu.VMEM_SHARED((ROWS,), jnp.float32),
            pltpu.SemaphoreType.DMA,
        ],
    )



def _combine_body(parts, ydecT, coef, out):
    pv = parts[...]
    agg = pv[0] + pv[1]
    s4 = agg[0:4, :]
    nrm = agg[4:5, :]
    alpha = coef[0, 0]
    beta = coef[0, 1]
    out[...] = beta * ydecT[...] + alpha * (s4 / nrm)


def _run_combine(parts, ydecT, coef):
    full = lambda a: pl.BlockSpec(a.shape, lambda: (0,) * a.ndim)
    return pl.pallas_call(
        _combine_body,
        in_specs=[full(parts), full(ydecT), full(coef)],
        out_specs=pl.BlockSpec((FORECAST, ROWS), lambda: (0, 0)),
        out_shape=jax.ShapeDtypeStruct((FORECAST, ROWS), jnp.float32),
    )(parts, ydecT, coef)



def kernel(encoder_input, decoder_input, static, edge_attr, stat_edge_index,
           dyn_e_idx, dyn_e_attr, target, params):
    p = params
    f32 = jnp.float32

    enc_x = encoder_input[:, :, 0]
    targ = target[:, :, 0]
    enc_xT = jnp.pad(enc_x.T, ((0, 0), (0, N_PAD - N)))
    targT = jnp.pad(targ.T, ((0, 0), (0, N_PAD - N)))

    rnn_wts = (
        p['gru0_Wih'],
        p['gru0_bih'][:, None],
        p['gru0_bhh'][:, None],
        p['gru0_Whh'],
        p['gru1_Wih'],
        p['gru1_bih'][:, None],
        p['gru1_bhh'][:, None],
        p['gru1_Whh'],
        p['out1_W'],
        p['out1_b'][:, None],
        p['out2_W'].T,
        p['out2_b'].reshape(1, 1),
    )
    enc_outT, ydecT = _run_rnn(enc_xT, targT, rnn_wts)
    enc_out = enc_outT.T[:N]

    xfull = jnp.concatenate(
        [enc_x[:, T_ENC - 6:], enc_out[:, T_ENC - 1:T_ENC], targ[:, 0:3]],
        axis=1)
    xtab = jnp.pad(xfull, ((0, 0), (0, 6)))

    src = jnp.pad(stat_edge_index[0], (0, E_PAD - E))
    dst = jnp.pad(stat_edge_index[1], (0, E_PAD - E),
                  constant_values=DUMMY_ROW)
    w_pad = jnp.pad(edge_attr, (0, E_PAD - E))

    xsrc, xdst = _gather_call()(xtab, src, dst)
    xsrc = xsrc.reshape(E_PAD // 8, 128)
    xdst = xdst.reshape(E_PAD // 8, 128)

    NB = E_PAD // BE
    perm = lambda a: a.reshape(NB, BE // 8, 8).swapaxes(1, 2).reshape(1, E_PAD)
    w_perm = perm(w_pad)
    dst_perm = perm(dst).reshape(E_PAD)

    m1 = p['m1_W']
    Wj = (m1[:, :7] + m1[:, 7:]).T
    Wi = (-m1[:, 7:]).T
    WJ = jnp.zeros((16, 256), f32)
    WI = jnp.zeros((16, 256), f32)
    for i_s in range(FORECAST):
        WJ = WJ.at[i_s:i_s + 7, i_s * 64:(i_s + 1) * 64].set(Wj)
        WI = WI.at[i_s:i_s + 7, i_s * 64:(i_s + 1) * 64].set(Wi)
    b1t = jnp.tile(p['m1_b'], FORECAST)[None, :]
    W2 = jnp.zeros((256, 128), f32)
    for i_s in range(FORECAST):
        W2 = W2.at[i_s * 64:(i_s + 1) * 64,
                   i_s * 32:(i_s + 1) * 32].set(p['m2_W'].T)
    b2t = jnp.tile(p['m2_b'], FORECAST)[None, :]
    W3 = jnp.zeros((128, FORECAST), f32)
    for i_s in range(FORECAST):
        W3 = W3.at[i_s * 32:(i_s + 1) * 32, i_s].set(p['mo_W'][0])
    b3s = p['mo_b'].reshape(1, 1)

    msgs = _run_mlp(xsrc, xdst, w_perm,
                    (WJ.T, WI.T, b1t.T, W2.T, b2t.T, W3.T, b3s))

    dst2d = dst_perm.reshape(E_PAD // 128, 128)
    zrow = jnp.zeros((ROWS,), f32)
    parts = _scatter_call()(msgs, dst2d, zrow)

    gate = jax.nn.sigmoid(p['out_param'])
    alpha = (1.0 - gate) * p['gnn_lin_W'][0, 0]
    coef = jnp.stack([alpha, gate]).reshape(1, 2).astype(f32)
    decT = _run_combine(parts, ydecT[:, :ROWS], coef)

    decoder_output = decT.T[:N].reshape(N, FORECAST, 1)
    enc_output = enc_out.reshape(N, T_ENC, 1)
    return decoder_output, enc_output

# --- scband reference (transcript-rebuilt; emitter-appended) ---
"""Pipeline reference for scband-rnn-gnn-fusion-5205500363076 (READ-ONLY COPY).

The authoritative reference and input builder live on the scoring server;
editing this copy changes nothing except your own understanding.
"""

import jax, jax.numpy as jnp
import numpy as np

N = 10000
E = 640000
T_ENC = 24
FORECAST = 4
H = 64


def _lin_init(k, out_d, in_d):
    s = 1.0 / np.sqrt(in_d)
    kw, kb = jax.random.split(k)
    W = jax.random.uniform(kw, (out_d, in_d), minval=-s, maxval=s, dtype=jnp.float32)
    b = jax.random.uniform(kb, (out_d,), minval=-s, maxval=s, dtype=jnp.float32)
    return W, b


def setup_inputs(seed: int = 0):
    key = jax.random.key(seed)
    ks = jax.random.split(key, 32)
    params = {}
    for li, in_d in [(0, 1), (1, H)]:
        s = 1.0 / np.sqrt(H)
        params['gru%d_Wih' % li] = jax.random.uniform(ks[li * 4 + 0], (3 * H, in_d), minval=-s, maxval=s, dtype=jnp.float32)
        params['gru%d_Whh' % li] = jax.random.uniform(ks[li * 4 + 1], (3 * H, H), minval=-s, maxval=s, dtype=jnp.float32)
        params['gru%d_bih' % li] = jax.random.uniform(ks[li * 4 + 2], (3 * H,), minval=-s, maxval=s, dtype=jnp.float32)
        params['gru%d_bhh' % li] = jax.random.uniform(ks[li * 4 + 3], (3 * H,), minval=-s, maxval=s, dtype=jnp.float32)
    params['out1_W'], params['out1_b'] = _lin_init(ks[8], H, H)
    params['out2_W'], params['out2_b'] = _lin_init(ks[9], 1, H)
    params['m1_W'], params['m1_b'] = _lin_init(ks[10], 64, 14)
    params['m2_W'], params['m2_b'] = _lin_init(ks[11], 32, 64)
    params['mo_W'], params['mo_b'] = _lin_init(ks[12], 1, 32)
    params['gnn_lin_W'] = jax.random.uniform(ks[13], (1, 1), minval=-1.0, maxval=1.0, dtype=jnp.float32)
    params['out_param'] = jnp.float32(0.5)
    return {
        'encoder_input': jax.random.normal(ks[16], (N, T_ENC, 1), dtype=jnp.float32),
        'decoder_input': jax.random.normal(ks[17], (N, FORECAST, 1), dtype=jnp.float32),
        'static': jax.random.normal(ks[18], (N, 8), dtype=jnp.float32),
        'edge_attr': jax.random.uniform(ks[19], (E,), dtype=jnp.float32, minval=0.0, maxval=1.0),
        'stat_edge_index': jax.random.randint(ks[20], (2, E), 0, N, dtype=jnp.int32),
        'dyn_e_idx': jax.random.randint(ks[21], (2, 1024), 0, N, dtype=jnp.int32),
        'dyn_e_attr': jax.random.uniform(ks[22], (1024,), dtype=jnp.float32),
        'target': jax.random.normal(ks[23], (N, FORECAST, 1), dtype=jnp.float32),
        'params': params,
    }


def _gru_layer(y, h0, Wih, Whh, bih, bhh):
    def step(h, xt):
        gi = xt @ Wih.T + bih
        gh = h @ Whh.T + bhh
        i_r, i_z, i_n = jnp.split(gi, 3, axis=-1)
        h_r, h_z, h_n = jnp.split(gh, 3, axis=-1)
        r = jax.nn.sigmoid(i_r + h_r)
        z = jax.nn.sigmoid(i_z + h_z)
        n = jnp.tanh(i_n + r * h_n)
        h_new = (1.0 - z) * n + z * h
        return h_new, h_new
    hT, ys = jax.lax.scan(step, h0, jnp.swapaxes(y, 0, 1))
    return jnp.swapaxes(ys, 0, 1), hT


def _rnn(y, prev_hidden, p):
    if prev_hidden is None:
        prev_hidden = [jnp.zeros((y.shape[0], H), jnp.float32), jnp.zeros((y.shape[0], H), jnp.float32)]
    hidden = []
    for li in range(2):
        y, hT = _gru_layer(y, prev_hidden[li], p['gru%d_Wih' % li], p['gru%d_Whh' % li], p['gru%d_bih' % li], p['gru%d_bhh' % li])
        hidden.append(hT)
    out = jax.nn.relu(y @ p['out1_W'].T + p['out1_b'])
    out = out @ p['out2_W'].T + p['out2_b']
    return out, hidden


def _gnn(x, edge_index, edge_weight, p):
    n_nodes = x.shape[0]
    src = edge_index[0]
    dst = edge_index[1]
    norm = jnp.zeros((n_nodes,), x.dtype).at[dst].add(edge_weight)
    x_j = jnp.take(x, src, axis=0)
    x_i = jnp.take(x, dst, axis=0)
    m = jnp.concatenate([x_j, x_j - x_i], axis=1)
    m = jax.nn.relu(m @ p['m1_W'].T + p['m1_b'])
    m = jax.nn.relu(m @ p['m2_W'].T + p['m2_b'])
    m = m @ p['mo_W'].T + p['mo_b']
    m = m * edge_weight[:, None]
    agg = jnp.zeros((n_nodes, 1), x.dtype).at[dst].add(m)
    out = agg / norm[:, None]
    out = out @ p['gnn_lin_W'].T
    return out


def reference(encoder_input, decoder_input, static, edge_attr, stat_edge_index, dyn_e_idx, dyn_e_attr, target, params):
    p = params
    enc_output, prev_hidden = _rnn(encoder_input, None, p)
    y_prev = enc_output[:, -1, :]
    step_graph_input = encoder_input[:, -6:, :]
    step_decoder_input = y_prev[:, None, :]
    gate = jax.nn.sigmoid(p['out_param'])
    outs = []
    for i in range(FORECAST):
        step_graph_input = jnp.concatenate([step_graph_input, step_decoder_input], axis=1)[:, -7:, :]
        diffusion = _gnn(step_graph_input[:, :, 0], stat_edge_index, edge_attr, p)[:, None, :]
        y_prev, prev_hidden = _rnn(step_decoder_input, prev_hidden, p)
        step_decoder_input = target[:, i, :][:, None, :]
        out = gate * y_prev[:, 0, :] + (1.0 - gate) * diffusion[:, 0, :]
        outs.append(out)
    decoder_output = jnp.stack(outs, axis=1)
    return decoder_output, enc_output

if __name__ == "__main__":
    import jax
    _d = setup_inputs()
    print(jax.jit(kernel)(*tuple(_d.values())))

</pallas_src>

<mosaic_0001>
#map = affine_map<(d0, d1) -> (0, 0)>
#map1 = affine_map<(d0, d1) -> (0)>
#map2 = affine_map<(d0, d1) -> (0, 0, 0)>
module attributes {stable_mosaic.version = 14 : i64} {
  func.func @_scatter_body(%arg0: i32, %arg1: i32, %arg2: memref<8x655360xf32, #tpu.memory_space<hbm>>, %arg3: memref<5120x128xi32, #tpu.memory_space<hbm>>, %arg4: memref<10112xf32, #tpu.memory_space<hbm>>, %arg5: memref<2x5x10112xf32, #tpu.memory_space<hbm>>, %arg6: memref<5x1024xf32, #tpu.memory_space<vmem>>, %arg7: memref<8x128xi32, #tpu.memory_space<vmem>>, %arg8: memref<10112xf32, #tpu.memory_space<vmem_shared>>, %arg9: memref<10112xf32, #tpu.memory_space<vmem_shared>>, %arg10: memref<10112xf32, #tpu.memory_space<vmem_shared>>, %arg11: memref<10112xf32, #tpu.memory_space<vmem_shared>>, %arg12: memref<10112xf32, #tpu.memory_space<vmem_shared>>, %arg13: memref<!tpu.dma_semaphore, #tpu.memory_space<semaphore_mem>>) attributes {dimension_semantics = [#tpu.dimension_semantics<core_parallel>, #tpu.dimension_semantics<subcore_parallel>], iteration_bounds = array<i64: 2, 16>, scalar_prefetch = 0 : i64, scratch_operands = 8 : i64, tpu.core_type = #tpu.core_type<sc_vector_subcore>, window_params = [{transform_indices = #map}, {transform_indices = #map}, {transform_indices = #map1}, {transform_indices = #map2}]} {
    %mul3A = arith.constant 16 : i32
    %mul3A_0 = arith.muli %arg0, %mul3A : i32
    %add3A = arith.addi %mul3A_0, %arg1 : i32
    %mul3A_1 = arith.constant 632 : i32
    %mul3A_2 = arith.muli %arg1, %mul3A_1 : i32
    %mul3A_3 = arith.constant 632 : i32
    %mul3A_4 = arith.muli %arg1, %mul3A_3 : i32
    "tpu.region"() ({
      %run_scoped3A_51 = tpu.sem_alloc : memref<!tpu.dma_semaphore, #tpu.memory_space<semaphore_mem>>
      %dma_start3A = tpu.memref_slice %arg8[%mul3A_4] : memref<10112xf32, #tpu.memory_space<vmem_shared>> -> memref<632xf32, #tpu.memory_space<vmem_shared>>
      %dma_start3A_52 = tpu.memref_slice %arg4[%mul3A_2] : memref<10112xf32, #tpu.memory_space<hbm>> -> memref<632xf32, #tpu.memory_space<hbm>>
      tpu.enqueue_dma source(%dma_start3A_52 : memref<632xf32, #tpu.memory_space<hbm>>) target(%dma_start3A : memref<632xf32, #tpu.memory_space<vmem_shared>>) target_semaphore(%run_scoped3A_51 : memref<!tpu.dma_semaphore, #tpu.memory_space<semaphore_mem>>)
      %dma_wait3A = tpu.memref_slice %arg8[%mul3A_4] : memref<10112xf32, #tpu.memory_space<vmem_shared>> -> memref<632xf32, #tpu.memory_space<vmem_shared>>
      %dma_wait3A_53 = tpu.memref_slice %arg4[%mul3A_2] : memref<10112xf32, #tpu.memory_space<hbm>> -> memref<632xf32, #tpu.memory_space<hbm>>
      tpu.wait_dma2 semaphore(%run_scoped3A_51 : memref<!tpu.dma_semaphore, #tpu.memory_space<semaphore_mem>>) src(%dma_wait3A_53 : memref<632xf32, #tpu.memory_space<hbm>>) dst(%dma_wait3A : memref<632xf32, #tpu.memory_space<vmem_shared>>)
      tpu.yield
    }) : () -> ()
    %mul3A_5 = arith.constant 632 : i32
    %mul3A_6 = arith.muli %arg1, %mul3A_5 : i32
    %mul3A_7 = arith.constant 632 : i32
    %mul3A_8 = arith.muli %arg1, %mul3A_7 : i32
    "tpu.region"() ({
      %run_scoped3A_51 = tpu.sem_alloc : memref<!tpu.dma_semaphore, #tpu.memory_space<semaphore_mem>>
      %dma_start3A = tpu.memref_slice %arg9[%mul3A_8] : memref<10112xf32, #tpu.memory_space<vmem_shared>> -> memref<632xf32, #tpu.memory_space<vmem_shared>>
      %dma_start3A_52 = tpu.memref_slice %arg4[%mul3A_6] : memref<10112xf32, #tpu.memory_space<hbm>> -> memref<632xf32, #tpu.memory_space<hbm>>
      tpu.enqueue_dma source(%dma_start3A_52 : memref<632xf32, #tpu.memory_space<hbm>>) target(%dma_start3A : memref<632xf32, #tpu.memory_space<vmem_shared>>) target_semaphore(%run_scoped3A_51 : memref<!tpu.dma_semaphore, #tpu.memory_space<semaphore_mem>>)
      %dma_wait3A = tpu.memref_slice %arg9[%mul3A_8] : memref<10112xf32, #tpu.memory_space<vmem_shared>> -> memref<632xf32, #tpu.memory_space<vmem_shared>>
      %dma_wait3A_53 = tpu.memref_slice %arg4[%mul3A_6] : memref<10112xf32, #tpu.memory_space<hbm>> -> memref<632xf32, #tpu.memory_space<hbm>>
      tpu.wait_dma2 semaphore(%run_scoped3A_51 : memref<!tpu.dma_semaphore, #tpu.memory_space<semaphore_mem>>) src(%dma_wait3A_53 : memref<632xf32, #tpu.memory_space<hbm>>) dst(%dma_wait3A : memref<632xf32, #tpu.memory_space<vmem_shared>>)
      tpu.yield
    }) : () -> ()
    %mul3A_9 = arith.constant 632 : i32
    %mul3A_10 = arith.muli %arg1, %mul3A_9 : i32
    %mul3A_11 = arith.constant 632 : i32
    %mul3A_12 = arith.muli %arg1, %mul3A_11 : i32
    "tpu.region"() ({
      %run_scoped3A_51 = tpu.sem_alloc : memref<!tpu.dma_semaphore, #tpu.memory_space<semaphore_mem>>
      %dma_start3A = tpu.memref_slice %arg10[%mul3A_12] : memref<10112xf32, #tpu.memory_space<vmem_shared>> -> memref<632xf32, #tpu.memory_space<vmem_shared>>
      %dma_start3A_52 = tpu.memref_slice %arg4[%mul3A_10] : memref<10112xf32, #tpu.memory_space<hbm>> -> memref<632xf32, #tpu.memory_space<hbm>>
      tpu.enqueue_dma source(%dma_start3A_52 : memref<632xf32, #tpu.memory_space<hbm>>) target(%dma_start3A : memref<632xf32, #tpu.memory_space<vmem_shared>>) target_semaphore(%run_scoped3A_51 : memref<!tpu.dma_semaphore, #tpu.memory_space<semaphore_mem>>)
      %dma_wait3A = tpu.memref_slice %arg10[%mul3A_12] : memref<10112xf32, #tpu.memory_space<vmem_shared>> -> memref<632xf32, #tpu.memory_space<vmem_shared>>
      %dma_wait3A_53 = tpu.memref_slice %arg4[%mul3A_10] : memref<10112xf32, #tpu.memory_space<hbm>> -> memref<632xf32, #tpu.memory_space<hbm>>
      tpu.wait_dma2 semaphore(%run_scoped3A_51 : memref<!tpu.dma_semaphore, #tpu.memory_space<semaphore_mem>>) src(%dma_wait3A_53 : memref<632xf32, #tpu.memory_space<hbm>>) dst(%dma_wait3A : memref<632xf32, #tpu.memory_space<vmem_shared>>)
      tpu.yield
    }) : () -> ()
    %mul3A_13 = arith.constant 632 : i32
    %mul3A_14 = arith.muli %arg1, %mul3A_13 : i32
    %mul3A_15 = arith.constant 632 : i32
    %mul3A_16 = arith.muli %arg1, %mul3A_15 : i32
    "tpu.region"() ({
      %run_scoped3A_51 = tpu.sem_alloc : memref<!tpu.dma_semaphore, #tpu.memory_space<semaphore_mem>>
      %dma_start3A = tpu.memref_slice %arg11[%mul3A_16] : memref<10112xf32, #tpu.memory_space<vmem_shared>> -> memref<632xf32, #tpu.memory_space<vmem_shared>>
      %dma_start3A_52 = tpu.memref_slice %arg4[%mul3A_14] : memref<10112xf32, #tpu.memory_space<hbm>> -> memref<632xf32, #tpu.memory_space<hbm>>
      tpu.enqueue_dma source(%dma_start3A_52 : memref<632xf32, #tpu.memory_space<hbm>>) target(%dma_start3A : memref<632xf32, #tpu.memory_space<vmem_shared>>) target_semaphore(%run_scoped3A_51 : memref<!tpu.dma_semaphore, #tpu.memory_space<semaphore_mem>>)
      %dma_wait3A = tpu.memref_slice %arg11[%mul3A_16] : memref<10112xf32, #tpu.memory_space<vmem_shared>> -> memref<632xf32, #tpu.memory_space<vmem_shared>>
      %dma_wait3A_53 = tpu.memref_slice %arg4[%mul3A_14] : memref<10112xf32, #tpu.memory_space<hbm>> -> memref<632xf32, #tpu.memory_space<hbm>>
      tpu.wait_dma2 semaphore(%run_scoped3A_51 : memref<!tpu.dma_semaphore, #tpu.memory_space<semaphore_mem>>) src(%dma_wait3A_53 : memref<632xf32, #tpu.memory_space<hbm>>) dst(%dma_wait3A : memref<632xf32, #tpu.memory_space<vmem_shared>>)
      tpu.yield
    }) : () -> ()
    %mul3A_17 = arith.constant 632 : i32
    %mul3A_18 = arith.muli %arg1, %mul3A_17 : i32
    %mul3A_19 = arith.constant 632 : i32
    %mul3A_20 = arith.muli %arg1, %mul3A_19 : i32
    "tpu.region"() ({
      %run_scoped3A_51 = tpu.sem_alloc : memref<!tpu.dma_semaphore, #tpu.memory_space<semaphore_mem>>
      %dma_start3A = tpu.memref_slice %arg12[%mul3A_20] : memref<10112xf32, #tpu.memory_space<vmem_shared>> -> memref<632xf32, #tpu.memory_space<vmem_shared>>
      %dma_start3A_52 = tpu.memref_slice %arg4[%mul3A_18] : memref<10112xf32, #tpu.memory_space<hbm>> -> memref<632xf32, #tpu.memory_space<hbm>>
      tpu.enqueue_dma source(%dma_start3A_52 : memref<632xf32, #tpu.memory_space<hbm>>) target(%dma_start3A : memref<632xf32, #tpu.memory_space<vmem_shared>>) target_semaphore(%run_scoped3A_51 : memref<!tpu.dma_semaphore, #tpu.memory_space<semaphore_mem>>)
      %dma_wait3A = tpu.memref_slice %arg12[%mul3A_20] : memref<10112xf32, #tpu.memory_space<vmem_shared>> -> memref<632xf32, #tpu.memory_space<vmem_shared>>
      %dma_wait3A_53 = tpu.memref_slice %arg4[%mul3A_18] : memref<10112xf32, #tpu.memory_space<hbm>> -> memref<632xf32, #tpu.memory_space<hbm>>
      tpu.wait_dma2 semaphore(%run_scoped3A_51 : memref<!tpu.dma_semaphore, #tpu.memory_space<semaphore_mem>>) src(%dma_wait3A_53 : memref<632xf32, #tpu.memory_space<hbm>>) dst(%dma_wait3A : memref<632xf32, #tpu.memory_space<vmem_shared>>)
      tpu.yield
    }) : () -> ()
    %barrier3A = arith.constant 0 : index
    tpu.barrier barrier_id(%barrier3A)
    %scan3A = arith.constant 0 : i32
    %scan3A_21 = arith.constant 0 : i32
    %scan3A_22 = arith.constant 20 : i32
    %scan3A_23 = arith.addi %scan3A_21, %scan3A_22 : i32
    %scan3A_24 = arith.constant 1 : i32
    scf.for %scan3A_51 = %scan3A_21 to %scan3A_23 step %scan3A_24  : i32 {
      %mul3A_52 = arith.constant 20480 : i32
      %mul3A_53 = arith.muli %add3A, %mul3A_52 : i32
      %mul3A_54 = arith.constant 1024 : i32
      %mul3A_55 = arith.muli %scan3A_51, %mul3A_54 : i32
      %add3A_56 = arith.addi %mul3A_53, %mul3A_55 : i32
      %mul3A_57 = arith.constant 160 : i32
      %mul3A_58 = arith.muli %add3A, %mul3A_57 : i32
      %mul3A_59 = arith.constant 8 : i32
      %mul3A_60 = arith.muli %scan3A_51, %mul3A_59 : i32
      %add3A_61 = arith.addi %mul3A_58, %mul3A_60 : i32
      "tpu.region"() ({
        %run_scoped3A_870 = tpu.sem_alloc : memref<!tpu.dma_semaphore, #tpu.memory_space<semaphore_mem>>
        %dma_start3A_871 = arith.constant 0 : i32
        %dma_start3A_872 = tpu.memref_slice %arg3[%add3A_61, %dma_start3A_871] : memref<5120x128xi32, #tpu.memory_space<hbm>> -> memref<8x128xi32, #tpu.memory_space<hbm>>
        %dma_start3A_873 = arith.constant 0 : i32
        %dma_start3A_874 = tpu.memref_slice %arg3[%add3A_61, %dma_start3A_873] : memref<5120x128xi32, #tpu.memory_space<hbm>> -> memref<8x128xi32, #tpu.memory_space<hbm>>
        tpu.enqueue_dma source(%dma_start3A_874 : memref<8x128xi32, #tpu.memory_space<hbm>>) target(%arg7 : memref<8x128xi32, #tpu.memory_space<vmem>>) target_semaphore(%run_scoped3A_870 : memref<!tpu.dma_semaphore, #tpu.memory_space<semaphore_mem>>)
        %dma_wait3A_875 = arith.constant 0 : i32
        %dma_wait3A_876 = tpu.memref_slice %arg3[%add3A_61, %dma_wait3A_875] : memref<5120x128xi32, #tpu.memory_space<hbm>> -> memref<8x128xi32, #tpu.memory_space<hbm>>
        %dma_wait3A_877 = arith.constant 0 : i32
        %dma_wait3A_878 = tpu.memref_slice %arg3[%add3A_61, %dma_wait3A_877] : memref<5120x128xi32, #tpu.memory_space<hbm>> -> memref<8x128xi32, #tpu.memory_space<hbm>>
        tpu.wait_dma2 semaphore(%run_scoped3A_870 : memref<!tpu.dma_semaphore, #tpu.memory_space<semaphore_mem>>) src(%dma_wait3A_878 : memref<8x128xi32, #tpu.memory_space<hbm>>) dst(%arg7 : memref<8x128xi32, #tpu.memory_space<vmem>>)
        tpu.yield
      }) : () -> ()
      %run_scoped3A_62 = arith.constant 0 : i32
      %run_scoped3A_63 = arith.constant 0 : i32
      "tpu.region"() ({
        %run_scoped3A_870 = tpu.sem_alloc : memref<!tpu.dma_semaphore, #tpu.memory_space<semaphore_mem>>
        %dma_start3A_871 = arith.constant 0 : i32
        %dma_start3A_872 = tpu.memref_slice %arg6[%run_scoped3A_63, %dma_start3A_871] : memref<5x1024xf32, #tpu.memory_space<vmem>> -> memref<1x1024xf32, #tpu.memory_space<vmem>>
        %dma_start3A_873 = tpu.memref_squeeze %dma_start3A_872 : memref<1x1024xf32, #tpu.memory_space<vmem>> -> memref<1024xf32, #tpu.memory_space<vmem>>
        %dma_start3A_874 = tpu.memref_slice %arg2[%run_scoped3A_62, %add3A_56] : memref<8x655360xf32, #tpu.memory_space<hbm>> -> memref<1x1024xf32, #tpu.memory_space<hbm>>
        %dma_start3A_875 = tpu.memref_squeeze %dma_start3A_874 : memref<1x1024xf32, #tpu.memory_space<hbm>> -> memref<1024xf32, #tpu.memory_space<hbm>>
        %dma_start3A_876 = arith.constant 0 : i32
        %dma_start3A_877 = tpu.memref_slice %arg6[%run_scoped3A_63, %dma_start3A_876] : memref<5x1024xf32, #tpu.memory_space<vmem>> -> memref<1x1024xf32, #tpu.memory_space<vmem>>
        %dma_start3A_878 = tpu.memref_squeeze %dma_start3A_877 : memref<1x1024xf32, #tpu.memory_space<vmem>> -> memref<1024xf32, #tpu.memory_space<vmem>>
        %dma_start3A_879 = tpu.memref_slice %arg2[%run_scoped3A_62, %add3A_56] : memref<8x655360xf32, #tpu.memory_space<hbm>> -> memref<1x1024xf32, #tpu.memory_space<hbm>>
        %dma_start3A_880 = tpu.memref_squeeze %dma_start3A_879 : memref<1x1024xf32, #tpu.memory_space<hbm>> -> memref<1024xf32, #tpu.memory_space<hbm>>
        tpu.enqueue_dma source(%dma_start3A_880 : memref<1024xf32, #tpu.memory_space<hbm>>) target(%dma_start3A_878 : memref<1024xf32, #tpu.memory_space<vmem>>) target_semaphore(%run_scoped3A_870 : memref<!tpu.dma_semaphore, #tpu.memory_space<semaphore_mem>>)
        %dma_wait3A_881 = arith.constant 0 : i32
        %dma_wait3A_882 = tpu.memref_slice %arg6[%run_scoped3A_63, %dma_wait3A_881] : memref<5x1024xf32, #tpu.memory_space<vmem>> -> memref<1x1024xf32, #tpu.memory_space<vmem>>
        %dma_wait3A_883 = tpu.memref_squeeze %dma_wait3A_882 : memref<1x1024xf32, #tpu.memory_space<vmem>> -> memref<1024xf32, #tpu.memory_space<vmem>>
        %dma_wait3A_884 = tpu.memref_slice %arg2[%run_scoped3A_62, %add3A_56] : memref<8x655360xf32, #tpu.memory_space<hbm>> -> memref<1x1024xf32, #tpu.memory_space<hbm>>
        %dma_wait3A_885 = tpu.memref_squeeze %dma_wait3A_884 : memref<1x1024xf32, #tpu.memory_space<hbm>> -> memref<1024xf32, #tpu.memory_space<hbm>>
        %dma_wait3A_886 = arith.constant 0 : i32
        %dma_wait3A_887 = tpu.memref_slice %arg6[%run_scoped3A_63, %dma_wait3A_886] : memref<5x1024xf32, #tpu.memory_space<vmem>> -> memref<1x1024xf32, #tpu.memory_space<vmem>>
        %dma_wait3A_888 = tpu.memref_squeeze %dma_wait3A_887 : memref<1x1024xf32, #tpu.memory_space<vmem>> -> memref<1024xf32, #tpu.memory_space<vmem>>
        %dma_wait3A_889 = tpu.memref_slice %arg2[%run_scoped3A_62, %add3A_56] : memref<8x655360xf32, #tpu.memory_space<hbm>> -> memref<1x1024xf32, #tpu.memory_space<hbm>>
        %dma_wait3A_890 = tpu.memref_squeeze %dma_wait3A_889 : memref<1x1024xf32, #tpu.memory_space<hbm>> -> memref<1024xf32, #tpu.memory_space<hbm>>
        tpu.wait_dma2 semaphore(%run_scoped3A_870 : memref<!tpu.dma_semaphore, #tpu.memory_space<semaphore_mem>>) src(%dma_wait3A_890 : memref<1024xf32, #tpu.memory_space<hbm>>) dst(%dma_wait3A_888 : memref<1024xf32, #tpu.memory_space<vmem>>)
        tpu.yield
      }) : () -> ()
      %run_scoped3A_64 = arith.constant 1 : i32
      %run_scoped3A_65 = arith.constant 1 : i32
      "tpu.region"() ({
        %run_scoped3A_870 = tpu.sem_alloc : memref<!tpu.dma_semaphore, #tpu.memory_space<semaphore_mem>>
        %dma_start3A_871 = arith.constant 0 : i32
        %dma_start3A_872 = tpu.memref_slice %arg6[%run_scoped3A_65, %dma_start3A_871] : memref<5x1024xf32, #tpu.memory_space<vmem>> -> memref<1x1024xf32, #tpu.memory_space<vmem>>
        %dma_start3A_873 = tpu.memref_squeeze %dma_start3A_872 : memref<1x1024xf32, #tpu.memory_space<vmem>> -> memref<1024xf32, #tpu.memory_space<vmem>>
        %dma_start3A_874 = tpu.memref_slice %arg2[%run_scoped3A_64, %add3A_56] : memref<8x655360xf32, #tpu.memory_space<hbm>> -> memref<1x1024xf32, #tpu.memory_space<hbm>>
        %dma_start3A_875 = tpu.memref_squeeze %dma_start3A_874 : memref<1x1024xf32, #tpu.memory_space<hbm>> -> memref<1024xf32, #tpu.memory_space<hbm>>
        %dma_start3A_876 = arith.constant 0 : i32
        %dma_start3A_877 = tpu.memref_slice %arg6[%run_scoped3A_65, %dma_start3A_876] : memref<5x1024xf32, #tpu.memory_space<vmem>> -> memref<1x1024xf32, #tpu.memory_space<vmem>>
        %dma_start3A_878 = tpu.memref_squeeze %dma_start3A_877 : memref<1x1024xf32, #tpu.memory_space<vmem>> -> memref<1024xf32, #tpu.memory_space<vmem>>
        %dma_start3A_879 = tpu.memref_slice %arg2[%run_scoped3A_64, %add3A_56] : memref<8x655360xf32, #tpu.memory_space<hbm>> -> memref<1x1024xf32, #tpu.memory_space<hbm>>
        %dma_start3A_880 = tpu.memref_squeeze %dma_start3A_879 : memref<1x1024xf32, #tpu.memory_space<hbm>> -> memref<1024xf32, #tpu.memory_space<hbm>>
        tpu.enqueue_dma source(%dma_start3A_880 : memref<1024xf32, #tpu.memory_space<hbm>>) target(%dma_start3A_878 : memref<1024xf32, #tpu.memory_space<vmem>>) target_semaphore(%run_scoped3A_870 : memref<!tpu.dma_semaphore, #tpu.memory_space<semaphore_mem>>)
        %dma_wait3A_881 = arith.constant 0 : i32
        %dma_wait3A_882 = tpu.memref_slice %arg6[%run_scoped3A_65, %dma_wait3A_881] : memref<5x1024xf32, #tpu.memory_space<vmem>> -> memref<1x1024xf32, #tpu.memory_space<vmem>>
        %dma_wait3A_883 = tpu.memref_squeeze %dma_wait3A_882 : memref<1x1024xf32, #tpu.memory_space<vmem>> -> memref<1024xf32, #tpu.memory_space<vmem>>
        %dma_wait3A_884 = tpu.memref_slice %arg2[%run_scoped3A_64, %add3A_56] : memref<8x655360xf32, #tpu.memory_space<hbm>> -> memref<1x1024xf32, #tpu.memory_space<hbm>>
        %dma_wait3A_885 = tpu.memref_squeeze %dma_wait3A_884 : memref<1x1024xf32, #tpu.memory_space<hbm>> -> memref<1024xf32, #tpu.memory_space<hbm>>
        %dma_wait3A_886 = arith.constant 0 : i32
        %dma_wait3A_887 = tpu.memref_slice %arg6[%run_scoped3A_65, %dma_wait3A_886] : memref<5x1024xf32, #tpu.memory_space<vmem>> -> memref<1x1024xf32, #tpu.memory_space<vmem>>
        %dma_wait3A_888 = tpu.memref_squeeze %dma_wait3A_887 : memref<1x1024xf32, #tpu.memory_space<vmem>> -> memref<1024xf32, #tpu.memory_space<vmem>>
        %dma_wait3A_889 = tpu.memref_slice %arg2[%run_scoped3A_64, %add3A_56] : memref<8x655360xf32, #tpu.memory_space<hbm>> -> memref<1x1024xf32, #tpu.memory_space<hbm>>
        %dma_wait3A_890 = tpu.memref_squeeze %dma_wait3A_889 : memref<1x1024xf32, #tpu.memory_space<hbm>> -> memref<1024xf32, #tpu.memory_space<hbm>>
        tpu.wait_dma2 semaphore(%run_scoped3A_870 : memref<!tpu.dma_semaphore, #tpu.memory_space<semaphore_mem>>) src(%dma_wait3A_890 : memref<1024xf32, #tpu.memory_space<hbm>>) dst(%dma_wait3A_888 : memref<1024xf32, #tpu.memory_space<vmem>>)
        tpu.yield
      }) : () -> ()
      %run_scoped3A_66 = arith.constant 2 : i32
      %run_scoped3A_67 = arith.constant 2 : i32
      "tpu.region"() ({
        %run_scoped3A_870 = tpu.sem_alloc : memref<!tpu.dma_semaphore, #tpu.memory_space<semaphore_mem>>
        %dma_start3A_871 = arith.constant 0 : i32
        %dma_start3A_872 = tpu.memref_slice %arg6[%run_scoped3A_67, %dma_start3A_871] : memref<5x1024xf32, #tpu.memory_space<vmem>> -> memref<1x1024xf32, #tpu.memory_space<vmem>>
        %dma_start3A_873 = tpu.memref_squeeze %dma_start3A_872 : memref<1x1024xf32, #tpu.memory_space<vmem>> -> memref<1024xf32, #tpu.memory_space<vmem>>
        %dma_start3A_874 = tpu.memref_slice %arg2[%run_scoped3A_66, %add3A_56] : memref<8x655360xf32, #tpu.memory_space<hbm>> -> memref<1x1024xf32, #tpu.memory_space<hbm>>
        %dma_start3A_875 = tpu.memref_squeeze %dma_start3A_874 : memref<1x1024xf32, #tpu.memory_space<hbm>> -> memref<1024xf32, #tpu.memory_space<hbm>>
        %dma_start3A_876 = arith.constant 0 : i32
        %dma_start3A_877 = tpu.memref_slice %arg6[%run_scoped3A_67, %dma_start3A_876] : memref<5x1024xf32, #tpu.memory_space<vmem>> -> memref<1x1024xf32, #tpu.memory_space<vmem>>
        %dma_start3A_878 = tpu.memref_squeeze %dma_start3A_877 : memref<1x1024xf32, #tpu.memory_space<vmem>> -> memref<1024xf32, #tpu.memory_space<vmem>>
        %dma_start3A_879 = tpu.memref_slice %arg2[%run_scoped3A_66, %add3A_56] : memref<8x655360xf32, #tpu.memory_space<hbm>> -> memref<1x1024xf32, #tpu.memory_space<hbm>>
        %dma_start3A_880 = tpu.memref_squeeze %dma_start3A_879 : memref<1x1024xf32, #tpu.memory_space<hbm>> -> memref<1024xf32, #tpu.memory_space<hbm>>
        tpu.enqueue_dma source(%dma_start3A_880 : memref<1024xf32, #tpu.memory_space<hbm>>) target(%dma_start3A_878 : memref<1024xf32, #tpu.memory_space<vmem>>) target_semaphore(%run_scoped3A_870 : memref<!tpu.dma_semaphore, #tpu.memory_space<semaphore_mem>>)
        %dma_wait3A_881 = arith.constant 0 : i32
        %dma_wait3A_882 = tpu.memref_slice %arg6[%run_scoped3A_67, %dma_wait3A_881] : memref<5x1024xf32, #tpu.memory_space<vmem>> -> memref<1x1024xf32, #tpu.memory_space<vmem>>
        %dma_wait3A_883 = tpu.memref_squeeze %dma_wait3A_882 : memref<1x1024xf32, #tpu.memory_space<vmem>> -> memref<1024xf32, #tpu.memory_space<vmem>>
        %dma_wait3A_884 = tpu.memref_slice %arg2[%run_scoped3A_66, %add3A_56] : memref<8x655360xf32, #tpu.memory_space<hbm>> -> memref<1x1024xf32, #tpu.memory_space<hbm>>
        %dma_wait3A_885 = tpu.memref_squeeze %dma_wait3A_884 : memref<1x1024xf32, #tpu.memory_space<hbm>> -> memref<1024xf32, #tpu.memory_space<hbm>>
        %dma_wait3A_886 = arith.constant 0 : i32
        %dma_wait3A_887 = tpu.memref_slice %arg6[%run_scoped3A_67, %dma_wait3A_886] : memref<5x1024xf32, #tpu.memory_space<vmem>> -> memref<1x1024xf32, #tpu.memory_space<vmem>>
        %dma_wait3A_888 = tpu.memref_squeeze %dma_wait3A_887 : memref<1x1024xf32, #tpu.memory_space<vmem>> -> memref<1024xf32, #tpu.memory_space<vmem>>
        %dma_wait3A_889 = tpu.memref_slice %arg2[%run_scoped3A_66, %add3A_56] : memref<8x655360xf32, #tpu.memory_space<hbm>> -> memref<1x1024xf32, #tpu.memory_space<hbm>>
        %dma_wait3A_890 = tpu.memref_squeeze %dma_wait3A_889 : memref<1x1024xf32, #tpu.memory_space<hbm>> -> memref<1024xf32, #tpu.memory_space<hbm>>
        tpu.wait_dma2 semaphore(%run_scoped3A_870 : memref<!tpu.dma_semaphore, #tpu.memory_space<semaphore_mem>>) src(%dma_wait3A_890 : memref<1024xf32, #tpu.memory_space<hbm>>) dst(%dma_wait3A_888 : memref<1024xf32, #tpu.memory_space<vmem>>)
        tpu.yield
      }) : () -> ()
      %run_scoped3A_68 = arith.constant 3 : i32
      %run_scoped3A_69 = arith.constant 3 : i32
      "tpu.region"() ({
        %run_scoped3A_870 = tpu.sem_alloc : memref<!tpu.dma_semaphore, #tpu.memory_space<semaphore_mem>>
        %dma_start3A_871 = arith.constant 0 : i32
        %dma_start3A_872 = tpu.memref_slice %arg6[%run_scoped3A_69, %dma_start3A_871] : memref<5x1024xf32, #tpu.memory_space<vmem>> -> memref<1x1024xf32, #tpu.memory_space<vmem>>
        %dma_start3A_873 = tpu.memref_squeeze %dma_start3A_872 : memref<1x1024xf32, #tpu.memory_space<vmem>> -> memref<1024xf32, #tpu.memory_space<vmem>>
        %dma_start3A_874 = tpu.memref_slice %arg2[%run_scoped3A_68, %add3A_56] : memref<8x655360xf32, #tpu.memory_space<hbm>> -> memref<1x1024xf32, #tpu.memory_space<hbm>>
        %dma_start3A_875 = tpu.memref_squeeze %dma_start3A_874 : memref<1x1024xf32, #tpu.memory_space<hbm>> -> memref<1024xf32, #tpu.memory_space<hbm>>
        %dma_start3A_876 = arith.constant 0 : i32
        %dma_start3A_877 = tpu.memref_slice %arg6[%run_scoped3A_69, %dma_start3A_876] : memref<5x1024xf32, #tpu.memory_space<vmem>> -> memref<1x1024xf32, #tpu.memory_space<vmem>>
        %dma_start3A_878 = tpu.memref_squeeze %dma_start3A_877 : memref<1x1024xf32, #tpu.memory_space<vmem>> -> memref<1024xf32, #tpu.memory_space<vmem>>
        %dma_start3A_879 = tpu.memref_slice %arg2[%run_scoped3A_68, %add3A_56] : memref<8x655360xf32, #tpu.memory_space<hbm>> -> memref<1x1024xf32, #tpu.memory_space<hbm>>
        %dma_start3A_880 = tpu.memref_squeeze %dma_start3A_879 : memref<1x1024xf32, #tpu.memory_space<hbm>> -> memref<1024xf32, #tpu.memory_space<hbm>>
        tpu.enqueue_dma source(%dma_start3A_880 : memref<1024xf32, #tpu.memory_space<hbm>>) target(%dma_start3A_878 : memref<1024xf32, #tpu.memory_space<vmem>>) target_semaphore(%run_scoped3A_870 : memref<!tpu.dma_semaphore, #tpu.memory_space<semaphore_mem>>)
        %dma_wait3A_881 = arith.constant 0 : i32
        %dma_wait3A_882 = tpu.memref_slice %arg6[%run_scoped3A_69, %dma_wait3A_881] : memref<5x1024xf32, #tpu.memory_space<vmem>> -> memref<1x1024xf32, #tpu.memory_space<vmem>>
        %dma_wait3A_883 = tpu.memref_squeeze %dma_wait3A_882 : memref<1x1024xf32, #tpu.memory_space<vmem>> -> memref<1024xf32, #tpu.memory_space<vmem>>
        %dma_wait3A_884 = tpu.memref_slice %arg2[%run_scoped3A_68, %add3A_56] : memref<8x655360xf32, #tpu.memory_space<hbm>> -> memref<1x1024xf32, #tpu.memory_space<hbm>>
        %dma_wait3A_885 = tpu.memref_squeeze %dma_wait3A_884 : memref<1x1024xf32, #tpu.memory_space<hbm>> -> memref<1024xf32, #tpu.memory_space<hbm>>
        %dma_wait3A_886 = arith.constant 0 : i32
        %dma_wait3A_887 = tpu.memref_slice %arg6[%run_scoped3A_69, %dma_wait3A_886] : memref<5x1024xf32, #tpu.memory_space<vmem>> -> memref<1x1024xf32, #tpu.memory_space<vmem>>
        %dma_wait3A_888 = tpu.memref_squeeze %dma_wait3A_887 : memref<1x1024xf32, #tpu.memory_space<vmem>> -> memref<1024xf32, #tpu.memory_space<vmem>>
        %dma_wait3A_889 = tpu.memref_slice %arg2[%run_scoped3A_68, %add3A_56] : memref<8x655360xf32, #tpu.memory_space<hbm>> -> memref<1x1024xf32, #tpu.memory_space<hbm>>
        %dma_wait3A_890 = tpu.memref_squeeze %dma_wait3A_889 : memref<1x1024xf32, #tpu.memory_space<hbm>> -> memref<1024xf32, #tpu.memory_space<hbm>>
        tpu.wait_dma2 semaphore(%run_scoped3A_870 : memref<!tpu.dma_semaphore, #tpu.memory_space<semaphore_mem>>) src(%dma_wait3A_890 : memref<1024xf32, #tpu.memory_space<hbm>>) dst(%dma_wait3A_888 : memref<1024xf32, #tpu.memory_space<vmem>>)
        tpu.yield
      }) : () -> ()
      %run_scoped3A_70 = arith.constant 4 : i32
      %run_scoped3A_71 = arith.constant 4 : i32
      "tpu.region"() ({
        %run_scoped3A_870 = tpu.sem_alloc : memref<!tpu.dma_semaphore, #tpu.memory_space<semaphore_mem>>
        %dma_start3A_871 = arith.constant 0 : i32
        %dma_start3A_872 = tpu.memref_slice %arg6[%run_scoped3A_71, %dma_start3A_871] : memref<5x1024xf32, #tpu.memory_space<vmem>> -> memref<1x1024xf32, #tpu.memory_space<vmem>>
        %dma_start3A_873 = tpu.memref_squeeze %dma_start3A_872 : memref<1x1024xf32, #tpu.memory_space<vmem>> -> memref<1024xf32, #tpu.memory_space<vmem>>
        %dma_start3A_874 = tpu.memref_slice %arg2[%run_scoped3A_70, %add3A_56] : memref<8x655360xf32, #tpu.memory_space<hbm>> -> memref<1x1024xf32, #tpu.memory_space<hbm>>
        %dma_start3A_875 = tpu.memref_squeeze %dma_start3A_874 : memref<1x1024xf32, #tpu.memory_space<hbm>> -> memref<1024xf32, #tpu.memory_space<hbm>>
        %dma_start3A_876 = arith.constant 0 : i32
        %dma_start3A_877 = tpu.memref_slice %arg6[%run_scoped3A_71, %dma_start3A_876] : memref<5x1024xf32, #tpu.memory_space<vmem>> -> memref<1x1024xf32, #tpu.memory_space<vmem>>
        %dma_start3A_878 = tpu.memref_squeeze %dma_start3A_877 : memref<1x1024xf32, #tpu.memory_space<vmem>> -> memref<1024xf32, #tpu.memory_space<vmem>>
        %dma_start3A_879 = tpu.memref_slice %arg2[%run_scoped3A_70, %add3A_56] : memref<8x655360xf32, #tpu.memory_space<hbm>> -> memref<1x1024xf32, #tpu.memory_space<hbm>>
        %dma_start3A_880 = tpu.memref_squeeze %dma_start3A_879 : memref<1x1024xf32, #tpu.memory_space<hbm>> -> memref<1024xf32, #tpu.memory_space<hbm>>
        tpu.enqueue_dma source(%dma_start3A_880 : memref<1024xf32, #tpu.memory_space<hbm>>) target(%dma_start3A_878 : memref<1024xf32, #tpu.memory_space<vmem>>) target_semaphore(%run_scoped3A_870 : memref<!tpu.dma_semaphore, #tpu.memory_space<semaphore_mem>>)
        %dma_wait3A_881 = arith.constant 0 : i32
        %dma_wait3A_882 = tpu.memref_slice %arg6[%run_scoped3A_71, %dma_wait3A_881] : memref<5x1024xf32, #tpu.memory_space<vmem>> -> memref<1x1024xf32, #tpu.memory_space<vmem>>
        %dma_wait3A_883 = tpu.memref_squeeze %dma_wait3A_882 : memref<1x1024xf32, #tpu.memory_space<vmem>> -> memref<1024xf32, #tpu.memory_space<vmem>>
        %dma_wait3A_884 = tpu.memref_slice %arg2[%run_scoped3A_70, %add3A_56] : memref<8x655360xf32, #tpu.memory_space<hbm>> -> memref<1x1024xf32, #tpu.memory_space<hbm>>
        %dma_wait3A_885 = tpu.memref_squeeze %dma_wait3A_884 : memref<1x1024xf32, #tpu.memory_space<hbm>> -> memref<1024xf32, #tpu.memory_space<hbm>>
        %dma_wait3A_886 = arith.constant 0 : i32
        %dma_wait3A_887 = tpu.memref_slice %arg6[%run_scoped3A_71, %dma_wait3A_886] : memref<5x1024xf32, #tpu.memory_space<vmem>> -> memref<1x1024xf32, #tpu.memory_space<vmem>>
        %dma_wait3A_888 = tpu.memref_squeeze %dma_wait3A_887 : memref<1x1024xf32, #tpu.memory_space<vmem>> -> memref<1024xf32, #tpu.memory_space<vmem>>
        %dma_wait3A_889 = tpu.memref_slice %arg2[%run_scoped3A_70, %add3A_56] : memref<8x655360xf32, #tpu.memory_space<hbm>> -> memref<1x1024xf32, #tpu.memory_space<hbm>>
        %dma_wait3A_890 = tpu.memref_squeeze %dma_wait3A_889 : memref<1x1024xf32, #tpu.memory_space<hbm>> -> memref<1024xf32, #tpu.memory_space<hbm>>
        tpu.wait_dma2 semaphore(%run_scoped3A_870 : memref<!tpu.dma_semaphore, #tpu.memory_space<semaphore_mem>>) src(%dma_wait3A_890 : memref<1024xf32, #tpu.memory_space<hbm>>) dst(%dma_wait3A_888 : memref<1024xf32, #tpu.memory_space<vmem>>)
        tpu.yield
      }) : () -> ()
      %dma_start3A = arith.constant 0 : i32
      %dma_start3A_72 = arith.constant 0 : i32
      %dma_start3A_73 = arith.constant 0 : i32
      %dma_start3A_74 = tpu.memref_slice %arg6[%dma_start3A, %dma_start3A_73] : memref<5x1024xf32, #tpu.memory_space<vmem>> -> memref<1x128xf32, #tpu.memory_space<vmem>>
      %dma_start3A_75 = tpu.memref_squeeze %dma_start3A_74 : memref<1x128xf32, #tpu.memory_space<vmem>> -> memref<128xf32, #tpu.memory_space<vmem>>
      %dma_start3A_76 = arith.constant 0 : i32
      %dma_start3A_77 = tpu.memref_slice %arg7[%dma_start3A_72, %dma_start3A_76] : memref<8x128xi32, #tpu.memory_space<vmem>> -> memref<1x128xi32, #tpu.memory_space<vmem>>
      %dma_start3A_78 = tpu.memref_squeeze %dma_start3A_77 : memref<1x128xi32, #tpu.memory_space<vmem>> -> memref<128xi32, #tpu.memory_space<vmem>>
      %dma_start3A_79 = arith.constant 0 : i32
      %dma_start3A_80 = tpu.memref_slice %arg8[%dma_start3A_79] : memref<10112xf32, #tpu.memory_space<vmem_shared>> -> memref<10112xf32, #tpu.memory_space<vmem_shared>>
      tpu.enqueue_indirect_dma source(%dma_start3A_75 : memref<128xf32, #tpu.memory_space<vmem>>) target(%dma_start3A_80 : memref<10112xf32, #tpu.memory_space<vmem_shared>>) offsets(%dma_start3A_78 : memref<128xi32, #tpu.memory_space<vmem>>) semaphore(%arg13 : memref<!tpu.dma_semaphore, #tpu.memory_space<semaphore_mem>>) {add = true}
      %dma_start3A_81 = arith.constant 0 : i32
      %dma_start3A_82 = arith.constant 1 : i32
      %dma_start3A_83 = arith.constant 128 : i32
      %dma_start3A_84 = tpu.memref_slice %arg6[%dma_start3A_81, %dma_start3A_83] : memref<5x1024xf32, #tpu.memory_space<vmem>> -> memref<1x128xf32, #tpu.memory_space<vmem>>
      %dma_start3A_85 = tpu.memref_squeeze %dma_start3A_84 : memref<1x128xf32, #tpu.memory_space<vmem>> -> memref<128xf32, #tpu.memory_space<vmem>>
      %dma_start3A_86 = arith.constant 0 : i32
      %dma_start3A_87 = tpu.memref_slice %arg7[%dma_start3A_82, %dma_start3A_86] : memref<8x128xi32, #tpu.memory_space<vmem>> -> memref<1x128xi32, #tpu.memory_space<vmem>>
      %dma_start3A_88 = tpu.memref_squeeze %dma_start3A_87 : memref<1x128xi32, #tpu.memory_space<vmem>> -> memref<128xi32, #tpu.memory_space<vmem>>
      %dma_start3A_89 = arith.constant 0 : i32
      %dma_start3A_90 = tpu.memref_slice %arg8[%dma_start3A_89] : memref<10112xf32, #tpu.memory_space<vmem_shared>> -> memref<10112xf32, #tpu.memory_space<vmem_shared>>
      tpu.enqueue_indirect_dma source(%dma_start3A_85 : memref<128xf32, #tpu.memory_space<vmem>>) target(%dma_start3A_90 : memref<10112xf32, #tpu.memory_space<vmem_shared>>) offsets(%dma_start3A_88 : memref<128xi32, #tpu.memory_space<vmem>>) semaphore(%arg13 : memref<!tpu.dma_semaphore, #tpu.memory_space<semaphore_mem>>) {add = true}
      %dma_start3A_91 = arith.constant 0 : i32
      %dma_start3A_92 = arith.constant 2 : i32
      %dma_start3A_93 = arith.constant 256 : i32
      %dma_start3A_94 = tpu.memref_slice %arg6[%dma_start3A_91, %dma_start3A_93] : memref<5x1024xf32, #tpu.memory_space<vmem>> -> memref<1x128xf32, #tpu.memory_space<vmem>>
      %dma_start3A_95 = tpu.memref_squeeze %dma_start3A_94 : memref<1x128xf32, #tpu.memory_space<vmem>> -> memref<128xf32, #tpu.memory_space<vmem>>
      %dma_start3A_96 = arith.constant 0 : i32
      %dma_start3A_97 = tpu.memref_slice %arg7[%dma_start3A_92, %dma_start3A_96] : memref<8x128xi32, #tpu.memory_space<vmem>> -> memref<1x128xi32, #tpu.memory_space<vmem>>
      %dma_start3A_98 = tpu.memref_squeeze %dma_start3A_97 : memref<1x128xi32, #tpu.memory_space<vmem>> -> memref<128xi32, #tpu.memory_space<vmem>>
      %dma_start3A_99 = arith.constant 0 : i32
      %dma_start3A_100 = tpu.memref_slice %arg8[%dma_start3A_99] : memref<10112xf32, #tpu.memory_space<vmem_shared>> -> memref<10112xf32, #tpu.memory_space<vmem_shared>>
      tpu.enqueue_indirect_dma source(%dma_start3A_95 : memref<128xf32, #tpu.memory_space<vmem>>) target(%dma_start3A_100 : memref<10112xf32, #tpu.memory_space<vmem_shared>>) offsets(%dma_start3A_98 : memref<128xi32, #tpu.memory_space<vmem>>) semaphore(%arg13 : memref<!tpu.dma_semaphore, #tpu.memory_space<semaphore_mem>>) {add = true}
      %dma_start3A_101 = arith.constant 0 : i32
      %dma_start3A_102 = arith.constant 3 : i32
      %dma_start3A_103 = arith.constant 384 : i32
      %dma_start3A_104 = tpu.memref_slice %arg6[%dma_start3A_101, %dma_start3A_103] : memref<5x1024xf32, #tpu.memory_space<vmem>> -> memref<1x128xf32, #tpu.memory_space<vmem>>
      %dma_start3A_105 = tpu.memref_squeeze %dma_start3A_104 : memref<1x128xf32, #tpu.memory_space<vmem>> -> memref<128xf32, #tpu.memory_space<vmem>>
      %dma_start3A_106 = arith.constant 0 : i32
      %dma_start3A_107 = tpu.memref_slice %arg7[%dma_start3A_102, %dma_start3A_106] : memref<8x128xi32, #tpu.memory_space<vmem>> -> memref<1x128xi32, #tpu.memory_space<vmem>>
      %dma_start3A_108 = tpu.memref_squeeze %dma_start3A_107 : memref<1x128xi32, #tpu.memory_space<vmem>> -> memref<128xi32, #tpu.memory_space<vmem>>
      %dma_start3A_109 = arith.constant 0 : i32
      %dma_start3A_110 = tpu.memref_slice %arg8[%dma_start3A_109] : memref<10112xf32, #tpu.memory_space<vmem_shared>> -> memref<10112xf32, #tpu.memory_space<vmem_shared>>
      tpu.enqueue_indirect_dma source(%dma_start3A_105 : memref<128xf32, #tpu.memory_space<vmem>>) target(%dma_start3A_110 : memref<10112xf32, #tpu.memory_space<vmem_shared>>) offsets(%dma_start3A_108 : memref<128xi32, #tpu.memory_space<vmem>>) semaphore(%arg13 : memref<!tpu.dma_semaphore, #tpu.memory_space<semaphore_mem>>) {add = true}
      %dma_start3A_111 = arith.constant 0 : i32
      %dma_start3A_112 = arith.constant 4 : i32
      %dma_start3A_113 = arith.constant 512 : i32
      %dma_start3A_114 = tpu.memref_slice %arg6[%dma_start3A_111, %dma_start3A_113] : memref<5x1024xf32, #tpu.memory_space<vmem>> -> memref<1x128xf32, #tpu.memory_space<vmem>>
      %dma_start3A_115 = tpu.memref_squeeze %dma_start3A_114 : memref<1x128xf32, #tpu.memory_space<vmem>> -> memref<128xf32, #tpu.memory_space<vmem>>
      %dma_start3A_116 = arith.constant 0 : i32
      %dma_start3A_117 = tpu.memref_slice %arg7[%dma_start3A_112, %dma_start3A_116] : memref<8x128xi32, #tpu.memory_space<vmem>> -> memref<1x128xi32, #tpu.memory_space<vmem>>
      %dma_start3A_118 = tpu.memref_squeeze %dma_start3A_117 : memref<1x128xi32, #tpu.memory_space<vmem>> -> memref<128xi32, #tpu.memory_space<vmem>>
      %dma_start3A_119 = arith.constant 0 : i32
      %dma_start3A_120 = tpu.memref_slice %arg8[%dma_start3A_119] : memref<10112xf32, #tpu.memory_space<vmem_shared>> -> memref<10112xf32, #tpu.memory_space<vmem_shared>>
      tpu.enqueue_indirect_dma source(%dma_start3A_115 : memref<128xf32, #tpu.memory_space<vmem>>) target(%dma_start3A_120 : memref<10112xf32, #tpu.memory_space<vmem_shared>>) offsets(%dma_start3A_118 : memref<128xi32, #tpu.memory_space<vmem>>) semaphore(%arg13 : memref<!tpu.dma_semaphore, #tpu.memory_space<semaphore_mem>>) {add = true}
      %dma_start3A_121 = arith.constant 0 : i32
      %dma_start3A_122 = arith.constant 5 : i32
      %dma_start3A_123 = arith.constant 640 : i32
      %dma_start3A_124 = tpu.memref_slice %arg6[%dma_start3A_121, %dma_start3A_123] : memref<5x1024xf32, #tpu.memory_space<vmem>> -> memref<1x128xf32, #tpu.memory_space<vmem>>
      %dma_start3A_125 = tpu.memref_squeeze %dma_start3A_124 : memref<1x128xf32, #tpu.memory_space<vmem>> -> memref<128xf32, #tpu.memory_space<vmem>>
      %dma_start3A_126 = arith.constant 0 : i32
      %dma_start3A_127 = tpu.memref_slice %arg7[%dma_start3A_122, %dma_start3A_126] : memref<8x128xi32, #tpu.memory_space<vmem>> -> memref<1x128xi32, #tpu.memory_space<vmem>>
      %dma_start3A_128 = tpu.memref_squeeze %dma_start3A_127 : memref<1x128xi32, #tpu.memory_space<vmem>> -> memref<128xi32, #tpu.memory_space<vmem>>
      %dma_start3A_129 = arith.constant 0 : i32
      %dma_start3A_130 = tpu.memref_slice %arg8[%dma_start3A_129] : memref<10112xf32, #tpu.memory_space<vmem_shared>> -> memref<10112xf32, #tpu.memory_space<vmem_shared>>
      tpu.enqueue_indirect_dma source(%dma_start3A_125 : memref<128xf32, #tpu.memory_space<vmem>>) target(%dma_start3A_130 : memref<10112xf32, #tpu.memory_space<vmem_shared>>) offsets(%dma_start3A_128 : memref<128xi32, #tpu.memory_space<vmem>>) semaphore(%arg13 : memref<!tpu.dma_semaphore, #tpu.memory_space<semaphore_mem>>) {add = true}
      %dma_start3A_131 = arith.constant 0 : i32
      %dma_start3A_132 = arith.constant 6 : i32
      %dma_start3A_133 = arith.constant 768 : i32
      %dma_start3A_134 = tpu.memref_slice %arg6[%dma_start3A_131, %dma_start3A_133] : memref<5x1024xf32, #tpu.memory_space<vmem>> -> memref<1x128xf32, #tpu.memory_space<vmem>>
      %dma_start3A_135 = tpu.memref_squeeze %dma_start3A_134 : memref<1x128xf32, #tpu.memory_space<vmem>> -> memref<128xf32, #tpu.memory_space<vmem>>
      %dma_start3A_136 = arith.constant 0 : i32
      %dma_start3A_137 = tpu.memref_slice %arg7[%dma_start3A_132, %dma_start3A_136] : memref<8x128xi32, #tpu.memory_space<vmem>> -> memref<1x128xi32, #tpu.memory_space<vmem>>
      %dma_start3A_138 = tpu.memref_squeeze %dma_start3A_137 : memref<1x128xi32, #tpu.memory_space<vmem>> -> memref<128xi32, #tpu.memory_space<vmem>>
      %dma_start3A_139 = arith.constant 0 : i32
      %dma_start3A_140 = tpu.memref_slice %arg8[%dma_start3A_139] : memref<10112xf32, #tpu.memory_space<vmem_shared>> -> memref<10112xf32, #tpu.memory_space<vmem_shared>>
      tpu.enqueue_indirect_dma source(%dma_start3A_135 : memref<128xf32, #tpu.memory_space<vmem>>) target(%dma_start3A_140 : memref<10112xf32, #tpu.memory_space<vmem_shared>>) offsets(%dma_start3A_138 : memref<128xi32, #tpu.memory_space<vmem>>) semaphore(%arg13 : memref<!tpu.dma_semaphore, #tpu.memory_space<semaphore_mem>>) {add = true}
      %dma_start3A_141 = arith.constant 0 : i32
      %dma_start3A_142 = arith.constant 7 : i32
      %dma_start3A_143 = arith.constant 896 : i32
      %dma_start3A_144 = tpu.memref_slice %arg6[%dma_start3A_141, %dma_start3A_143] : memref<5x1024xf32, #tpu.memory_space<vmem>> -> memref<1x128xf32, #tpu.memory_space<vmem>>
      %dma_start3A_145 = tpu.memref_squeeze %dma_start3A_144 : memref<1x128xf32, #tpu.memory_space<vmem>> -> memref<128xf32, #tpu.memory_space<vmem>>
      %dma_start3A_146 = arith.constant 0 : i32
      %dma_start3A_147 = tpu.memref_slice %arg7[%dma_start3A_142, %dma_start3A_146] : memref<8x128xi32, #tpu.memory_space<vmem>> -> memref<1x128xi32, #tpu.memory_space<vmem>>
      %dma_start3A_148 = tpu.memref_squeeze %dma_start3A_147 : memref<1x128xi32, #tpu.memory_space<vmem>> -> memref<128xi32, #tpu.memory_space<vmem>>
      %dma_start3A_149 = arith.constant 0 : i32
      %dma_start3A_150 = tpu.memref_slice %arg8[%dma_start3A_149] : memref<10112xf32, #tpu.memory_space<vmem_shared>> -> memref<10112xf32, #tpu.memory_space<vmem_shared>>
      tpu.enqueue_indirect_dma source(%dma_start3A_145 : memref<128xf32, #tpu.memory_space<vmem>>) target(%dma_start3A_150 : memref<10112xf32, #tpu.memory_space<vmem_shared>>) offsets(%dma_start3A_148 : memref<128xi32, #tpu.memory_space<vmem>>) semaphore(%arg13 : memref<!tpu.dma_semaphore, #tpu.memory_space<semaphore_mem>>) {add = true}
      %dma_start3A_151 = arith.constant 1 : i32
      %dma_start3A_152 = arith.constant 0 : i32
      %dma_start3A_153 = arith.constant 0 : i32
      %dma_start3A_154 = tpu.memref_slice %arg6[%dma_start3A_151, %dma_start3A_153] : memref<5x1024xf32, #tpu.memory_space<vmem>> -> memref<1x128xf32, #tpu.memory_space<vmem>>
      %dma_start3A_155 = tpu.memref_squeeze %dma_start3A_154 : memref<1x128xf32, #tpu.memory_space<vmem>> -> memref<128xf32, #tpu.memory_space<vmem>>
      %dma_start3A_156 = arith.constant 0 : i32
      %dma_start3A_157 = tpu.memref_slice %arg7[%dma_start3A_152, %dma_start3A_156] : memref<8x128xi32, #tpu.memory_space<vmem>> -> memref<1x128xi32, #tpu.memory_space<vmem>>
      %dma_start3A_158 = tpu.memref_squeeze %dma_start3A_157 : memref<1x128xi32, #tpu.memory_space<vmem>> -> memref<128xi32, #tpu.memory_space<vmem>>
      %dma_start3A_159 = arith.constant 0 : i32
      %dma_start3A_160 = tpu.memref_slice %arg9[%dma_start3A_159] : memref<10112xf32, #tpu.memory_space<vmem_shared>> -> memref<10112xf32, #tpu.memory_space<vmem_shared>>
      tpu.enqueue_indirect_dma source(%dma_start3A_155 : memref<128xf32, #tpu.memory_space<vmem>>) target(%dma_start3A_160 : memref<10112xf32, #tpu.memory_space<vmem_shared>>) offsets(%dma_start3A_158 : memref<128xi32, #tpu.memory_space<vmem>>) semaphore(%arg13 : memref<!tpu.dma_semaphore, #tpu.memory_space<semaphore_mem>>) {add = true}
      %dma_start3A_161 = arith.constant 1 : i32
      %dma_start3A_162 = arith.constant 1 : i32
      %dma_start3A_163 = arith.constant 128 : i32
      %dma_start3A_164 = tpu.memref_slice %arg6[%dma_start3A_161, %dma_start3A_163] : memref<5x1024xf32, #tpu.memory_space<vmem>> -> memref<1x128xf32, #tpu.memory_space<vmem>>
      %dma_start3A_165 = tpu.memref_squeeze %dma_start3A_164 : memref<1x128xf32, #tpu.memory_space<vmem>> -> memref<128xf32, #tpu.memory_space<vmem>>
      %dma_start3A_166 = arith.constant 0 : i32
      %dma_start3A_167 = tpu.memref_slice %arg7[%dma_start3A_162, %dma_start3A_166] : memref<8x128xi32, #tpu.memory_space<vmem>> -> memref<1x128xi32, #tpu.memory_space<vmem>>
      %dma_start3A_168 = tpu.memref_squeeze %dma_start3A_167 : memref<1x128xi32, #tpu.memory_space<vmem>> -> memref<128xi32, #tpu.memory_space<vmem>>
      %dma_start3A_169 = arith.constant 0 : i32
      %dma_start3A_170 = tpu.memref_slice %arg9[%dma_start3A_169] : memref<10112xf32, #tpu.memory_space<vmem_shared>> -> memref<10112xf32, #tpu.memory_space<vmem_shared>>
      tpu.enqueue_indirect_dma source(%dma_start3A_165 : memref<128xf32, #tpu.memory_space<vmem>>) target(%dma_start3A_170 : memref<10112xf32, #tpu.memory_space<vmem_shared>>) offsets(%dma_start3A_168 : memref<128xi32, #tpu.memory_space<vmem>>) semaphore(%arg13 : memref<!tpu.dma_semaphore, #tpu.memory_space<semaphore_mem>>) {add = true}
      %dma_start3A_171 = arith.constant 1 : i32
      %dma_start3A_172 = arith.constant 2 : i32
      %dma_start3A_173 = arith.constant 256 : i32
      %dma_start3A_174 = tpu.memref_slice %arg6[%dma_start3A_171, %dma_start3A_173] : memref<5x1024xf32, #tpu.memory_space<vmem>> -> memref<1x128xf32, #tpu.memory_space<vmem>>
      %dma_start3A_175 = tpu.memref_squeeze %dma_start3A_174 : memref<1x128xf32, #tpu.memory_space<vmem>> -> memref<128xf32, #tpu.memory_space<vmem>>
      %dma_start3A_176 = arith.constant 0 : i32
      %dma_start3A_177 = tpu.memref_slice %arg7[%dma_start3A_172, %dma_start3A_176] : memref<8x128xi32, #tpu.memory_space<vmem>> -> memref<1x128xi32, #tpu.memory_space<vmem>>
      %dma_start3A_178 = tpu.memref_squeeze %dma_start3A_177 : memref<1x128xi32, #tpu.memory_space<vmem>> -> memref<128xi32, #tpu.memory_space<vmem>>
      %dma_start3A_179 = arith.constant 0 : i32
      %dma_start3A_180 = tpu.memref_slice %arg9[%dma_start3A_179] : memref<10112xf32, #tpu.memory_space<vmem_shared>> -> memref<10112xf32, #tpu.memory_space<vmem_shared>>
      tpu.enqueue_indirect_dma source(%dma_start3A_175 : memref<128xf32, #tpu.memory_space<vmem>>) target(%dma_start3A_180 : memref<10112xf32, #tpu.memory_space<vmem_shared>>) offsets(%dma_start3A_178 : memref<128xi32, #tpu.memory_space<vmem>>) semaphore(%arg13 : memref<!tpu.dma_semaphore, #tpu.memory_space<semaphore_mem>>) {add = true}
      %dma_start3A_181 = arith.constant 1 : i32
      %dma_start3A_182 = arith.constant 3 : i32
      %dma_start3A_183 = arith.constant 384 : i32
      %dma_start3A_184 = tpu.memref_slice %arg6[%dma_start3A_181, %dma_start3A_183] : memref<5x1024xf32, #tpu.memory_space<vmem>> -> memref<1x128xf32, #tpu.memory_space<vmem>>
      %dma_start3A_185 = tpu.memref_squeeze %dma_start3A_184 : memref<1x128xf32, #tpu.memory_space<vmem>> -> memref<128xf32, #tpu.memory_space<vmem>>
      %dma_start3A_186 = arith.constant 0 : i32
      %dma_start3A_187 = tpu.memref_slice %arg7[%dma_start3A_182, %dma_start3A_186] : memref<8x128xi32, #tpu.memory_space<vmem>> -> memref<1x128xi32, #tpu.memory_space<vmem>>
      %dma_start3A_188 = tpu.memref_squeeze %dma_start3A_187 : memref<1x128xi32, #tpu.memory_space<vmem>> -> memref<128xi32, #tpu.memory_space<vmem>>
      %dma_start3A_189 = arith.constant 0 : i32
      %dma_start3A_190 = tpu.memref_slice %arg9[%dma_start3A_189] : memref<10112xf32, #tpu.memory_space<vmem_shared>> -> memref<10112xf32, #tpu.memory_space<vmem_shared>>
      tpu.enqueue_indirect_dma source(%dma_start3A_185 : memref<128xf32, #tpu.memory_space<vmem>>) target(%dma_start3A_190 : memref<10112xf32, #tpu.memory_space<vmem_shared>>) offsets(%dma_start3A_188 : memref<128xi32, #tpu.memory_space<vmem>>) semaphore(%arg13 : memref<!tpu.dma_semaphore, #tpu.memory_space<semaphore_mem>>) {add = true}
      %dma_start3A_191 = arith.constant 1 : i32
      %dma_start3A_192 = arith.constant 4 : i32
      %dma_start3A_193 = arith.constant 512 : i32
      %dma_start3A_194 = tpu.memref_slice %arg6[%dma_start3A_191, %dma_start3A_193] : memref<5x1024xf32, #tpu.memory_space<vmem>> -> memref<1x128xf32, #tpu.memory_space<vmem>>
      %dma_start3A_195 = tpu.memref_squeeze %dma_start3A_194 : memref<1x128xf32, #tpu.memory_space<vmem>> -> memref<128xf32, #tpu.memory_space<vmem>>
      %dma_start3A_196 = arith.constant 0 : i32
      %dma_start3A_197 = tpu.memref_slice %arg7[%dma_start3A_192, %dma_start3A_196] : memref<8x128xi32, #tpu.memory_space<vmem>> -> memref<1x128xi32, #tpu.memory_space<vmem>>
      %dma_start3A_198 = tpu.memref_squeeze %dma_start3A_197 : memref<1x128xi32, #tpu.memory_space<vmem>> -> memref<128xi32, #tpu.memory_space<vmem>>
      %dma_start3A_199 = arith.constant 0 : i32
      %dma_start3A_200 = tpu.memref_slice %arg9[%dma_start3A_199] : memref<10112xf32, #tpu.memory_space<vmem_shared>> -> memref<10112xf32, #tpu.memory_space<vmem_shared>>
      tpu.enqueue_indirect_dma source(%dma_start3A_195 : memref<128xf32, #tpu.memory_space<vmem>>) target(%dma_start3A_200 : memref<10112xf32, #tpu.memory_space<vmem_shared>>) offsets(%dma_start3A_198 : memref<128xi32, #tpu.memory_space<vmem>>) semaphore(%arg13 : memref<!tpu.dma_semaphore, #tpu.memory_space<semaphore_mem>>) {add = true}
      %dma_start3A_201 = arith.constant 1 : i32
      %dma_start3A_202 = arith.constant 5 : i32
      %dma_start3A_203 = arith.constant 640 : i32
      %dma_start3A_204 = tpu.memref_slice %arg6[%dma_start3A_201, %dma_start3A_203] : memref<5x1024xf32, #tpu.memory_space<vmem>> -> memref<1x128xf32, #tpu.memory_space<vmem>>
      %dma_start3A_205 = tpu.memref_squeeze %dma_start3A_204 : memref<1x128xf32, #tpu.memory_space<vmem>> -> memref<128xf32, #tpu.memory_space<vmem>>
      %dma_start3A_206 = arith.constant 0 : i32
      %dma_start3A_207 = tpu.memref_slice %arg7[%dma_start3A_202, %dma_start3A_206] : memref<8x128xi32, #tpu.memory_space<vmem>> -> memref<1x128xi32, #tpu.memory_space<vmem>>
      %dma_start3A_208 = tpu.memref_squeeze %dma_start3A_207 : memref<1x128xi32, #tpu.memory_space<vmem>> -> memref<128xi32, #tpu.memory_space<vmem>>
      %dma_start3A_209 = arith.constant 0 : i32
      %dma_start3A_210 = tpu.memref_slice %arg9[%dma_start3A_209] : memref<10112xf32, #tpu.memory_space<vmem_shared>> -> memref<10112xf32, #tpu.memory_space<vmem_shared>>
      tpu.enqueue_indirect_dma source(%dma_start3A_205 : memref<128xf32, #tpu.memory_space<vmem>>) target(%dma_start3A_210 : memref<10112xf32, #tpu.memory_space<vmem_shared>>) offsets(%dma_start3A_208 : memref<128xi32, #tpu.memory_space<vmem>>) semaphore(%arg13 : memref<!tpu.dma_semaphore, #tpu.memory_space<semaphore_mem>>) {add = true}
      %dma_start3A_211 = arith.constant 1 : i32
      %dma_start3A_212 = arith.constant 6 : i32
      %dma_start3A_213 = arith.constant 768 : i32
      %dma_start3A_214 = tpu.memref_slice %arg6[%dma_start3A_211, %dma_start3A_213] : memref<5x1024xf32, #tpu.memory_space<vmem>> -> memref<1x128xf32, #tpu.memory_space<vmem>>
      %dma_start3A_215 = tpu.memref_squeeze %dma_start3A_214 : memref<1x128xf32, #tpu.memory_space<vmem>> -> memref<128xf32, #tpu.memory_space<vmem>>
      %dma_start3A_216 = arith.constant 0 : i32
      %dma_start3A_217 = tpu.memref_slice %arg7[%dma_start3A_212, %dma_start3A_216] : memref<8x128xi32, #tpu.memory_space<vmem>> -> memref<1x128xi32, #tpu.memory_space<vmem>>
      %dma_start3A_218 = tpu.memref_squeeze %dma_start3A_217 : memref<1x128xi32, #tpu.memory_space<vmem>> -> memref<128xi32, #tpu.memory_space<vmem>>
      %dma_start3A_219 = arith.constant 0 : i32
      %dma_start3A_220 = tpu.memref_slice %arg9[%dma_start3A_219] : memref<10112xf32, #tpu.memory_space<vmem_shared>> -> memref<10112xf32, #tpu.memory_space<vmem_shared>>
      tpu.enqueue_indirect_dma source(%dma_start3A_215 : memref<128xf32, #tpu.memory_space<vmem>>) target(%dma_start3A_220 : memref<10112xf32, #tpu.memory_space<vmem_shared>>) offsets(%dma_start3A_218 : memref<128xi32, #tpu.memory_space<vmem>>) semaphore(%arg13 : memref<!tpu.dma_semaphore, #tpu.memory_space<semaphore_mem>>) {add = true}
      %dma_start3A_221 = arith.constant 1 : i32
      %dma_start3A_222 = arith.constant 7 : i32
      %dma_start3A_223 = arith.constant 896 : i32
      %dma_start3A_224 = tpu.memref_slice %arg6[%dma_start3A_221, %dma_start3A_223] : memref<5x1024xf32, #tpu.memory_space<vmem>> -> memref<1x128xf32, #tpu.memory_space<vmem>>
      %dma_start3A_225 = tpu.memref_squeeze %dma_start3A_224 : memref<1x128xf32, #tpu.memory_space<vmem>> -> memref<128xf32, #tpu.memory_space<vmem>>
      %dma_start3A_226 = arith.constant 0 : i32
      %dma_start3A_227 = tpu.memref_slice %arg7[%dma_start3A_222, %dma_start3A_226] : memref<8x128xi32, #tpu.memory_space<vmem>> -> memref<1x128xi32, #tpu.memory_space<vmem>>
      %dma_start3A_228 = tpu.memref_squeeze %dma_start3A_227 : memref<1x128xi32, #tpu.memory_space<vmem>> -> memref<128xi32, #tpu.memory_space<vmem>>
      %dma_start3A_229 = arith.constant 0 : i32
      %dma_start3A_230 = tpu.memref_slice %arg9[%dma_start3A_229] : memref<10112xf32, #tpu.memory_space<vmem_shared>> -> memref<10112xf32, #tpu.memory_space<vmem_shared>>
      tpu.enqueue_indirect_dma source(%dma_start3A_225 : memref<128xf32, #tpu.memory_space<vmem>>) target(%dma_start3A_230 : memref<10112xf32, #tpu.memory_space<vmem_shared>>) offsets(%dma_start3A_228 : memref<128xi32, #tpu.memory_space<vmem>>) semaphore(%arg13 : memref<!tpu.dma_semaphore, #tpu.memory_space<semaphore_mem>>) {add = true}
      %dma_start3A_231 = arith.constant 2 : i32
      %dma_start3A_232 = arith.constant 0 : i32
      %dma_start3A_233 = arith.constant 0 : i32
      %dma_start3A_234 = tpu.memref_slice %arg6[%dma_start3A_231, %dma_start3A_233] : memref<5x1024xf32, #tpu.memory_space<vmem>> -> memref<1x128xf32, #tpu.memory_space<vmem>>
      %dma_start3A_235 = tpu.memref_squeeze %dma_start3A_234 : memref<1x128xf32, #tpu.memory_space<vmem>> -> memref<128xf32, #tpu.memory_space<vmem>>
      %dma_start3A_236 = arith.constant 0 : i32
      %dma_start3A_237 = tpu.memref_slice %arg7[%dma_start3A_232, %dma_start3A_236] : memref<8x128xi32, #tpu.memory_space<vmem>> -> memref<1x128xi32, #tpu.memory_space<vmem>>
      %dma_start3A_238 = tpu.memref_squeeze %dma_start3A_237 : memref<1x128xi32, #tpu.memory_space<vmem>> -> memref<128xi32, #tpu.memory_space<vmem>>
      %dma_start3A_239 = arith.constant 0 : i32
      %dma_start3A_240 = tpu.memref_slice %arg10[%dma_start3A_239] : memref<10112xf32, #tpu.memory_space<vmem_shared>> -> memref<10112xf32, #tpu.memory_space<vmem_shared>>
      tpu.enqueue_indirect_dma source(%dma_start3A_235 : memref<128xf32, #tpu.memory_space<vmem>>) target(%dma_start3A_240 : memref<10112xf32, #tpu.memory_space<vmem_shared>>) offsets(%dma_start3A_238 : memref<128xi32, #tpu.memory_space<vmem>>) semaphore(%arg13 : memref<!tpu.dma_semaphore, #tpu.memory_space<semaphore_mem>>) {add = true}
      %dma_start3A_241 = arith.constant 2 : i32
      %dma_start3A_242 = arith.constant 1 : i32
      %dma_start3A_243 = arith.constant 128 : i32
      %dma_start3A_244 = tpu.memref_slice %arg6[%dma_start3A_241, %dma_start3A_243] : memref<5x1024xf32, #tpu.memory_space<vmem>> -> memref<1x128xf32, #tpu.memory_space<vmem>>
      %dma_start3A_245 = tpu.memref_squeeze %dma_start3A_244 : memref<1x128xf32, #tpu.memory_space<vmem>> -> memref<128xf32, #tpu.memory_space<vmem>>
      %dma_start3A_246 = arith.constant 0 : i32
      %dma_start3A_247 = tpu.memref_slice %arg7[%dma_start3A_242, %dma_start3A_246] : memref<8x128xi32, #tpu.memory_space<vmem>> -> memref<1x128xi32, #tpu.memory_space<vmem>>
      %dma_start3A_248 = tpu.memref_squeeze %dma_start3A_247 : memref<1x128xi32, #tpu.memory_space<vmem>> -> memref<128xi32, #tpu.memory_space<vmem>>
      %dma_start3A_249 = arith.constant 0 : i32
      %dma_start3A_250 = tpu.memref_slice %arg10[%dma_start3A_249] : memref<10112xf32, #tpu.memory_space<vmem_shared>> -> memref<10112xf32, #tpu.memory_space<vmem_shared>>
      tpu.enqueue_indirect_dma source(%dma_start3A_245 : memref<128xf32, #tpu.memory_space<vmem>>) target(%dma_start3A_250 : memref<10112xf32, #tpu.memory_space<vmem_shared>>) offsets(%dma_start3A_248 : memref<128xi32, #tpu.memory_space<vmem>>) semaphore(%arg13 : memref<!tpu.dma_semaphore, #tpu.memory_space<semaphore_mem>>) {add = true}
      %dma_start3A_251 = arith.constant 2 : i32
      %dma_start3A_252 = arith.constant 2 : i32
      %dma_start3A_253 = arith.constant 256 : i32
      %dma_start3A_254 = tpu.memref_slice %arg6[%dma_start3A_251, %dma_start3A_253] : memref<5x1024xf32, #tpu.memory_space<vmem>> -> memref<1x128xf32, #tpu.memory_space<vmem>>
      %dma_start3A_255 = tpu.memref_squeeze %dma_start3A_254 : memref<1x128xf32, #tpu.memory_space<vmem>> -> memref<128xf32, #tpu.memory_space<vmem>>
      %dma_start3A_256 = arith.constant 0 : i32
      %dma_start3A_257 = tpu.memref_slice %arg7[%dma_start3A_252, %dma_start3A_256] : memref<8x128xi32, #tpu.memory_space<vmem>> -> memref<1x128xi32, #tpu.memory_space<vmem>>
      %dma_start3A_258 = tpu.memref_squeeze %dma_start3A_257 : memref<1x128xi32, #tpu.memory_space<vmem>> -> memref<128xi32, #tpu.memory_space<vmem>>
      %dma_start3A_259 = arith.constant 0 : i32
      %dma_start3A_260 = tpu.memref_slice %arg10[%dma_start3A_259] : memref<10112xf32, #tpu.memory_space<vmem_shared>> -> memref<10112xf32, #tpu.memory_space<vmem_shared>>
      tpu.enqueue_indirect_dma source(%dma_start3A_255 : memref<128xf32, #tpu.memory_space<vmem>>) target(%dma_start3A_260 : memref<10112xf32, #tpu.memory_space<vmem_shared>>) offsets(%dma_start3A_258 : memref<128xi32, #tpu.memory_space<vmem>>) semaphore(%arg13 : memref<!tpu.dma_semaphore, #tpu.memory_space<semaphore_mem>>) {add = true}
      %dma_start3A_261 = arith.constant 2 : i32
      %dma_start3A_262 = arith.constant 3 : i32
      %dma_start3A_263 = arith.constant 384 : i32
      %dma_start3A_264 = tpu.memref_slice %arg6[%dma_start3A_261, %dma_start3A_263] : memref<5x1024xf32, #tpu.memory_space<vmem>> -> memref<1x128xf32, #tpu.memory_space<vmem>>
      %dma_start3A_265 = tpu.memref_squeeze %dma_start3A_264 : memref<1x128xf32, #tpu.memory_space<vmem>> -> memref<128xf32, #tpu.memory_space<vmem>>
      %dma_start3A_266 = arith.constant 0 : i32
      %dma_start3A_267 = tpu.memref_slice %arg7[%dma_start3A_262, %dma_start3A_266] : memref<8x128xi32, #tpu.memory_space<vmem>> -> memref<1x128xi32, #tpu.memory_space<vmem>>
      %dma_start3A_268 = tpu.memref_squeeze %dma_start3A_267 : memref<1x128xi32, #tpu.memory_space<vmem>> -> memref<128xi32, #tpu.memory_space<vmem>>
      %dma_start3A_269 = arith.constant 0 : i32
      %dma_start3A_270 = tpu.memref_slice %arg10[%dma_start3A_269] : memref<10112xf32, #tpu.memory_space<vmem_shared>> -> memref<10112xf32, #tpu.memory_space<vmem_shared>>
      tpu.enqueue_indirect_dma source(%dma_start3A_265 : memref<128xf32, #tpu.memory_space<vmem>>) target(%dma_start3A_270 : memref<10112xf32, #tpu.memory_space<vmem_shared>>) offsets(%dma_start3A_268 : memref<128xi32, #tpu.memory_space<vmem>>) semaphore(%arg13 : memref<!tpu.dma_semaphore, #tpu.memory_space<semaphore_mem>>) {add = true}
      %dma_start3A_271 = arith.constant 2 : i32
      %dma_start3A_272 = arith.constant 4 : i32
      %dma_start3A_273 = arith.constant 512 : i32
      %dma_start3A_274 = tpu.memref_slice %arg6[%dma_start3A_271, %dma_start3A_273] : memref<5x1024xf32, #tpu.memory_space<vmem>> -> memref<1x128xf32, #tpu.memory_space<vmem>>
      %dma_start3A_275 = tpu.memref_squeeze %dma_start3A_274 : memref<1x128xf32, #tpu.memory_space<vmem>> -> memref<128xf32, #tpu.memory_space<vmem>>
      %dma_start3A_276 = arith.constant 0 : i32
      %dma_start3A_277 = tpu.memref_slice %arg7[%dma_start3A_272, %dma_start3A_276] : memref<8x128xi32, #tpu.memory_space<vmem>> -> memref<1x128xi32, #tpu.memory_space<vmem>>
      %dma_start3A_278 = tpu.memref_squeeze %dma_start3A_277 : memref<1x128xi32, #tpu.memory_space<vmem>> -> memref<128xi32, #tpu.memory_space<vmem>>
      %dma_start3A_279 = arith.constant 0 : i32
      %dma_start3A_280 = tpu.memref_slice %arg10[%dma_start3A_279] : memref<10112xf32, #tpu.memory_space<vmem_shared>> -> memref<10112xf32, #tpu.memory_space<vmem_shared>>
      tpu.enqueue_indirect_dma source(%dma_start3A_275 : memref<128xf32, #tpu.memory_space<vmem>>) target(%dma_start3A_280 : memref<10112xf32, #tpu.memory_space<vmem_shared>>) offsets(%dma_start3A_278 : memref<128xi32, #tpu.memory_space<vmem>>) semaphore(%arg13 : memref<!tpu.dma_semaphore, #tpu.memory_space<semaphore_mem>>) {add = true}
      %dma_start3A_281 = arith.constant 2 : i32
      %dma_start3A_282 = arith.constant 5 : i32
      %dma_start3A_283 = arith.constant 640 : i32
      %dma_start3A_284 = tpu.memref_slice %arg6[%dma_start3A_281, %dma_start3A_283] : memref<5x1024xf32, #tpu.memory_space<vmem>> -> memref<1x128xf32, #tpu.memory_space<vmem>>
      %dma_start3A_285 = tpu.memref_squeeze %dma_start3A_284 : memref<1x128xf32, #tpu.memory_space<vmem>> -> memref<128xf32, #tpu.memory_space<vmem>>
      %dma_start3A_286 = arith.constant 0 : i32
      %dma_start3A_287 = tpu.memref_slice %arg7[%dma_start3A_282, %dma_start3A_286] : memref<8x128xi32, #tpu.memory_space<vmem>> -> memref<1x128xi32, #tpu.memory_space<vmem>>
      %dma_start3A_288 = tpu.memref_squeeze %dma_start3A_287 : memref<1x128xi32, #tpu.memory_space<vmem>> -> memref<128xi32, #tpu.memory_space<vmem>>
      %dma_start3A_289 = arith.constant 0 : i32
      %dma_start3A_290 = tpu.memref_slice %arg10[%dma_start3A_289] : memref<10112xf32, #tpu.memory_space<vmem_shared>> -> memref<10112xf32, #tpu.memory_space<vmem_shared>>
      tpu.enqueue_indirect_dma source(%dma_start3A_285 : memref<128xf32, #tpu.memory_space<vmem>>) target(%dma_start3A_290 : memref<10112xf32, #tpu.memory_space<vmem_shared>>) offsets(%dma_start3A_288 : memref<128xi32, #tpu.memory_space<vmem>>) semaphore(%arg13 : memref<!tpu.dma_semaphore, #tpu.memory_space<semaphore_mem>>) {add = true}
      %dma_start3A_291 = arith.constant 2 : i32
      %dma_start3A_292 = arith.constant 6 : i32
      %dma_start3A_293 = arith.constant 768 : i32
      %dma_start3A_294 = tpu.memref_slice %arg6[%dma_start3A_291, %dma_start3A_293] : memref<5x1024xf32, #tpu.memory_space<vmem>> -> memref<1x128xf32, #tpu.memory_space<vmem>>
      %dma_start3A_295 = tpu.memref_squeeze %dma_start3A_294 : memref<1x128xf32, #tpu.memory_space<vmem>> -> memref<128xf32, #tpu.memory_space<vmem>>
      %dma_start3A_296 = arith.constant 0 : i32
      %dma_start3A_297 = tpu.memref_slice %arg7[%dma_start3A_292, %dma_start3A_296] : memref<8x128xi32, #tpu.memory_space<vmem>> -> memref<1x128xi32, #tpu.memory_space<vmem>>
      %dma_start3A_298 = tpu.memref_squeeze %dma_start3A_297 : memref<1x128xi32, #tpu.memory_space<vmem>> -> memref<128xi32, #tpu.memory_space<vmem>>
      %dma_start3A_299 = arith.constant 0 : i32
      %dma_start3A_300 = tpu.memref_slice %arg10[%dma_start3A_299] : memref<10112xf32, #tpu.memory_space<vmem_shared>> -> memref<10112xf32, #tpu.memory_space<vmem_shared>>
      tpu.enqueue_indirect_dma source(%dma_start3A_295 : memref<128xf32, #tpu.memory_space<vmem>>) target(%dma_start3A_300 : memref<10112xf32, #tpu.memory_space<vmem_shared>>) offsets(%dma_start3A_298 : memref<128xi32, #tpu.memory_space<vmem>>) semaphore(%arg13 : memref<!tpu.dma_semaphore, #tpu.memory_space<semaphore_mem>>) {add = true}
      %dma_start3A_301 = arith.constant 2 : i32
      %dma_start3A_302 = arith.constant 7 : i32
      %dma_start3A_303 = arith.constant 896 : i32
      %dma_start3A_304 = tpu.memref_slice %arg6[%dma_start3A_301, %dma_start3A_303] : memref<5x1024xf32, #tpu.memory_space<vmem>> -> memref<1x128xf32, #tpu.memory_space<vmem>>
      %dma_start3A_305 = tpu.memref_squeeze %dma_start3A_304 : memref<1x128xf32, #tpu.memory_space<vmem>> -> memref<128xf32, #tpu.memory_space<vmem>>
      %dma_start3A_306 = arith.constant 0 : i32
      %dma_start3A_307 = tpu.memref_slice %arg7[%dma_start3A_302, %dma_start3A_306] : memref<8x128xi32, #tpu.memory_space<vmem>> -> memref<1x128xi32, #tpu.memory_space<vmem>>
      %dma_start3A_308 = tpu.memref_squeeze %dma_start3A_307 : memref<1x128xi32, #tpu.memory_space<vmem>> -> memref<128xi32, #tpu.memory_space<vmem>>
      %dma_start3A_309 = arith.constant 0 : i32
      %dma_start3A_310 = tpu.memref_slice %arg10[%dma_start3A_309] : memref<10112xf32, #tpu.memory_space<vmem_shared>> -> memref<10112xf32, #tpu.memory_space<vmem_shared>>
      tpu.enqueue_indirect_dma source(%dma_start3A_305 : memref<128xf32, #tpu.memory_space<vmem>>) target(%dma_start3A_310 : memref<10112xf32, #tpu.memory_space<vmem_shared>>) offsets(%dma_start3A_308 : memref<128xi32, #tpu.memory_space<vmem>>) semaphore(%arg13 : memref<!tpu.dma_semaphore, #tpu.memory_space<semaphore_mem>>) {add = true}
      %dma_start3A_311 = arith.constant 3 : i32
      %dma_start3A_312 = arith.constant 0 : i32
      %dma_start3A_313 = arith.constant 0 : i32
      %dma_start3A_314 = tpu.memref_slice %arg6[%dma_start3A_311, %dma_start3A_313] : memref<5x1024xf32, #tpu.memory_space<vmem>> -> memref<1x128xf32, #tpu.memory_space<vmem>>
      %dma_start3A_315 = tpu.memref_squeeze %dma_start3A_314 : memref<1x128xf32, #tpu.memory_space<vmem>> -> memref<128xf32, #tpu.memory_space<vmem>>
      %dma_start3A_316 = arith.constant 0 : i32
      %dma_start3A_317 = tpu.memref_slice %arg7[%dma_start3A_312, %dma_start3A_316] : memref<8x128xi32, #tpu.memory_space<vmem>> -> memref<1x128xi32, #tpu.memory_space<vmem>>
      %dma_start3A_318 = tpu.memref_squeeze %dma_start3A_317 : memref<1x128xi32, #tpu.memory_space<vmem>> -> memref<128xi32, #tpu.memory_space<vmem>>
      %dma_start3A_319 = arith.constant 0 : i32
      %dma_start3A_320 = tpu.memref_slice %arg11[%dma_start3A_319] : memref<10112xf32, #tpu.memory_space<vmem_shared>> -> memref<10112xf32, #tpu.memory_space<vmem_shared>>
      tpu.enqueue_indirect_dma source(%dma_start3A_315 : memref<128xf32, #tpu.memory_space<vmem>>) target(%dma_start3A_320 : memref<10112xf32, #tpu.memory_space<vmem_shared>>) offsets(%dma_start3A_318 : memref<128xi32, #tpu.memory_space<vmem>>) semaphore(%arg13 : memref<!tpu.dma_semaphore, #tpu.memory_space<semaphore_mem>>) {add = true}
      %dma_start3A_321 = arith.constant 3 : i32
      %dma_start3A_322 = arith.constant 1 : i32
      %dma_start3A_323 = arith.constant 128 : i32
      %dma_start3A_324 = tpu.memref_slice %arg6[%dma_start3A_321, %dma_start3A_323] : memref<5x1024xf32, #tpu.memory_space<vmem>> -> memref<1x128xf32, #tpu.memory_space<vmem>>
      %dma_start3A_325 = tpu.memref_squeeze %dma_start3A_324 : memref<1x128xf32, #tpu.memory_space<vmem>> -> memref<128xf32, #tpu.memory_space<vmem>>
      %dma_start3A_326 = arith.constant 0 : i32
      %dma_start3A_327 = tpu.memref_slice %arg7[%dma_start3A_322, %dma_start3A_326] : memref<8x128xi32, #tpu.memory_space<vmem>> -> memref<1x128xi32, #tpu.memory_space<vmem>>
      %dma_start3A_328 = tpu.memref_squeeze %dma_start3A_327 : memref<1x128xi32, #tpu.memory_space<vmem>> -> memref<128xi32, #tpu.memory_space<vmem>>
      %dma_start3A_329 = arith.constant 0 : i32
      %dma_start3A_330 = tpu.memref_slice %arg11[%dma_start3A_329] : memref<10112xf32, #tpu.memory_space<vmem_shared>> -> memref<10112xf32, #tpu.memory_space<vmem_shared>>
      tpu.enqueue_indirect_dma source(%dma_start3A_325 : memref<128xf32, #tpu.memory_space<vmem>>) target(%dma_start3A_330 : memref<10112xf32, #tpu.memory_space<vmem_shared>>) offsets(%dma_start3A_328 : memref<128xi32, #tpu.memory_space<vmem>>) semaphore(%arg13 : memref<!tpu.dma_semaphore, #tpu.memory_space<semaphore_mem>>) {add = true}
      %dma_start3A_331 = arith.constant 3 : i32
      %dma_start3A_332 = arith.constant 2 : i32
      %dma_start3A_333 = arith.constant 256 : i32
      %dma_start3A_334 = tpu.memref_slice %arg6[%dma_start3A_331, %dma_start3A_333] : memref<5x1024xf32, #tpu.memory_space<vmem>> -> memref<1x128xf32, #tpu.memory_space<vmem>>
      %dma_start3A_335 = tpu.memref_squeeze %dma_start3A_334 : memref<1x128xf32, #tpu.memory_space<vmem>> -> memref<128xf32, #tpu.memory_space<vmem>>
      %dma_start3A_336 = arith.constant 0 : i32
      %dma_start3A_337 = tpu.memref_slice %arg7[%dma_start3A_332, %dma_start3A_336] : memref<8x128xi32, #tpu.memory_space<vmem>> -> memref<1x128xi32, #tpu.memory_space<vmem>>
      %dma_start3A_338 = tpu.memref_squeeze %dma_start3A_337 : memref<1x128xi32, #tpu.memory_space<vmem>> -> memref<128xi32, #tpu.memory_space<vmem>>
      %dma_start3A_339 = arith.constant 0 : i32
      %dma_start3A_340 = tpu.memref_slice %arg11[%dma_start3A_339] : memref<10112xf32, #tpu.memory_space<vmem_shared>> -> memref<10112xf32, #tpu.memory_space<vmem_shared>>
      tpu.enqueue_indirect_dma source(%dma_start3A_335 : memref<128xf32, #tpu.memory_space<vmem>>) target(%dma_start3A_340 : memref<10112xf32, #tpu.memory_space<vmem_shared>>) offsets(%dma_start3A_338 : memref<128xi32, #tpu.memory_space<vmem>>) semaphore(%arg13 : memref<!tpu.dma_semaphore, #tpu.memory_space<semaphore_mem>>) {add = true}
      %dma_start3A_341 = arith.constant 3 : i32
      %dma_start3A_342 = arith.constant 3 : i32
      %dma_start3A_343 = arith.constant 384 : i32
      %dma_start3A_344 = tpu.memref_slice %arg6[%dma_start3A_341, %dma_start3A_343] : memref<5x1024xf32, #tpu.memory_space<vmem>> -> memref<1x128xf32, #tpu.memory_space<vmem>>
      %dma_start3A_345 = tpu.memref_squeeze %dma_start3A_344 : memref<1x128xf32, #tpu.memory_space<vmem>> -> memref<128xf32, #tpu.memory_space<vmem>>
      %dma_start3A_346 = arith.constant 0 : i32
      %dma_start3A_347 = tpu.memref_slice %arg7[%dma_start3A_342, %dma_start3A_346] : memref<8x128xi32, #tpu.memory_space<vmem>> -> memref<1x128xi32, #tpu.memory_space<vmem>>
      %dma_start3A_348 = tpu.memref_squeeze %dma_start3A_347 : memref<1x128xi32, #tpu.memory_space<vmem>> -> memref<128xi32, #tpu.memory_space<vmem>>
      %dma_start3A_349 = arith.constant 0 : i32
      %dma_start3A_350 = tpu.memref_slice %arg11[%dma_start3A_349] : memref<10112xf32, #tpu.memory_space<vmem_shared>> -> memref<10112xf32, #tpu.memory_space<vmem_shared>>
      tpu.enqueue_indirect_dma source(%dma_start3A_345 : memref<128xf32, #tpu.memory_space<vmem>>) target(%dma_start3A_350 : memref<10112xf32, #tpu.memory_space<vmem_shared>>) offsets(%dma_start3A_348 : memref<128xi32, #tpu.memory_space<vmem>>) semaphore(%arg13 : memref<!tpu.dma_semaphore, #tpu.memory_space<semaphore_mem>>) {add = true}
      %dma_start3A_351 = arith.constant 3 : i32
      %dma_start3A_352 = arith.constant 4 : i32
      %dma_start3A_353 = arith.constant 512 : i32
      %dma_start3A_354 = tpu.memref_slice %arg6[%dma_start3A_351, %dma_start3A_353] : memref<5x1024xf32, #tpu.memory_space<vmem>> -> memref<1x128xf32, #tpu.memory_space<vmem>>
      %dma_start3A_355 = tpu.memref_squeeze %dma_start3A_354 : memref<1x128xf32, #tpu.memory_space<vmem>> -> memref<128xf32, #tpu.memory_space<vmem>>
      %dma_start3A_356 = arith.constant 0 : i32
      %dma_start3A_357 = tpu.memref_slice %arg7[%dma_start3A_352, %dma_start3A_356] : memref<8x128xi32, #tpu.memory_space<vmem>> -> memref<1x128xi32, #tpu.memory_space<vmem>>
      %dma_start3A_358 = tpu.memref_squeeze %dma_start3A_357 : memref<1x128xi32, #tpu.memory_space<vmem>> -> memref<128xi32, #tpu.memory_space<vmem>>
      %dma_start3A_359 = arith.constant 0 : i32
      %dma_start3A_360 = tpu.memref_slice %arg11[%dma_start3A_359] : memref<10112xf32, #tpu.memory_space<vmem_shared>> -> memref<10112xf32, #tpu.memory_space<vmem_shared>>
      tpu.enqueue_indirect_dma source(%dma_start3A_355 : memref<128xf32, #tpu.memory_space<vmem>>) target(%dma_start3A_360 : memref<10112xf32, #tpu.memory_space<vmem_shared>>) offsets(%dma_start3A_358 : memref<128xi32, #tpu.memory_space<vmem>>) semaphore(%arg13 : memref<!tpu.dma_semaphore, #tpu.memory_space<semaphore_mem>>) {add = true}
      %dma_start3A_361 = arith.constant 3 : i32
      %dma_start3A_362 = arith.constant 5 : i32
      %dma_start3A_363 = arith.constant 640 : i32
      %dma_start3A_364 = tpu.memref_slice %arg6[%dma_start3A_361, %dma_start3A_363] : memref<5x1024xf32, #tpu.memory_space<vmem>> -> memref<1x128xf32, #tpu.memory_space<vmem>>
      %dma_start3A_365 = tpu.memref_squeeze %dma_start3A_364 : memref<1x128xf32, #tpu.memory_space<vmem>> -> memref<128xf32, #tpu.memory_space<vmem>>
      %dma_start3A_366 = arith.constant 0 : i32
      %dma_start3A_367 = tpu.memref_slice %arg7[%dma_start3A_362, %dma_start3A_366] : memref<8x128xi32, #tpu.memory_space<vmem>> -> memref<1x128xi32, #tpu.memory_space<vmem>>
      %dma_start3A_368 = tpu.memref_squeeze %dma_start3A_367 : memref<1x128xi32, #tpu.memory_space<vmem>> -> memref<128xi32, #tpu.memory_space<vmem>>
      %dma_start3A_369 = arith.constant 0 : i32
      %dma_start3A_370 = tpu.memref_slice %arg11[%dma_start3A_369] : memref<10112xf32, #tpu.memory_space<vmem_shared>> -> memref<10112xf32, #tpu.memory_space<vmem_shared>>
      tpu.enqueue_indirect_dma source(%dma_start3A_365 : memref<128xf32, #tpu.memory_space<vmem>>) target(%dma_start3A_370 : memref<10112xf32, #tpu.memory_space<vmem_shared>>) offsets(%dma_start3A_368 : memref<128xi32, #tpu.memory_space<vmem>>) semaphore(%arg13 : memref<!tpu.dma_semaphore, #tpu.memory_space<semaphore_mem>>) {add = true}
      %dma_start3A_371 = arith.constant 3 : i32
      %dma_start3A_372 = arith.constant 6 : i32
      %dma_start3A_373 = arith.constant 768 : i32
      %dma_start3A_374 = tpu.memref_slice %arg6[%dma_start3A_371, %dma_start3A_373] : memref<5x1024xf32, #tpu.memory_space<vmem>> -> memref<1x128xf32, #tpu.memory_space<vmem>>
      %dma_start3A_375 = tpu.memref_squeeze %dma_start3A_374 : memref<1x128xf32, #tpu.memory_space<vmem>> -> memref<128xf32, #tpu.memory_space<vmem>>
      %dma_start3A_376 = arith.constant 0 : i32
      %dma_start3A_377 = tpu.memref_slice %arg7[%dma_start3A_372, %dma_start3A_376] : memref<8x128xi32, #tpu.memory_space<vmem>> -> memref<1x128xi32, #tpu.memory_space<vmem>>
      %dma_start3A_378 = tpu.memref_squeeze %dma_start3A_377 : memref<1x128xi32, #tpu.memory_space<vmem>> -> memref<128xi32, #tpu.memory_space<vmem>>
      %dma_start3A_379 = arith.constant 0 : i32
      %dma_start3A_380 = tpu.memref_slice %arg11[%dma_start3A_379] : memref<10112xf32, #tpu.memory_space<vmem_shared>> -> memref<10112xf32, #tpu.memory_space<vmem_shared>>
      tpu.enqueue_indirect_dma source(%dma_start3A_375 : memref<128xf32, #tpu.memory_space<vmem>>) target(%dma_start3A_380 : memref<10112xf32, #tpu.memory_space<vmem_shared>>) offsets(%dma_start3A_378 : memref<128xi32, #tpu.memory_space<vmem>>) semaphore(%arg13 : memref<!tpu.dma_semaphore, #tpu.memory_space<semaphore_mem>>) {add = true}
      %dma_start3A_381 = arith.constant 3 : i32
      %dma_start3A_382 = arith.constant 7 : i32
      %dma_start3A_383 = arith.constant 896 : i32
      %dma_start3A_384 = tpu.memref_slice %arg6[%dma_start3A_381, %dma_start3A_383] : memref<5x1024xf32, #tpu.memory_space<vmem>> -> memref<1x128xf32, #tpu.memory_space<vmem>>
      %dma_start3A_385 = tpu.memref_squeeze %dma_start3A_384 : memref<1x128xf32, #tpu.memory_space<vmem>> -> memref<128xf32, #tpu.memory_space<vmem>>
      %dma_start3A_386 = arith.constant 0 : i32
      %dma_start3A_387 = tpu.memref_slice %arg7[%dma_start3A_382, %dma_start3A_386] : memref<8x128xi32, #tpu.memory_space<vmem>> -> memref<1x128xi32, #tpu.memory_space<vmem>>
      %dma_start3A_388 = tpu.memref_squeeze %dma_start3A_387 : memref<1x128xi32, #tpu.memory_space<vmem>> -> memref<128xi32, #tpu.memory_space<vmem>>
      %dma_start3A_389 = arith.constant 0 : i32
      %dma_start3A_390 = tpu.memref_slice %arg11[%dma_start3A_389] : memref<10112xf32, #tpu.memory_space<vmem_shared>> -> memref<10112xf32, #tpu.memory_space<vmem_shared>>
      tpu.enqueue_indirect_dma source(%dma_start3A_385 : memref<128xf32, #tpu.memory_space<vmem>>) target(%dma_start3A_390 : memref<10112xf32, #tpu.memory_space<vmem_shared>>) offsets(%dma_start3A_388 : memref<128xi32, #tpu.memory_space<vmem>>) semaphore(%arg13 : memref<!tpu.dma_semaphore, #tpu.memory_space<semaphore_mem>>) {add = true}
      %dma_start3A_391 = arith.constant 4 : i32
      %dma_start3A_392 = arith.constant 0 : i32
      %dma_start3A_393 = arith.constant 0 : i32
      %dma_start3A_394 = tpu.memref_slice %arg6[%dma_start3A_391, %dma_start3A_393] : memref<5x1024xf32, #tpu.memory_space<vmem>> -> memref<1x128xf32, #tpu.memory_space<vmem>>
      %dma_start3A_395 = tpu.memref_squeeze %dma_start3A_394 : memref<1x128xf32, #tpu.memory_space<vmem>> -> memref<128xf32, #tpu.memory_space<vmem>>
      %dma_start3A_396 = arith.constant 0 : i32
      %dma_start3A_397 = tpu.memref_slice %arg7[%dma_start3A_392, %dma_start3A_396] : memref<8x128xi32, #tpu.memory_space<vmem>> -> memref<1x128xi32, #tpu.memory_space<vmem>>
      %dma_start3A_398 = tpu.memref_squeeze %dma_start3A_397 : memref<1x128xi32, #tpu.memory_space<vmem>> -> memref<128xi32, #tpu.memory_space<vmem>>
      %dma_start3A_399 = arith.constant 0 : i32
      %dma_start3A_400 = tpu.memref_slice %arg12[%dma_start3A_399] : memref<10112xf32, #tpu.memory_space<vmem_shared>> -> memref<10112xf32, #tpu.memory_space<vmem_shared>>
      tpu.enqueue_indirect_dma source(%dma_start3A_395 : memref<128xf32, #tpu.memory_space<vmem>>) target(%dma_start3A_400 : memref<10112xf32, #tpu.memory_space<vmem_shared>>) offsets(%dma_start3A_398 : memref<128xi32, #tpu.memory_space<vmem>>) semaphore(%arg13 : memref<!tpu.dma_semaphore, #tpu.memory_space<semaphore_mem>>) {add = true}
      %dma_start3A_401 = arith.constant 4 : i32
      %dma_start3A_402 = arith.constant 1 : i32
      %dma_start3A_403 = arith.constant 128 : i32
      %dma_start3A_404 = tpu.memref_slice %arg6[%dma_start3A_401, %dma_start3A_403] : memref<5x1024xf32, #tpu.memory_space<vmem>> -> memref<1x128xf32, #tpu.memory_space<vmem>>
      %dma_start3A_405 = tpu.memref_squeeze %dma_start3A_404 : memref<1x128xf32, #tpu.memory_space<vmem>> -> memref<128xf32, #tpu.memory_space<vmem>>
      %dma_start3A_406 = arith.constant 0 : i32
      %dma_start3A_407 = tpu.memref_slice %arg7[%dma_start3A_402, %dma_start3A_406] : memref<8x128xi32, #tpu.memory_space<vmem>> -> memref<1x128xi32, #tpu.memory_space<vmem>>
      %dma_start3A_408 = tpu.memref_squeeze %dma_start3A_407 : memref<1x128xi32, #tpu.memory_space<vmem>> -> memref<128xi32, #tpu.memory_space<vmem>>
      %dma_start3A_409 = arith.constant 0 : i32
      %dma_start3A_410 = tpu.memref_slice %arg12[%dma_start3A_409] : memref<10112xf32, #tpu.memory_space<vmem_shared>> -> memref<10112xf32, #tpu.memory_space<vmem_shared>>
      tpu.enqueue_indirect_dma source(%dma_start3A_405 : memref<128xf32, #tpu.memory_space<vmem>>) target(%dma_start3A_410 : memref<10112xf32, #tpu.memory_space<vmem_shared>>) offsets(%dma_start3A_408 : memref<128xi32, #tpu.memory_space<vmem>>) semaphore(%arg13 : memref<!tpu.dma_semaphore, #tpu.memory_space<semaphore_mem>>) {add = true}
      %dma_start3A_411 = arith.constant 4 : i32
      %dma_start3A_412 = arith.constant 2 : i32
      %dma_start3A_413 = arith.constant 256 : i32
      %dma_start3A_414 = tpu.memref_slice %arg6[%dma_start3A_411, %dma_start3A_413] : memref<5x1024xf32, #tpu.memory_space<vmem>> -> memref<1x128xf32, #tpu.memory_space<vmem>>
      %dma_start3A_415 = tpu.memref_squeeze %dma_start3A_414 : memref<1x128xf32, #tpu.memory_space<vmem>> -> memref<128xf32, #tpu.memory_space<vmem>>
      %dma_start3A_416 = arith.constant 0 : i32
      %dma_start3A_417 = tpu.memref_slice %arg7[%dma_start3A_412, %dma_start3A_416] : memref<8x128xi32, #tpu.memory_space<vmem>> -> memref<1x128xi32, #tpu.memory_space<vmem>>
      %dma_start3A_418 = tpu.memref_squeeze %dma_start3A_417 : memref<1x128xi32, #tpu.memory_space<vmem>> -> memref<128xi32, #tpu.memory_space<vmem>>
      %dma_start3A_419 = arith.constant 0 : i32
      %dma_start3A_420 = tpu.memref_slice %arg12[%dma_start3A_419] : memref<10112xf32, #tpu.memory_space<vmem_shared>> -> memref<10112xf32, #tpu.memory_space<vmem_shared>>
      tpu.enqueue_indirect_dma source(%dma_start3A_415 : memref<128xf32, #tpu.memory_space<vmem>>) target(%dma_start3A_420 : memref<10112xf32, #tpu.memory_space<vmem_shared>>) offsets(%dma_start3A_418 : memref<128xi32, #tpu.memory_space<vmem>>) semaphore(%arg13 : memref<!tpu.dma_semaphore, #tpu.memory_space<semaphore_mem>>) {add = true}
      %dma_start3A_421 = arith.constant 4 : i32
      %dma_start3A_422 = arith.constant 3 : i32
      %dma_start3A_423 = arith.constant 384 : i32
      %dma_start3A_424 = tpu.memref_slice %arg6[%dma_start3A_421, %dma_start3A_423] : memref<5x1024xf32, #tpu.memory_space<vmem>> -> memref<1x128xf32, #tpu.memory_space<vmem>>
      %dma_start3A_425 = tpu.memref_squeeze %dma_start3A_424 : memref<1x128xf32, #tpu.memory_space<vmem>> -> memref<128xf32, #tpu.memory_space<vmem>>
      %dma_start3A_426 = arith.constant 0 : i32
      %dma_start3A_427 = tpu.memref_slice %arg7[%dma_start3A_422, %dma_start3A_426] : memref<8x128xi32, #tpu.memory_space<vmem>> -> memref<1x128xi32, #tpu.memory_space<vmem>>
      %dma_start3A_428 = tpu.memref_squeeze %dma_start3A_427 : memref<1x128xi32, #tpu.memory_space<vmem>> -> memref<128xi32, #tpu.memory_space<vmem>>
      %dma_start3A_429 = arith.constant 0 : i32
      %dma_start3A_430 = tpu.memref_slice %arg12[%dma_start3A_429] : memref<10112xf32, #tpu.memory_space<vmem_shared>> -> memref<10112xf32, #tpu.memory_space<vmem_shared>>
      tpu.enqueue_indirect_dma source(%dma_start3A_425 : memref<128xf32, #tpu.memory_space<vmem>>) target(%dma_start3A_430 : memref<10112xf32, #tpu.memory_space<vmem_shared>>) offsets(%dma_start3A_428 : memref<128xi32, #tpu.memory_space<vmem>>) semaphore(%arg13 : memref<!tpu.dma_semaphore, #tpu.memory_space<semaphore_mem>>) {add = true}
      %dma_start3A_431 = arith.constant 4 : i32
      %dma_start3A_432 = arith.constant 4 : i32
      %dma_start3A_433 = arith.constant 512 : i32
      %dma_start3A_434 = tpu.memref_slice %arg6[%dma_start3A_431, %dma_start3A_433] : memref<5x1024xf32, #tpu.memory_space<vmem>> -> memref<1x128xf32, #tpu.memory_space<vmem>>
      %dma_start3A_435 = tpu.memref_squeeze %dma_start3A_434 : memref<1x128xf32, #tpu.memory_space<vmem>> -> memref<128xf32, #tpu.memory_space<vmem>>
      %dma_start3A_436 = arith.constant 0 : i32
      %dma_start3A_437 = tpu.memref_slice %arg7[%dma_start3A_432, %dma_start3A_436] : memref<8x128xi32, #tpu.memory_space<vmem>> -> memref<1x128xi32, #tpu.memory_space<vmem>>
      %dma_start3A_438 = tpu.memref_squeeze %dma_start3A_437 : memref<1x128xi32, #tpu.memory_space<vmem>> -> memref<128xi32, #tpu.memory_space<vmem>>
      %dma_start3A_439 = arith.constant 0 : i32
      %dma_start3A_440 = tpu.memref_slice %arg12[%dma_start3A_439] : memref<10112xf32, #tpu.memory_space<vmem_shared>> -> memref<10112xf32, #tpu.memory_space<vmem_shared>>
      tpu.enqueue_indirect_dma source(%dma_start3A_435 : memref<128xf32, #tpu.memory_space<vmem>>) target(%dma_start3A_440 : memref<10112xf32, #tpu.memory_space<vmem_shared>>) offsets(%dma_start3A_438 : memref<128xi32, #tpu.memory_space<vmem>>) semaphore(%arg13 : memref<!tpu.dma_semaphore, #tpu.memory_space<semaphore_mem>>) {add = true}
      %dma_start3A_441 = arith.constant 4 : i32
      %dma_start3A_442 = arith.constant 5 : i32
      %dma_start3A_443 = arith.constant 640 : i32
      %dma_start3A_444 = tpu.memref_slice %arg6[%dma_start3A_441, %dma_start3A_443] : memref<5x1024xf32, #tpu.memory_space<vmem>> -> memref<1x128xf32, #tpu.memory_space<vmem>>
      %dma_start3A_445 = tpu.memref_squeeze %dma_start3A_444 : memref<1x128xf32, #tpu.memory_space<vmem>> -> memref<128xf32, #tpu.memory_space<vmem>>
      %dma_start3A_446 = arith.constant 0 : i32
      %dma_start3A_447 = tpu.memref_slice %arg7[%dma_start3A_442, %dma_start3A_446] : memref<8x128xi32, #tpu.memory_space<vmem>> -> memref<1x128xi32, #tpu.memory_space<vmem>>
      %dma_start3A_448 = tpu.memref_squeeze %dma_start3A_447 : memref<1x128xi32, #tpu.memory_space<vmem>> -> memref<128xi32, #tpu.memory_space<vmem>>
      %dma_start3A_449 = arith.constant 0 : i32
      %dma_start3A_450 = tpu.memref_slice %arg12[%dma_start3A_449] : memref<10112xf32, #tpu.memory_space<vmem_shared>> -> memref<10112xf32, #tpu.memory_space<vmem_shared>>
      tpu.enqueue_indirect_dma source(%dma_start3A_445 : memref<128xf32, #tpu.memory_space<vmem>>) target(%dma_start3A_450 : memref<10112xf32, #tpu.memory_space<vmem_shared>>) offsets(%dma_start3A_448 : memref<128xi32, #tpu.memory_space<vmem>>) semaphore(%arg13 : memref<!tpu.dma_semaphore, #tpu.memory_space<semaphore_mem>>) {add = true}
      %dma_start3A_451 = arith.constant 4 : i32
      %dma_start3A_452 = arith.constant 6 : i32
      %dma_start3A_453 = arith.constant 768 : i32
      %dma_start3A_454 = tpu.memref_slice %arg6[%dma_start3A_451, %dma_start3A_453] : memref<5x1024xf32, #tpu.memory_space<vmem>> -> memref<1x128xf32, #tpu.memory_space<vmem>>
      %dma_start3A_455 = tpu.memref_squeeze %dma_start3A_454 : memref<1x128xf32, #tpu.memory_space<vmem>> -> memref<128xf32, #tpu.memory_space<vmem>>
      %dma_start3A_456 = arith.constant 0 : i32
      %dma_start3A_457 = tpu.memref_slice %arg7[%dma_start3A_452, %dma_start3A_456] : memref<8x128xi32, #tpu.memory_space<vmem>> -> memref<1x128xi32, #tpu.memory_space<vmem>>
      %dma_start3A_458 = tpu.memref_squeeze %dma_start3A_457 : memref<1x128xi32, #tpu.memory_space<vmem>> -> memref<128xi32, #tpu.memory_space<vmem>>
      %dma_start3A_459 = arith.constant 0 : i32
      %dma_start3A_460 = tpu.memref_slice %arg12[%dma_start3A_459] : memref<10112xf32, #tpu.memory_space<vmem_shared>> -> memref<10112xf32, #tpu.memory_space<vmem_shared>>
      tpu.enqueue_indirect_dma source(%dma_start3A_455 : memref<128xf32, #tpu.memory_space<vmem>>) target(%dma_start3A_460 : memref<10112xf32, #tpu.memory_space<vmem_shared>>) offsets(%dma_start3A_458 : memref<128xi32, #tpu.memory_space<vmem>>) semaphore(%arg13 : memref<!tpu.dma_semaphore, #tpu.memory_space<semaphore_mem>>) {add = true}
      %dma_start3A_461 = arith.constant 4 : i32
      %dma_start3A_462 = arith.constant 7 : i32
      %dma_start3A_463 = arith.constant 896 : i32
      %dma_start3A_464 = tpu.memref_slice %arg6[%dma_start3A_461, %dma_start3A_463] : memref<5x1024xf32, #tpu.memory_space<vmem>> -> memref<1x128xf32, #tpu.memory_space<vmem>>
      %dma_start3A_465 = tpu.memref_squeeze %dma_start3A_464 : memref<1x128xf32, #tpu.memory_space<vmem>> -> memref<128xf32, #tpu.memory_space<vmem>>
      %dma_start3A_466 = arith.constant 0 : i32
      %dma_start3A_467 = tpu.memref_slice %arg7[%dma_start3A_462, %dma_start3A_466] : memref<8x128xi32, #tpu.memory_space<vmem>> -> memref<1x128xi32, #tpu.memory_space<vmem>>
      %dma_start3A_468 = tpu.memref_squeeze %dma_start3A_467 : memref<1x128xi32, #tpu.memory_space<vmem>> -> memref<128xi32, #tpu.memory_space<vmem>>
      %dma_start3A_469 = arith.constant 0 : i32
      %dma_start3A_470 = tpu.memref_slice %arg12[%dma_start3A_469] : memref<10112xf32, #tpu.memory_space<vmem_shared>> -> memref<10112xf32, #tpu.memory_space<vmem_shared>>
      tpu.enqueue_indirect_dma source(%dma_start3A_465 : memref<128xf32, #tpu.memory_space<vmem>>) target(%dma_start3A_470 : memref<10112xf32, #tpu.memory_space<vmem_shared>>) offsets(%dma_start3A_468 : memref<128xi32, #tpu.memory_space<vmem>>) semaphore(%arg13 : memref<!tpu.dma_semaphore, #tpu.memory_space<semaphore_mem>>) {add = true}
      %dma_wait3A = arith.constant 0 : i32
      %dma_wait3A_471 = arith.constant 0 : i32
      %dma_wait3A_472 = arith.constant 0 : i32
      %dma_wait3A_473 = tpu.memref_slice %arg6[%dma_wait3A, %dma_wait3A_472] : memref<5x1024xf32, #tpu.memory_space<vmem>> -> memref<1x128xf32, #tpu.memory_space<vmem>>
      %dma_wait3A_474 = tpu.memref_squeeze %dma_wait3A_473 : memref<1x128xf32, #tpu.memory_space<vmem>> -> memref<128xf32, #tpu.memory_space<vmem>>
      %dma_wait3A_475 = arith.constant 0 : i32
      %dma_wait3A_476 = tpu.memref_slice %arg7[%dma_wait3A_471, %dma_wait3A_475] : memref<8x128xi32, #tpu.memory_space<vmem>> -> memref<1x128xi32, #tpu.memory_space<vmem>>
      %dma_wait3A_477 = tpu.memref_squeeze %dma_wait3A_476 : memref<1x128xi32, #tpu.memory_space<vmem>> -> memref<128xi32, #tpu.memory_space<vmem>>
      %dma_wait3A_478 = arith.constant 0 : i32
      %dma_wait3A_479 = tpu.memref_slice %arg8[%dma_wait3A_478] : memref<10112xf32, #tpu.memory_space<vmem_shared>> -> memref<10112xf32, #tpu.memory_space<vmem_shared>>
      tpu.wait_indirect_dma semaphore(%arg13 : memref<!tpu.dma_semaphore, #tpu.memory_space<semaphore_mem>>) src(%dma_wait3A_474 : memref<128xf32, #tpu.memory_space<vmem>>) dst(%dma_wait3A_479 : memref<10112xf32, #tpu.memory_space<vmem_shared>>)
      %dma_wait3A_480 = arith.constant 0 : i32
      %dma_wait3A_481 = arith.constant 1 : i32
      %dma_wait3A_482 = arith.constant 128 : i32
      %dma_wait3A_483 = tpu.memref_slice %arg6[%dma_wait3A_480, %dma_wait3A_482] : memref<5x1024xf32, #tpu.memory_space<vmem>> -> memref<1x128xf32, #tpu.memory_space<vmem>>
      %dma_wait3A_484 = tpu.memref_squeeze %dma_wait3A_483 : memref<1x128xf32, #tpu.memory_space<vmem>> -> memref<128xf32, #tpu.memory_space<vmem>>
      %dma_wait3A_485 = arith.constant 0 : i32
      %dma_wait3A_486 = tpu.memref_slice %arg7[%dma_wait3A_481, %dma_wait3A_485] : memref<8x128xi32, #tpu.memory_space<vmem>> -> memref<1x128xi32, #tpu.memory_space<vmem>>
      %dma_wait3A_487 = tpu.memref_squeeze %dma_wait3A_486 : memref<1x128xi32, #tpu.memory_space<vmem>> -> memref<128xi32, #tpu.memory_space<vmem>>
      %dma_wait3A_488 = arith.constant 0 : i32
      %dma_wait3A_489 = tpu.memref_slice %arg8[%dma_wait3A_488] : memref<10112xf32, #tpu.memory_space<vmem_shared>> -> memref<10112xf32, #tpu.memory_space<vmem_shared>>
      tpu.wait_indirect_dma semaphore(%arg13 : memref<!tpu.dma_semaphore, #tpu.memory_space<semaphore_mem>>) src(%dma_wait3A_484 : memref<128xf32, #tpu.memory_space<vmem>>) dst(%dma_wait3A_489 : memref<10112xf32, #tpu.memory_space<vmem_shared>>)
      %dma_wait3A_490 = arith.constant 0 : i32
      %dma_wait3A_491 = arith.constant 2 : i32
      %dma_wait3A_492 = arith.constant 256 : i32
      %dma_wait3A_493 = tpu.memref_slice %arg6[%dma_wait3A_490, %dma_wait3A_492] : memref<5x1024xf32, #tpu.memory_space<vmem>> -> memref<1x128xf32, #tpu.memory_space<vmem>>
      %dma_wait3A_494 = tpu.memref_squeeze %dma_wait3A_493 : memref<1x128xf32, #tpu.memory_space<vmem>> -> memref<128xf32, #tpu.memory_space<vmem>>
      %dma_wait3A_495 = arith.constant 0 : i32
      %dma_wait3A_496 = tpu.memref_slice %arg7[%dma_wait3A_491, %dma_wait3A_495] : memref<8x128xi32, #tpu.memory_space<vmem>> -> memref<1x128xi32, #tpu.memory_space<vmem>>
      %dma_wait3A_497 = tpu.memref_squeeze %dma_wait3A_496 : memref<1x128xi32, #tpu.memory_space<vmem>> -> memref<128xi32, #tpu.memory_space<vmem>>
      %dma_wait3A_498 = arith.constant 0 : i32
      %dma_wait3A_499 = tpu.memref_slice %arg8[%dma_wait3A_498] : memref<10112xf32, #tpu.memory_space<vmem_shared>> -> memref<10112xf32, #tpu.memory_space<vmem_shared>>
      tpu.wait_indirect_dma semaphore(%arg13 : memref<!tpu.dma_semaphore, #tpu.memory_space<semaphore_mem>>) src(%dma_wait3A_494 : memref<128xf32, #tpu.memory_space<vmem>>) dst(%dma_wait3A_499 : memref<10112xf32, #tpu.memory_space<vmem_shared>>)
      %dma_wait3A_500 = arith.constant 0 : i32
      %dma_wait3A_501 = arith.constant 3 : i32
      %dma_wait3A_502 = arith.constant 384 : i32
      %dma_wait3A_503 = tpu.memref_slice %arg6[%dma_wait3A_500, %dma_wait3A_502] : memref<5x1024xf32, #tpu.memory_space<vmem>> -> memref<1x128xf32, #tpu.memory_space<vmem>>
      %dma_wait3A_504 = tpu.memref_squeeze %dma_wait3A_503 : memref<1x128xf32, #tpu.memory_space<vmem>> -> memref<128xf32, #tpu.memory_space<vmem>>
      %dma_wait3A_505 = arith.constant 0 : i32
      %dma_wait3A_506 = tpu.memref_slice %arg7[%dma_wait3A_501, %dma_wait3A_505] : memref<8x128xi32, #tpu.memory_space<vmem>> -> memref<1x128xi32, #tpu.memory_space<vmem>>
      %dma_wait3A_507 = tpu.memref_squeeze %dma_wait3A_506 : memref<1x128xi32, #tpu.memory_space<vmem>> -> memref<128xi32, #tpu.memory_space<vmem>>
      %dma_wait3A_508 = arith.constant 0 : i32
      %dma_wait3A_509 = tpu.memref_slice %arg8[%dma_wait3A_508] : memref<10112xf32, #tpu.memory_space<vmem_shared>> -> memref<10112xf32, #tpu.memory_space<vmem_shared>>
      tpu.wait_indirect_dma semaphore(%arg13 : memref<!tpu.dma_semaphore, #tpu.memory_space<semaphore_mem>>) src(%dma_wait3A_504 : memref<128xf32, #tpu.memory_space<vmem>>) dst(%dma_wait3A_509 : memref<10112xf32, #tpu.memory_space<vmem_shared>>)
      %dma_wait3A_510 = arith.constant 0 : i32
      %dma_wait3A_511 = arith.constant 4 : i32
      %dma_wait3A_512 = arith.constant 512 : i32
      %dma_wait3A_513 = tpu.memref_slice %arg6[%dma_wait3A_510, %dma_wait3A_512] : memref<5x1024xf32, #tpu.memory_space<vmem>> -> memref<1x128xf32, #tpu.memory_space<vmem>>
      %dma_wait3A_514 = tpu.memref_squeeze %dma_wait3A_513 : memref<1x128xf32, #tpu.memory_space<vmem>> -> memref<128xf32, #tpu.memory_space<vmem>>
      %dma_wait3A_515 = arith.constant 0 : i32
      %dma_wait3A_516 = tpu.memref_slice %arg7[%dma_wait3A_511, %dma_wait3A_515] : memref<8x128xi32, #tpu.memory_space<vmem>> -> memref<1x128xi32, #tpu.memory_space<vmem>>
      %dma_wait3A_517 = tpu.memref_squeeze %dma_wait3A_516 : memref<1x128xi32, #tpu.memory_space<vmem>> -> memref<128xi32, #tpu.memory_space<vmem>>
      %dma_wait3A_518 = arith.constant 0 : i32
      %dma_wait3A_519 = tpu.memref_slice %arg8[%dma_wait3A_518] : memref<10112xf32, #tpu.memory_space<vmem_shared>> -> memref<10112xf32, #tpu.memory_space<vmem_shared>>
      tpu.wait_indirect_dma semaphore(%arg13 : memref<!tpu.dma_semaphore, #tpu.memory_space<semaphore_mem>>) src(%dma_wait3A_514 : memref<128xf32, #tpu.memory_space<vmem>>) dst(%dma_wait3A_519 : memref<10112xf32, #tpu.memory_space<vmem_shared>>)
      %dma_wait3A_520 = arith.constant 0 : i32
      %dma_wait3A_521 = arith.constant 5 : i32
      %dma_wait3A_522 = arith.constant 640 : i32
      %dma_wait3A_523 = tpu.memref_slice %arg6[%dma_wait3A_520, %dma_wait3A_522] : memref<5x1024xf32, #tpu.memory_space<vmem>> -> memref<1x128xf32, #tpu.memory_space<vmem>>
      %dma_wait3A_524 = tpu.memref_squeeze %dma_wait3A_523 : memref<1x128xf32, #tpu.memory_space<vmem>> -> memref<128xf32, #tpu.memory_space<vmem>>
      %dma_wait3A_525 = arith.constant 0 : i32
      %dma_wait3A_526 = tpu.memref_slice %arg7[%dma_wait3A_521, %dma_wait3A_525] : memref<8x128xi32, #tpu.memory_space<vmem>> -> memref<1x128xi32, #tpu.memory_space<vmem>>
      %dma_wait3A_527 = tpu.memref_squeeze %dma_wait3A_526 : memref<1x128xi32, #tpu.memory_space<vmem>> -> memref<128xi32, #tpu.memory_space<vmem>>
      %dma_wait3A_528 = arith.constant 0 : i32
      %dma_wait3A_529 = tpu.memref_slice %arg8[%dma_wait3A_528] : memref<10112xf32, #tpu.memory_space<vmem_shared>> -> memref<10112xf32, #tpu.memory_space<vmem_shared>>
      tpu.wait_indirect_dma semaphore(%arg13 : memref<!tpu.dma_semaphore, #tpu.memory_space<semaphore_mem>>) src(%dma_wait3A_524 : memref<128xf32, #tpu.memory_space<vmem>>) dst(%dma_wait3A_529 : memref<10112xf32, #tpu.memory_space<vmem_shared>>)
      %dma_wait3A_530 = arith.constant 0 : i32
      %dma_wait3A_531 = arith.constant 6 : i32
      %dma_wait3A_532 = arith.constant 768 : i32
      %dma_wait3A_533 = tpu.memref_slice %arg6[%dma_wait3A_530, %dma_wait3A_532] : memref<5x1024xf32, #tpu.memory_space<vmem>> -> memref<1x128xf32, #tpu.memory_space<vmem>>
      %dma_wait3A_534 = tpu.memref_squeeze %dma_wait3A_533 : memref<1x128xf32, #tpu.memory_space<vmem>> -> memref<128xf32, #tpu.memory_space<vmem>>
      %dma_wait3A_535 = arith.constant 0 : i32
      %dma_wait3A_536 = tpu.memref_slice %arg7[%dma_wait3A_531, %dma_wait3A_535] : memref<8x128xi32, #tpu.memory_space<vmem>> -> memref<1x128xi32, #tpu.memory_space<vmem>>
      %dma_wait3A_537 = tpu.memref_squeeze %dma_wait3A_536 : memref<1x128xi32, #tpu.memory_space<vmem>> -> memref<128xi32, #tpu.memory_space<vmem>>
      %dma_wait3A_538 = arith.constant 0 : i32
      %dma_wait3A_539 = tpu.memref_slice %arg8[%dma_wait3A_538] : memref<10112xf32, #tpu.memory_space<vmem_shared>> -> memref<10112xf32, #tpu.memory_space<vmem_shared>>
      tpu.wait_indirect_dma semaphore(%arg13 : memref<!tpu.dma_semaphore, #tpu.memory_space<semaphore_mem>>) src(%dma_wait3A_534 : memref<128xf32, #tpu.memory_space<vmem>>) dst(%dma_wait3A_539 : memref<10112xf32, #tpu.memory_space<vmem_shared>>)
      %dma_wait3A_540 = arith.constant 0 : i32
      %dma_wait3A_541 = arith.constant 7 : i32
      %dma_wait3A_542 = arith.constant 896 : i32
      %dma_wait3A_543 = tpu.memref_slice %arg6[%dma_wait3A_540, %dma_wait3A_542] : memref<5x1024xf32, #tpu.memory_space<vmem>> -> memref<1x128xf32, #tpu.memory_space<vmem>>
      %dma_wait3A_544 = tpu.memref_squeeze %dma_wait3A_543 : memref<1x128xf32, #tpu.memory_space<vmem>> -> memref<128xf32, #tpu.memory_space<vmem>>
      %dma_wait3A_545 = arith.constant 0 : i32
      %dma_wait3A_546 = tpu.memref_slice %arg7[%dma_wait3A_541, %dma_wait3A_545] : memref<8x128xi32, #tpu.memory_space<vmem>> -> memref<1x128xi32, #tpu.memory_space<vmem>>
      %dma_wait3A_547 = tpu.memref_squeeze %dma_wait3A_546 : memref<1x128xi32, #tpu.memory_space<vmem>> -> memref<128xi32, #tpu.memory_space<vmem>>
      %dma_wait3A_548 = arith.constant 0 : i32
      %dma_wait3A_549 = tpu.memref_slice %arg8[%dma_wait3A_548] : memref<10112xf32, #tpu.memory_space<vmem_shared>> -> memref<10112xf32, #tpu.memory_space<vmem_shared>>
      tpu.wait_indirect_dma semaphore(%arg13 : memref<!tpu.dma_semaphore, #tpu.memory_space<semaphore_mem>>) src(%dma_wait3A_544 : memref<128xf32, #tpu.memory_space<vmem>>) dst(%dma_wait3A_549 : memref<10112xf32, #tpu.memory_space<vmem_shared>>)
      %dma_wait3A_550 = arith.constant 1 : i32
      %dma_wait3A_551 = arith.constant 0 : i32
      %dma_wait3A_552 = arith.constant 0 : i32
      %dma_wait3A_553 = tpu.memref_slice %arg6[%dma_wait3A_550, %dma_wait3A_552] : memref<5x1024xf32, #tpu.memory_space<vmem>> -> memref<1x128xf32, #tpu.memory_space<vmem>>
      %dma_wait3A_554 = tpu.memref_squeeze %dma_wait3A_553 : memref<1x128xf32, #tpu.memory_space<vmem>> -> memref<128xf32, #tpu.memory_space<vmem>>
      %dma_wait3A_555 = arith.constant 0 : i32
      %dma_wait3A_556 = tpu.memref_slice %arg7[%dma_wait3A_551, %dma_wait3A_555] : memref<8x128xi32, #tpu.memory_space<vmem>> -> memref<1x128xi32, #tpu.memory_space<vmem>>
      %dma_wait3A_557 = tpu.memref_squeeze %dma_wait3A_556 : memref<1x128xi32, #tpu.memory_space<vmem>> -> memref<128xi32, #tpu.memory_space<vmem>>
      %dma_wait3A_558 = arith.constant 0 : i32
      %dma_wait3A_559 = tpu.memref_slice %arg9[%dma_wait3A_558] : memref<10112xf32, #tpu.memory_space<vmem_shared>> -> memref<10112xf32, #tpu.memory_space<vmem_shared>>
      tpu.wait_indirect_dma semaphore(%arg13 : memref<!tpu.dma_semaphore, #tpu.memory_space<semaphore_mem>>) src(%dma_wait3A_554 : memref<128xf32, #tpu.memory_space<vmem>>) dst(%dma_wait3A_559 : memref<10112xf32, #tpu.memory_space<vmem_shared>>)
      %dma_wait3A_560 = arith.constant 1 : i32
      %dma_wait3A_561 = arith.constant 1 : i32
      %dma_wait3A_562 = arith.constant 128 : i32
      %dma_wait3A_563 = tpu.memref_slice %arg6[%dma_wait3A_560, %dma_wait3A_562] : memref<5x1024xf32, #tpu.memory_space<vmem>> -> memref<1x128xf32, #tpu.memory_space<vmem>>
      %dma_wait3A_564 = tpu.memref_squeeze %dma_wait3A_563 : memref<1x128xf32, #tpu.memory_space<vmem>> -> memref<128xf32, #tpu.memory_space<vmem>>
      %dma_wait3A_565 = arith.constant 0 : i32
      %dma_wait3A_566 = tpu.memref_slice %arg7[%dma_wait3A_561, %dma_wait3A_565] : memref<8x128xi32, #tpu.memory_space<vmem>> -> memref<1x128xi32, #tpu.memory_space<vmem>>
      %dma_wait3A_567 = tpu.memref_squeeze %dma_wait3A_566 : memref<1x128xi32, #tpu.memory_space<vmem>> -> memref<128xi32, #tpu.memory_space<vmem>>
      %dma_wait3A_568 = arith.constant 0 : i32
      %dma_wait3A_569 = tpu.memref_slice %arg9[%dma_wait3A_568] : memref<10112xf32, #tpu.memory_space<vmem_shared>> -> memref<10112xf32, #tpu.memory_space<vmem_shared>>
      tpu.wait_indirect_dma semaphore(%arg13 : memref<!tpu.dma_semaphore, #tpu.memory_space<semaphore_mem>>) src(%dma_wait3A_564 : memref<128xf32, #tpu.memory_space<vmem>>) dst(%dma_wait3A_569 : memref<10112xf32, #tpu.memory_space<vmem_shared>>)
      %dma_wait3A_570 = arith.constant 1 : i32
      %dma_wait3A_571 = arith.constant 2 : i32
      %dma_wait3A_572 = arith.constant 256 : i32
      %dma_wait3A_573 = tpu.memref_slice %arg6[%dma_wait3A_570, %dma_wait3A_572] : memref<5x1024xf32, #tpu.memory_space<vmem>> -> memref<1x128xf32, #tpu.memory_space<vmem>>
      %dma_wait3A_574 = tpu.memref_squeeze %dma_wait3A_573 : memref<1x128xf32, #tpu.memory_space<vmem>> -> memref<128xf32, #tpu.memory_space<vmem>>
      %dma_wait3A_575 = arith.constant 0 : i32
      %dma_wait3A_576 = tpu.memref_slice %arg7[%dma_wait3A_571, %dma_wait3A_575] : memref<8x128xi32, #tpu.memory_space<vmem>> -> memref<1x128xi32, #tpu.memory_space<vmem>>
      %dma_wait3A_577 = tpu.memref_squeeze %dma_wait3A_576 : memref<1x128xi32, #tpu.memory_space<vmem>> -> memref<128xi32, #tpu.memory_space<vmem>>
      %dma_wait3A_578 = arith.constant 0 : i32
      %dma_wait3A_579 = tpu.memref_slice %arg9[%dma_wait3A_578] : memref<10112xf32, #tpu.memory_space<vmem_shared>> -> memref<10112xf32, #tpu.memory_space<vmem_shared>>
      tpu.wait_indirect_dma semaphore(%arg13 : memref<!tpu.dma_semaphore, #tpu.memory_space<semaphore_mem>>) src(%dma_wait3A_574 : memref<128xf32, #tpu.memory_space<vmem>>) dst(%dma_wait3A_579 : memref<10112xf32, #tpu.memory_space<vmem_shared>>)
      %dma_wait3A_580 = arith.constant 1 : i32
      %dma_wait3A_581 = arith.constant 3 : i32
      %dma_wait3A_582 = arith.constant 384 : i32
      %dma_wait3A_583 = tpu.memref_slice %arg6[%dma_wait3A_580, %dma_wait3A_582] : memref<5x1024xf32, #tpu.memory_space<vmem>> -> memref<1x128xf32, #tpu.memory_space<vmem>>
      %dma_wait3A_584 = tpu.memref_squeeze %dma_wait3A_583 : memref<1x128xf32, #tpu.memory_space<vmem>> -> memref<128xf32, #tpu.memory_space<vmem>>
      %dma_wait3A_585 = arith.constant 0 : i32
      %dma_wait3A_586 = tpu.memref_slice %arg7[%dma_wait3A_581, %dma_wait3A_585] : memref<8x128xi32, #tpu.memory_space<vmem>> -> memref<1x128xi32, #tpu.memory_space<vmem>>
      %dma_wait3A_587 = tpu.memref_squeeze %dma_wait3A_586 : memref<1x128xi32, #tpu.memory_space<vmem>> -> memref<128xi32, #tpu.memory_space<vmem>>
      %dma_wait3A_588 = arith.constant 0 : i32
      %dma_wait3A_589 = tpu.memref_slice %arg9[%dma_wait3A_588] : memref<10112xf32, #tpu.memory_space<vmem_shared>> -> memref<10112xf32, #tpu.memory_space<vmem_shared>>
      tpu.wait_indirect_dma semaphore(%arg13 : memref<!tpu.dma_semaphore, #tpu.memory_space<semaphore_mem>>) src(%dma_wait3A_584 : memref<128xf32, #tpu.memory_space<vmem>>) dst(%dma_wait3A_589 : memref<10112xf32, #tpu.memory_space<vmem_shared>>)
      %dma_wait3A_590 = arith.constant 1 : i32
      %dma_wait3A_591 = arith.constant 4 : i32
      %dma_wait3A_592 = arith.constant 512 : i32
      %dma_wait3A_593 = tpu.memref_slice %arg6[%dma_wait3A_590, %dma_wait3A_592] : memref<5x1024xf32, #tpu.memory_space<vmem>> -> memref<1x128xf32, #tpu.memory_space<vmem>>
      %dma_wait3A_594 = tpu.memref_squeeze %dma_wait3A_593 : memref<1x128xf32, #tpu.memory_space<vmem>> -> memref<128xf32, #tpu.memory_space<vmem>>
      %dma_wait3A_595 = arith.constant 0 : i32
      %dma_wait3A_596 = tpu.memref_slice %arg7[%dma_wait3A_591, %dma_wait3A_595] : memref<8x128xi32, #tpu.memory_space<vmem>> -> memref<1x128xi32, #tpu.memory_space<vmem>>
      %dma_wait3A_597 = tpu.memref_squeeze %dma_wait3A_596 : memref<1x128xi32, #tpu.memory_space<vmem>> -> memref<128xi32, #tpu.memory_space<vmem>>
      %dma_wait3A_598 = arith.constant 0 : i32
      %dma_wait3A_599 = tpu.memref_slice %arg9[%dma_wait3A_598] : memref<10112xf32, #tpu.memory_space<vmem_shared>> -> memref<10112xf32, #tpu.memory_space<vmem_shared>>
      tpu.wait_indirect_dma semaphore(%arg13 : memref<!tpu.dma_semaphore, #tpu.memory_space<semaphore_mem>>) src(%dma_wait3A_594 : memref<128xf32, #tpu.memory_space<vmem>>) dst(%dma_wait3A_599 : memref<10112xf32, #tpu.memory_space<vmem_shared>>)
      %dma_wait3A_600 = arith.constant 1 : i32
      %dma_wait3A_601 = arith.constant 5 : i32
      %dma_wait3A_602 = arith.constant 640 : i32
      %dma_wait3A_603 = tpu.memref_slice %arg6[%dma_wait3A_600, %dma_wait3A_602] : memref<5x1024xf32, #tpu.memory_space<vmem>> -> memref<1x128xf32, #tpu.memory_space<vmem>>
      %dma_wait3A_604 = tpu.memref_squeeze %dma_wait3A_603 : memref<1x128xf32, #tpu.memory_space<vmem>> -> memref<128xf32, #tpu.memory_space<vmem>>
      %dma_wait3A_605 = arith.constant 0 : i32
      %dma_wait3A_606 = tpu.memref_slice %arg7[%dma_wait3A_601, %dma_wait3A_605] : memref<8x128xi32, #tpu.memory_space<vmem>> -> memref<1x128xi32, #tpu.memory_space<vmem>>
      %dma_wait3A_607 = tpu.memref_squeeze %dma_wait3A_606 : memref<1x128xi32, #tpu.memory_space<vmem>> -> memref<128xi32, #tpu.memory_space<vmem>>
      %dma_wait3A_608 = arith.constant 0 : i32
      %dma_wait3A_609 = tpu.memref_slice %arg9[%dma_wait3A_608] : memref<10112xf32, #tpu.memory_space<vmem_shared>> -> memref<10112xf32, #tpu.memory_space<vmem_shared>>
      tpu.wait_indirect_dma semaphore(%arg13 : memref<!tpu.dma_semaphore, #tpu.memory_space<semaphore_mem>>) src(%dma_wait3A_604 : memref<128xf32, #tpu.memory_space<vmem>>) dst(%dma_wait3A_609 : memref<10112xf32, #tpu.memory_space<vmem_shared>>)
      %dma_wait3A_610 = arith.constant 1 : i32
      %dma_wait3A_611 = arith.constant 6 : i32
      %dma_wait3A_612 = arith.constant 768 : i32
      %dma_wait3A_613 = tpu.memref_slice %arg6[%dma_wait3A_610, %dma_wait3A_612] : memref<5x1024xf32, #tpu.memory_space<vmem>> -> memref<1x128xf32, #tpu.memory_space<vmem>>
      %dma_wait3A_614 = tpu.memref_squeeze %dma_wait3A_613 : memref<1x128xf32, #tpu.memory_space<vmem>> -> memref<128xf32, #tpu.memory_space<vmem>>
      %dma_wait3A_615 = arith.constant 0 : i32
      %dma_wait3A_616 = tpu.memref_slice %arg7[%dma_wait3A_611, %dma_wait3A_615] : memref<8x128xi32, #tpu.memory_space<vmem>> -> memref<1x128xi32, #tpu.memory_space<vmem>>
      %dma_wait3A_617 = tpu.memref_squeeze %dma_wait3A_616 : memref<1x128xi32, #tpu.memory_space<vmem>> -> memref<128xi32, #tpu.memory_space<vmem>>
      %dma_wait3A_618 = arith.constant 0 : i32
      %dma_wait3A_619 = tpu.memref_slice %arg9[%dma_wait3A_618] : memref<10112xf32, #tpu.memory_space<vmem_shared>> -> memref<10112xf32, #tpu.memory_space<vmem_shared>>
      tpu.wait_indirect_dma semaphore(%arg13 : memref<!tpu.dma_semaphore, #tpu.memory_space<semaphore_mem>>) src(%dma_wait3A_614 : memref<128xf32, #tpu.memory_space<vmem>>) dst(%dma_wait3A_619 : memref<10112xf32, #tpu.memory_space<vmem_shared>>)
      %dma_wait3A_620 = arith.constant 1 : i32
      %dma_wait3A_621 = arith.constant 7 : i32
      %dma_wait3A_622 = arith.constant 896 : i32
      %dma_wait3A_623 = tpu.memref_slice %arg6[%dma_wait3A_620, %dma_wait3A_622] : memref<5x1024xf32, #tpu.memory_space<vmem>> -> memref<1x128xf32, #tpu.memory_space<vmem>>
      %dma_wait3A_624 = tpu.memref_squeeze %dma_wait3A_623 : memref<1x128xf32, #tpu.memory_space<vmem>> -> memref<128xf32, #tpu.memory_space<vmem>>
      %dma_wait3A_625 = arith.constant 0 : i32
      %dma_wait3A_626 = tpu.memref_slice %arg7[%dma_wait3A_621, %dma_wait3A_625] : memref<8x128xi32, #tpu.memory_space<vmem>> -> memref<1x128xi32, #tpu.memory_space<vmem>>
      %dma_wait3A_627 = tpu.memref_squeeze %dma_wait3A_626 : memref<1x128xi32, #tpu.memory_space<vmem>> -> memref<128xi32, #tpu.memory_space<vmem>>
      %dma_wait3A_628 = arith.constant 0 : i32
      %dma_wait3A_629 = tpu.memref_slice %arg9[%dma_wait3A_628] : memref<10112xf32, #tpu.memory_space<vmem_shared>> -> memref<10112xf32, #tpu.memory_space<vmem_shared>>
      tpu.wait_indirect_dma semaphore(%arg13 : memref<!tpu.dma_semaphore, #tpu.memory_space<semaphore_mem>>) src(%dma_wait3A_624 : memref<128xf32, #tpu.memory_space<vmem>>) dst(%dma_wait3A_629 : memref<10112xf32, #tpu.memory_space<vmem_shared>>)
      %dma_wait3A_630 = arith.constant 2 : i32
      %dma_wait3A_631 = arith.constant 0 : i32
      %dma_wait3A_632 = arith.constant 0 : i32
      %dma_wait3A_633 = tpu.memref_slice %arg6[%dma_wait3A_630, %dma_wait3A_632] : memref<5x1024xf32, #tpu.memory_space<vmem>> -> memref<1x128xf32, #tpu.memory_space<vmem>>
      %dma_wait3A_634 = tpu.memref_squeeze %dma_wait3A_633 : memref<1x128xf32, #tpu.memory_space<vmem>> -> memref<128xf32, #tpu.memory_space<vmem>>
      %dma_wait3A_635 = arith.constant 0 : i32
      %dma_wait3A_636 = tpu.memref_slice %arg7[%dma_wait3A_631, %dma_wait3A_635] : memref<8x128xi32, #tpu.memory_space<vmem>> -> memref<1x128xi32, #tpu.memory_space<vmem>>
      %dma_wait3A_637 = tpu.memref_squeeze %dma_wait3A_636 : memref<1x128xi32, #tpu.memory_space<vmem>> -> memref<128xi32, #tpu.memory_space<vmem>>
      %dma_wait3A_638 = arith.constant 0 : i32
      %dma_wait3A_639 = tpu.memref_slice %arg10[%dma_wait3A_638] : memref<10112xf32, #tpu.memory_space<vmem_shared>> -> memref<10112xf32, #tpu.memory_space<vmem_shared>>
      tpu.wait_indirect_dma semaphore(%arg13 : memref<!tpu.dma_semaphore, #tpu.memory_space<semaphore_mem>>) src(%dma_wait3A_634 : memref<128xf32, #tpu.memory_space<vmem>>) dst(%dma_wait3A_639 : memref<10112xf32, #tpu.memory_space<vmem_shared>>)
      %dma_wait3A_640 = arith.constant 2 : i32
      %dma_wait3A_641 = arith.constant 1 : i32
      %dma_wait3A_642 = arith.constant 128 : i32
      %dma_wait3A_643 = tpu.memref_slice %arg6[%dma_wait3A_640, %dma_wait3A_642] : memref<5x1024xf32, #tpu.memory_space<vmem>> -> memref<1x128xf32, #tpu.memory_space<vmem>>
      %dma_wait3A_644 = tpu.memref_squeeze %dma_wait3A_643 : memref<1x128xf32, #tpu.memory_space<vmem>> -> memref<128xf32, #tpu.memory_space<vmem>>
      %dma_wait3A_645 = arith.constant 0 : i32
      %dma_wait3A_646 = tpu.memref_slice %arg7[%dma_wait3A_641, %dma_wait3A_645] : memref<8x128xi32, #tpu.memory_space<vmem>> -> memref<1x128xi32, #tpu.memory_space<vmem>>
      %dma_wait3A_647 = tpu.memref_squeeze %dma_wait3A_646 : memref<1x128xi32, #tpu.memory_space<vmem>> -> memref<128xi32, #tpu.memory_space<vmem>>
      %dma_wait3A_648 = arith.constant 0 : i32
      %dma_wait3A_649 = tpu.memref_slice %arg10[%dma_wait3A_648] : memref<10112xf32, #tpu.memory_space<vmem_shared>> -> memref<10112xf32, #tpu.memory_space<vmem_shared>>
      tpu.wait_indirect_dma semaphore(%arg13 : memref<!tpu.dma_semaphore, #tpu.memory_space<semaphore_mem>>) src(%dma_wait3A_644 : memref<128xf32, #tpu.memory_space<vmem>>) dst(%dma_wait3A_649 : memref<10112xf32, #tpu.memory_space<vmem_shared>>)
      %dma_wait3A_650 = arith.constant 2 : i32
      %dma_wait3A_651 = arith.constant 2 : i32
      %dma_wait3A_652 = arith.constant 256 : i32
      %dma_wait3A_653 = tpu.memref_slice %arg6[%dma_wait3A_650, %dma_wait3A_652] : memref<5x1024xf32, #tpu.memory_space<vmem>> -> memref<1x128xf32, #tpu.memory_space<vmem>>
      %dma_wait3A_654 = tpu.memref_squeeze %dma_wait3A_653 : memref<1x128xf32, #tpu.memory_space<vmem>> -> memref<128xf32, #tpu.memory_space<vmem>>
      %dma_wait3A_655 = arith.constant 0 : i32
      %dma_wait3A_656 = tpu.memref_slice %arg7[%dma_wait3A_651, %dma_wait3A_655] : memref<8x128xi32, #tpu.memory_space<vmem>> -> memref<1x128xi32, #tpu.memory_space<vmem>>
      %dma_wait3A_657 = tpu.memref_squeeze %dma_wait3A_656 : memref<1x128xi32, #tpu.memory_space<vmem>> -> memref<128xi32, #tpu.memory_space<vmem>>
      %dma_wait3A_658 = arith.constant 0 : i32
      %dma_wait3A_659 = tpu.memref_slice %arg10[%dma_wait3A_658] : memref<10112xf32, #tpu.memory_space<vmem_shared>> -> memref<10112xf32, #tpu.memory_space<vmem_shared>>
      tpu.wait_indirect_dma semaphore(%arg13 : memref<!tpu.dma_semaphore, #tpu.memory_space<semaphore_mem>>) src(%dma_wait3A_654 : memref<128xf32, #tpu.memory_space<vmem>>) dst(%dma_wait3A_659 : memref<10112xf32, #tpu.memory_space<vmem_shared>>)
      %dma_wait3A_660 = arith.constant 2 : i32
      %dma_wait3A_661 = arith.constant 3 : i32
      %dma_wait3A_662 = arith.constant 384 : i32
      %dma_wait3A_663 = tpu.memref_slice %arg6[%dma_wait3A_660, %dma_wait3A_662] : memref<5x1024xf32, #tpu.memory_space<vmem>> -> memref<1x128xf32, #tpu.memory_space<vmem>>
      %dma_wait3A_664 = tpu.memref_squeeze %dma_wait3A_663 : memref<1x128xf32, #tpu.memory_space<vmem>> -> memref<128xf32, #tpu.memory_space<vmem>>
      %dma_wait3A_665 = arith.constant 0 : i32
      %dma_wait3A_666 = tpu.memref_slice %arg7[%dma_wait3A_661, %dma_wait3A_665] : memref<8x128xi32, #tpu.memory_space<vmem>> -> memref<1x128xi32, #tpu.memory_space<vmem>>
      %dma_wait3A_667 = tpu.memref_squeeze %dma_wait3A_666 : memref<1x128xi32, #tpu.memory_space<vmem>> -> memref<128xi32, #tpu.memory_space<vmem>>
      %dma_wait3A_668 = arith.constant 0 : i32
      %dma_wait3A_669 = tpu.memref_slice %arg10[%dma_wait3A_668] : memref<10112xf32, #tpu.memory_space<vmem_shared>> -> memref<10112xf32, #tpu.memory_space<vmem_shared>>
      tpu.wait_indirect_dma semaphore(%arg13 : memref<!tpu.dma_semaphore, #tpu.memory_space<semaphore_mem>>) src(%dma_wait3A_664 : memref<128xf32, #tpu.memory_space<vmem>>) dst(%dma_wait3A_669 : memref<10112xf32, #tpu.memory_space<vmem_shared>>)
      %dma_wait3A_670 = arith.constant 2 : i32
      %dma_wait3A_671 = arith.constant 4 : i32
      %dma_wait3A_672 = arith.constant 512 : i32
      %dma_wait3A_673 = tpu.memref_slice %arg6[%dma_wait3A_670, %dma_wait3A_672] : memref<5x1024xf32, #tpu.memory_space<vmem>> -> memref<1x128xf32, #tpu.memory_space<vmem>>
      %dma_wait3A_674 = tpu.memref_squeeze %dma_wait3A_673 : memref<1x128xf32, #tpu.memory_space<vmem>> -> memref<128xf32, #tpu.memory_space<vmem>>
      %dma_wait3A_675 = arith.constant 0 : i32
      %dma_wait3A_676 = tpu.memref_slice %arg7[%dma_wait3A_671, %dma_wait3A_675] : memref<8x128xi32, #tpu.memory_space<vmem>> -> memref<1x128xi32, #tpu.memory_space<vmem>>
      %dma_wait3A_677 = tpu.memref_squeeze %dma_wait3A_676 : memref<1x128xi32, #tpu.memory_space<vmem>> -> memref<128xi32, #tpu.memory_space<vmem>>
      %dma_wait3A_678 = arith.constant 0 : i32
      %dma_wait3A_679 = tpu.memref_slice %arg10[%dma_wait3A_678] : memref<10112xf32, #tpu.memory_space<vmem_shared>> -> memref<10112xf32, #tpu.memory_space<vmem_shared>>
      tpu.wait_indirect_dma semaphore(%arg13 : memref<!tpu.dma_semaphore, #tpu.memory_space<semaphore_mem>>) src(%dma_wait3A_674 : memref<128xf32, #tpu.memory_space<vmem>>) dst(%dma_wait3A_679 : memref<10112xf32, #tpu.memory_space<vmem_shared>>)
      %dma_wait3A_680 = arith.constant 2 : i32
      %dma_wait3A_681 = arith.constant 5 : i32
      %dma_wait3A_682 = arith.constant 640 : i32
      %dma_wait3A_683 = tpu.memref_slice %arg6[%dma_wait3A_680, %dma_wait3A_682] : memref<5x1024xf32, #tpu.memory_space<vmem>> -> memref<1x128xf32, #tpu.memory_space<vmem>>
      %dma_wait3A_684 = tpu.memref_squeeze %dma_wait3A_683 : memref<1x128xf32, #tpu.memory_space<vmem>> -> memref<128xf32, #tpu.memory_space<vmem>>
      %dma_wait3A_685 = arith.constant 0 : i32
      %dma_wait3A_686 = tpu.memref_slice %arg7[%dma_wait3A_681, %dma_wait3A_685] : memref<8x128xi32, #tpu.memory_space<vmem>> -> memref<1x128xi32, #tpu.memory_space<vmem>>
      %dma_wait3A_687 = tpu.memref_squeeze %dma_wait3A_686 : memref<1x128xi32, #tpu.memory_space<vmem>> -> memref<128xi32, #tpu.memory_space<vmem>>
      %dma_wait3A_688 = arith.constant 0 : i32
      %dma_wait3A_689 = tpu.memref_slice %arg10[%dma_wait3A_688] : memref<10112xf32, #tpu.memory_space<vmem_shared>> -> memref<10112xf32, #tpu.memory_space<vmem_shared>>
      tpu.wait_indirect_dma semaphore(%arg13 : memref<!tpu.dma_semaphore, #tpu.memory_space<semaphore_mem>>) src(%dma_wait3A_684 : memref<128xf32, #tpu.memory_space<vmem>>) dst(%dma_wait3A_689 : memref<10112xf32, #tpu.memory_space<vmem_shared>>)
      %dma_wait3A_690 = arith.constant 2 : i32
      %dma_wait3A_691 = arith.constant 6 : i32
      %dma_wait3A_692 = arith.constant 768 : i32
      %dma_wait3A_693 = tpu.memref_slice %arg6[%dma_wait3A_690, %dma_wait3A_692] : memref<5x1024xf32, #tpu.memory_space<vmem>> -> memref<1x128xf32, #tpu.memory_space<vmem>>
      %dma_wait3A_694 = tpu.memref_squeeze %dma_wait3A_693 : memref<1x128xf32, #tpu.memory_space<vmem>> -> memref<128xf32, #tpu.memory_space<vmem>>
      %dma_wait3A_695 = arith.constant 0 : i32
      %dma_wait3A_696 = tpu.memref_slice %arg7[%dma_wait3A_691, %dma_wait3A_695] : memref<8x128xi32, #tpu.memory_space<vmem>> -> memref<1x128xi32, #tpu.memory_space<vmem>>
      %dma_wait3A_697 = tpu.memref_squeeze %dma_wait3A_696 : memref<1x128xi32, #tpu.memory_space<vmem>> -> memref<128xi32, #tpu.memory_space<vmem>>
      %dma_wait3A_698 = arith.constant 0 : i32
      %dma_wait3A_699 = tpu.memref_slice %arg10[%dma_wait3A_698] : memref<10112xf32, #tpu.memory_space<vmem_shared>> -> memref<10112xf32, #tpu.memory_space<vmem_shared>>
      tpu.wait_indirect_dma semaphore(%arg13 : memref<!tpu.dma_semaphore, #tpu.memory_space<semaphore_mem>>) src(%dma_wait3A_694 : memref<128xf32, #tpu.memory_space<vmem>>) dst(%dma_wait3A_699 : memref<10112xf32, #tpu.memory_space<vmem_shared>>)
      %dma_wait3A_700 = arith.constant 2 : i32
      %dma_wait3A_701 = arith.constant 7 : i32
      %dma_wait3A_702 = arith.constant 896 : i32
      %dma_wait3A_703 = tpu.memref_slice %arg6[%dma_wait3A_700, %dma_wait3A_702] : memref<5x1024xf32, #tpu.memory_space<vmem>> -> memref<1x128xf32, #tpu.memory_space<vmem>>
      %dma_wait3A_704 = tpu.memref_squeeze %dma_wait3A_703 : memref<1x128xf32, #tpu.memory_space<vmem>> -> memref<128xf32, #tpu.memory_space<vmem>>
      %dma_wait3A_705 = arith.constant 0 : i32
      %dma_wait3A_706 = tpu.memref_slice %arg7[%dma_wait3A_701, %dma_wait3A_705] : memref<8x128xi32, #tpu.memory_space<vmem>> -> memref<1x128xi32, #tpu.memory_space<vmem>>
      %dma_wait3A_707 = tpu.memref_squeeze %dma_wait3A_706 : memref<1x128xi32, #tpu.memory_space<vmem>> -> memref<128xi32, #tpu.memory_space<vmem>>
      %dma_wait3A_708 = arith.constant 0 : i32
      %dma_wait3A_709 = tpu.memref_slice %arg10[%dma_wait3A_708] : memref<10112xf32, #tpu.memory_space<vmem_shared>> -> memref<10112xf32, #tpu.memory_space<vmem_shared>>
      tpu.wait_indirect_dma semaphore(%arg13 : memref<!tpu.dma_semaphore, #tpu.memory_space<semaphore_mem>>) src(%dma_wait3A_704 : memref<128xf32, #tpu.memory_space<vmem>>) dst(%dma_wait3A_709 : memref<10112xf32, #tpu.memory_space<vmem_shared>>)
      %dma_wait3A_710 = arith.constant 3 : i32
      %dma_wait3A_711 = arith.constant 0 : i32
      %dma_wait3A_712 = arith.constant 0 : i32
      %dma_wait3A_713 = tpu.memref_slice %arg6[%dma_wait3A_710, %dma_wait3A_712] : memref<5x1024xf32, #tpu.memory_space<vmem>> -> memref<1x128xf32, #tpu.memory_space<vmem>>
      %dma_wait3A_714 = tpu.memref_squeeze %dma_wait3A_713 : memref<1x128xf32, #tpu.memory_space<vmem>> -> memref<128xf32, #tpu.memory_space<vmem>>
      %dma_wait3A_715 = arith.constant 0 : i32
      %dma_wait3A_716 = tpu.memref_slice %arg7[%dma_wait3A_711, %dma_wait3A_715] : memref<8x128xi32, #tpu.memory_space<vmem>> -> memref<1x128xi32, #tpu.memory_space<vmem>>
      %dma_wait3A_717 = tpu.memref_squeeze %dma_wait3A_716 : memref<1x128xi32, #tpu.memory_space<vmem>> -> memref<128xi32, #tpu.memory_space<vmem>>
      %dma_wait3A_718 = arith.constant 0 : i32
      %dma_wait3A_719 = tpu.memref_slice %arg11[%dma_wait3A_718] : memref<10112xf32, #tpu.memory_space<vmem_shared>> -> memref<10112xf32, #tpu.memory_space<vmem_shared>>
      tpu.wait_indirect_dma semaphore(%arg13 : memref<!tpu.dma_semaphore, #tpu.memory_space<semaphore_mem>>) src(%dma_wait3A_714 : memref<128xf32, #tpu.memory_space<vmem>>) dst(%dma_wait3A_719 : memref<10112xf32, #tpu.memory_space<vmem_shared>>)
      %dma_wait3A_720 = arith.constant 3 : i32
      %dma_wait3A_721 = arith.constant 1 : i32
      %dma_wait3A_722 = arith.constant 128 : i32
      %dma_wait3A_723 = tpu.memref_slice %arg6[%dma_wait3A_720, %dma_wait3A_722] : memref<5x1024xf32, #tpu.memory_space<vmem>> -> memref<1x128xf32, #tpu.memory_space<vmem>>
      %dma_wait3A_724 = tpu.memref_squeeze %dma_wait3A_723 : memref<1x128xf32, #tpu.memory_space<vmem>> -> memref<128xf32, #tpu.memory_space<vmem>>
      %dma_wait3A_725 = arith.constant 0 : i32
      %dma_wait3A_726 = tpu.memref_slice %arg7[%dma_wait3A_721, %dma_wait3A_725] : memref<8x128xi32, #tpu.memory_space<vmem>> -> memref<1x128xi32, #tpu.memory_space<vmem>>
      %dma_wait3A_727 = tpu.memref_squeeze %dma_wait3A_726 : memref<1x128xi32, #tpu.memory_space<vmem>> -> memref<128xi32, #tpu.memory_space<vmem>>
      %dma_wait3A_728 = arith.constant 0 : i32
      %dma_wait3A_729 = tpu.memref_slice %arg11[%dma_wait3A_728] : memref<10112xf32, #tpu.memory_space<vmem_shared>> -> memref<10112xf32, #tpu.memory_space<vmem_shared>>
      tpu.wait_indirect_dma semaphore(%arg13 : memref<!tpu.dma_semaphore, #tpu.memory_space<semaphore_mem>>) src(%dma_wait3A_724 : memref<128xf32, #tpu.memory_space<vmem>>) dst(%dma_wait3A_729 : memref<10112xf32, #tpu.memory_space<vmem_shared>>)
      %dma_wait3A_730 = arith.constant 3 : i32
      %dma_wait3A_731 = arith.constant 2 : i32
      %dma_wait3A_732 = arith.constant 256 : i32
      %dma_wait3A_733 = tpu.memref_slice %arg6[%dma_wait3A_730, %dma_wait3A_732] : memref<5x1024xf32, #tpu.memory_space<vmem>> -> memref<1x128xf32, #tpu.memory_space<vmem>>
      %dma_wait3A_734 = tpu.memref_squeeze %dma_wait3A_733 : memref<1x128xf32, #tpu.memory_space<vmem>> -> memref<128xf32, #tpu.memory_space<vmem>>
      %dma_wait3A_735 = arith.constant 0 : i32
      %dma_wait3A_736 = tpu.memref_slice %arg7[%dma_wait3A_731, %dma_wait3A_735] : memref<8x128xi32, #tpu.memory_space<vmem>> -> memref<1x128xi32, #tpu.memory_space<vmem>>
      %dma_wait3A_737 = tpu.memref_squeeze %dma_wait3A_736 : memref<1x128xi32, #tpu.memory_space<vmem>> -> memref<128xi32, #tpu.memory_space<vmem>>
      %dma_wait3A_738 = arith.constant 0 : i32
      %dma_wait3A_739 = tpu.memref_slice %arg11[%dma_wait3A_738] : memref<10112xf32, #tpu.memory_space<vmem_shared>> -> memref<10112xf32, #tpu.memory_space<vmem_shared>>
      tpu.wait_indirect_dma semaphore(%arg13 : memref<!tpu.dma_semaphore, #tpu.memory_space<semaphore_mem>>) src(%dma_wait3A_734 : memref<128xf32, #tpu.memory_space<vmem>>) dst(%dma_wait3A_739 : memref<10112xf32, #tpu.memory_space<vmem_shared>>)
      %dma_wait3A_740 = arith.constant 3 : i32
      %dma_wait3A_741 = arith.constant 3 : i32
      %dma_wait3A_742 = arith.constant 384 : i32
      %dma_wait3A_743 = tpu.memref_slice %arg6[%dma_wait3A_740, %dma_wait3A_742] : memref<5x1024xf32, #tpu.memory_space<vmem>> -> memref<1x128xf32, #tpu.memory_space<vmem>>
      %dma_wait3A_744 = tpu.memref_squeeze %dma_wait3A_743 : memref<1x128xf32, #tpu.memory_space<vmem>> -> memref<128xf32, #tpu.memory_space<vmem>>
      %dma_wait3A_745 = arith.constant 0 : i32
      %dma_wait3A_746 = tpu.memref_slice %arg7[%dma_wait3A_741, %dma_wait3A_745] : memref<8x128xi32, #tpu.memory_space<vmem>> -> memref<1x128xi32, #tpu.memory_space<vmem>>
      %dma_wait3A_747 = tpu.memref_squeeze %dma_wait3A_746 : memref<1x128xi32, #tpu.memory_space<vmem>> -> memref<128xi32, #tpu.memory_space<vmem>>
      %dma_wait3A_748 = arith.constant 0 : i32
      %dma_wait3A_749 = tpu.memref_slice %arg11[%dma_wait3A_748] : memref<10112xf32, #tpu.memory_space<vmem_shared>> -> memref<10112xf32, #tpu.memory_space<vmem_shared>>
      tpu.wait_indirect_dma semaphore(%arg13 : memref<!tpu.dma_semaphore, #tpu.memory_space<semaphore_mem>>) src(%dma_wait3A_744 : memref<128xf32, #tpu.memory_space<vmem>>) dst(%dma_wait3A_749 : memref<10112xf32, #tpu.memory_space<vmem_shared>>)
      %dma_wait3A_750 = arith.constant 3 : i32
      %dma_wait3A_751 = arith.constant 4 : i32
      %dma_wait3A_752 = arith.constant 512 : i32
      %dma_wait3A_753 = tpu.memref_slice %arg6[%dma_wait3A_750, %dma_wait3A_752] : memref<5x1024xf32, #tpu.memory_space<vmem>> -> memref<1x128xf32, #tpu.memory_space<vmem>>
      %dma_wait3A_754 = tpu.memref_squeeze %dma_wait3A_753 : memref<1x128xf32, #tpu.memory_space<vmem>> -> memref<128xf32, #tpu.memory_space<vmem>>
      %dma_wait3A_755 = arith.constant 0 : i32
      %dma_wait3A_756 = tpu.memref_slice %arg7[%dma_wait3A_751, %dma_wait3A_755] : memref<8x128xi32, #tpu.memory_space<vmem>> -> memref<1x128xi32, #tpu.memory_space<vmem>>
      %dma_wait3A_757 = tpu.memref_squeeze %dma_wait3A_756 : memref<1x128xi32, #tpu.memory_space<vmem>> -> memref<128xi32, #tpu.memory_space<vmem>>
      %dma_wait3A_758 = arith.constant 0 : i32
      %dma_wait3A_759 = tpu.memref_slice %arg11[%dma_wait3A_758] : memref<10112xf32, #tpu.memory_space<vmem_shared>> -> memref<10112xf32, #tpu.memory_space<vmem_shared>>
      tpu.wait_indirect_dma semaphore(%arg13 : memref<!tpu.dma_semaphore, #tpu.memory_space<semaphore_mem>>) src(%dma_wait3A_754 : memref<128xf32, #tpu.memory_space<vmem>>) dst(%dma_wait3A_759 : memref<10112xf32, #tpu.memory_space<vmem_shared>>)
      %dma_wait3A_760 = arith.constant 3 : i32
      %dma_wait3A_761 = arith.constant 5 : i32
      %dma_wait3A_762 = arith.constant 640 : i32
      %dma_wait3A_763 = tpu.memref_slice %arg6[%dma_wait3A_760, %dma_wait3A_762] : memref<5x1024xf32, #tpu.memory_space<vmem>> -> memref<1x128xf32, #tpu.memory_space<vmem>>
      %dma_wait3A_764 = tpu.memref_squeeze %dma_wait3A_763 : memref<1x128xf32, #tpu.memory_space<vmem>> -> memref<128xf32, #tpu.memory_space<vmem>>
      %dma_wait3A_765 = arith.constant 0 : i32
      %dma_wait3A_766 = tpu.memref_slice %arg7[%dma_wait3A_761, %dma_wait3A_765] : memref<8x128xi32, #tpu.memory_space<vmem>> -> memref<1x128xi32, #tpu.memory_space<vmem>>
      %dma_wait3A_767 = tpu.memref_squeeze %dma_wait3A_766 : memref<1x128xi32, #tpu.memory_space<vmem>> -> memref<128xi32, #tpu.memory_space<vmem>>
      %dma_wait3A_768 = arith.constant 0 : i32
      %dma_wait3A_769 = tpu.memref_slice %arg11[%dma_wait3A_768] : memref<10112xf32, #tpu.memory_space<vmem_shared>> -> memref<10112xf32, #tpu.memory_space<vmem_shared>>
      tpu.wait_indirect_dma semaphore(%arg13 : memref<!tpu.dma_semaphore, #tpu.memory_space<semaphore_mem>>) src(%dma_wait3A_764 : memref<128xf32, #tpu.memory_space<vmem>>) dst(%dma_wait3A_769 : memref<10112xf32, #tpu.memory_space<vmem_shared>>)
      %dma_wait3A_770 = arith.constant 3 : i32
      %dma_wait3A_771 = arith.constant 6 : i32
      %dma_wait3A_772 = arith.constant 768 : i32
      %dma_wait3A_773 = tpu.memref_slice %arg6[%dma_wait3A_770, %dma_wait3A_772] : memref<5x1024xf32, #tpu.memory_space<vmem>> -> memref<1x128xf32, #tpu.memory_space<vmem>>
      %dma_wait3A_774 = tpu.memref_squeeze %dma_wait3A_773 : memref<1x128xf32, #tpu.memory_space<vmem>> -> memref<128xf32, #tpu.memory_space<vmem>>
      %dma_wait3A_775 = arith.constant 0 : i32
      %dma_wait3A_776 = tpu.memref_slice %arg7[%dma_wait3A_771, %dma_wait3A_775] : memref<8x128xi32, #tpu.memory_space<vmem>> -> memref<1x128xi32, #tpu.memory_space<vmem>>
      %dma_wait3A_777 = tpu.memref_squeeze %dma_wait3A_776 : memref<1x128xi32, #tpu.memory_space<vmem>> -> memref<128xi32, #tpu.memory_space<vmem>>
      %dma_wait3A_778 = arith.constant 0 : i32
      %dma_wait3A_779 = tpu.memref_slice %arg11[%dma_wait3A_778] : memref<10112xf32, #tpu.memory_space<vmem_shared>> -> memref<10112xf32, #tpu.memory_space<vmem_shared>>
      tpu.wait_indirect_dma semaphore(%arg13 : memref<!tpu.dma_semaphore, #tpu.memory_space<semaphore_mem>>) src(%dma_wait3A_774 : memref<128xf32, #tpu.memory_space<vmem>>) dst(%dma_wait3A_779 : memref<10112xf32, #tpu.memory_space<vmem_shared>>)
      %dma_wait3A_780 = arith.constant 3 : i32
      %dma_wait3A_781 = arith.constant 7 : i32
      %dma_wait3A_782 = arith.constant 896 : i32
      %dma_wait3A_783 = tpu.memref_slice %arg6[%dma_wait3A_780, %dma_wait3A_782] : memref<5x1024xf32, #tpu.memory_space<vmem>> -> memref<1x128xf32, #tpu.memory_space<vmem>>
      %dma_wait3A_784 = tpu.memref_squeeze %dma_wait3A_783 : memref<1x128xf32, #tpu.memory_space<vmem>> -> memref<128xf32, #tpu.memory_space<vmem>>
      %dma_wait3A_785 = arith.constant 0 : i32
      %dma_wait3A_786 = tpu.memref_slice %arg7[%dma_wait3A_781, %dma_wait3A_785] : memref<8x128xi32, #tpu.memory_space<vmem>> -> memref<1x128xi32, #tpu.memory_space<vmem>>
      %dma_wait3A_787 = tpu.memref_squeeze %dma_wait3A_786 : memref<1x128xi32, #tpu.memory_space<vmem>> -> memref<128xi32, #tpu.memory_space<vmem>>
      %dma_wait3A_788 = arith.constant 0 : i32
      %dma_wait3A_789 = tpu.memref_slice %arg11[%dma_wait3A_788] : memref<10112xf32, #tpu.memory_space<vmem_shared>> -> memref<10112xf32, #tpu.memory_space<vmem_shared>>
      tpu.wait_indirect_dma semaphore(%arg13 : memref<!tpu.dma_semaphore, #tpu.memory_space<semaphore_mem>>) src(%dma_wait3A_784 : memref<128xf32, #tpu.memory_space<vmem>>) dst(%dma_wait3A_789 : memref<10112xf32, #tpu.memory_space<vmem_shared>>)
      %dma_wait3A_790 = arith.constant 4 : i32
      %dma_wait3A_791 = arith.constant 0 : i32
      %dma_wait3A_792 = arith.constant 0 : i32
      %dma_wait3A_793 = tpu.memref_slice %arg6[%dma_wait3A_790, %dma_wait3A_792] : memref<5x1024xf32, #tpu.memory_space<vmem>> -> memref<1x128xf32, #tpu.memory_space<vmem>>
      %dma_wait3A_794 = tpu.memref_squeeze %dma_wait3A_793 : memref<1x128xf32, #tpu.memory_space<vmem>> -> memref<128xf32, #tpu.memory_space<vmem>>
      %dma_wait3A_795 = arith.constant 0 : i32
      %dma_wait3A_796 = tpu.memref_slice %arg7[%dma_wait3A_791, %dma_wait3A_795] : memref<8x128xi32, #tpu.memory_space<vmem>> -> memref<1x128xi32, #tpu.memory_space<vmem>>
      %dma_wait3A_797 = tpu.memref_squeeze %dma_wait3A_796 : memref<1x128xi32, #tpu.memory_space<vmem>> -> memref<128xi32, #tpu.memory_space<vmem>>
      %dma_wait3A_798 = arith.constant 0 : i32
      %dma_wait3A_799 = tpu.memref_slice %arg12[%dma_wait3A_798] : memref<10112xf32, #tpu.memory_space<vmem_shared>> -> memref<10112xf32, #tpu.memory_space<vmem_shared>>
      tpu.wait_indirect_dma semaphore(%arg13 : memref<!tpu.dma_semaphore, #tpu.memory_space<semaphore_mem>>) src(%dma_wait3A_794 : memref<128xf32, #tpu.memory_space<vmem>>) dst(%dma_wait3A_799 : memref<10112xf32, #tpu.memory_space<vmem_shared>>)
      %dma_wait3A_800 = arith.constant 4 : i32
      %dma_wait3A_801 = arith.constant 1 : i32
      %dma_wait3A_802 = arith.constant 128 : i32
      %dma_wait3A_803 = tpu.memref_slice %arg6[%dma_wait3A_800, %dma_wait3A_802] : memref<5x1024xf32, #tpu.memory_space<vmem>> -> memref<1x128xf32, #tpu.memory_space<vmem>>
      %dma_wait3A_804 = tpu.memref_squeeze %dma_wait3A_803 : memref<1x128xf32, #tpu.memory_space<vmem>> -> memref<128xf32, #tpu.memory_space<vmem>>
      %dma_wait3A_805 = arith.constant 0 : i32
      %dma_wait3A_806 = tpu.memref_slice %arg7[%dma_wait3A_801, %dma_wait3A_805] : memref<8x128xi32, #tpu.memory_space<vmem>> -> memref<1x128xi32, #tpu.memory_space<vmem>>
      %dma_wait3A_807 = tpu.memref_squeeze %dma_wait3A_806 : memref<1x128xi32, #tpu.memory_space<vmem>> -> memref<128xi32, #tpu.memory_space<vmem>>
      %dma_wait3A_808 = arith.constant 0 : i32
      %dma_wait3A_809 = tpu.memref_slice %arg12[%dma_wait3A_808] : memref<10112xf32, #tpu.memory_space<vmem_shared>> -> memref<10112xf32, #tpu.memory_space<vmem_shared>>
      tpu.wait_indirect_dma semaphore(%arg13 : memref<!tpu.dma_semaphore, #tpu.memory_space<semaphore_mem>>) src(%dma_wait3A_804 : memref<128xf32, #tpu.memory_space<vmem>>) dst(%dma_wait3A_809 : memref<10112xf32, #tpu.memory_space<vmem_shared>>)
      %dma_wait3A_810 = arith.constant 4 : i32
      %dma_wait3A_811 = arith.constant 2 : i32
      %dma_wait3A_812 = arith.constant 256 : i32
      %dma_wait3A_813 = tpu.memref_slice %arg6[%dma_wait3A_810, %dma_wait3A_812] : memref<5x1024xf32, #tpu.memory_space<vmem>> -> memref<1x128xf32, #tpu.memory_space<vmem>>
      %dma_wait3A_814 = tpu.memref_squeeze %dma_wait3A_813 : memref<1x128xf32, #tpu.memory_space<vmem>> -> memref<128xf32, #tpu.memory_space<vmem>>
      %dma_wait3A_815 = arith.constant 0 : i32
      %dma_wait3A_816 = tpu.memref_slice %arg7[%dma_wait3A_811, %dma_wait3A_815] : memref<8x128xi32, #tpu.memory_space<vmem>> -> memref<1x128xi32, #tpu.memory_space<vmem>>
      %dma_wait3A_817 = tpu.memref_squeeze %dma_wait3A_816 : memref<1x128xi32, #tpu.memory_space<vmem>> -> memref<128xi32, #tpu.memory_space<vmem>>
      %dma_wait3A_818 = arith.constant 0 : i32
      %dma_wait3A_819 = tpu.memref_slice %arg12[%dma_wait3A_818] : memref<10112xf32, #tpu.memory_space<vmem_shared>> -> memref<10112xf32, #tpu.memory_space<vmem_shared>>
      tpu.wait_indirect_dma semaphore(%arg13 : memref<!tpu.dma_semaphore, #tpu.memory_space<semaphore_mem>>) src(%dma_wait3A_814 : memref<128xf32, #tpu.memory_space<vmem>>) dst(%dma_wait3A_819 : memref<10112xf32, #tpu.memory_space<vmem_shared>>)
      %dma_wait3A_820 = arith.constant 4 : i32
      %dma_wait3A_821 = arith.constant 3 : i32
      %dma_wait3A_822 = arith.constant 384 : i32
      %dma_wait3A_823 = tpu.memref_slice %arg6[%dma_wait3A_820, %dma_wait3A_822] : memref<5x1024xf32, #tpu.memory_space<vmem>> -> memref<1x128xf32, #tpu.memory_space<vmem>>
      %dma_wait3A_824 = tpu.memref_squeeze %dma_wait3A_823 : memref<1x128xf32, #tpu.memory_space<vmem>> -> memref<128xf32, #tpu.memory_space<vmem>>
      %dma_wait3A_825 = arith.constant 0 : i32
      %dma_wait3A_826 = tpu.memref_slice %arg7[%dma_wait3A_821, %dma_wait3A_825] : memref<8x128xi32, #tpu.memory_space<vmem>> -> memref<1x128xi32, #tpu.memory_space<vmem>>
      %dma_wait3A_827 = tpu.memref_squeeze %dma_wait3A_826 : memref<1x128xi32, #tpu.memory_space<vmem>> -> memref<128xi32, #tpu.memory_space<vmem>>
      %dma_wait3A_828 = arith.constant 0 : i32
      %dma_wait3A_829 = tpu.memref_slice %arg12[%dma_wait3A_828] : memref<10112xf32, #tpu.memory_space<vmem_shared>> -> memref<10112xf32, #tpu.memory_space<vmem_shared>>
      tpu.wait_indirect_dma semaphore(%arg13 : memref<!tpu.dma_semaphore, #tpu.memory_space<semaphore_mem>>) src(%dma_wait3A_824 : memref<128xf32, #tpu.memory_space<vmem>>) dst(%dma_wait3A_829 : memref<10112xf32, #tpu.memory_space<vmem_shared>>)
      %dma_wait3A_830 = arith.constant 4 : i32
      %dma_wait3A_831 = arith.constant 4 : i32
      %dma_wait3A_832 = arith.constant 512 : i32
      %dma_wait3A_833 = tpu.memref_slice %arg6[%dma_wait3A_830, %dma_wait3A_832] : memref<5x1024xf32, #tpu.memory_space<vmem>> -> memref<1x128xf32, #tpu.memory_space<vmem>>
      %dma_wait3A_834 = tpu.memref_squeeze %dma_wait3A_833 : memref<1x128xf32, #tpu.memory_space<vmem>> -> memref<128xf32, #tpu.memory_space<vmem>>
      %dma_wait3A_835 = arith.constant 0 : i32
      %dma_wait3A_836 = tpu.memref_slice %arg7[%dma_wait3A_831, %dma_wait3A_835] : memref<8x128xi32, #tpu.memory_space<vmem>> -> memref<1x128xi32, #tpu.memory_space<vmem>>
      %dma_wait3A_837 = tpu.memref_squeeze %dma_wait3A_836 : memref<1x128xi32, #tpu.memory_space<vmem>> -> memref<128xi32, #tpu.memory_space<vmem>>
      %dma_wait3A_838 = arith.constant 0 : i32
      %dma_wait3A_839 = tpu.memref_slice %arg12[%dma_wait3A_838] : memref<10112xf32, #tpu.memory_space<vmem_shared>> -> memref<10112xf32, #tpu.memory_space<vmem_shared>>
      tpu.wait_indirect_dma semaphore(%arg13 : memref<!tpu.dma_semaphore, #tpu.memory_space<semaphore_mem>>) src(%dma_wait3A_834 : memref<128xf32, #tpu.memory_space<vmem>>) dst(%dma_wait3A_839 : memref<10112xf32, #tpu.memory_space<vmem_shared>>)
      %dma_wait3A_840 = arith.constant 4 : i32
      %dma_wait3A_841 = arith.constant 5 : i32
      %dma_wait3A_842 = arith.constant 640 : i32
      %dma_wait3A_843 = tpu.memref_slice %arg6[%dma_wait3A_840, %dma_wait3A_842] : memref<5x1024xf32, #tpu.memory_space<vmem>> -> memref<1x128xf32, #tpu.memory_space<vmem>>
      %dma_wait3A_844 = tpu.memref_squeeze %dma_wait3A_843 : memref<1x128xf32, #tpu.memory_space<vmem>> -> memref<128xf32, #tpu.memory_space<vmem>>
      %dma_wait3A_845 = arith.constant 0 : i32
      %dma_wait3A_846 = tpu.memref_slice %arg7[%dma_wait3A_841, %dma_wait3A_845] : memref<8x128xi32, #tpu.memory_space<vmem>> -> memref<1x128xi32, #tpu.memory_space<vmem>>
      %dma_wait3A_847 = tpu.memref_squeeze %dma_wait3A_846 : memref<1x128xi32, #tpu.memory_space<vmem>> -> memref<128xi32, #tpu.memory_space<vmem>>
      %dma_wait3A_848 = arith.constant 0 : i32
      %dma_wait3A_849 = tpu.memref_slice %arg12[%dma_wait3A_848] : memref<10112xf32, #tpu.memory_space<vmem_shared>> -> memref<10112xf32, #tpu.memory_space<vmem_shared>>
      tpu.wait_indirect_dma semaphore(%arg13 : memref<!tpu.dma_semaphore, #tpu.memory_space<semaphore_mem>>) src(%dma_wait3A_844 : memref<128xf32, #tpu.memory_space<vmem>>) dst(%dma_wait3A_849 : memref<10112xf32, #tpu.memory_space<vmem_shared>>)
      %dma_wait3A_850 = arith.constant 4 : i32
      %dma_wait3A_851 = arith.constant 6 : i32
      %dma_wait3A_852 = arith.constant 768 : i32
      %dma_wait3A_853 = tpu.memref_slice %arg6[%dma_wait3A_850, %dma_wait3A_852] : memref<5x1024xf32, #tpu.memory_space<vmem>> -> memref<1x128xf32, #tpu.memory_space<vmem>>
      %dma_wait3A_854 = tpu.memref_squeeze %dma_wait3A_853 : memref<1x128xf32, #tpu.memory_space<vmem>> -> memref<128xf32, #tpu.memory_space<vmem>>
      %dma_wait3A_855 = arith.constant 0 : i32
      %dma_wait3A_856 = tpu.memref_slice %arg7[%dma_wait3A_851, %dma_wait3A_855] : memref<8x128xi32, #tpu.memory_space<vmem>> -> memref<1x128xi32, #tpu.memory_space<vmem>>
      %dma_wait3A_857 = tpu.memref_squeeze %dma_wait3A_856 : memref<1x128xi32, #tpu.memory_space<vmem>> -> memref<128xi32, #tpu.memory_space<vmem>>
      %dma_wait3A_858 = arith.constant 0 : i32
      %dma_wait3A_859 = tpu.memref_slice %arg12[%dma_wait3A_858] : memref<10112xf32, #tpu.memory_space<vmem_shared>> -> memref<10112xf32, #tpu.memory_space<vmem_shared>>
      tpu.wait_indirect_dma semaphore(%arg13 : memref<!tpu.dma_semaphore, #tpu.memory_space<semaphore_mem>>) src(%dma_wait3A_854 : memref<128xf32, #tpu.memory_space<vmem>>) dst(%dma_wait3A_859 : memref<10112xf32, #tpu.memory_space<vmem_shared>>)
      %dma_wait3A_860 = arith.constant 4 : i32
      %dma_wait3A_861 = arith.constant 7 : i32
      %dma_wait3A_862 = arith.constant 896 : i32
      %dma_wait3A_863 = tpu.memref_slice %arg6[%dma_wait3A_860, %dma_wait3A_862] : memref<5x1024xf32, #tpu.memory_space<vmem>> -> memref<1x128xf32, #tpu.memory_space<vmem>>
      %dma_wait3A_864 = tpu.memref_squeeze %dma_wait3A_863 : memref<1x128xf32, #tpu.memory_space<vmem>> -> memref<128xf32, #tpu.memory_space<vmem>>
      %dma_wait3A_865 = arith.constant 0 : i32
      %dma_wait3A_866 = tpu.memref_slice %arg7[%dma_wait3A_861, %dma_wait3A_865] : memref<8x128xi32, #tpu.memory_space<vmem>> -> memref<1x128xi32, #tpu.memory_space<vmem>>
      %dma_wait3A_867 = tpu.memref_squeeze %dma_wait3A_866 : memref<1x128xi32, #tpu.memory_space<vmem>> -> memref<128xi32, #tpu.memory_space<vmem>>
      %dma_wait3A_868 = arith.constant 0 : i32
      %dma_wait3A_869 = tpu.memref_slice %arg12[%dma_wait3A_868] : memref<10112xf32, #tpu.memory_space<vmem_shared>> -> memref<10112xf32, #tpu.memory_space<vmem_shared>>
      tpu.wait_indirect_dma semaphore(%arg13 : memref<!tpu.dma_semaphore, #tpu.memory_space<semaphore_mem>>) src(%dma_wait3A_864 : memref<128xf32, #tpu.memory_space<vmem>>) dst(%dma_wait3A_869 : memref<10112xf32, #tpu.memory_space<vmem_shared>>)
    }
    %scan3A_25 = arith.constant 20 : i32
    %barrier3A_26 = arith.constant 0 : index
    tpu.barrier barrier_id(%barrier3A_26)
    %mul3A_27 = arith.constant 632 : i32
    %mul3A_28 = arith.muli %arg1, %mul3A_27 : i32
    %mul3A_29 = arith.constant 632 : i32
    %mul3A_30 = arith.muli %arg1, %mul3A_29 : i32
    %run_scoped3A = arith.constant 0 : i32
    "tpu.region"() ({
      %run_scoped3A_51 = tpu.sem_alloc : memref<!tpu.dma_semaphore, #tpu.memory_space<semaphore_mem>>
      %dma_start3A = tpu.memref_slice %arg5[%arg0, %run_scoped3A, %mul3A_30] : memref<2x5x10112xf32, #tpu.memory_space<hbm>> -> memref<1x1x632xf32, #tpu.memory_space<hbm>>
      %dma_start3A_52 = tpu.memref_squeeze %dma_start3A : memref<1x1x632xf32, #tpu.memory_space<hbm>> -> memref<632xf32, #tpu.memory_space<hbm>>
      %dma_start3A_53 = tpu.memref_slice %arg8[%mul3A_28] : memref<10112xf32, #tpu.memory_space<vmem_shared>> -> memref<632xf32, #tpu.memory_space<vmem_shared>>
      tpu.enqueue_dma source(%dma_start3A_53 : memref<632xf32, #tpu.memory_space<vmem_shared>>) target(%dma_start3A_52 : memref<632xf32, #tpu.memory_space<hbm>>) target_semaphore(%run_scoped3A_51 : memref<!tpu.dma_semaphore, #tpu.memory_space<semaphore_mem>>)
      %dma_wait3A = tpu.memref_slice %arg5[%arg0, %run_scoped3A, %mul3A_30] : memref<2x5x10112xf32, #tpu.memory_space<hbm>> -> memref<1x1x632xf32, #tpu.memory_space<hbm>>
      %dma_wait3A_54 = tpu.memref_squeeze %dma_wait3A : memref<1x1x632xf32, #tpu.memory_space<hbm>> -> memref<632xf32, #tpu.memory_space<hbm>>
      %dma_wait3A_55 = tpu.memref_slice %arg8[%mul3A_28] : memref<10112xf32, #tpu.memory_space<vmem_shared>> -> memref<632xf32, #tpu.memory_space<vmem_shared>>
      tpu.wait_dma2 semaphore(%run_scoped3A_51 : memref<!tpu.dma_semaphore, #tpu.memory_space<semaphore_mem>>) src(%dma_wait3A_55 : memref<632xf32, #tpu.memory_space<vmem_shared>>) dst(%dma_wait3A_54 : memref<632xf32, #tpu.memory_space<hbm>>)
      tpu.yield
    }) : () -> ()
    %mul3A_31 = arith.constant 632 : i32
    %mul3A_32 = arith.muli %arg1, %mul3A_31 : i32
    %mul3A_33 = arith.constant 632 : i32
    %mul3A_34 = arith.muli %arg1, %mul3A_33 : i32
    %run_scoped3A_35 = arith.constant 1 : i32
    "tpu.region"() ({
      %run_scoped3A_51 = tpu.sem_alloc : memref<!tpu.dma_semaphore, #tpu.memory_space<semaphore_mem>>
      %dma_start3A = tpu.memref_slice %arg5[%arg0, %run_scoped3A_35, %mul3A_34] : memref<2x5x10112xf32, #tpu.memory_space<hbm>> -> memref<1x1x632xf32, #tpu.memory_space<hbm>>
      %dma_start3A_52 = tpu.memref_squeeze %dma_start3A : memref<1x1x632xf32, #tpu.memory_space<hbm>> -> memref<632xf32, #tpu.memory_space<hbm>>
      %dma_start3A_53 = tpu.memref_slice %arg9[%mul3A_32] : memref<10112xf32, #tpu.memory_space<vmem_shared>> -> memref<632xf32, #tpu.memory_space<vmem_shared>>
      tpu.enqueue_dma source(%dma_start3A_53 : memref<632xf32, #tpu.memory_space<vmem_shared>>) target(%dma_start3A_52 : memref<632xf32, #tpu.memory_space<hbm>>) target_semaphore(%run_scoped3A_51 : memref<!tpu.dma_semaphore, #tpu.memory_space<semaphore_mem>>)
      %dma_wait3A = tpu.memref_slice %arg5[%arg0, %run_scoped3A_35, %mul3A_34] : memref<2x5x10112xf32, #tpu.memory_space<hbm>> -> memref<1x1x632xf32, #tpu.memory_space<hbm>>
      %dma_wait3A_54 = tpu.memref_squeeze %dma_wait3A : memref<1x1x632xf32, #tpu.memory_space<hbm>> -> memref<632xf32, #tpu.memory_space<hbm>>
      %dma_wait3A_55 = tpu.memref_slice %arg9[%mul3A_32] : memref<10112xf32, #tpu.memory_space<vmem_shared>> -> memref<632xf32, #tpu.memory_space<vmem_shared>>
      tpu.wait_dma2 semaphore(%run_scoped3A_51 : memref<!tpu.dma_semaphore, #tpu.memory_space<semaphore_mem>>) src(%dma_wait3A_55 : memref<632xf32, #tpu.memory_space<vmem_shared>>) dst(%dma_wait3A_54 : memref<632xf32, #tpu.memory_space<hbm>>)
      tpu.yield
    }) : () -> ()
    %mul3A_36 = arith.constant 632 : i32
    %mul3A_37 = arith.muli %arg1, %mul3A_36 : i32
    %mul3A_38 = arith.constant 632 : i32
    %mul3A_39 = arith.muli %arg1, %mul3A_38 : i32
    %run_scoped3A_40 = arith.constant 2 : i32
    "tpu.region"() ({
      %run_scoped3A_51 = tpu.sem_alloc : memref<!tpu.dma_semaphore, #tpu.memory_space<semaphore_mem>>
      %dma_start3A = tpu.memref_slice %arg5[%arg0, %run_scoped3A_40, %mul3A_39] : memref<2x5x10112xf32, #tpu.memory_space<hbm>> -> memref<1x1x632xf32, #tpu.memory_space<hbm>>
      %dma_start3A_52 = tpu.memref_squeeze %dma_start3A : memref<1x1x632xf32, #tpu.memory_space<hbm>> -> memref<632xf32, #tpu.memory_space<hbm>>
      %dma_start3A_53 = tpu.memref_slice %arg10[%mul3A_37] : memref<10112xf32, #tpu.memory_space<vmem_shared>> -> memref<632xf32, #tpu.memory_space<vmem_shared>>
      tpu.enqueue_dma source(%dma_start3A_53 : memref<632xf32, #tpu.memory_space<vmem_shared>>) target(%dma_start3A_52 : memref<632xf32, #tpu.memory_space<hbm>>) target_semaphore(%run_scoped3A_51 : memref<!tpu.dma_semaphore, #tpu.memory_space<semaphore_mem>>)
      %dma_wait3A = tpu.memref_slice %arg5[%arg0, %run_scoped3A_40, %mul3A_39] : memref<2x5x10112xf32, #tpu.memory_space<hbm>> -> memref<1x1x632xf32, #tpu.memory_space<hbm>>
      %dma_wait3A_54 = tpu.memref_squeeze %dma_wait3A : memref<1x1x632xf32, #tpu.memory_space<hbm>> -> memref<632xf32, #tpu.memory_space<hbm>>
      %dma_wait3A_55 = tpu.memref_slice %arg10[%mul3A_37] : memref<10112xf32, #tpu.memory_space<vmem_shared>> -> memref<632xf32, #tpu.memory_space<vmem_shared>>
      tpu.wait_dma2 semaphore(%run_scoped3A_51 : memref<!tpu.dma_semaphore, #tpu.memory_space<semaphore_mem>>) src(%dma_wait3A_55 : memref<632xf32, #tpu.memory_space<vmem_shared>>) dst(%dma_wait3A_54 : memref<632xf32, #tpu.memory_space<hbm>>)
      tpu.yield
    }) : () -> ()
    %mul3A_41 = arith.constant 632 : i32
    %mul3A_42 = arith.muli %arg1, %mul3A_41 : i32
    %mul3A_43 = arith.constant 632 : i32
    %mul3A_44 = arith.muli %arg1, %mul3A_43 : i32
    %run_scoped3A_45 = arith.constant 3 : i32
    "tpu.region"() ({
      %run_scoped3A_51 = tpu.sem_alloc : memref<!tpu.dma_semaphore, #tpu.memory_space<semaphore_mem>>
      %dma_start3A = tpu.memref_slice %arg5[%arg0, %run_scoped3A_45, %mul3A_44] : memref<2x5x10112xf32, #tpu.memory_space<hbm>> -> memref<1x1x632xf32, #tpu.memory_space<hbm>>
      %dma_start3A_52 = tpu.memref_squeeze %dma_start3A : memref<1x1x632xf32, #tpu.memory_space<hbm>> -> memref<632xf32, #tpu.memory_space<hbm>>
      %dma_start3A_53 = tpu.memref_slice %arg11[%mul3A_42] : memref<10112xf32, #tpu.memory_space<vmem_shared>> -> memref<632xf32, #tpu.memory_space<vmem_shared>>
      tpu.enqueue_dma source(%dma_start3A_53 : memref<632xf32, #tpu.memory_space<vmem_shared>>) target(%dma_start3A_52 : memref<632xf32, #tpu.memory_space<hbm>>) target_semaphore(%run_scoped3A_51 : memref<!tpu.dma_semaphore, #tpu.memory_space<semaphore_mem>>)
      %dma_wait3A = tpu.memref_slice %arg5[%arg0, %run_scoped3A_45, %mul3A_44] : memref<2x5x10112xf32, #tpu.memory_space<hbm>> -> memref<1x1x632xf32, #tpu.memory_space<hbm>>
      %dma_wait3A_54 = tpu.memref_squeeze %dma_wait3A : memref<1x1x632xf32, #tpu.memory_space<hbm>> -> memref<632xf32, #tpu.memory_space<hbm>>
      %dma_wait3A_55 = tpu.memref_slice %arg11[%mul3A_42] : memref<10112xf32, #tpu.memory_space<vmem_shared>> -> memref<632xf32, #tpu.memory_space<vmem_shared>>
      tpu.wait_dma2 semaphore(%run_scoped3A_51 : memref<!tpu.dma_semaphore, #tpu.memory_space<semaphore_mem>>) src(%dma_wait3A_55 : memref<632xf32, #tpu.memory_space<vmem_shared>>) dst(%dma_wait3A_54 : memref<632xf32, #tpu.memory_space<hbm>>)
      tpu.yield
    }) : () -> ()
    %mul3A_46 = arith.constant 632 : i32
    %mul3A_47 = arith.muli %arg1, %mul3A_46 : i32
    %mul3A_48 = arith.constant 632 : i32
    %mul3A_49 = arith.muli %arg1, %mul3A_48 : i32
    %run_scoped3A_50 = arith.constant 4 : i32
    "tpu.region"() ({
      %run_scoped3A_51 = tpu.sem_alloc : memref<!tpu.dma_semaphore, #tpu.memory_space<semaphore_mem>>
      %dma_start3A = tpu.memref_slice %arg5[%arg0, %run_scoped3A_50, %mul3A_49] : memref<2x5x10112xf32, #tpu.memory_space<hbm>> -> memref<1x1x632xf32, #tpu.memory_space<hbm>>
      %dma_start3A_52 = tpu.memref_squeeze %dma_start3A : memref<1x1x632xf32, #tpu.memory_space<hbm>> -> memref<632xf32, #tpu.memory_space<hbm>>
      %dma_start3A_53 = tpu.memref_slice %arg12[%mul3A_47] : memref<10112xf32, #tpu.memory_space<vmem_shared>> -> memref<632xf32, #tpu.memory_space<vmem_shared>>
      tpu.enqueue_dma source(%dma_start3A_53 : memref<632xf32, #tpu.memory_space<vmem_shared>>) target(%dma_start3A_52 : memref<632xf32, #tpu.memory_space<hbm>>) target_semaphore(%run_scoped3A_51 : memref<!tpu.dma_semaphore, #tpu.memory_space<semaphore_mem>>)
      %dma_wait3A = tpu.memref_slice %arg5[%arg0, %run_scoped3A_50, %mul3A_49] : memref<2x5x10112xf32, #tpu.memory_space<hbm>> -> memref<1x1x632xf32, #tpu.memory_space<hbm>>
      %dma_wait3A_54 = tpu.memref_squeeze %dma_wait3A : memref<1x1x632xf32, #tpu.memory_space<hbm>> -> memref<632xf32, #tpu.memory_space<hbm>>
      %dma_wait3A_55 = tpu.memref_slice %arg12[%mul3A_47] : memref<10112xf32, #tpu.memory_space<vmem_shared>> -> memref<632xf32, #tpu.memory_space<vmem_shared>>
      tpu.wait_dma2 semaphore(%run_scoped3A_51 : memref<!tpu.dma_semaphore, #tpu.memory_space<semaphore_mem>>) src(%dma_wait3A_55 : memref<632xf32, #tpu.memory_space<vmem_shared>>) dst(%dma_wait3A_54 : memref<632xf32, #tpu.memory_space<hbm>>)
      tpu.yield
    }) : () -> ()
    return
  }
}

#map = affine_map<(d0, d1) -> (0, 0)>
#map1 = affine_map<(d0, d1) -> (0)>
module attributes {stable_mosaic.version = 14 : i64} {
  func.func @_gather_body(%arg0: i32, %arg1: i32, %arg2: memref<10000x16xf32, #tpu.memory_space<hbm>>, %arg3: memref<655360xi32, #tpu.memory_space<hbm>>, %arg4: memref<655360xi32, #tpu.memory_space<hbm>>, %arg5: memref<655360x16xf32, #tpu.memory_space<hbm>>, %arg6: memref<655360x16xf32, #tpu.memory_space<hbm>>, %arg7: memref<1024xi32, #tpu.memory_space<vmem>>, %arg8: memref<1024xi32, #tpu.memory_space<vmem>>, %arg9: memref<1024x16xf32, #tpu.memory_space<vmem>>, %arg10: memref<1024x16xf32, #tpu.memory_space<vmem>>, %arg11: memref<1024xi32, #tpu.memory_space<vmem>>, %arg12: memref<1024xi32, #tpu.memory_space<vmem>>, %arg13: memref<1024x16xf32, #tpu.memory_space<vmem>>, %arg14: memref<1024x16xf32, #tpu.memory_space<vmem>>, %arg15: memref<!tpu.dma_semaphore, #tpu.memory_space<semaphore_mem>>, %arg16: memref<!tpu.dma_semaphore, #tpu.memory_space<semaphore_mem>>, %arg17: memref<!tpu.dma_semaphore, #tpu.memory_space<semaphore_mem>>, %arg18: memref<!tpu.dma_semaphore, #tpu.memory_space<semaphore_mem>>) attributes {dimension_semantics = [#tpu.dimension_semantics<core_parallel>, #tpu.dimension_semantics<subcore_parallel>], iteration_bounds = array<i64: 2, 16>, scalar_prefetch = 0 : i64, scratch_operands = 12 : i64, tpu.core_type = #tpu.core_type<sc_vector_subcore>, window_params = [{transform_indices = #map}, {transform_indices = #map1}, {transform_indices = #map1}, {transform_indices = #map}, {transform_indices = #map}]} {
    %mul3A = arith.constant 16 : i32
    %mul3A_0 = arith.muli %arg0, %mul3A : i32
    %add3A = arith.addi %mul3A_0, %arg1 : i32
    %mul3A_1 = arith.constant 20480 : i32
    %mul3A_2 = arith.muli %add3A, %mul3A_1 : i32
    %add3A_3 = arith.constant 0 : i32
    %add3A_4 = arith.addi %mul3A_2, %add3A_3 : i32
    "tpu.region"() ({
      %run_scoped3A = tpu.sem_alloc : memref<!tpu.dma_semaphore, #tpu.memory_space<semaphore_mem>>
      %dma_start3A_15 = tpu.memref_slice %arg3[%add3A_4] : memref<655360xi32, #tpu.memory_space<hbm>> -> memref<1024xi32, #tpu.memory_space<hbm>>
      %dma_start3A_16 = tpu.memref_slice %arg3[%add3A_4] : memref<655360xi32, #tpu.memory_space<hbm>> -> memref<1024xi32, #tpu.memory_space<hbm>>
      tpu.enqueue_dma source(%dma_start3A_16 : memref<1024xi32, #tpu.memory_space<hbm>>) target(%arg7 : memref<1024xi32, #tpu.memory_space<vmem>>) target_semaphore(%run_scoped3A : memref<!tpu.dma_semaphore, #tpu.memory_space<semaphore_mem>>)
      %dma_wait3A = tpu.memref_slice %arg3[%add3A_4] : memref<655360xi32, #tpu.memory_space<hbm>> -> memref<1024xi32, #tpu.memory_space<hbm>>
      %dma_wait3A_17 = tpu.memref_slice %arg3[%add3A_4] : memref<655360xi32, #tpu.memory_space<hbm>> -> memref<1024xi32, #tpu.memory_space<hbm>>
      tpu.wait_dma2 semaphore(%run_scoped3A : memref<!tpu.dma_semaphore, #tpu.memory_space<semaphore_mem>>) src(%dma_wait3A_17 : memref<1024xi32, #tpu.memory_space<hbm>>) dst(%arg7 : memref<1024xi32, #tpu.memory_space<vmem>>)
      tpu.yield
    }) : () -> ()
    "tpu.region"() ({
      %run_scoped3A = tpu.sem_alloc : memref<!tpu.dma_semaphore, #tpu.memory_space<semaphore_mem>>
      %dma_start3A_15 = tpu.memref_slice %arg4[%add3A_4] : memref<655360xi32, #tpu.memory_space<hbm>> -> memref<1024xi32, #tpu.memory_space<hbm>>
      %dma_start3A_16 = tpu.memref_slice %arg4[%add3A_4] : memref<655360xi32, #tpu.memory_space<hbm>> -> memref<1024xi32, #tpu.memory_space<hbm>>
      tpu.enqueue_dma source(%dma_start3A_16 : memref<1024xi32, #tpu.memory_space<hbm>>) target(%arg8 : memref<1024xi32, #tpu.memory_space<vmem>>) target_semaphore(%run_scoped3A : memref<!tpu.dma_semaphore, #tpu.memory_space<semaphore_mem>>)
      %dma_wait3A = tpu.memref_slice %arg4[%add3A_4] : memref<655360xi32, #tpu.memory_space<hbm>> -> memref<1024xi32, #tpu.memory_space<hbm>>
      %dma_wait3A_17 = tpu.memref_slice %arg4[%add3A_4] : memref<655360xi32, #tpu.memory_space<hbm>> -> memref<1024xi32, #tpu.memory_space<hbm>>
      tpu.wait_dma2 semaphore(%run_scoped3A : memref<!tpu.dma_semaphore, #tpu.memory_space<semaphore_mem>>) src(%dma_wait3A_17 : memref<1024xi32, #tpu.memory_space<hbm>>) dst(%arg8 : memref<1024xi32, #tpu.memory_space<vmem>>)
      tpu.yield
    }) : () -> ()
    %dma_start3A = arith.constant 0 : i32
    %dma_start3A_5 = arith.constant 0 : i32
    %dma_start3A_6 = tpu.memref_slice %arg2[%dma_start3A, %dma_start3A_5] : memref<10000x16xf32, #tpu.memory_space<hbm>> -> memref<10000x16xf32, #tpu.memory_space<hbm>>
    tpu.enqueue_indirect_dma source(%dma_start3A_6 : memref<10000x16xf32, #tpu.memory_space<hbm>>) target(%arg9 : memref<1024x16xf32, #tpu.memory_space<vmem>>) offsets(%arg7 : memref<1024xi32, #tpu.memory_space<vmem>>) semaphore(%arg15 : memref<!tpu.dma_semaphore, #tpu.memory_space<semaphore_mem>>)
    %dma_start3A_7 = arith.constant 0 : i32
    %dma_start3A_8 = arith.constant 0 : i32
    %dma_start3A_9 = tpu.memref_slice %arg2[%dma_start3A_7, %dma_start3A_8] : memref<10000x16xf32, #tpu.memory_space<hbm>> -> memref<10000x16xf32, #tpu.memory_space<hbm>>
    tpu.enqueue_indirect_dma source(%dma_start3A_9 : memref<10000x16xf32, #tpu.memory_space<hbm>>) target(%arg10 : memref<1024x16xf32, #tpu.memory_space<vmem>>) offsets(%arg8 : memref<1024xi32, #tpu.memory_space<vmem>>) semaphore(%arg16 : memref<!tpu.dma_semaphore, #tpu.memory_space<semaphore_mem>>)
    %scan3A = arith.constant 0 : i32
    %scan3A_10 = arith.constant 0 : i32
    %scan3A_11 = arith.constant 10 : i32
    %scan3A_12 = arith.addi %scan3A_10, %scan3A_11 : i32
    %scan3A_13 = arith.constant 1 : i32
    scf.for %scan3A_15 = %scan3A_10 to %scan3A_12 step %scan3A_13  : i32 {
      %mul3A_16 = arith.constant 2 : i32
      %mul3A_17 = arith.muli %mul3A_16, %scan3A_15 : i32
      %add3A_18 = arith.constant 1 : i32
      %add3A_19 = arith.addi %mul3A_17, %add3A_18 : i32
      %mul3A_20 = arith.constant 1024 : i32
      %mul3A_21 = arith.muli %add3A_19, %mul3A_20 : i32
      %add3A_22 = arith.addi %mul3A_2, %mul3A_21 : i32
      "tpu.region"() ({
        %run_scoped3A = tpu.sem_alloc : memref<!tpu.dma_semaphore, #tpu.memory_space<semaphore_mem>>
        %dma_start3A_52 = tpu.memref_slice %arg3[%add3A_22] : memref<655360xi32, #tpu.memory_space<hbm>> -> memref<1024xi32, #tpu.memory_space<hbm>>
        %dma_start3A_53 = tpu.memref_slice %arg3[%add3A_22] : memref<655360xi32, #tpu.memory_space<hbm>> -> memref<1024xi32, #tpu.memory_space<hbm>>
        tpu.enqueue_dma source(%dma_start3A_53 : memref<1024xi32, #tpu.memory_space<hbm>>) target(%arg11 : memref<1024xi32, #tpu.memory_space<vmem>>) target_semaphore(%run_scoped3A : memref<!tpu.dma_semaphore, #tpu.memory_space<semaphore_mem>>)
        %dma_wait3A_54 = tpu.memref_slice %arg3[%add3A_22] : memref<655360xi32, #tpu.memory_space<hbm>> -> memref<1024xi32, #tpu.memory_space<hbm>>
        %dma_wait3A_55 = tpu.memref_slice %arg3[%add3A_22] : memref<655360xi32, #tpu.memory_space<hbm>> -> memref<1024xi32, #tpu.memory_space<hbm>>
        tpu.wait_dma2 semaphore(%run_scoped3A : memref<!tpu.dma_semaphore, #tpu.memory_space<semaphore_mem>>) src(%dma_wait3A_55 : memref<1024xi32, #tpu.memory_space<hbm>>) dst(%arg11 : memref<1024xi32, #tpu.memory_space<vmem>>)
        tpu.yield
      }) : () -> ()
      "tpu.region"() ({
        %run_scoped3A = tpu.sem_alloc : memref<!tpu.dma_semaphore, #tpu.memory_space<semaphore_mem>>
        %dma_start3A_52 = tpu.memref_slice %arg4[%add3A_22] : memref<655360xi32, #tpu.memory_space<hbm>> -> memref<1024xi32, #tpu.memory_space<hbm>>
        %dma_start3A_53 = tpu.memref_slice %arg4[%add3A_22] : memref<655360xi32, #tpu.memory_space<hbm>> -> memref<1024xi32, #tpu.memory_space<hbm>>
        tpu.enqueue_dma source(%dma_start3A_53 : memref<1024xi32, #tpu.memory_space<hbm>>) target(%arg12 : memref<1024xi32, #tpu.memory_space<vmem>>) target_semaphore(%run_scoped3A : memref<!tpu.dma_semaphore, #tpu.memory_space<semaphore_mem>>)
        %dma_wait3A_54 = tpu.memref_slice %arg4[%add3A_22] : memref<655360xi32, #tpu.memory_space<hbm>> -> memref<1024xi32, #tpu.memory_space<hbm>>
        %dma_wait3A_55 = tpu.memref_slice %arg4[%add3A_22] : memref<655360xi32, #tpu.memory_space<hbm>> -> memref<1024xi32, #tpu.memory_space<hbm>>
        tpu.wait_dma2 semaphore(%run_scoped3A : memref<!tpu.dma_semaphore, #tpu.memory_space<semaphore_mem>>) src(%dma_wait3A_55 : memref<1024xi32, #tpu.memory_space<hbm>>) dst(%arg12 : memref<1024xi32, #tpu.memory_space<vmem>>)
        tpu.yield
      }) : () -> ()
      %dma_start3A_23 = arith.constant 0 : i32
      %dma_start3A_24 = arith.constant 0 : i32
      %dma_start3A_25 = tpu.memref_slice %arg2[%dma_start3A_23, %dma_start3A_24] : memref<10000x16xf32, #tpu.memory_space<hbm>> -> memref<10000x16xf32, #tpu.memory_space<hbm>>
      tpu.enqueue_indirect_dma source(%dma_start3A_25 : memref<10000x16xf32, #tpu.memory_space<hbm>>) target(%arg13 : memref<1024x16xf32, #tpu.memory_space<vmem>>) offsets(%arg11 : memref<1024xi32, #tpu.memory_space<vmem>>) semaphore(%arg17 : memref<!tpu.dma_semaphore, #tpu.memory_space<semaphore_mem>>)
      %dma_start3A_26 = arith.constant 0 : i32
      %dma_start3A_27 = arith.constant 0 : i32
      %dma_start3A_28 = tpu.memref_slice %arg2[%dma_start3A_26, %dma_start3A_27] : memref<10000x16xf32, #tpu.memory_space<hbm>> -> memref<10000x16xf32, #tpu.memory_space<hbm>>
      tpu.enqueue_indirect_dma source(%dma_start3A_28 : memref<10000x16xf32, #tpu.memory_space<hbm>>) target(%arg14 : memref<1024x16xf32, #tpu.memory_space<vmem>>) offsets(%arg12 : memref<1024xi32, #tpu.memory_space<vmem>>) semaphore(%arg18 : memref<!tpu.dma_semaphore, #tpu.memory_space<semaphore_mem>>)
      %mul3A_29 = arith.constant 1024 : i32
      %mul3A_30 = arith.muli %mul3A_17, %mul3A_29 : i32
      %add3A_31 = arith.addi %mul3A_2, %mul3A_30 : i32
      %dma_wait3A = arith.constant 0 : i32
      %dma_wait3A_32 = arith.constant 0 : i32
      %dma_wait3A_33 = tpu.memref_slice %arg2[%dma_wait3A, %dma_wait3A_32] : memref<10000x16xf32, #tpu.memory_space<hbm>> -> memref<10000x16xf32, #tpu.memory_space<hbm>>
      tpu.wait_indirect_dma semaphore(%arg15 : memref<!tpu.dma_semaphore, #tpu.memory_space<semaphore_mem>>) src(%dma_wait3A_33 : memref<10000x16xf32, #tpu.memory_space<hbm>>) dst(%arg9 : memref<1024x16xf32, #tpu.memory_space<vmem>>)
      %dma_wait3A_34 = arith.constant 0 : i32
      %dma_wait3A_35 = arith.constant 0 : i32
      %dma_wait3A_36 = tpu.memref_slice %arg2[%dma_wait3A_34, %dma_wait3A_35] : memref<10000x16xf32, #tpu.memory_space<hbm>> -> memref<10000x16xf32, #tpu.memory_space<hbm>>
      tpu.wait_indirect_dma semaphore(%arg16 : memref<!tpu.dma_semaphore, #tpu.memory_space<semaphore_mem>>) src(%dma_wait3A_36 : memref<10000x16xf32, #tpu.memory_space<hbm>>) dst(%arg10 : memref<1024x16xf32, #tpu.memory_space<vmem>>)
      "tpu.region"() ({
        %run_scoped3A = tpu.sem_alloc : memref<!tpu.dma_semaphore, #tpu.memory_space<semaphore_mem>>
        %dma_start3A_52 = arith.constant 0 : i32
        %dma_start3A_53 = tpu.memref_slice %arg5[%add3A_31, %dma_start3A_52] : memref<655360x16xf32, #tpu.memory_space<hbm>> -> memref<1024x16xf32, #tpu.memory_space<hbm>>
        %dma_start3A_54 = arith.constant 0 : i32
        %dma_start3A_55 = tpu.memref_slice %arg5[%add3A_31, %dma_start3A_54] : memref<655360x16xf32, #tpu.memory_space<hbm>> -> memref<1024x16xf32, #tpu.memory_space<hbm>>
        tpu.enqueue_dma source(%arg9 : memref<1024x16xf32, #tpu.memory_space<vmem>>) target(%dma_start3A_55 : memref<1024x16xf32, #tpu.memory_space<hbm>>) target_semaphore(%run_scoped3A : memref<!tpu.dma_semaphore, #tpu.memory_space<semaphore_mem>>)
        %dma_wait3A_56 = arith.constant 0 : i32
        %dma_wait3A_57 = tpu.memref_slice %arg5[%add3A_31, %dma_wait3A_56] : memref<655360x16xf32, #tpu.memory_space<hbm>> -> memref<1024x16xf32, #tpu.memory_space<hbm>>
        %dma_wait3A_58 = arith.constant 0 : i32
        %dma_wait3A_59 = tpu.memref_slice %arg5[%add3A_31, %dma_wait3A_58] : memref<655360x16xf32, #tpu.memory_space<hbm>> -> memref<1024x16xf32, #tpu.memory_space<hbm>>
        tpu.wait_dma2 semaphore(%run_scoped3A : memref<!tpu.dma_semaphore, #tpu.memory_space<semaphore_mem>>) src(%arg9 : memref<1024x16xf32, #tpu.memory_space<vmem>>) dst(%dma_wait3A_59 : memref<1024x16xf32, #tpu.memory_space<hbm>>)
        tpu.yield
      }) : () -> ()
      "tpu.region"() ({
        %run_scoped3A = tpu.sem_alloc : memref<!tpu.dma_semaphore, #tpu.memory_space<semaphore_mem>>
        %dma_start3A_52 = arith.constant 0 : i32
        %dma_start3A_53 = tpu.memref_slice %arg6[%add3A_31, %dma_start3A_52] : memref<655360x16xf32, #tpu.memory_space<hbm>> -> memref<1024x16xf32, #tpu.memory_space<hbm>>
        %dma_start3A_54 = arith.constant 0 : i32
        %dma_start3A_55 = tpu.memref_slice %arg6[%add3A_31, %dma_start3A_54] : memref<655360x16xf32, #tpu.memory_space<hbm>> -> memref<1024x16xf32, #tpu.memory_space<hbm>>
        tpu.enqueue_dma source(%arg10 : memref<1024x16xf32, #tpu.memory_space<vmem>>) target(%dma_start3A_55 : memref<1024x16xf32, #tpu.memory_space<hbm>>) target_semaphore(%run_scoped3A : memref<!tpu.dma_semaphore, #tpu.memory_space<semaphore_mem>>)
        %dma_wait3A_56 = arith.constant 0 : i32
        %dma_wait3A_57 = tpu.memref_slice %arg6[%add3A_31, %dma_wait3A_56] : memref<655360x16xf32, #tpu.memory_space<hbm>> -> memref<1024x16xf32, #tpu.memory_space<hbm>>
        %dma_wait3A_58 = arith.constant 0 : i32
        %dma_wait3A_59 = tpu.memref_slice %arg6[%add3A_31, %dma_wait3A_58] : memref<655360x16xf32, #tpu.memory_space<hbm>> -> memref<1024x16xf32, #tpu.memory_space<hbm>>
        tpu.wait_dma2 semaphore(%run_scoped3A : memref<!tpu.dma_semaphore, #tpu.memory_space<semaphore_mem>>) src(%arg10 : memref<1024x16xf32, #tpu.memory_space<vmem>>) dst(%dma_wait3A_59 : memref<1024x16xf32, #tpu.memory_space<hbm>>)
        tpu.yield
      }) : () -> ()
      %add3A_37 = arith.constant 2 : i32
      %add3A_38 = arith.addi %mul3A_17, %add3A_37 : i32
      %lt3A = arith.constant 20 : i32
      %lt3A_39 = arith.cmpi slt, %add3A_38, %lt3A : i32
      %convert_element_type3A = arith.extui %lt3A_39 : i1 to i32
      %cond3A = arith.constant 0 : i32
      %cond3A_40 = arith.cmpi ne, %convert_element_type3A, %cond3A : i32
      scf.if %cond3A_40 {
        %add3A_52 = arith.constant 2 : i32
        %add3A_53 = arith.addi %mul3A_17, %add3A_52 : i32
        %mul3A_54 = arith.constant 1024 : i32
        %mul3A_55 = arith.muli %add3A_53, %mul3A_54 : i32
        %add3A_56 = arith.addi %mul3A_2, %mul3A_55 : i32
        "tpu.region"() ({
          %run_scoped3A = tpu.sem_alloc : memref<!tpu.dma_semaphore, #tpu.memory_space<semaphore_mem>>
          %dma_start3A_63 = tpu.memref_slice %arg3[%add3A_56] : memref<655360xi32, #tpu.memory_space<hbm>> -> memref<1024xi32, #tpu.memory_space<hbm>>
          %dma_start3A_64 = tpu.memref_slice %arg3[%add3A_56] : memref<655360xi32, #tpu.memory_space<hbm>> -> memref<1024xi32, #tpu.memory_space<hbm>>
          tpu.enqueue_dma source(%dma_start3A_64 : memref<1024xi32, #tpu.memory_space<hbm>>) target(%arg7 : memref<1024xi32, #tpu.memory_space<vmem>>) target_semaphore(%run_scoped3A : memref<!tpu.dma_semaphore, #tpu.memory_space<semaphore_mem>>)
          %dma_wait3A_65 = tpu.memref_slice %arg3[%add3A_56] : memref<655360xi32, #tpu.memory_space<hbm>> -> memref<1024xi32, #tpu.memory_space<hbm>>
          %dma_wait3A_66 = tpu.memref_slice %arg3[%add3A_56] : memref<655360xi32, #tpu.memory_space<hbm>> -> memref<1024xi32, #tpu.memory_space<hbm>>
          tpu.wait_dma2 semaphore(%run_scoped3A : memref<!tpu.dma_semaphore, #tpu.memory_space<semaphore_mem>>) src(%dma_wait3A_66 : memref<1024xi32, #tpu.memory_space<hbm>>) dst(%arg7 : memref<1024xi32, #tpu.memory_space<vmem>>)
          tpu.yield
        }) : () -> ()
        "tpu.region"() ({
          %run_scoped3A = tpu.sem_alloc : memref<!tpu.dma_semaphore, #tpu.memory_space<semaphore_mem>>
          %dma_start3A_63 = tpu.memref_slice %arg4[%add3A_56] : memref<655360xi32, #tpu.memory_space<hbm>> -> memref<1024xi32, #tpu.memory_space<hbm>>
          %dma_start3A_64 = tpu.memref_slice %arg4[%add3A_56] : memref<655360xi32, #tpu.memory_space<hbm>> -> memref<1024xi32, #tpu.memory_space<hbm>>
          tpu.enqueue_dma source(%dma_start3A_64 : memref<1024xi32, #tpu.memory_space<hbm>>) target(%arg8 : memref<1024xi32, #tpu.memory_space<vmem>>) target_semaphore(%run_scoped3A : memref<!tpu.dma_semaphore, #tpu.memory_space<semaphore_mem>>)
          %dma_wait3A_65 = tpu.memref_slice %arg4[%add3A_56] : memref<655360xi32, #tpu.memory_space<hbm>> -> memref<1024xi32, #tpu.memory_space<hbm>>
          %dma_wait3A_66 = tpu.memref_slice %arg4[%add3A_56] : memref<655360xi32, #tpu.memory_space<hbm>> -> memref<1024xi32, #tpu.memory_space<hbm>>
          tpu.wait_dma2 semaphore(%run_scoped3A : memref<!tpu.dma_semaphore, #tpu.memory_space<semaphore_mem>>) src(%dma_wait3A_66 : memref<1024xi32, #tpu.memory_space<hbm>>) dst(%arg8 : memref<1024xi32, #tpu.memory_space<vmem>>)
          tpu.yield
        }) : () -> ()
        %dma_start3A_57 = arith.constant 0 : i32
        %dma_start3A_58 = arith.constant 0 : i32
        %dma_start3A_59 = tpu.memref_slice %arg2[%dma_start3A_57, %dma_start3A_58] : memref<10000x16xf32, #tpu.memory_space<hbm>> -> memref<10000x16xf32, #tpu.memory_space<hbm>>
        tpu.enqueue_indirect_dma source(%dma_start3A_59 : memref<10000x16xf32, #tpu.memory_space<hbm>>) target(%arg9 : memref<1024x16xf32, #tpu.memory_space<vmem>>) offsets(%arg7 : memref<1024xi32, #tpu.memory_space<vmem>>) semaphore(%arg15 : memref<!tpu.dma_semaphore, #tpu.memory_space<semaphore_mem>>)
        %dma_start3A_60 = arith.constant 0 : i32
        %dma_start3A_61 = arith.constant 0 : i32
        %dma_start3A_62 = tpu.memref_slice %arg2[%dma_start3A_60, %dma_start3A_61] : memref<10000x16xf32, #tpu.memory_space<hbm>> -> memref<10000x16xf32, #tpu.memory_space<hbm>>
        tpu.enqueue_indirect_dma source(%dma_start3A_62 : memref<10000x16xf32, #tpu.memory_space<hbm>>) target(%arg10 : memref<1024x16xf32, #tpu.memory_space<vmem>>) offsets(%arg8 : memref<1024xi32, #tpu.memory_space<vmem>>) semaphore(%arg16 : memref<!tpu.dma_semaphore, #tpu.memory_space<semaphore_mem>>)
      } else {
      }
      %add3A_41 = arith.constant 1 : i32
      %add3A_42 = arith.addi %mul3A_17, %add3A_41 : i32
      %mul3A_43 = arith.constant 1024 : i32
      %mul3A_44 = arith.muli %add3A_42, %mul3A_43 : i32
      %add3A_45 = arith.addi %mul3A_2, %mul3A_44 : i32
      %dma_wait3A_46 = arith.constant 0 : i32
      %dma_wait3A_47 = arith.constant 0 : i32
      %dma_wait3A_48 = tpu.memref_slice %arg2[%dma_wait3A_46, %dma_wait3A_47] : memref<10000x16xf32, #tpu.memory_space<hbm>> -> memref<10000x16xf32, #tpu.memory_space<hbm>>
      tpu.wait_indirect_dma semaphore(%arg17 : memref<!tpu.dma_semaphore, #tpu.memory_space<semaphore_mem>>) src(%dma_wait3A_48 : memref<10000x16xf32, #tpu.memory_space<hbm>>) dst(%arg13 : memref<1024x16xf32, #tpu.memory_space<vmem>>)
      %dma_wait3A_49 = arith.constant 0 : i32
      %dma_wait3A_50 = arith.constant 0 : i32
      %dma_wait3A_51 = tpu.memref_slice %arg2[%dma_wait3A_49, %dma_wait3A_50] : memref<10000x16xf32, #tpu.memory_space<hbm>> -> memref<10000x16xf32, #tpu.memory_space<hbm>>
      tpu.wait_indirect_dma semaphore(%arg18 : memref<!tpu.dma_semaphore, #tpu.memory_space<semaphore_mem>>) src(%dma_wait3A_51 : memref<10000x16xf32, #tpu.memory_space<hbm>>) dst(%arg14 : memref<1024x16xf32, #tpu.memory_space<vmem>>)
      "tpu.region"() ({
        %run_scoped3A = tpu.sem_alloc : memref<!tpu.dma_semaphore, #tpu.memory_space<semaphore_mem>>
        %dma_start3A_52 = arith.constant 0 : i32
        %dma_start3A_53 = tpu.memref_slice %arg5[%add3A_45, %dma_start3A_52] : memref<655360x16xf32, #tpu.memory_space<hbm>> -> memref<1024x16xf32, #tpu.memory_space<hbm>>
        %dma_start3A_54 = arith.constant 0 : i32
        %dma_start3A_55 = tpu.memref_slice %arg5[%add3A_45, %dma_start3A_54] : memref<655360x16xf32, #tpu.memory_space<hbm>> -> memref<1024x16xf32, #tpu.memory_space<hbm>>
        tpu.enqueue_dma source(%arg13 : memref<1024x16xf32, #tpu.memory_space<vmem>>) target(%dma_start3A_55 : memref<1024x16xf32, #tpu.memory_space<hbm>>) target_semaphore(%run_scoped3A : memref<!tpu.dma_semaphore, #tpu.memory_space<semaphore_mem>>)
        %dma_wait3A_56 = arith.constant 0 : i32
        %dma_wait3A_57 = tpu.memref_slice %arg5[%add3A_45, %dma_wait3A_56] : memref<655360x16xf32, #tpu.memory_space<hbm>> -> memref<1024x16xf32, #tpu.memory_space<hbm>>
        %dma_wait3A_58 = arith.constant 0 : i32
        %dma_wait3A_59 = tpu.memref_slice %arg5[%add3A_45, %dma_wait3A_58] : memref<655360x16xf32, #tpu.memory_space<hbm>> -> memref<1024x16xf32, #tpu.memory_space<hbm>>
        tpu.wait_dma2 semaphore(%run_scoped3A : memref<!tpu.dma_semaphore, #tpu.memory_space<semaphore_mem>>) src(%arg13 : memref<1024x16xf32, #tpu.memory_space<vmem>>) dst(%dma_wait3A_59 : memref<1024x16xf32, #tpu.memory_space<hbm>>)
        tpu.yield
      }) : () -> ()
      "tpu.region"() ({
        %run_scoped3A = tpu.sem_alloc : memref<!tpu.dma_semaphore, #tpu.memory_space<semaphore_mem>>
        %dma_start3A_52 = arith.constant 0 : i32
        %dma_start3A_53 = tpu.memref_slice %arg6[%add3A_45, %dma_start3A_52] : memref<655360x16xf32, #tpu.memory_space<hbm>> -> memref<1024x16xf32, #tpu.memory_space<hbm>>
        %dma_start3A_54 = arith.constant 0 : i32
        %dma_start3A_55 = tpu.memref_slice %arg6[%add3A_45, %dma_start3A_54] : memref<655360x16xf32, #tpu.memory_space<hbm>> -> memref<1024x16xf32, #tpu.memory_space<hbm>>
        tpu.enqueue_dma source(%arg14 : memref<1024x16xf32, #tpu.memory_space<vmem>>) target(%dma_start3A_55 : memref<1024x16xf32, #tpu.memory_space<hbm>>) target_semaphore(%run_scoped3A : memref<!tpu.dma_semaphore, #tpu.memory_space<semaphore_mem>>)
        %dma_wait3A_56 = arith.constant 0 : i32
        %dma_wait3A_57 = tpu.memref_slice %arg6[%add3A_45, %dma_wait3A_56] : memref<655360x16xf32, #tpu.memory_space<hbm>> -> memref<1024x16xf32, #tpu.memory_space<hbm>>
        %dma_wait3A_58 = arith.constant 0 : i32
        %dma_wait3A_59 = tpu.memref_slice %arg6[%add3A_45, %dma_wait3A_58] : memref<655360x16xf32, #tpu.memory_space<hbm>> -> memref<1024x16xf32, #tpu.memory_space<hbm>>
        tpu.wait_dma2 semaphore(%run_scoped3A : memref<!tpu.dma_semaphore, #tpu.memory_space<semaphore_mem>>) src(%arg14 : memref<1024x16xf32, #tpu.memory_space<vmem>>) dst(%dma_wait3A_59 : memref<1024x16xf32, #tpu.memory_space<hbm>>)
        tpu.yield
      }) : () -> ()
    }
    %scan3A_14 = arith.constant 10 : i32
    return
  }
}

module attributes {stable_mosaic.version = 14 : i64} {
  func.func @_rnn_body(%arg0: i32, %arg1: memref<24x2048xf32, #tpu.memory_space<vmem>>, %arg2: memref<4x2048xf32, #tpu.memory_space<vmem>>, %arg3: memref<192x1xf32, #tpu.memory_space<vmem>>, %arg4: memref<192x1xf32, #tpu.memory_space<vmem>>, %arg5: memref<192x1xf32, #tpu.memory_space<vmem>>, %arg6: memref<192x64xf32, #tpu.memory_space<vmem>>, %arg7: memref<192x64xf32, #tpu.memory_space<vmem>>, %arg8: memref<192x1xf32, #tpu.memory_space<vmem>>, %arg9: memref<192x1xf32, #tpu.memory_space<vmem>>, %arg10: memref<192x64xf32, #tpu.memory_space<vmem>>, %arg11: memref<64x64xf32, #tpu.memory_space<vmem>>, %arg12: memref<64x1xf32, #tpu.memory_space<vmem>>, %arg13: memref<64x1xf32, #tpu.memory_space<vmem>>, %arg14: memref<1x1xf32, #tpu.memory_space<vmem>>, %arg15: memref<24x2048xf32, #tpu.memory_space<vmem>>, %arg16: memref<4x2048xf32, #tpu.memory_space<vmem>>) attributes {dimension_semantics = [#tpu.dimension_semantics<arbitrary>], iteration_bounds = array<i64: 5>, scalar_prefetch = 0 : i64, scratch_operands = 0 : i64, tpu.core_type = #tpu.core_type<tc>, window_params = [{transform_indices = @transform_0, window_bounds = array<i64: 24, 2048>}, {transform_indices = @transform_1, window_bounds = array<i64: 4, 2048>}, {pipeline_mode = #tpu.pipeline_mode<synchronous>, transform_indices = @transform_2, window_bounds = array<i64: 192, 1>}, {pipeline_mode = #tpu.pipeline_mode<synchronous>, transform_indices = @transform_3, window_bounds = array<i64: 192, 1>}, {pipeline_mode = #tpu.pipeline_mode<synchronous>, transform_indices = @transform_4, window_bounds = array<i64: 192, 1>}, {pipeline_mode = #tpu.pipeline_mode<synchronous>, transform_indices = @transform_5, window_bounds = array<i64: 192, 64>}, {pipeline_mode = #tpu.pipeline_mode<synchronous>, transform_indices = @transform_6, window_bounds = array<i64: 192, 64>}, {pipeline_mode = #tpu.pipeline_mode<synchronous>, transform_indices = @transform_7, window_bounds = array<i64: 192, 1>}, {pipeline_mode = #tpu.pipeline_mode<synchronous>, transform_indices = @transform_8, window_bounds = array<i64: 192, 1>}, {pipeline_mode = #tpu.pipeline_mode<synchronous>, transform_indices = @transform_9, window_bounds = array<i64: 192, 64>}, {pipeline_mode = #tpu.pipeline_mode<synchronous>, transform_indices = @transform_10, window_bounds = array<i64: 64, 64>}, {pipeline_mode = #tpu.pipeline_mode<synchronous>, transform_indices = @transform_11, window_bounds = array<i64: 64, 1>}, {pipeline_mode = #tpu.pipeline_mode<synchronous>, transform_indices = @transform_12, window_bounds = array<i64: 64, 1>}, {pipeline_mode = #tpu.pipeline_mode<synchronous>, transform_indices = @transform_13, window_bounds = array<i64: 1, 1>}, {transform_indices = @transform_14, window_bounds = array<i64: 24, 2048>}, {transform_indices = @transform_15, window_bounds = array<i64: 4, 2048>}]} {
    %get3A = arith.constant 0 : index
    %get3A_0 = arith.constant 0 : index
    %get3A_1 = vector.load %arg3[%get3A, %get3A_0] : memref<192x1xf32, #tpu.memory_space<vmem>>, vector<192x1xf32>
    %get3A_2 = arith.constant 0 : index
    %get3A_3 = arith.constant 0 : index
    %get3A_4 = vector.load %arg4[%get3A_2, %get3A_3] : memref<192x1xf32, #tpu.memory_space<vmem>>, vector<192x1xf32>
    %get3A_5 = arith.constant 0 : index
    %get3A_6 = arith.constant 0 : index
    %get3A_7 = vector.load %arg5[%get3A_5, %get3A_6] : memref<192x1xf32, #tpu.memory_space<vmem>>, vector<192x1xf32>
    %get3A_8 = arith.constant 0 : index
    %get3A_9 = arith.constant 0 : index
    %get3A_10 = vector.load %arg6[%get3A_8, %get3A_9] : memref<192x64xf32, #tpu.memory_space<vmem>>, vector<192x64xf32>
    %get3A_11 = arith.constant 0 : index
    %get3A_12 = arith.constant 0 : index
    %get3A_13 = vector.load %arg7[%get3A_11, %get3A_12] : memref<192x64xf32, #tpu.memory_space<vmem>>, vector<192x64xf32>
    %get3A_14 = arith.constant 0 : index
    %get3A_15 = arith.constant 0 : index
    %get3A_16 = vector.load %arg8[%get3A_14, %get3A_15] : memref<192x1xf32, #tpu.memory_space<vmem>>, vector<192x1xf32>
    %get3A_17 = arith.constant 0 : index
    %get3A_18 = arith.constant 0 : index
    %get3A_19 = vector.load %arg9[%get3A_17, %get3A_18] : memref<192x1xf32, #tpu.memory_space<vmem>>, vector<192x1xf32>
    %get3A_20 = arith.constant 0 : index
    %get3A_21 = arith.constant 0 : index
    %get3A_22 = vector.load %arg10[%get3A_20, %get3A_21] : memref<192x64xf32, #tpu.memory_space<vmem>>, vector<192x64xf32>
    %get3A_23 = arith.constant 0 : index
    %get3A_24 = arith.constant 0 : index
    %get3A_25 = vector.load %arg11[%get3A_23, %get3A_24] : memref<64x64xf32, #tpu.memory_space<vmem>>, vector<64x64xf32>
    %get3A_26 = arith.constant 0 : index
    %get3A_27 = arith.constant 0 : index
    %get3A_28 = vector.load %arg12[%get3A_26, %get3A_27] : memref<64x1xf32, #tpu.memory_space<vmem>>, vector<64x1xf32>
    %get3A_29 = arith.constant 0 : index
    %get3A_30 = arith.constant 0 : index
    %get3A_31 = vector.load %arg13[%get3A_29, %get3A_30] : memref<64x1xf32, #tpu.memory_space<vmem>>, vector<64x1xf32>
    %get3A_32 = arith.constant 0 : index
    %get3A_33 = arith.constant 0 : index
    %get3A_34 = vector.load %arg14[%get3A_32, %get3A_33] : memref<1x1xf32, #tpu.memory_space<vmem>>, vector<1x1xf32>
    %get3A_35 = vector.extract %get3A_34[0, 0] : f32 from vector<1x1xf32>
    %broadcast_in_dim3A = arith.constant 0.000000e+00 : f32
    %broadcast_in_dim3A_36 = vector.broadcast %broadcast_in_dim3A : f32 to vector<64x2048xf32>
    %broadcast_in_dim3A_37 = arith.constant 0.000000e+00 : f32
    %broadcast_in_dim3A_38 = vector.broadcast %broadcast_in_dim3A_37 : f32 to vector<64x2048xf32>
    %scan3A = arith.constant 0 : i32
    %scan3A_39 = arith.constant 24 : i32
    %scan3A_40 = arith.addi %scan3A, %scan3A_39 : i32
    %scan3A_41 = arith.constant 1 : i32
    %scan3A_42:2 = scf.for %scan3A_414 = %scan3A to %scan3A_40 step %scan3A_41 iter_args(%scan3A_415 = %broadcast_in_dim3A_36, %scan3A_416 = %broadcast_in_dim3A_38) -> (vector<64x2048xf32>, vector<64x2048xf32>)  : i32 {
      %get3A_417 = arith.index_cast %scan3A_414 : i32 to index
      %get3A_418 = arith.constant 0 : index
      %get3A_419 = vector.load %arg1[%get3A_417, %get3A_418] : memref<24x2048xf32, #tpu.memory_space<vmem>>, vector<1x2048xf32>
      %mul3A_420 = vector.broadcast %get3A_1 : vector<192x1xf32> to vector<192x2048xf32>
      %mul3A_421 = vector.broadcast %get3A_419 : vector<1x2048xf32> to vector<192x2048xf32>
      %mul3A_422 = arith.mulf %mul3A_420, %mul3A_421 : vector<192x2048xf32>
      %add3A_423 = vector.broadcast %get3A_4 : vector<192x1xf32> to vector<192x2048xf32>
      %add3A_424 = arith.addf %mul3A_422, %add3A_423 : vector<192x2048xf32>
      %dot_general3A_425 = arith.constant dense<0.000000e+00> : vector<192x2048xf32>
      %dot_general3A_426 = tpu.matmul %get3A_10, %scan3A_415, %dot_general3A_425 {dimension_numbers = #tpu.dot_dimension_numbers<[1], [0], [0], [1], [0, 0, 1, 1], [], []>, transpose_lhs_hint = false} : vector<192x64xf32>, vector<64x2048xf32>, vector<192x2048xf32> -> vector<192x2048xf32>
      %add3A_427 = vector.broadcast %get3A_7 : vector<192x1xf32> to vector<192x2048xf32>
      %add3A_428 = arith.addf %dot_general3A_426, %add3A_427 : vector<192x2048xf32>
      %slice3A_429 = vector.extract_strided_slice %add3A_424 {offsets = [0, 0], sizes = [64, 2048], strides = [1, 1]} : vector<192x2048xf32> to vector<64x2048xf32>
      %slice3A_430 = vector.extract_strided_slice %add3A_428 {offsets = [0, 0], sizes = [64, 2048], strides = [1, 1]} : vector<192x2048xf32> to vector<64x2048xf32>
      %add3A_431 = arith.addf %slice3A_429, %slice3A_430 : vector<64x2048xf32>
      %logistic3A_432 = arith.negf %add3A_431 : vector<64x2048xf32>
      %logistic3A_433 = math.exp %logistic3A_432 : vector<64x2048xf32>
      %logistic3A_434 = arith.constant 1.000000e+00 : f32
      %logistic3A_435 = vector.broadcast %logistic3A_434 : f32 to vector<64x2048xf32>
      %logistic3A_436 = arith.addf %logistic3A_435, %logistic3A_433 : vector<64x2048xf32>
      %logistic3A_437 = arith.divf %logistic3A_435, %logistic3A_436 : vector<64x2048xf32>
      %slice3A_438 = vector.extract_strided_slice %add3A_424 {offsets = [64, 0], sizes = [64, 2048], strides = [1, 1]} : vector<192x2048xf32> to vector<64x2048xf32>
      %slice3A_439 = vector.extract_strided_slice %add3A_428 {offsets = [64, 0], sizes = [64, 2048], strides = [1, 1]} : vector<192x2048xf32> to vector<64x2048xf32>
      %add3A_440 = arith.addf %slice3A_438, %slice3A_439 : vector<64x2048xf32>
      %logistic3A_441 = arith.negf %add3A_440 : vector<64x2048xf32>
      %logistic3A_442 = math.exp %logistic3A_441 : vector<64x2048xf32>
      %logistic3A_443 = arith.constant 1.000000e+00 : f32
      %logistic3A_444 = vector.broadcast %logistic3A_443 : f32 to vector<64x2048xf32>
      %logistic3A_445 = arith.addf %logistic3A_444, %logistic3A_442 : vector<64x2048xf32>
      %logistic3A_446 = arith.divf %logistic3A_444, %logistic3A_445 : vector<64x2048xf32>
      %slice3A_447 = vector.extract_strided_slice %add3A_424 {offsets = [128, 0], sizes = [64, 2048], strides = [1, 1]} : vector<192x2048xf32> to vector<64x2048xf32>
      %slice3A_448 = vector.extract_strided_slice %add3A_428 {offsets = [128, 0], sizes = [64, 2048], strides = [1, 1]} : vector<192x2048xf32> to vector<64x2048xf32>
      %mul3A_449 = arith.mulf %logistic3A_437, %slice3A_448 : vector<64x2048xf32>
      %add3A_450 = arith.addf %slice3A_447, %mul3A_449 : vector<64x2048xf32>
      %tanh3A_451 = math.tanh %add3A_450 : vector<64x2048xf32>
      %sub3A_452 = arith.constant 1.000000e+00 : f32
      %sub3A_453 = vector.broadcast %sub3A_452 : f32 to vector<64x2048xf32>
      %sub3A_454 = arith.subf %sub3A_453, %logistic3A_446 : vector<64x2048xf32>
      %mul3A_455 = arith.mulf %sub3A_454, %tanh3A_451 : vector<64x2048xf32>
      %mul3A_456 = arith.mulf %logistic3A_446, %scan3A_415 : vector<64x2048xf32>
      %add3A_457 = arith.addf %mul3A_455, %mul3A_456 : vector<64x2048xf32>
      %dot_general3A_458 = arith.constant dense<0.000000e+00> : vector<192x2048xf32>
      %dot_general3A_459 = tpu.matmul %get3A_13, %add3A_457, %dot_general3A_458 {dimension_numbers = #tpu.dot_dimension_numbers<[1], [0], [0], [1], [0, 0, 1, 1], [], []>, transpose_lhs_hint = false} : vector<192x64xf32>, vector<64x2048xf32>, vector<192x2048xf32> -> vector<192x2048xf32>
      %add3A_460 = vector.broadcast %get3A_16 : vector<192x1xf32> to vector<192x2048xf32>
      %add3A_461 = arith.addf %dot_general3A_459, %add3A_460 : vector<192x2048xf32>
      %dot_general3A_462 = arith.constant dense<0.000000e+00> : vector<192x2048xf32>
      %dot_general3A_463 = tpu.matmul %get3A_22, %scan3A_416, %dot_general3A_462 {dimension_numbers = #tpu.dot_dimension_numbers<[1], [0], [0], [1], [0, 0, 1, 1], [], []>, transpose_lhs_hint = false} : vector<192x64xf32>, vector<64x2048xf32>, vector<192x2048xf32> -> vector<192x2048xf32>
      %add3A_464 = vector.broadcast %get3A_19 : vector<192x1xf32> to vector<192x2048xf32>
      %add3A_465 = arith.addf %dot_general3A_463, %add3A_464 : vector<192x2048xf32>
      %slice3A_466 = vector.extract_strided_slice %add3A_461 {offsets = [0, 0], sizes = [64, 2048], strides = [1, 1]} : vector<192x2048xf32> to vector<64x2048xf32>
      %slice3A_467 = vector.extract_strided_slice %add3A_465 {offsets = [0, 0], sizes = [64, 2048], strides = [1, 1]} : vector<192x2048xf32> to vector<64x2048xf32>
      %add3A_468 = arith.addf %slice3A_466, %slice3A_467 : vector<64x2048xf32>
      %logistic3A_469 = arith.negf %add3A_468 : vector<64x2048xf32>
      %logistic3A_470 = math.exp %logistic3A_469 : vector<64x2048xf32>
      %logistic3A_471 = arith.constant 1.000000e+00 : f32
      %logistic3A_472 = vector.broadcast %logistic3A_471 : f32 to vector<64x2048xf32>
      %logistic3A_473 = arith.addf %logistic3A_472, %logistic3A_470 : vector<64x2048xf32>
      %logistic3A_474 = arith.divf %logistic3A_472, %logistic3A_473 : vector<64x2048xf32>
      %slice3A_475 = vector.extract_strided_slice %add3A_461 {offsets = [64, 0], sizes = [64, 2048], strides = [1, 1]} : vector<192x2048xf32> to vector<64x2048xf32>
      %slice3A_476 = vector.extract_strided_slice %add3A_465 {offsets = [64, 0], sizes = [64, 2048], strides = [1, 1]} : vector<192x2048xf32> to vector<64x2048xf32>
      %add3A_477 = arith.addf %slice3A_475, %slice3A_476 : vector<64x2048xf32>
      %logistic3A_478 = arith.negf %add3A_477 : vector<64x2048xf32>
      %logistic3A_479 = math.exp %logistic3A_478 : vector<64x2048xf32>
      %logistic3A_480 = arith.constant 1.000000e+00 : f32
      %logistic3A_481 = vector.broadcast %logistic3A_480 : f32 to vector<64x2048xf32>
      %logistic3A_482 = arith.addf %logistic3A_481, %logistic3A_479 : vector<64x2048xf32>
      %logistic3A_483 = arith.divf %logistic3A_481, %logistic3A_482 : vector<64x2048xf32>
      %slice3A_484 = vector.extract_strided_slice %add3A_461 {offsets = [128, 0], sizes = [64, 2048], strides = [1, 1]} : vector<192x2048xf32> to vector<64x2048xf32>
      %slice3A_485 = vector.extract_strided_slice %add3A_465 {offsets = [128, 0], sizes = [64, 2048], strides = [1, 1]} : vector<192x2048xf32> to vector<64x2048xf32>
      %mul3A_486 = arith.mulf %logistic3A_474, %slice3A_485 : vector<64x2048xf32>
      %add3A_487 = arith.addf %slice3A_484, %mul3A_486 : vector<64x2048xf32>
      %tanh3A_488 = math.tanh %add3A_487 : vector<64x2048xf32>
      %sub3A_489 = arith.constant 1.000000e+00 : f32
      %sub3A_490 = vector.broadcast %sub3A_489 : f32 to vector<64x2048xf32>
      %sub3A_491 = arith.subf %sub3A_490, %logistic3A_483 : vector<64x2048xf32>
      %mul3A_492 = arith.mulf %sub3A_491, %tanh3A_488 : vector<64x2048xf32>
      %mul3A_493 = arith.mulf %logistic3A_483, %scan3A_416 : vector<64x2048xf32>
      %add3A_494 = arith.addf %mul3A_492, %mul3A_493 : vector<64x2048xf32>
      %dot_general3A_495 = arith.constant dense<0.000000e+00> : vector<64x2048xf32>
      %dot_general3A_496 = tpu.matmul %get3A_25, %add3A_494, %dot_general3A_495 {dimension_numbers = #tpu.dot_dimension_numbers<[1], [0], [0], [1], [0, 0, 1, 1], [], []>, transpose_lhs_hint = false} : vector<64x64xf32>, vector<64x2048xf32>, vector<64x2048xf32> -> vector<64x2048xf32>
      %add3A_497 = vector.broadcast %get3A_28 : vector<64x1xf32> to vector<64x2048xf32>
      %add3A_498 = arith.addf %dot_general3A_496, %add3A_497 : vector<64x2048xf32>
      %max3A_499 = arith.constant 0.000000e+00 : f32
      %max3A_500 = vector.broadcast %max3A_499 : f32 to vector<64x2048xf32>
      %max3A_501 = arith.maximumf %add3A_498, %max3A_500 : vector<64x2048xf32>
      %mul3A_502 = vector.broadcast %get3A_31 : vector<64x1xf32> to vector<64x2048xf32>
      %mul3A_503 = arith.mulf %max3A_501, %mul3A_502 : vector<64x2048xf32>
      %reduce_sum3A_504 = arith.constant dense<0.000000e+00> : vector<2048xf32>
      %reduce_sum3A_505 = vector.multi_reduction <add>, %mul3A_503, %reduce_sum3A_504 [0] : vector<64x2048xf32> to vector<2048xf32>
      %broadcast_in_dim3A_506 = vector.shape_cast %reduce_sum3A_505 : vector<2048xf32> to vector<1x2048xf32>
      %add3A_507 = vector.broadcast %get3A_35 : f32 to vector<1x2048xf32>
      %add3A_508 = arith.addf %broadcast_in_dim3A_506, %add3A_507 : vector<1x2048xf32>
      %swap3A_509 = arith.index_cast %scan3A_414 : i32 to index
      %swap3A_510 = arith.constant 0 : index
      %swap3A_511 = vector.load %arg15[%swap3A_509, %swap3A_510] : memref<24x2048xf32, #tpu.memory_space<vmem>>, vector<1x2048xf32>
      tpu.vector_store %arg15[%swap3A_509, %swap3A_510], %add3A_508 {strides = array<i32>} : memref<24x2048xf32, #tpu.memory_space<vmem>>, vector<1x2048xf32>,
      scf.yield %add3A_457, %add3A_494 : vector<64x2048xf32>, vector<64x2048xf32>
    }
    %scan3A_43 = arith.constant 24 : i32
    %get3A_44 = arith.constant 23 : index
    %get3A_45 = arith.constant 0 : index
    %get3A_46 = vector.load %arg15[%get3A_44, %get3A_45] : memref<24x2048xf32, #tpu.memory_space<vmem>>, vector<1x2048xf32>
    %mul3A = vector.broadcast %get3A_1 : vector<192x1xf32> to vector<192x2048xf32>
    %mul3A_47 = vector.broadcast %get3A_46 : vector<1x2048xf32> to vector<192x2048xf32>
    %mul3A_48 = arith.mulf %mul3A, %mul3A_47 : vector<192x2048xf32>
    %add3A = vector.broadcast %get3A_4 : vector<192x1xf32> to vector<192x2048xf32>
    %add3A_49 = arith.addf %mul3A_48, %add3A : vector<192x2048xf32>
    %dot_general3A = arith.constant dense<0.000000e+00> : vector<192x2048xf32>
    %dot_general3A_50 = tpu.matmul %get3A_10, %scan3A_42#0, %dot_general3A {dimension_numbers = #tpu.dot_dimension_numbers<[1], [0], [0], [1], [0, 0, 1, 1], [], []>, transpose_lhs_hint = false} : vector<192x64xf32>, vector<64x2048xf32>, vector<192x2048xf32> -> vector<192x2048xf32>
    %add3A_51 = vector.broadcast %get3A_7 : vector<192x1xf32> to vector<192x2048xf32>
    %add3A_52 = arith.addf %dot_general3A_50, %add3A_51 : vector<192x2048xf32>
    %slice3A = vector.extract_strided_slice %add3A_49 {offsets = [0, 0], sizes = [64, 2048], strides = [1, 1]} : vector<192x2048xf32> to vector<64x2048xf32>
    %slice3A_53 = vector.extract_strided_slice %add3A_52 {offsets = [0, 0], sizes = [64, 2048], strides = [1, 1]} : vector<192x2048xf32> to vector<64x2048xf32>
    %add3A_54 = arith.addf %slice3A, %slice3A_53 : vector<64x2048xf32>
    %logistic3A = arith.negf %add3A_54 : vector<64x2048xf32>
    %logistic3A_55 = math.exp %logistic3A : vector<64x2048xf32>
    %logistic3A_56 = arith.constant 1.000000e+00 : f32
    %logistic3A_57 = vector.broadcast %logistic3A_56 : f32 to vector<64x2048xf32>
    %logistic3A_58 = arith.addf %logistic3A_57, %logistic3A_55 : vector<64x2048xf32>
    %logistic3A_59 = arith.divf %logistic3A_57, %logistic3A_58 : vector<64x2048xf32>
    %slice3A_60 = vector.extract_strided_slice %add3A_49 {offsets = [64, 0], sizes = [64, 2048], strides = [1, 1]} : vector<192x2048xf32> to vector<64x2048xf32>
    %slice3A_61 = vector.extract_strided_slice %add3A_52 {offsets = [64, 0], sizes = [64, 2048], strides = [1, 1]} : vector<192x2048xf32> to vector<64x2048xf32>
    %add3A_62 = arith.addf %slice3A_60, %slice3A_61 : vector<64x2048xf32>
    %logistic3A_63 = arith.negf %add3A_62 : vector<64x2048xf32>
    %logistic3A_64 = math.exp %logistic3A_63 : vector<64x2048xf32>
    %logistic3A_65 = arith.constant 1.000000e+00 : f32
    %logistic3A_66 = vector.broadcast %logistic3A_65 : f32 to vector<64x2048xf32>
    %logistic3A_67 = arith.addf %logistic3A_66, %logistic3A_64 : vector<64x2048xf32>
    %logistic3A_68 = arith.divf %logistic3A_66, %logistic3A_67 : vector<64x2048xf32>
    %slice3A_69 = vector.extract_strided_slice %add3A_49 {offsets = [128, 0], sizes = [64, 2048], strides = [1, 1]} : vector<192x2048xf32> to vector<64x2048xf32>
    %slice3A_70 = vector.extract_strided_slice %add3A_52 {offsets = [128, 0], sizes = [64, 2048], strides = [1, 1]} : vector<192x2048xf32> to vector<64x2048xf32>
    %mul3A_71 = arith.mulf %logistic3A_59, %slice3A_70 : vector<64x2048xf32>
    %add3A_72 = arith.addf %slice3A_69, %mul3A_71 : vector<64x2048xf32>
    %tanh3A = math.tanh %add3A_72 : vector<64x2048xf32>
    %sub3A = arith.constant 1.000000e+00 : f32
    %sub3A_73 = vector.broadcast %sub3A : f32 to vector<64x2048xf32>
    %sub3A_74 = arith.subf %sub3A_73, %logistic3A_68 : vector<64x2048xf32>
    %mul3A_75 = arith.mulf %sub3A_74, %tanh3A : vector<64x2048xf32>
    %mul3A_76 = arith.mulf %logistic3A_68, %scan3A_42#0 : vector<64x2048xf32>
    %add3A_77 = arith.addf %mul3A_75, %mul3A_76 : vector<64x2048xf32>
    %dot_general3A_78 = arith.constant dense<0.000000e+00> : vector<192x2048xf32>
    %dot_general3A_79 = tpu.matmul %get3A_13, %add3A_77, %dot_general3A_78 {dimension_numbers = #tpu.dot_dimension_numbers<[1], [0], [0], [1], [0, 0, 1, 1], [], []>, transpose_lhs_hint = false} : vector<192x64xf32>, vector<64x2048xf32>, vector<192x2048xf32> -> vector<192x2048xf32>
    %add3A_80 = vector.broadcast %get3A_16 : vector<192x1xf32> to vector<192x2048xf32>
    %add3A_81 = arith.addf %dot_general3A_79, %add3A_80 : vector<192x2048xf32>
    %dot_general3A_82 = arith.constant dense<0.000000e+00> : vector<192x2048xf32>
    %dot_general3A_83 = tpu.matmul %get3A_22, %scan3A_42#1, %dot_general3A_82 {dimension_numbers = #tpu.dot_dimension_numbers<[1], [0], [0], [1], [0, 0, 1, 1], [], []>, transpose_lhs_hint = false} : vector<192x64xf32>, vector<64x2048xf32>, vector<192x2048xf32> -> vector<192x2048xf32>
    %add3A_84 = vector.broadcast %get3A_19 : vector<192x1xf32> to vector<192x2048xf32>
    %add3A_85 = arith.addf %dot_general3A_83, %add3A_84 : vector<192x2048xf32>
    %slice3A_86 = vector.extract_strided_slice %add3A_81 {offsets = [0, 0], sizes = [64, 2048], strides = [1, 1]} : vector<192x2048xf32> to vector<64x2048xf32>
    %slice3A_87 = vector.extract_strided_slice %add3A_85 {offsets = [0, 0], sizes = [64, 2048], strides = [1, 1]} : vector<192x2048xf32> to vector<64x2048xf32>
    %add3A_88 = arith.addf %slice3A_86, %slice3A_87 : vector<64x2048xf32>
    %logistic3A_89 = arith.negf %add3A_88 : vector<64x2048xf32>
    %logistic3A_90 = math.exp %logistic3A_89 : vector<64x2048xf32>
    %logistic3A_91 = arith.constant 1.000000e+00 : f32
    %logistic3A_92 = vector.broadcast %logistic3A_91 : f32 to vector<64x2048xf32>
    %logistic3A_93 = arith.addf %logistic3A_92, %logistic3A_90 : vector<64x2048xf32>
    %logistic3A_94 = arith.divf %logistic3A_92, %logistic3A_93 : vector<64x2048xf32>
    %slice3A_95 = vector.extract_strided_slice %add3A_81 {offsets = [64, 0], sizes = [64, 2048], strides = [1, 1]} : vector<192x2048xf32> to vector<64x2048xf32>
    %slice3A_96 = vector.extract_strided_slice %add3A_85 {offsets = [64, 0], sizes = [64, 2048], strides = [1, 1]} : vector<192x2048xf32> to vector<64x2048xf32>
    %add3A_97 = arith.addf %slice3A_95, %slice3A_96 : vector<64x2048xf32>
    %logistic3A_98 = arith.negf %add3A_97 : vector<64x2048xf32>
    %logistic3A_99 = math.exp %logistic3A_98 : vector<64x2048xf32>
    %logistic3A_100 = arith.constant 1.000000e+00 : f32
    %logistic3A_101 = vector.broadcast %logistic3A_100 : f32 to vector<64x2048xf32>
    %logistic3A_102 = arith.addf %logistic3A_101, %logistic3A_99 : vector<64x2048xf32>
    %logistic3A_103 = arith.divf %logistic3A_101, %logistic3A_102 : vector<64x2048xf32>
    %slice3A_104 = vector.extract_strided_slice %add3A_81 {offsets = [128, 0], sizes = [64, 2048], strides = [1, 1]} : vector<192x2048xf32> to vector<64x2048xf32>
    %slice3A_105 = vector.extract_strided_slice %add3A_85 {offsets = [128, 0], sizes = [64, 2048], strides = [1, 1]} : vector<192x2048xf32> to vector<64x2048xf32>
    %mul3A_106 = arith.mulf %logistic3A_94, %slice3A_105 : vector<64x2048xf32>
    %add3A_107 = arith.addf %slice3A_104, %mul3A_106 : vector<64x2048xf32>
    %tanh3A_108 = math.tanh %add3A_107 : vector<64x2048xf32>
    %sub3A_109 = arith.constant 1.000000e+00 : f32
    %sub3A_110 = vector.broadcast %sub3A_109 : f32 to vector<64x2048xf32>
    %sub3A_111 = arith.subf %sub3A_110, %logistic3A_103 : vector<64x2048xf32>
    %mul3A_112 = arith.mulf %sub3A_111, %tanh3A_108 : vector<64x2048xf32>
    %mul3A_113 = arith.mulf %logistic3A_103, %scan3A_42#1 : vector<64x2048xf32>
    %add3A_114 = arith.addf %mul3A_112, %mul3A_113 : vector<64x2048xf32>
    %dot_general3A_115 = arith.constant dense<0.000000e+00> : vector<64x2048xf32>
    %dot_general3A_116 = tpu.matmul %get3A_25, %add3A_114, %dot_general3A_115 {dimension_numbers = #tpu.dot_dimension_numbers<[1], [0], [0], [1], [0, 0, 1, 1], [], []>, transpose_lhs_hint = false} : vector<64x64xf32>, vector<64x2048xf32>, vector<64x2048xf32> -> vector<64x2048xf32>
    %add3A_117 = vector.broadcast %get3A_28 : vector<64x1xf32> to vector<64x2048xf32>
    %add3A_118 = arith.addf %dot_general3A_116, %add3A_117 : vector<64x2048xf32>
    %max3A = arith.constant 0.000000e+00 : f32
    %max3A_119 = vector.broadcast %max3A : f32 to vector<64x2048xf32>
    %max3A_120 = arith.maximumf %add3A_118, %max3A_119 : vector<64x2048xf32>
    %mul3A_121 = vector.broadcast %get3A_31 : vector<64x1xf32> to vector<64x2048xf32>
    %mul3A_122 = arith.mulf %max3A_120, %mul3A_121 : vector<64x2048xf32>
    %reduce_sum3A = arith.constant dense<0.000000e+00> : vector<2048xf32>
    %reduce_sum3A_123 = vector.multi_reduction <add>, %mul3A_122, %reduce_sum3A [0] : vector<64x2048xf32> to vector<2048xf32>
    %broadcast_in_dim3A_124 = vector.shape_cast %reduce_sum3A_123 : vector<2048xf32> to vector<1x2048xf32>
    %add3A_125 = vector.broadcast %get3A_35 : f32 to vector<1x2048xf32>
    %add3A_126 = arith.addf %broadcast_in_dim3A_124, %add3A_125 : vector<1x2048xf32>
    %swap3A = arith.constant 0 : index
    %swap3A_127 = arith.constant 0 : index
    %swap3A_128 = vector.load %arg16[%swap3A, %swap3A_127] : memref<4x2048xf32, #tpu.memory_space<vmem>>, vector<1x2048xf32>
    tpu.vector_store %arg16[%swap3A, %swap3A_127], %add3A_126 {strides = array<i32>} : memref<4x2048xf32, #tpu.memory_space<vmem>>, vector<1x2048xf32>,
    %get3A_129 = arith.constant 0 : index
    %get3A_130 = arith.constant 0 : index
    %get3A_131 = vector.load %arg2[%get3A_129, %get3A_130] : memref<4x2048xf32, #tpu.memory_space<vmem>>, vector<1x2048xf32>
    %mul3A_132 = vector.broadcast %get3A_1 : vector<192x1xf32> to vector<192x2048xf32>
    %mul3A_133 = vector.broadcast %get3A_131 : vector<1x2048xf32> to vector<192x2048xf32>
    %mul3A_134 = arith.mulf %mul3A_132, %mul3A_133 : vector<192x2048xf32>
    %add3A_135 = vector.broadcast %get3A_4 : vector<192x1xf32> to vector<192x2048xf32>
    %add3A_136 = arith.addf %mul3A_134, %add3A_135 : vector<192x2048xf32>
    %dot_general3A_137 = arith.constant dense<0.000000e+00> : vector<192x2048xf32>
    %dot_general3A_138 = tpu.matmul %get3A_10, %add3A_77, %dot_general3A_137 {dimension_numbers = #tpu.dot_dimension_numbers<[1], [0], [0], [1], [0, 0, 1, 1], [], []>, transpose_lhs_hint = false} : vector<192x64xf32>, vector<64x2048xf32>, vector<192x2048xf32> -> vector<192x2048xf32>
    %add3A_139 = vector.broadcast %get3A_7 : vector<192x1xf32> to vector<192x2048xf32>
    %add3A_140 = arith.addf %dot_general3A_138, %add3A_139 : vector<192x2048xf32>
    %slice3A_141 = vector.extract_strided_slice %add3A_136 {offsets = [0, 0], sizes = [64, 2048], strides = [1, 1]} : vector<192x2048xf32> to vector<64x2048xf32>
    %slice3A_142 = vector.extract_strided_slice %add3A_140 {offsets = [0, 0], sizes = [64, 2048], strides = [1, 1]} : vector<192x2048xf32> to vector<64x2048xf32>
    %add3A_143 = arith.addf %slice3A_141, %slice3A_142 : vector<64x2048xf32>
    %logistic3A_144 = arith.negf %add3A_143 : vector<64x2048xf32>
    %logistic3A_145 = math.exp %logistic3A_144 : vector<64x2048xf32>
    %logistic3A_146 = arith.constant 1.000000e+00 : f32
    %logistic3A_147 = vector.broadcast %logistic3A_146 : f32 to vector<64x2048xf32>
    %logistic3A_148 = arith.addf %logistic3A_147, %logistic3A_145 : vector<64x2048xf32>
    %logistic3A_149 = arith.divf %logistic3A_147, %logistic3A_148 : vector<64x2048xf32>
    %slice3A_150 = vector.extract_strided_slice %add3A_136 {offsets = [64, 0], sizes = [64, 2048], strides = [1, 1]} : vector<192x2048xf32> to vector<64x2048xf32>
    %slice3A_151 = vector.extract_strided_slice %add3A_140 {offsets = [64, 0], sizes = [64, 2048], strides = [1, 1]} : vector<192x2048xf32> to vector<64x2048xf32>
    %add3A_152 = arith.addf %slice3A_150, %slice3A_151 : vector<64x2048xf32>
    %logistic3A_153 = arith.negf %add3A_152 : vector<64x2048xf32>
    %logistic3A_154 = math.exp %logistic3A_153 : vector<64x2048xf32>
    %logistic3A_155 = arith.constant 1.000000e+00 : f32
    %logistic3A_156 = vector.broadcast %logistic3A_155 : f32 to vector<64x2048xf32>
    %logistic3A_157 = arith.addf %logistic3A_156, %logistic3A_154 : vector<64x2048xf32>
    %logistic3A_158 = arith.divf %logistic3A_156, %logistic3A_157 : vector<64x2048xf32>
    %slice3A_159 = vector.extract_strided_slice %add3A_136 {offsets = [128, 0], sizes = [64, 2048], strides = [1, 1]} : vector<192x2048xf32> to vector<64x2048xf32>
    %slice3A_160 = vector.extract_strided_slice %add3A_140 {offsets = [128, 0], sizes = [64, 2048], strides = [1, 1]} : vector<192x2048xf32> to vector<64x2048xf32>
    %mul3A_161 = arith.mulf %logistic3A_149, %slice3A_160 : vector<64x2048xf32>
    %add3A_162 = arith.addf %slice3A_159, %mul3A_161 : vector<64x2048xf32>
    %tanh3A_163 = math.tanh %add3A_162 : vector<64x2048xf32>
    %sub3A_164 = arith.constant 1.000000e+00 : f32
    %sub3A_165 = vector.broadcast %sub3A_164 : f32 to vector<64x2048xf32>
    %sub3A_166 = arith.subf %sub3A_165, %logistic3A_158 : vector<64x2048xf32>
    %mul3A_167 = arith.mulf %sub3A_166, %tanh3A_163 : vector<64x2048xf32>
    %mul3A_168 = arith.mulf %logistic3A_158, %add3A_77 : vector<64x2048xf32>
    %add3A_169 = arith.addf %mul3A_167, %mul3A_168 : vector<64x2048xf32>
    %dot_general3A_170 = arith.constant dense<0.000000e+00> : vector<192x2048xf32>
    %dot_general3A_171 = tpu.matmul %get3A_13, %add3A_169, %dot_general3A_170 {dimension_numbers = #tpu.dot_dimension_numbers<[1], [0], [0], [1], [0, 0, 1, 1], [], []>, transpose_lhs_hint = false} : vector<192x64xf32>, vector<64x2048xf32>, vector<192x2048xf32> -> vector<192x2048xf32>
    %add3A_172 = vector.broadcast %get3A_16 : vector<192x1xf32> to vector<192x2048xf32>
    %add3A_173 = arith.addf %dot_general3A_171, %add3A_172 : vector<192x2048xf32>
    %dot_general3A_174 = arith.constant dense<0.000000e+00> : vector<192x2048xf32>
    %dot_general3A_175 = tpu.matmul %get3A_22, %add3A_114, %dot_general3A_174 {dimension_numbers = #tpu.dot_dimension_numbers<[1], [0], [0], [1], [0, 0, 1, 1], [], []>, transpose_lhs_hint = false} : vector<192x64xf32>, vector<64x2048xf32>, vector<192x2048xf32> -> vector<192x2048xf32>
    %add3A_176 = vector.broadcast %get3A_19 : vector<192x1xf32> to vector<192x2048xf32>
    %add3A_177 = arith.addf %dot_general3A_175, %add3A_176 : vector<192x2048xf32>
    %slice3A_178 = vector.extract_strided_slice %add3A_173 {offsets = [0, 0], sizes = [64, 2048], strides = [1, 1]} : vector<192x2048xf32> to vector<64x2048xf32>
    %slice3A_179 = vector.extract_strided_slice %add3A_177 {offsets = [0, 0], sizes = [64, 2048], strides = [1, 1]} : vector<192x2048xf32> to vector<64x2048xf32>
    %add3A_180 = arith.addf %slice3A_178, %slice3A_179 : vector<64x2048xf32>
    %logistic3A_181 = arith.negf %add3A_180 : vector<64x2048xf32>
    %logistic3A_182 = math.exp %logistic3A_181 : vector<64x2048xf32>
    %logistic3A_183 = arith.constant 1.000000e+00 : f32
    %logistic3A_184 = vector.broadcast %logistic3A_183 : f32 to vector<64x2048xf32>
    %logistic3A_185 = arith.addf %logistic3A_184, %logistic3A_182 : vector<64x2048xf32>
    %logistic3A_186 = arith.divf %logistic3A_184, %logistic3A_185 : vector<64x2048xf32>
    %slice3A_187 = vector.extract_strided_slice %add3A_173 {offsets = [64, 0], sizes = [64, 2048], strides = [1, 1]} : vector<192x2048xf32> to vector<64x2048xf32>
    %slice3A_188 = vector.extract_strided_slice %add3A_177 {offsets = [64, 0], sizes = [64, 2048], strides = [1, 1]} : vector<192x2048xf32> to vector<64x2048xf32>
    %add3A_189 = arith.addf %slice3A_187, %slice3A_188 : vector<64x2048xf32>
    %logistic3A_190 = arith.negf %add3A_189 : vector<64x2048xf32>
    %logistic3A_191 = math.exp %logistic3A_190 : vector<64x2048xf32>
    %logistic3A_192 = arith.constant 1.000000e+00 : f32
    %logistic3A_193 = vector.broadcast %logistic3A_192 : f32 to vector<64x2048xf32>
    %logistic3A_194 = arith.addf %logistic3A_193, %logistic3A_191 : vector<64x2048xf32>
    %logistic3A_195 = arith.divf %logistic3A_193, %logistic3A_194 : vector<64x2048xf32>
    %slice3A_196 = vector.extract_strided_slice %add3A_173 {offsets = [128, 0], sizes = [64, 2048], strides = [1, 1]} : vector<192x2048xf32> to vector<64x2048xf32>
    %slice3A_197 = vector.extract_strided_slice %add3A_177 {offsets = [128, 0], sizes = [64, 2048], strides = [1, 1]} : vector<192x2048xf32> to vector<64x2048xf32>
    %mul3A_198 = arith.mulf %logistic3A_186, %slice3A_197 : vector<64x2048xf32>
    %add3A_199 = arith.addf %slice3A_196, %mul3A_198 : vector<64x2048xf32>
    %tanh3A_200 = math.tanh %add3A_199 : vector<64x2048xf32>
    %sub3A_201 = arith.constant 1.000000e+00 : f32
    %sub3A_202 = vector.broadcast %sub3A_201 : f32 to vector<64x2048xf32>
    %sub3A_203 = arith.subf %sub3A_202, %logistic3A_195 : vector<64x2048xf32>
    %mul3A_204 = arith.mulf %sub3A_203, %tanh3A_200 : vector<64x2048xf32>
    %mul3A_205 = arith.mulf %logistic3A_195, %add3A_114 : vector<64x2048xf32>
    %add3A_206 = arith.addf %mul3A_204, %mul3A_205 : vector<64x2048xf32>
    %dot_general3A_207 = arith.constant dense<0.000000e+00> : vector<64x2048xf32>
    %dot_general3A_208 = tpu.matmul %get3A_25, %add3A_206, %dot_general3A_207 {dimension_numbers = #tpu.dot_dimension_numbers<[1], [0], [0], [1], [0, 0, 1, 1], [], []>, transpose_lhs_hint = false} : vector<64x64xf32>, vector<64x2048xf32>, vector<64x2048xf32> -> vector<64x2048xf32>
    %add3A_209 = vector.broadcast %get3A_28 : vector<64x1xf32> to vector<64x2048xf32>
    %add3A_210 = arith.addf %dot_general3A_208, %add3A_209 : vector<64x2048xf32>
    %max3A_211 = arith.constant 0.000000e+00 : f32
    %max3A_212 = vector.broadcast %max3A_211 : f32 to vector<64x2048xf32>
    %max3A_213 = arith.maximumf %add3A_210, %max3A_212 : vector<64x2048xf32>
    %mul3A_214 = vector.broadcast %get3A_31 : vector<64x1xf32> to vector<64x2048xf32>
    %mul3A_215 = arith.mulf %max3A_213, %mul3A_214 : vector<64x2048xf32>
    %reduce_sum3A_216 = arith.constant dense<0.000000e+00> : vector<2048xf32>
    %reduce_sum3A_217 = vector.multi_reduction <add>, %mul3A_215, %reduce_sum3A_216 [0] : vector<64x2048xf32> to vector<2048xf32>
    %broadcast_in_dim3A_218 = vector.shape_cast %reduce_sum3A_217 : vector<2048xf32> to vector<1x2048xf32>
    %add3A_219 = vector.broadcast %get3A_35 : f32 to vector<1x2048xf32>
    %add3A_220 = arith.addf %broadcast_in_dim3A_218, %add3A_219 : vector<1x2048xf32>
    %swap3A_221 = arith.constant 1 : index
    %swap3A_222 = arith.constant 0 : index
    %swap3A_223 = vector.load %arg16[%swap3A_221, %swap3A_222] : memref<4x2048xf32, #tpu.memory_space<vmem>>, vector<1x2048xf32>
    tpu.vector_store %arg16[%swap3A_221, %swap3A_222], %add3A_220 {strides = array<i32>} : memref<4x2048xf32, #tpu.memory_space<vmem>>, vector<1x2048xf32>,
    %get3A_224 = arith.constant 1 : index
    %get3A_225 = arith.constant 0 : index
    %get3A_226 = vector.load %arg2[%get3A_224, %get3A_225] : memref<4x2048xf32, #tpu.memory_space<vmem>>, vector<1x2048xf32>
    %mul3A_227 = vector.broadcast %get3A_1 : vector<192x1xf32> to vector<192x2048xf32>
    %mul3A_228 = vector.broadcast %get3A_226 : vector<1x2048xf32> to vector<192x2048xf32>
    %mul3A_229 = arith.mulf %mul3A_227, %mul3A_228 : vector<192x2048xf32>
    %add3A_230 = vector.broadcast %get3A_4 : vector<192x1xf32> to vector<192x2048xf32>
    %add3A_231 = arith.addf %mul3A_229, %add3A_230 : vector<192x2048xf32>
    %dot_general3A_232 = arith.constant dense<0.000000e+00> : vector<192x2048xf32>
    %dot_general3A_233 = tpu.matmul %get3A_10, %add3A_169, %dot_general3A_232 {dimension_numbers = #tpu.dot_dimension_numbers<[1], [0], [0], [1], [0, 0, 1, 1], [], []>, transpose_lhs_hint = false} : vector<192x64xf32>, vector<64x2048xf32>, vector<192x2048xf32> -> vector<192x2048xf32>
    %add3A_234 = vector.broadcast %get3A_7 : vector<192x1xf32> to vector<192x2048xf32>
    %add3A_235 = arith.addf %dot_general3A_233, %add3A_234 : vector<192x2048xf32>
    %slice3A_236 = vector.extract_strided_slice %add3A_231 {offsets = [0, 0], sizes = [64, 2048], strides = [1, 1]} : vector<192x2048xf32> to vector<64x2048xf32>
    %slice3A_237 = vector.extract_strided_slice %add3A_235 {offsets = [0, 0], sizes = [64, 2048], strides = [1, 1]} : vector<192x2048xf32> to vector<64x2048xf32>
    %add3A_238 = arith.addf %slice3A_236, %slice3A_237 : vector<64x2048xf32>
    %logistic3A_239 = arith.negf %add3A_238 : vector<64x2048xf32>
    %logistic3A_240 = math.exp %logistic3A_239 : vector<64x2048xf32>
    %logistic3A_241 = arith.constant 1.000000e+00 : f32
    %logistic3A_242 = vector.broadcast %logistic3A_241 : f32 to vector<64x2048xf32>
    %logistic3A_243 = arith.addf %logistic3A_242, %logistic3A_240 : vector<64x2048xf32>
    %logistic3A_244 = arith.divf %logistic3A_242, %logistic3A_243 : vector<64x2048xf32>
    %slice3A_245 = vector.extract_strided_slice %add3A_231 {offsets = [64, 0], sizes = [64, 2048], strides = [1, 1]} : vector<192x2048xf32> to vector<64x2048xf32>
    %slice3A_246 = vector.extract_strided_slice %add3A_235 {offsets = [64, 0], sizes = [64, 2048], strides = [1, 1]} : vector<192x2048xf32> to vector<64x2048xf32>
    %add3A_247 = arith.addf %slice3A_245, %slice3A_246 : vector<64x2048xf32>
    %logistic3A_248 = arith.negf %add3A_247 : vector<64x2048xf32>
    %logistic3A_249 = math.exp %logistic3A_248 : vector<64x2048xf32>
    %logistic3A_250 = arith.constant 1.000000e+00 : f32
    %logistic3A_251 = vector.broadcast %logistic3A_250 : f32 to vector<64x2048xf32>
    %logistic3A_252 = arith.addf %logistic3A_251, %logistic3A_249 : vector<64x2048xf32>
    %logistic3A_253 = arith.divf %logistic3A_251, %logistic3A_252 : vector<64x2048xf32>
    %slice3A_254 = vector.extract_strided_slice %add3A_231 {offsets = [128, 0], sizes = [64, 2048], strides = [1, 1]} : vector<192x2048xf32> to vector<64x2048xf32>
    %slice3A_255 = vector.extract_strided_slice %add3A_235 {offsets = [128, 0], sizes = [64, 2048], strides = [1, 1]} : vector<192x2048xf32> to vector<64x2048xf32>
    %mul3A_256 = arith.mulf %logistic3A_244, %slice3A_255 : vector<64x2048xf32>
    %add3A_257 = arith.addf %slice3A_254, %mul3A_256 : vector<64x2048xf32>
    %tanh3A_258 = math.tanh %add3A_257 : vector<64x2048xf32>
    %sub3A_259 = arith.constant 1.000000e+00 : f32
    %sub3A_260 = vector.broadcast %sub3A_259 : f32 to vector<64x2048xf32>
    %sub3A_261 = arith.subf %sub3A_260, %logistic3A_253 : vector<64x2048xf32>
    %mul3A_262 = arith.mulf %sub3A_261, %tanh3A_258 : vector<64x2048xf32>
    %mul3A_263 = arith.mulf %logistic3A_253, %add3A_169 : vector<64x2048xf32>
    %add3A_264 = arith.addf %mul3A_262, %mul3A_263 : vector<64x2048xf32>
    %dot_general3A_265 = arith.constant dense<0.000000e+00> : vector<192x2048xf32>
    %dot_general3A_266 = tpu.matmul %get3A_13, %add3A_264, %dot_general3A_265 {dimension_numbers = #tpu.dot_dimension_numbers<[1], [0], [0], [1], [0, 0, 1, 1], [], []>, transpose_lhs_hint = false} : vector<192x64xf32>, vector<64x2048xf32>, vector<192x2048xf32> -> vector<192x2048xf32>
    %add3A_267 = vector.broadcast %get3A_16 : vector<192x1xf32> to vector<192x2048xf32>
    %add3A_268 = arith.addf %dot_general3A_266, %add3A_267 : vector<192x2048xf32>
    %dot_general3A_269 = arith.constant dense<0.000000e+00> : vector<192x2048xf32>
    %dot_general3A_270 = tpu.matmul %get3A_22, %add3A_206, %dot_general3A_269 {dimension_numbers = #tpu.dot_dimension_numbers<[1], [0], [0], [1], [0, 0, 1, 1], [], []>, transpose_lhs_hint = false} : vector<192x64xf32>, vector<64x2048xf32>, vector<192x2048xf32> -> vector<192x2048xf32>
    %add3A_271 = vector.broadcast %get3A_19 : vector<192x1xf32> to vector<192x2048xf32>
    %add3A_272 = arith.addf %dot_general3A_270, %add3A_271 : vector<192x2048xf32>
    %slice3A_273 = vector.extract_strided_slice %add3A_268 {offsets = [0, 0], sizes = [64, 2048], strides = [1, 1]} : vector<192x2048xf32> to vector<64x2048xf32>
    %slice3A_274 = vector.extract_strided_slice %add3A_272 {offsets = [0, 0], sizes = [64, 2048], strides = [1, 1]} : vector<192x2048xf32> to vector<64x2048xf32>
    %add3A_275 = arith.addf %slice3A_273, %slice3A_274 : vector<64x2048xf32>
    %logistic3A_276 = arith.negf %add3A_275 : vector<64x2048xf32>
    %logistic3A_277 = math.exp %logistic3A_276 : vector<64x2048xf32>
    %logistic3A_278 = arith.constant 1.000000e+00 : f32
    %logistic3A_279 = vector.broadcast %logistic3A_278 : f32 to vector<64x2048xf32>
    %logistic3A_280 = arith.addf %logistic3A_279, %logistic3A_277 : vector<64x2048xf32>
    %logistic3A_281 = arith.divf %logistic3A_279, %logistic3A_280 : vector<64x2048xf32>
    %slice3A_282 = vector.extract_strided_slice %add3A_268 {offsets = [64, 0], sizes = [64, 2048], strides = [1, 1]} : vector<192x2048xf32> to vector<64x2048xf32>
    %slice3A_283 = vector.extract_strided_slice %add3A_272 {offsets = [64, 0], sizes = [64, 2048], strides = [1, 1]} : vector<192x2048xf32> to vector<64x2048xf32>
    %add3A_284 = arith.addf %slice3A_282, %slice3A_283 : vector<64x2048xf32>
    %logistic3A_285 = arith.negf %add3A_284 : vector<64x2048xf32>
    %logistic3A_286 = math.exp %logistic3A_285 : vector<64x2048xf32>
    %logistic3A_287 = arith.constant 1.000000e+00 : f32
    %logistic3A_288 = vector.broadcast %logistic3A_287 : f32 to vector<64x2048xf32>
    %logistic3A_289 = arith.addf %logistic3A_288, %logistic3A_286 : vector<64x2048xf32>
    %logistic3A_290 = arith.divf %logistic3A_288, %logistic3A_289 : vector<64x2048xf32>
    %slice3A_291 = vector.extract_strided_slice %add3A_268 {offsets = [128, 0], sizes = [64, 2048], strides = [1, 1]} : vector<192x2048xf32> to vector<64x2048xf32>
    %slice3A_292 = vector.extract_strided_slice %add3A_272 {offsets = [128, 0], sizes = [64, 2048], strides = [1, 1]} : vector<192x2048xf32> to vector<64x2048xf32>
    %mul3A_293 = arith.mulf %logistic3A_281, %slice3A_292 : vector<64x2048xf32>
    %add3A_294 = arith.addf %slice3A_291, %mul3A_293 : vector<64x2048xf32>
    %tanh3A_295 = math.tanh %add3A_294 : vector<64x2048xf32>
    %sub3A_296 = arith.constant 1.000000e+00 : f32
    %sub3A_297 = vector.broadcast %sub3A_296 : f32 to vector<64x2048xf32>
    %sub3A_298 = arith.subf %sub3A_297, %logistic3A_290 : vector<64x2048xf32>
    %mul3A_299 = arith.mulf %sub3A_298, %tanh3A_295 : vector<64x2048xf32>
    %mul3A_300 = arith.mulf %logistic3A_290, %add3A_206 : vector<64x2048xf32>
    %add3A_301 = arith.addf %mul3A_299, %mul3A_300 : vector<64x2048xf32>
    %dot_general3A_302 = arith.constant dense<0.000000e+00> : vector<64x2048xf32>
    %dot_general3A_303 = tpu.matmul %get3A_25, %add3A_301, %dot_general3A_302 {dimension_numbers = #tpu.dot_dimension_numbers<[1], [0], [0], [1], [0, 0, 1, 1], [], []>, transpose_lhs_hint = false} : vector<64x64xf32>, vector<64x2048xf32>, vector<64x2048xf32> -> vector<64x2048xf32>
    %add3A_304 = vector.broadcast %get3A_28 : vector<64x1xf32> to vector<64x2048xf32>
    %add3A_305 = arith.addf %dot_general3A_303, %add3A_304 : vector<64x2048xf32>
    %max3A_306 = arith.constant 0.000000e+00 : f32
    %max3A_307 = vector.broadcast %max3A_306 : f32 to vector<64x2048xf32>
    %max3A_308 = arith.maximumf %add3A_305, %max3A_307 : vector<64x2048xf32>
    %mul3A_309 = vector.broadcast %get3A_31 : vector<64x1xf32> to vector<64x2048xf32>
    %mul3A_310 = arith.mulf %max3A_308, %mul3A_309 : vector<64x2048xf32>
    %reduce_sum3A_311 = arith.constant dense<0.000000e+00> : vector<2048xf32>
    %reduce_sum3A_312 = vector.multi_reduction <add>, %mul3A_310, %reduce_sum3A_311 [0] : vector<64x2048xf32> to vector<2048xf32>
    %broadcast_in_dim3A_313 = vector.shape_cast %reduce_sum3A_312 : vector<2048xf32> to vector<1x2048xf32>
    %add3A_314 = vector.broadcast %get3A_35 : f32 to vector<1x2048xf32>
    %add3A_315 = arith.addf %broadcast_in_dim3A_313, %add3A_314 : vector<1x2048xf32>
    %swap3A_316 = arith.constant 2 : index
    %swap3A_317 = arith.constant 0 : index
    %swap3A_318 = vector.load %arg16[%swap3A_316, %swap3A_317] : memref<4x2048xf32, #tpu.memory_space<vmem>>, vector<1x2048xf32>
    tpu.vector_store %arg16[%swap3A_316, %swap3A_317], %add3A_315 {strides = array<i32>} : memref<4x2048xf32, #tpu.memory_space<vmem>>, vector<1x2048xf32>,
    %get3A_319 = arith.constant 2 : index
    %get3A_320 = arith.constant 0 : index
    %get3A_321 = vector.load %arg2[%get3A_319, %get3A_320] : memref<4x2048xf32, #tpu.memory_space<vmem>>, vector<1x2048xf32>
    %mul3A_322 = vector.broadcast %get3A_1 : vector<192x1xf32> to vector<192x2048xf32>
    %mul3A_323 = vector.broadcast %get3A_321 : vector<1x2048xf32> to vector<192x2048xf32>
    %mul3A_324 = arith.mulf %mul3A_322, %mul3A_323 : vector<192x2048xf32>
    %add3A_325 = vector.broadcast %get3A_4 : vector<192x1xf32> to vector<192x2048xf32>
    %add3A_326 = arith.addf %mul3A_324, %add3A_325 : vector<192x2048xf32>
    %dot_general3A_327 = arith.constant dense<0.000000e+00> : vector<192x2048xf32>
    %dot_general3A_328 = tpu.matmul %get3A_10, %add3A_264, %dot_general3A_327 {dimension_numbers = #tpu.dot_dimension_numbers<[1], [0], [0], [1], [0, 0, 1, 1], [], []>, transpose_lhs_hint = false} : vector<192x64xf32>, vector<64x2048xf32>, vector<192x2048xf32> -> vector<192x2048xf32>
    %add3A_329 = vector.broadcast %get3A_7 : vector<192x1xf32> to vector<192x2048xf32>
    %add3A_330 = arith.addf %dot_general3A_328, %add3A_329 : vector<192x2048xf32>
    %slice3A_331 = vector.extract_strided_slice %add3A_326 {offsets = [0, 0], sizes = [64, 2048], strides = [1, 1]} : vector<192x2048xf32> to vector<64x2048xf32>
    %slice3A_332 = vector.extract_strided_slice %add3A_330 {offsets = [0, 0], sizes = [64, 2048], strides = [1, 1]} : vector<192x2048xf32> to vector<64x2048xf32>
    %add3A_333 = arith.addf %slice3A_331, %slice3A_332 : vector<64x2048xf32>
    %logistic3A_334 = arith.negf %add3A_333 : vector<64x2048xf32>
    %logistic3A_335 = math.exp %logistic3A_334 : vector<64x2048xf32>
    %logistic3A_336 = arith.constant 1.000000e+00 : f32
    %logistic3A_337 = vector.broadcast %logistic3A_336 : f32 to vector<64x2048xf32>
    %logistic3A_338 = arith.addf %logistic3A_337, %logistic3A_335 : vector<64x2048xf32>
    %logistic3A_339 = arith.divf %logistic3A_337, %logistic3A_338 : vector<64x2048xf32>
    %slice3A_340 = vector.extract_strided_slice %add3A_326 {offsets = [64, 0], sizes = [64, 2048], strides = [1, 1]} : vector<192x2048xf32> to vector<64x2048xf32>
    %slice3A_341 = vector.extract_strided_slice %add3A_330 {offsets = [64, 0], sizes = [64, 2048], strides = [1, 1]} : vector<192x2048xf32> to vector<64x2048xf32>
    %add3A_342 = arith.addf %slice3A_340, %slice3A_341 : vector<64x2048xf32>
    %logistic3A_343 = arith.negf %add3A_342 : vector<64x2048xf32>
    %logistic3A_344 = math.exp %logistic3A_343 : vector<64x2048xf32>
    %logistic3A_345 = arith.constant 1.000000e+00 : f32
    %logistic3A_346 = vector.broadcast %logistic3A_345 : f32 to vector<64x2048xf32>
    %logistic3A_347 = arith.addf %logistic3A_346, %logistic3A_344 : vector<64x2048xf32>
    %logistic3A_348 = arith.divf %logistic3A_346, %logistic3A_347 : vector<64x2048xf32>
    %slice3A_349 = vector.extract_strided_slice %add3A_326 {offsets = [128, 0], sizes = [64, 2048], strides = [1, 1]} : vector<192x2048xf32> to vector<64x2048xf32>
    %slice3A_350 = vector.extract_strided_slice %add3A_330 {offsets = [128, 0], sizes = [64, 2048], strides = [1, 1]} : vector<192x2048xf32> to vector<64x2048xf32>
    %mul3A_351 = arith.mulf %logistic3A_339, %slice3A_350 : vector<64x2048xf32>
    %add3A_352 = arith.addf %slice3A_349, %mul3A_351 : vector<64x2048xf32>
    %tanh3A_353 = math.tanh %add3A_352 : vector<64x2048xf32>
    %sub3A_354 = arith.constant 1.000000e+00 : f32
    %sub3A_355 = vector.broadcast %sub3A_354 : f32 to vector<64x2048xf32>
    %sub3A_356 = arith.subf %sub3A_355, %logistic3A_348 : vector<64x2048xf32>
    %mul3A_357 = arith.mulf %sub3A_356, %tanh3A_353 : vector<64x2048xf32>
    %mul3A_358 = arith.mulf %logistic3A_348, %add3A_264 : vector<64x2048xf32>
    %add3A_359 = arith.addf %mul3A_357, %mul3A_358 : vector<64x2048xf32>
    %dot_general3A_360 = arith.constant dense<0.000000e+00> : vector<192x2048xf32>
    %dot_general3A_361 = tpu.matmul %get3A_13, %add3A_359, %dot_general3A_360 {dimension_numbers = #tpu.dot_dimension_numbers<[1], [0], [0], [1], [0, 0, 1, 1], [], []>, transpose_lhs_hint = false} : vector<192x64xf32>, vector<64x2048xf32>, vector<192x2048xf32> -> vector<192x2048xf32>
    %add3A_362 = vector.broadcast %get3A_16 : vector<192x1xf32> to vector<192x2048xf32>
    %add3A_363 = arith.addf %dot_general3A_361, %add3A_362 : vector<192x2048xf32>
    %dot_general3A_364 = arith.constant dense<0.000000e+00> : vector<192x2048xf32>
    %dot_general3A_365 = tpu.matmul %get3A_22, %add3A_301, %dot_general3A_364 {dimension_numbers = #tpu.dot_dimension_numbers<[1], [0], [0], [1], [0, 0, 1, 1], [], []>, transpose_lhs_hint = false} : vector<192x64xf32>, vector<64x2048xf32>, vector<192x2048xf32> -> vector<192x2048xf32>
    %add3A_366 = vector.broadcast %get3A_19 : vector<192x1xf32> to vector<192x2048xf32>
    %add3A_367 = arith.addf %dot_general3A_365, %add3A_366 : vector<192x2048xf32>
    %slice3A_368 = vector.extract_strided_slice %add3A_363 {offsets = [0, 0], sizes = [64, 2048], strides = [1, 1]} : vector<192x2048xf32> to vector<64x2048xf32>
    %slice3A_369 = vector.extract_strided_slice %add3A_367 {offsets = [0, 0], sizes = [64, 2048], strides = [1, 1]} : vector<192x2048xf32> to vector<64x2048xf32>
    %add3A_370 = arith.addf %slice3A_368, %slice3A_369 : vector<64x2048xf32>
    %logistic3A_371 = arith.negf %add3A_370 : vector<64x2048xf32>
    %logistic3A_372 = math.exp %logistic3A_371 : vector<64x2048xf32>
    %logistic3A_373 = arith.constant 1.000000e+00 : f32
    %logistic3A_374 = vector.broadcast %logistic3A_373 : f32 to vector<64x2048xf32>
    %logistic3A_375 = arith.addf %logistic3A_374, %logistic3A_372 : vector<64x2048xf32>
    %logistic3A_376 = arith.divf %logistic3A_374, %logistic3A_375 : vector<64x2048xf32>
    %slice3A_377 = vector.extract_strided_slice %add3A_363 {offsets = [64, 0], sizes = [64, 2048], strides = [1, 1]} : vector<192x2048xf32> to vector<64x2048xf32>
    %slice3A_378 = vector.extract_strided_slice %add3A_367 {offsets = [64, 0], sizes = [64, 2048], strides = [1, 1]} : vector<192x2048xf32> to vector<64x2048xf32>
    %add3A_379 = arith.addf %slice3A_377, %slice3A_378 : vector<64x2048xf32>
    %logistic3A_380 = arith.negf %add3A_379 : vector<64x2048xf32>
    %logistic3A_381 = math.exp %logistic3A_380 : vector<64x2048xf32>
    %logistic3A_382 = arith.constant 1.000000e+00 : f32
    %logistic3A_383 = vector.broadcast %logistic3A_382 : f32 to vector<64x2048xf32>
    %logistic3A_384 = arith.addf %logistic3A_383, %logistic3A_381 : vector<64x2048xf32>
    %logistic3A_385 = arith.divf %logistic3A_383, %logistic3A_384 : vector<64x2048xf32>
    %slice3A_386 = vector.extract_strided_slice %add3A_363 {offsets = [128, 0], sizes = [64, 2048], strides = [1, 1]} : vector<192x2048xf32> to vector<64x2048xf32>
    %slice3A_387 = vector.extract_strided_slice %add3A_367 {offsets = [128, 0], sizes = [64, 2048], strides = [1, 1]} : vector<192x2048xf32> to vector<64x2048xf32>
    %mul3A_388 = arith.mulf %logistic3A_376, %slice3A_387 : vector<64x2048xf32>
    %add3A_389 = arith.addf %slice3A_386, %mul3A_388 : vector<64x2048xf32>
    %tanh3A_390 = math.tanh %add3A_389 : vector<64x2048xf32>
    %sub3A_391 = arith.constant 1.000000e+00 : f32
    %sub3A_392 = vector.broadcast %sub3A_391 : f32 to vector<64x2048xf32>
    %sub3A_393 = arith.subf %sub3A_392, %logistic3A_385 : vector<64x2048xf32>
    %mul3A_394 = arith.mulf %sub3A_393, %tanh3A_390 : vector<64x2048xf32>
    %mul3A_395 = arith.mulf %logistic3A_385, %add3A_301 : vector<64x2048xf32>
    %add3A_396 = arith.addf %mul3A_394, %mul3A_395 : vector<64x2048xf32>
    %dot_general3A_397 = arith.constant dense<0.000000e+00> : vector<64x2048xf32>
    %dot_general3A_398 = tpu.matmul %get3A_25, %add3A_396, %dot_general3A_397 {dimension_numbers = #tpu.dot_dimension_numbers<[1], [0], [0], [1], [0, 0, 1, 1], [], []>, transpose_lhs_hint = false} : vector<64x64xf32>, vector<64x2048xf32>, vector<64x2048xf32> -> vector<64x2048xf32>
    %add3A_399 = vector.broadcast %get3A_28 : vector<64x1xf32> to vector<64x2048xf32>
    %add3A_400 = arith.addf %dot_general3A_398, %add3A_399 : vector<64x2048xf32>
    %max3A_401 = arith.constant 0.000000e+00 : f32
    %max3A_402 = vector.broadcast %max3A_401 : f32 to vector<64x2048xf32>
    %max3A_403 = arith.maximumf %add3A_400, %max3A_402 : vector<64x2048xf32>
    %mul3A_404 = vector.broadcast %get3A_31 : vector<64x1xf32> to vector<64x2048xf32>
    %mul3A_405 = arith.mulf %max3A_403, %mul3A_404 : vector<64x2048xf32>
    %reduce_sum3A_406 = arith.constant dense<0.000000e+00> : vector<2048xf32>
    %reduce_sum3A_407 = vector.multi_reduction <add>, %mul3A_405, %reduce_sum3A_406 [0] : vector<64x2048xf32> to vector<2048xf32>
    %broadcast_in_dim3A_408 = vector.shape_cast %reduce_sum3A_407 : vector<2048xf32> to vector<1x2048xf32>
    %add3A_409 = vector.broadcast %get3A_35 : f32 to vector<1x2048xf32>
    %add3A_410 = arith.addf %broadcast_in_dim3A_408, %add3A_409 : vector<1x2048xf32>
    %swap3A_411 = arith.constant 3 : index
    %swap3A_412 = arith.constant 0 : index
    %swap3A_413 = vector.load %arg16[%swap3A_411, %swap3A_412] : memref<4x2048xf32, #tpu.memory_space<vmem>>, vector<1x2048xf32>
    tpu.vector_store %arg16[%swap3A_411, %swap3A_412], %add3A_410 {strides = array<i32>} : memref<4x2048xf32, #tpu.memory_space<vmem>>, vector<1x2048xf32>,
    return
  }
  func.func @transform_0(%arg0: i32) -> (i32, i32) {
    %c0_i32 = arith.constant 0 : i32
    %c0_i32_0 = arith.constant 0 : i32
    return %c0_i32, %arg0 : i32, i32
  }
  func.func @transform_1(%arg0: i32) -> (i32, i32) {
    %c0_i32 = arith.constant 0 : i32
    %c0_i32_0 = arith.constant 0 : i32
    return %c0_i32, %arg0 : i32, i32
  }
  func.func @transform_2(%arg0: i32) -> (i32, i32) {
    %c0_i32 = arith.constant 0 : i32
    %c0_i32_0 = arith.constant 0 : i32
    %c0_i32_1 = arith.constant 0 : i32
    return %c0_i32, %c0_i32_0 : i32, i32
  }
  func.func @transform_3(%arg0: i32) -> (i32, i32) {
    %c0_i32 = arith.constant 0 : i32
    %c0_i32_0 = arith.constant 0 : i32
    %c0_i32_1 = arith.constant 0 : i32
    return %c0_i32, %c0_i32_0 : i32, i32
  }
  func.func @transform_4(%arg0: i32) -> (i32, i32) {
    %c0_i32 = arith.constant 0 : i32
    %c0_i32_0 = arith.constant 0 : i32
    %c0_i32_1 = arith.constant 0 : i32
    return %c0_i32, %c0_i32_0 : i32, i32
  }
  func.func @transform_5(%arg0: i32) -> (i32, i32) {
    %c0_i32 = arith.constant 0 : i32
    %c0_i32_0 = arith.constant 0 : i32
    %c0_i32_1 = arith.constant 0 : i32
    return %c0_i32, %c0_i32_0 : i32, i32
  }
  func.func @transform_6(%arg0: i32) -> (i32, i32) {
    %c0_i32 = arith.constant 0 : i32
    %c0_i32_0 = arith.constant 0 : i32
    %c0_i32_1 = arith.constant 0 : i32
    return %c0_i32, %c0_i32_0 : i32, i32
  }
  func.func @transform_7(%arg0: i32) -> (i32, i32) {
    %c0_i32 = arith.constant 0 : i32
    %c0_i32_0 = arith.constant 0 : i32
    %c0_i32_1 = arith.constant 0 : i32
    return %c0_i32, %c0_i32_0 : i32, i32
  }
  func.func @transform_8(%arg0: i32) -> (i32, i32) {
    %c0_i32 = arith.constant 0 : i32
    %c0_i32_0 = arith.constant 0 : i32
    %c0_i32_1 = arith.constant 0 : i32
    return %c0_i32, %c0_i32_0 : i32, i32
  }
  func.func @transform_9(%arg0: i32) -> (i32, i32) {
    %c0_i32 = arith.constant 0 : i32
    %c0_i32_0 = arith.constant 0 : i32
    %c0_i32_1 = arith.constant 0 : i32
    return %c0_i32, %c0_i32_0 : i32, i32
  }
  func.func @transform_10(%arg0: i32) -> (i32, i32) {
    %c0_i32 = arith.constant 0 : i32
    %c0_i32_0 = arith.constant 0 : i32
    %c0_i32_1 = arith.constant 0 : i32
    return %c0_i32, %c0_i32_0 : i32, i32
  }
  func.func @transform_11(%arg0: i32) -> (i32, i32) {
    %c0_i32 = arith.constant 0 : i32
    %c0_i32_0 = arith.constant 0 : i32
    %c0_i32_1 = arith.constant 0 : i32
    return %c0_i32, %c0_i32_0 : i32, i32
  }
  func.func @transform_12(%arg0: i32) -> (i32, i32) {
    %c0_i32 = arith.constant 0 : i32
    %c0_i32_0 = arith.constant 0 : i32
    %c0_i32_1 = arith.constant 0 : i32
    return %c0_i32, %c0_i32_0 : i32, i32
  }
  func.func @transform_13(%arg0: i32) -> (i32, i32) {
    %c0_i32 = arith.constant 0 : i32
    %c0_i32_0 = arith.constant 0 : i32
    %c0_i32_1 = arith.constant 0 : i32
    return %c0_i32, %c0_i32_0 : i32, i32
  }
  func.func @transform_14(%arg0: i32) -> (i32, i32) {
    %c0_i32 = arith.constant 0 : i32
    %c0_i32_0 = arith.constant 0 : i32
    return %c0_i32, %arg0 : i32, i32
  }
  func.func @transform_15(%arg0: i32) -> (i32, i32) {
    %c0_i32 = arith.constant 0 : i32
    %c0_i32_0 = arith.constant 0 : i32
    return %c0_i32, %arg0 : i32, i32
  }
}

module attributes {stable_mosaic.version = 14 : i64} {
  func.func @_mlp_body(%arg0: i32, %arg1: memref<2048x128xf32, #tpu.memory_space<vmem>>, %arg2: memref<2048x128xf32, #tpu.memory_space<vmem>>, %arg3: memref<1x16384xf32, #tpu.memory_space<vmem>>, %arg4: memref<256x16xf32, #tpu.memory_space<vmem>>, %arg5: memref<256x16xf32, #tpu.memory_space<vmem>>, %arg6: memref<256x1xf32, #tpu.memory_space<vmem>>, %arg7: memref<128x256xf32, #tpu.memory_space<vmem>>, %arg8: memref<128x1xf32, #tpu.memory_space<vmem>>, %arg9: memref<4x128xf32, #tpu.memory_space<vmem>>, %arg10: memref<1x1xf32, #tpu.memory_space<vmem>>, %arg11: memref<8x16384xf32, #tpu.memory_space<vmem>>) attributes {dimension_semantics = [#tpu.dimension_semantics<arbitrary>], iteration_bounds = array<i64: 40>, scalar_prefetch = 0 : i64, scratch_operands = 0 : i64, tpu.core_type = #tpu.core_type<tc>, window_params = [{transform_indices = @transform_0, window_bounds = array<i64: 2048, 128>}, {transform_indices = @transform_1, window_bounds = array<i64: 2048, 128>}, {transform_indices = @transform_2, window_bounds = array<i64: 1, 16384>}, {pipeline_mode = #tpu.pipeline_mode<synchronous>, transform_indices = @transform_3, window_bounds = array<i64: 256, 16>}, {pipeline_mode = #tpu.pipeline_mode<synchronous>, transform_indices = @transform_4, window_bounds = array<i64: 256, 16>}, {pipeline_mode = #tpu.pipeline_mode<synchronous>, transform_indices = @transform_5, window_bounds = array<i64: 256, 1>}, {pipeline_mode = #tpu.pipeline_mode<synchronous>, transform_indices = @transform_6, window_bounds = array<i64: 128, 256>}, {pipeline_mode = #tpu.pipeline_mode<synchronous>, transform_indices = @transform_7, window_bounds = array<i64: 128, 1>}, {pipeline_mode = #tpu.pipeline_mode<synchronous>, transform_indices = @transform_8, window_bounds = array<i64: 4, 128>}, {pipeline_mode = #tpu.pipeline_mode<synchronous>, transform_indices = @transform_9, window_bounds = array<i64: 1, 1>}, {transform_indices = @transform_10, window_bounds = array<i64: 8, 16384>}]} {
    %get3A = arith.constant 0 : index
    %get3A_0 = arith.constant 0 : index
    %get3A_1 = vector.load %arg1[%get3A, %get3A_0] : memref<2048x128xf32, #tpu.memory_space<vmem>>, vector<2048x128xf32>
    %transpose3A = tpu.transpose %get3A_1, [1, 0] : vector<2048x128xf32> -> vector<128x2048xf32>
    %get3A_2 = arith.constant 0 : index
    %get3A_3 = arith.constant 0 : index
    %get3A_4 = vector.load %arg2[%get3A_2, %get3A_3] : memref<2048x128xf32, #tpu.memory_space<vmem>>, vector<2048x128xf32>
    %transpose3A_5 = tpu.transpose %get3A_4, [1, 0] : vector<2048x128xf32> -> vector<128x2048xf32>
    %get3A_6 = arith.constant 0 : index
    %get3A_7 = arith.constant 0 : index
    %get3A_8 = vector.load %arg3[%get3A_6, %get3A_7] : memref<1x16384xf32, #tpu.memory_space<vmem>>, vector<1x16384xf32>
    %get3A_9 = arith.constant 0 : index
    %get3A_10 = arith.constant 0 : index
    %get3A_11 = vector.load %arg10[%get3A_9, %get3A_10] : memref<1x1xf32, #tpu.memory_space<vmem>>, vector<1x1xf32>
    %get3A_12 = vector.extract %get3A_11[0, 0] : f32 from vector<1x1xf32>
    %broadcast_in_dim3A = arith.constant 0.000000e+00 : f32
    %broadcast_in_dim3A_13 = vector.broadcast %broadcast_in_dim3A : f32 to vector<3x16384xf32>
    %swap3A = arith.constant 5 : index
    %swap3A_14 = arith.constant 0 : index
    %swap3A_15 = vector.load %arg11[%swap3A, %swap3A_14] : memref<8x16384xf32, #tpu.memory_space<vmem>>, vector<3x16384xf32>
    tpu.vector_store %arg11[%swap3A, %swap3A_14], %broadcast_in_dim3A_13 {strides = array<i32>} : memref<8x16384xf32, #tpu.memory_space<vmem>>, vector<3x16384xf32>,
    %slice3A = vector.extract_strided_slice %transpose3A {offsets = [0, 0], sizes = [16, 2048], strides = [1, 1]} : vector<128x2048xf32> to vector<16x2048xf32>
    %slice3A_16 = vector.extract_strided_slice %transpose3A_5 {offsets = [0, 0], sizes = [16, 2048], strides = [1, 1]} : vector<128x2048xf32> to vector<16x2048xf32>
    %get3A_17 = arith.constant 0 : index
    %get3A_18 = arith.constant 0 : index
    %get3A_19 = vector.load %arg4[%get3A_17, %get3A_18] : memref<256x16xf32, #tpu.memory_space<vmem>>, vector<256x16xf32>
    %dot_general3A = arith.constant dense<0.000000e+00> : vector<256x2048xf32>
    %dot_general3A_20 = tpu.matmul %get3A_19, %slice3A, %dot_general3A {dimension_numbers = #tpu.dot_dimension_numbers<[1], [0], [0], [1], [0, 0, 1, 1], [], []>, transpose_lhs_hint = false} : vector<256x16xf32>, vector<16x2048xf32>, vector<256x2048xf32> -> vector<256x2048xf32>
    %get3A_21 = arith.constant 0 : index
    %get3A_22 = arith.constant 0 : index
    %get3A_23 = vector.load %arg5[%get3A_21, %get3A_22] : memref<256x16xf32, #tpu.memory_space<vmem>>, vector<256x16xf32>
    %dot_general3A_24 = arith.constant dense<0.000000e+00> : vector<256x2048xf32>
    %dot_general3A_25 = tpu.matmul %get3A_23, %slice3A_16, %dot_general3A_24 {dimension_numbers = #tpu.dot_dimension_numbers<[1], [0], [0], [1], [0, 0, 1, 1], [], []>, transpose_lhs_hint = false} : vector<256x16xf32>, vector<16x2048xf32>, vector<256x2048xf32> -> vector<256x2048xf32>
    %add3A = arith.addf %dot_general3A_20, %dot_general3A_25 : vector<256x2048xf32>
    %get3A_26 = arith.constant 0 : index
    %get3A_27 = arith.constant 0 : index
    %get3A_28 = vector.load %arg6[%get3A_26, %get3A_27] : memref<256x1xf32, #tpu.memory_space<vmem>>, vector<256x1xf32>
    %add3A_29 = vector.broadcast %get3A_28 : vector<256x1xf32> to vector<256x2048xf32>
    %add3A_30 = arith.addf %add3A, %add3A_29 : vector<256x2048xf32>
    %max3A = arith.constant 0.000000e+00 : f32
    %max3A_31 = vector.broadcast %max3A : f32 to vector<256x2048xf32>
    %max3A_32 = arith.maximumf %add3A_30, %max3A_31 : vector<256x2048xf32>
    %get3A_33 = arith.constant 0 : index
    %get3A_34 = arith.constant 0 : index
    %get3A_35 = vector.load %arg7[%get3A_33, %get3A_34] : memref<128x256xf32, #tpu.memory_space<vmem>>, vector<128x256xf32>
    %dot_general3A_36 = arith.constant dense<0.000000e+00> : vector<128x2048xf32>
    %dot_general3A_37 = tpu.matmul %get3A_35, %max3A_32, %dot_general3A_36 {dimension_numbers = #tpu.dot_dimension_numbers<[1], [0], [0], [1], [0, 0, 1, 1], [], []>, transpose_lhs_hint = false} : vector<128x256xf32>, vector<256x2048xf32>, vector<128x2048xf32> -> vector<128x2048xf32>
    %get3A_38 = arith.constant 0 : index
    %get3A_39 = arith.constant 0 : index
    %get3A_40 = vector.load %arg8[%get3A_38, %get3A_39] : memref<128x1xf32, #tpu.memory_space<vmem>>, vector<128x1xf32>
    %add3A_41 = vector.broadcast %get3A_40 : vector<128x1xf32> to vector<128x2048xf32>
    %add3A_42 = arith.addf %dot_general3A_37, %add3A_41 : vector<128x2048xf32>
    %max3A_43 = arith.constant 0.000000e+00 : f32
    %max3A_44 = vector.broadcast %max3A_43 : f32 to vector<128x2048xf32>
    %max3A_45 = arith.maximumf %add3A_42, %max3A_44 : vector<128x2048xf32>
    %get3A_46 = arith.constant 0 : index
    %get3A_47 = arith.constant 0 : index
    %get3A_48 = vector.load %arg9[%get3A_46, %get3A_47] : memref<4x128xf32, #tpu.memory_space<vmem>>, vector<4x128xf32>
    %dot_general3A_49 = arith.constant dense<0.000000e+00> : vector<4x2048xf32>
    %dot_general3A_50 = tpu.matmul %get3A_48, %max3A_45, %dot_general3A_49 {dimension_numbers = #tpu.dot_dimension_numbers<[1], [0], [0], [1], [0, 0, 1, 1], [], []>, transpose_lhs_hint = false} : vector<4x128xf32>, vector<128x2048xf32>, vector<4x2048xf32> -> vector<4x2048xf32>
    %add3A_51 = vector.broadcast %get3A_12 : f32 to vector<4x2048xf32>
    %add3A_52 = arith.addf %dot_general3A_50, %add3A_51 : vector<4x2048xf32>
    %slice3A_53 = vector.extract_strided_slice %get3A_8 {offsets = [0, 0], sizes = [1, 2048], strides = [1, 1]} : vector<1x16384xf32> to vector<1x2048xf32>
    %mul3A = vector.broadcast %slice3A_53 : vector<1x2048xf32> to vector<4x2048xf32>
    %mul3A_54 = arith.mulf %add3A_52, %mul3A : vector<4x2048xf32>
    %swap3A_55 = arith.constant 0 : index
    %swap3A_56 = arith.constant 0 : index
    %swap3A_57 = vector.load %arg11[%swap3A_55, %swap3A_56] : memref<8x16384xf32, #tpu.memory_space<vmem>>, vector<4x2048xf32>
    tpu.vector_store %arg11[%swap3A_55, %swap3A_56], %mul3A_54 {strides = array<i32>} : memref<8x16384xf32, #tpu.memory_space<vmem>>, vector<4x2048xf32>,
    %swap3A_58 = arith.constant 4 : index
    %swap3A_59 = arith.constant 0 : index
    %swap3A_60 = vector.load %arg11[%swap3A_58, %swap3A_59] : memref<8x16384xf32, #tpu.memory_space<vmem>>, vector<1x2048xf32>
    tpu.vector_store %arg11[%swap3A_58, %swap3A_59], %slice3A_53 {strides = array<i32>} : memref<8x16384xf32, #tpu.memory_space<vmem>>, vector<1x2048xf32>,
    %slice3A_61 = vector.extract_strided_slice %transpose3A {offsets = [16, 0], sizes = [16, 2048], strides = [1, 1]} : vector<128x2048xf32> to vector<16x2048xf32>
    %slice3A_62 = vector.extract_strided_slice %transpose3A_5 {offsets = [16, 0], sizes = [16, 2048], strides = [1, 1]} : vector<128x2048xf32> to vector<16x2048xf32>
    %get3A_63 = arith.constant 0 : index
    %get3A_64 = arith.constant 0 : index
    %get3A_65 = vector.load %arg4[%get3A_63, %get3A_64] : memref<256x16xf32, #tpu.memory_space<vmem>>, vector<256x16xf32>
    %dot_general3A_66 = arith.constant dense<0.000000e+00> : vector<256x2048xf32>
    %dot_general3A_67 = tpu.matmul %get3A_65, %slice3A_61, %dot_general3A_66 {dimension_numbers = #tpu.dot_dimension_numbers<[1], [0], [0], [1], [0, 0, 1, 1], [], []>, transpose_lhs_hint = false} : vector<256x16xf32>, vector<16x2048xf32>, vector<256x2048xf32> -> vector<256x2048xf32>
    %get3A_68 = arith.constant 0 : index
    %get3A_69 = arith.constant 0 : index
    %get3A_70 = vector.load %arg5[%get3A_68, %get3A_69] : memref<256x16xf32, #tpu.memory_space<vmem>>, vector<256x16xf32>
    %dot_general3A_71 = arith.constant dense<0.000000e+00> : vector<256x2048xf32>
    %dot_general3A_72 = tpu.matmul %get3A_70, %slice3A_62, %dot_general3A_71 {dimension_numbers = #tpu.dot_dimension_numbers<[1], [0], [0], [1], [0, 0, 1, 1], [], []>, transpose_lhs_hint = false} : vector<256x16xf32>, vector<16x2048xf32>, vector<256x2048xf32> -> vector<256x2048xf32>
    %add3A_73 = arith.addf %dot_general3A_67, %dot_general3A_72 : vector<256x2048xf32>
    %get3A_74 = arith.constant 0 : index
    %get3A_75 = arith.constant 0 : index
    %get3A_76 = vector.load %arg6[%get3A_74, %get3A_75] : memref<256x1xf32, #tpu.memory_space<vmem>>, vector<256x1xf32>
    %add3A_77 = vector.broadcast %get3A_76 : vector<256x1xf32> to vector<256x2048xf32>
    %add3A_78 = arith.addf %add3A_73, %add3A_77 : vector<256x2048xf32>
    %max3A_79 = arith.constant 0.000000e+00 : f32
    %max3A_80 = vector.broadcast %max3A_79 : f32 to vector<256x2048xf32>
    %max3A_81 = arith.maximumf %add3A_78, %max3A_80 : vector<256x2048xf32>
    %get3A_82 = arith.constant 0 : index
    %get3A_83 = arith.constant 0 : index
    %get3A_84 = vector.load %arg7[%get3A_82, %get3A_83] : memref<128x256xf32, #tpu.memory_space<vmem>>, vector<128x256xf32>
    %dot_general3A_85 = arith.constant dense<0.000000e+00> : vector<128x2048xf32>
    %dot_general3A_86 = tpu.matmul %get3A_84, %max3A_81, %dot_general3A_85 {dimension_numbers = #tpu.dot_dimension_numbers<[1], [0], [0], [1], [0, 0, 1, 1], [], []>, transpose_lhs_hint = false} : vector<128x256xf32>, vector<256x2048xf32>, vector<128x2048xf32> -> vector<128x2048xf32>
    %get3A_87 = arith.constant 0 : index
    %get3A_88 = arith.constant 0 : index
    %get3A_89 = vector.load %arg8[%get3A_87, %get3A_88] : memref<128x1xf32, #tpu.memory_space<vmem>>, vector<128x1xf32>
    %add3A_90 = vector.broadcast %get3A_89 : vector<128x1xf32> to vector<128x2048xf32>
    %add3A_91 = arith.addf %dot_general3A_86, %add3A_90 : vector<128x2048xf32>
    %max3A_92 = arith.constant 0.000000e+00 : f32
    %max3A_93 = vector.broadcast %max3A_92 : f32 to vector<128x2048xf32>
    %max3A_94 = arith.maximumf %add3A_91, %max3A_93 : vector<128x2048xf32>
    %get3A_95 = arith.constant 0 : index
    %get3A_96 = arith.constant 0 : index
    %get3A_97 = vector.load %arg9[%get3A_95, %get3A_96] : memref<4x128xf32, #tpu.memory_space<vmem>>, vector<4x128xf32>
    %dot_general3A_98 = arith.constant dense<0.000000e+00> : vector<4x2048xf32>
    %dot_general3A_99 = tpu.matmul %get3A_97, %max3A_94, %dot_general3A_98 {dimension_numbers = #tpu.dot_dimension_numbers<[1], [0], [0], [1], [0, 0, 1, 1], [], []>, transpose_lhs_hint = false} : vector<4x128xf32>, vector<128x2048xf32>, vector<4x2048xf32> -> vector<4x2048xf32>
    %add3A_100 = vector.broadcast %get3A_12 : f32 to vector<4x2048xf32>
    %add3A_101 = arith.addf %dot_general3A_99, %add3A_100 : vector<4x2048xf32>
    %slice3A_102 = vector.extract_strided_slice %get3A_8 {offsets = [0, 2048], sizes = [1, 2048], strides = [1, 1]} : vector<1x16384xf32> to vector<1x2048xf32>
    %mul3A_103 = vector.broadcast %slice3A_102 : vector<1x2048xf32> to vector<4x2048xf32>
    %mul3A_104 = arith.mulf %add3A_101, %mul3A_103 : vector<4x2048xf32>
    %swap3A_105 = arith.constant 0 : index
    %swap3A_106 = arith.constant 2048 : index
    %swap3A_107 = vector.load %arg11[%swap3A_105, %swap3A_106] : memref<8x16384xf32, #tpu.memory_space<vmem>>, vector<4x2048xf32>
    tpu.vector_store %arg11[%swap3A_105, %swap3A_106], %mul3A_104 {strides = array<i32>} : memref<8x16384xf32, #tpu.memory_space<vmem>>, vector<4x2048xf32>,
    %swap3A_108 = arith.constant 4 : index
    %swap3A_109 = arith.constant 2048 : index
    %swap3A_110 = vector.load %arg11[%swap3A_108, %swap3A_109] : memref<8x16384xf32, #tpu.memory_space<vmem>>, vector<1x2048xf32>
    tpu.vector_store %arg11[%swap3A_108, %swap3A_109], %slice3A_102 {strides = array<i32>} : memref<8x16384xf32, #tpu.memory_space<vmem>>, vector<1x2048xf32>,
    %slice3A_111 = vector.extract_strided_slice %transpose3A {offsets = [32, 0], sizes = [16, 2048], strides = [1, 1]} : vector<128x2048xf32> to vector<16x2048xf32>
    %slice3A_112 = vector.extract_strided_slice %transpose3A_5 {offsets = [32, 0], sizes = [16, 2048], strides = [1, 1]} : vector<128x2048xf32> to vector<16x2048xf32>
    %get3A_113 = arith.constant 0 : index
    %get3A_114 = arith.constant 0 : index
    %get3A_115 = vector.load %arg4[%get3A_113, %get3A_114] : memref<256x16xf32, #tpu.memory_space<vmem>>, vector<256x16xf32>
    %dot_general3A_116 = arith.constant dense<0.000000e+00> : vector<256x2048xf32>
    %dot_general3A_117 = tpu.matmul %get3A_115, %slice3A_111, %dot_general3A_116 {dimension_numbers = #tpu.dot_dimension_numbers<[1], [0], [0], [1], [0, 0, 1, 1], [], []>, transpose_lhs_hint = false} : vector<256x16xf32>, vector<16x2048xf32>, vector<256x2048xf32> -> vector<256x2048xf32>
    %get3A_118 = arith.constant 0 : index
    %get3A_119 = arith.constant 0 : index
    %get3A_120 = vector.load %arg5[%get3A_118, %get3A_119] : memref<256x16xf32, #tpu.memory_space<vmem>>, vector<256x16xf32>
    %dot_general3A_121 = arith.constant dense<0.000000e+00> : vector<256x2048xf32>
    %dot_general3A_122 = tpu.matmul %get3A_120, %slice3A_112, %dot_general3A_121 {dimension_numbers = #tpu.dot_dimension_numbers<[1], [0], [0], [1], [0, 0, 1, 1], [], []>, transpose_lhs_hint = false} : vector<256x16xf32>, vector<16x2048xf32>, vector<256x2048xf32> -> vector<256x2048xf32>
    %add3A_123 = arith.addf %dot_general3A_117, %dot_general3A_122 : vector<256x2048xf32>
    %get3A_124 = arith.constant 0 : index
    %get3A_125 = arith.constant 0 : index
    %get3A_126 = vector.load %arg6[%get3A_124, %get3A_125] : memref<256x1xf32, #tpu.memory_space<vmem>>, vector<256x1xf32>
    %add3A_127 = vector.broadcast %get3A_126 : vector<256x1xf32> to vector<256x2048xf32>
    %add3A_128 = arith.addf %add3A_123, %add3A_127 : vector<256x2048xf32>
    %max3A_129 = arith.constant 0.000000e+00 : f32
    %max3A_130 = vector.broadcast %max3A_129 : f32 to vector<256x2048xf32>
    %max3A_131 = arith.maximumf %add3A_128, %max3A_130 : vector<256x2048xf32>
    %get3A_132 = arith.constant 0 : index
    %get3A_133 = arith.constant 0 : index
    %get3A_134 = vector.load %arg7[%get3A_132, %get3A_133] : memref<128x256xf32, #tpu.memory_space<vmem>>, vector<128x256xf32>
    %dot_general3A_135 = arith.constant dense<0.000000e+00> : vector<128x2048xf32>
    %dot_general3A_136 = tpu.matmul %get3A_134, %max3A_131, %dot_general3A_135 {dimension_numbers = #tpu.dot_dimension_numbers<[1], [0], [0], [1], [0, 0, 1, 1], [], []>, transpose_lhs_hint = false} : vector<128x256xf32>, vector<256x2048xf32>, vector<128x2048xf32> -> vector<128x2048xf32>
    %get3A_137 = arith.constant 0 : index
    %get3A_138 = arith.constant 0 : index
    %get3A_139 = vector.load %arg8[%get3A_137, %get3A_138] : memref<128x1xf32, #tpu.memory_space<vmem>>, vector<128x1xf32>
    %add3A_140 = vector.broadcast %get3A_139 : vector<128x1xf32> to vector<128x2048xf32>
    %add3A_141 = arith.addf %dot_general3A_136, %add3A_140 : vector<128x2048xf32>
    %max3A_142 = arith.constant 0.000000e+00 : f32
    %max3A_143 = vector.broadcast %max3A_142 : f32 to vector<128x2048xf32>
    %max3A_144 = arith.maximumf %add3A_141, %max3A_143 : vector<128x2048xf32>
    %get3A_145 = arith.constant 0 : index
    %get3A_146 = arith.constant 0 : index
    %get3A_147 = vector.load %arg9[%get3A_145, %get3A_146] : memref<4x128xf32, #tpu.memory_space<vmem>>, vector<4x128xf32>
    %dot_general3A_148 = arith.constant dense<0.000000e+00> : vector<4x2048xf32>
    %dot_general3A_149 = tpu.matmul %get3A_147, %max3A_144, %dot_general3A_148 {dimension_numbers = #tpu.dot_dimension_numbers<[1], [0], [0], [1], [0, 0, 1, 1], [], []>, transpose_lhs_hint = false} : vector<4x128xf32>, vector<128x2048xf32>, vector<4x2048xf32> -> vector<4x2048xf32>
    %add3A_150 = vector.broadcast %get3A_12 : f32 to vector<4x2048xf32>
    %add3A_151 = arith.addf %dot_general3A_149, %add3A_150 : vector<4x2048xf32>
    %slice3A_152 = vector.extract_strided_slice %get3A_8 {offsets = [0, 4096], sizes = [1, 2048], strides = [1, 1]} : vector<1x16384xf32> to vector<1x2048xf32>
    %mul3A_153 = vector.broadcast %slice3A_152 : vector<1x2048xf32> to vector<4x2048xf32>
    %mul3A_154 = arith.mulf %add3A_151, %mul3A_153 : vector<4x2048xf32>
    %swap3A_155 = arith.constant 0 : index
    %swap3A_156 = arith.constant 4096 : index
    %swap3A_157 = vector.load %arg11[%swap3A_155, %swap3A_156] : memref<8x16384xf32, #tpu.memory_space<vmem>>, vector<4x2048xf32>
    tpu.vector_store %arg11[%swap3A_155, %swap3A_156], %mul3A_154 {strides = array<i32>} : memref<8x16384xf32, #tpu.memory_space<vmem>>, vector<4x2048xf32>,
    %swap3A_158 = arith.constant 4 : index
    %swap3A_159 = arith.constant 4096 : index
    %swap3A_160 = vector.load %arg11[%swap3A_158, %swap3A_159] : memref<8x16384xf32, #tpu.memory_space<vmem>>, vector<1x2048xf32>
    tpu.vector_store %arg11[%swap3A_158, %swap3A_159], %slice3A_152 {strides = array<i32>} : memref<8x16384xf32, #tpu.memory_space<vmem>>, vector<1x2048xf32>,
    %slice3A_161 = vector.extract_strided_slice %transpose3A {offsets = [48, 0], sizes = [16, 2048], strides = [1, 1]} : vector<128x2048xf32> to vector<16x2048xf32>
    %slice3A_162 = vector.extract_strided_slice %transpose3A_5 {offsets = [48, 0], sizes = [16, 2048], strides = [1, 1]} : vector<128x2048xf32> to vector<16x2048xf32>
    %get3A_163 = arith.constant 0 : index
    %get3A_164 = arith.constant 0 : index
    %get3A_165 = vector.load %arg4[%get3A_163, %get3A_164] : memref<256x16xf32, #tpu.memory_space<vmem>>, vector<256x16xf32>
    %dot_general3A_166 = arith.constant dense<0.000000e+00> : vector<256x2048xf32>
    %dot_general3A_167 = tpu.matmul %get3A_165, %slice3A_161, %dot_general3A_166 {dimension_numbers = #tpu.dot_dimension_numbers<[1], [0], [0], [1], [0, 0, 1, 1], [], []>, transpose_lhs_hint = false} : vector<256x16xf32>, vector<16x2048xf32>, vector<256x2048xf32> -> vector<256x2048xf32>
    %get3A_168 = arith.constant 0 : index
    %get3A_169 = arith.constant 0 : index
    %get3A_170 = vector.load %arg5[%get3A_168, %get3A_169] : memref<256x16xf32, #tpu.memory_space<vmem>>, vector<256x16xf32>
    %dot_general3A_171 = arith.constant dense<0.000000e+00> : vector<256x2048xf32>
    %dot_general3A_172 = tpu.matmul %get3A_170, %slice3A_162, %dot_general3A_171 {dimension_numbers = #tpu.dot_dimension_numbers<[1], [0], [0], [1], [0, 0, 1, 1], [], []>, transpose_lhs_hint = false} : vector<256x16xf32>, vector<16x2048xf32>, vector<256x2048xf32> -> vector<256x2048xf32>
    %add3A_173 = arith.addf %dot_general3A_167, %dot_general3A_172 : vector<256x2048xf32>
    %get3A_174 = arith.constant 0 : index
    %get3A_175 = arith.constant 0 : index
    %get3A_176 = vector.load %arg6[%get3A_174, %get3A_175] : memref<256x1xf32, #tpu.memory_space<vmem>>, vector<256x1xf32>
    %add3A_177 = vector.broadcast %get3A_176 : vector<256x1xf32> to vector<256x2048xf32>
    %add3A_178 = arith.addf %add3A_173, %add3A_177 : vector<256x2048xf32>
    %max3A_179 = arith.constant 0.000000e+00 : f32
    %max3A_180 = vector.broadcast %max3A_179 : f32 to vector<256x2048xf32>
    %max3A_181 = arith.maximumf %add3A_178, %max3A_180 : vector<256x2048xf32>
    %get3A_182 = arith.constant 0 : index
    %get3A_183 = arith.constant 0 : index
    %get3A_184 = vector.load %arg7[%get3A_182, %get3A_183] : memref<128x256xf32, #tpu.memory_space<vmem>>, vector<128x256xf32>
    %dot_general3A_185 = arith.constant dense<0.000000e+00> : vector<128x2048xf32>
    %dot_general3A_186 = tpu.matmul %get3A_184, %max3A_181, %dot_general3A_185 {dimension_numbers = #tpu.dot_dimension_numbers<[1], [0], [0], [1], [0, 0, 1, 1], [], []>, transpose_lhs_hint = false} : vector<128x256xf32>, vector<256x2048xf32>, vector<128x2048xf32> -> vector<128x2048xf32>
    %get3A_187 = arith.constant 0 : index
    %get3A_188 = arith.constant 0 : index
    %get3A_189 = vector.load %arg8[%get3A_187, %get3A_188] : memref<128x1xf32, #tpu.memory_space<vmem>>, vector<128x1xf32>
    %add3A_190 = vector.broadcast %get3A_189 : vector<128x1xf32> to vector<128x2048xf32>
    %add3A_191 = arith.addf %dot_general3A_186, %add3A_190 : vector<128x2048xf32>
    %max3A_192 = arith.constant 0.000000e+00 : f32
    %max3A_193 = vector.broadcast %max3A_192 : f32 to vector<128x2048xf32>
    %max3A_194 = arith.maximumf %add3A_191, %max3A_193 : vector<128x2048xf32>
    %get3A_195 = arith.constant 0 : index
    %get3A_196 = arith.constant 0 : index
    %get3A_197 = vector.load %arg9[%get3A_195, %get3A_196] : memref<4x128xf32, #tpu.memory_space<vmem>>, vector<4x128xf32>
    %dot_general3A_198 = arith.constant dense<0.000000e+00> : vector<4x2048xf32>
    %dot_general3A_199 = tpu.matmul %get3A_197, %max3A_194, %dot_general3A_198 {dimension_numbers = #tpu.dot_dimension_numbers<[1], [0], [0], [1], [0, 0, 1, 1], [], []>, transpose_lhs_hint = false} : vector<4x128xf32>, vector<128x2048xf32>, vector<4x2048xf32> -> vector<4x2048xf32>
    %add3A_200 = vector.broadcast %get3A_12 : f32 to vector<4x2048xf32>
    %add3A_201 = arith.addf %dot_general3A_199, %add3A_200 : vector<4x2048xf32>
    %slice3A_202 = vector.extract_strided_slice %get3A_8 {offsets = [0, 6144], sizes = [1, 2048], strides = [1, 1]} : vector<1x16384xf32> to vector<1x2048xf32>
    %mul3A_203 = vector.broadcast %slice3A_202 : vector<1x2048xf32> to vector<4x2048xf32>
    %mul3A_204 = arith.mulf %add3A_201, %mul3A_203 : vector<4x2048xf32>
    %swap3A_205 = arith.constant 0 : index
    %swap3A_206 = arith.constant 6144 : index
    %swap3A_207 = vector.load %arg11[%swap3A_205, %swap3A_206] : memref<8x16384xf32, #tpu.memory_space<vmem>>, vector<4x2048xf32>
    tpu.vector_store %arg11[%swap3A_205, %swap3A_206], %mul3A_204 {strides = array<i32>} : memref<8x16384xf32, #tpu.memory_space<vmem>>, vector<4x2048xf32>,
    %swap3A_208 = arith.constant 4 : index
    %swap3A_209 = arith.constant 6144 : index
    %swap3A_210 = vector.load %arg11[%swap3A_208, %swap3A_209] : memref<8x16384xf32, #tpu.memory_space<vmem>>, vector<1x2048xf32>
    tpu.vector_store %arg11[%swap3A_208, %swap3A_209], %slice3A_202 {strides = array<i32>} : memref<8x16384xf32, #tpu.memory_space<vmem>>, vector<1x2048xf32>,
    %slice3A_211 = vector.extract_strided_slice %transpose3A {offsets = [64, 0], sizes = [16, 2048], strides = [1, 1]} : vector<128x2048xf32> to vector<16x2048xf32>
    %slice3A_212 = vector.extract_strided_slice %transpose3A_5 {offsets = [64, 0], sizes = [16, 2048], strides = [1, 1]} : vector<128x2048xf32> to vector<16x2048xf32>
    %get3A_213 = arith.constant 0 : index
    %get3A_214 = arith.constant 0 : index
    %get3A_215 = vector.load %arg4[%get3A_213, %get3A_214] : memref<256x16xf32, #tpu.memory_space<vmem>>, vector<256x16xf32>
    %dot_general3A_216 = arith.constant dense<0.000000e+00> : vector<256x2048xf32>
    %dot_general3A_217 = tpu.matmul %get3A_215, %slice3A_211, %dot_general3A_216 {dimension_numbers = #tpu.dot_dimension_numbers<[1], [0], [0], [1], [0, 0, 1, 1], [], []>, transpose_lhs_hint = false} : vector<256x16xf32>, vector<16x2048xf32>, vector<256x2048xf32> -> vector<256x2048xf32>
    %get3A_218 = arith.constant 0 : index
    %get3A_219 = arith.constant 0 : index
    %get3A_220 = vector.load %arg5[%get3A_218, %get3A_219] : memref<256x16xf32, #tpu.memory_space<vmem>>, vector<256x16xf32>
    %dot_general3A_221 = arith.constant dense<0.000000e+00> : vector<256x2048xf32>
    %dot_general3A_222 = tpu.matmul %get3A_220, %slice3A_212, %dot_general3A_221 {dimension_numbers = #tpu.dot_dimension_numbers<[1], [0], [0], [1], [0, 0, 1, 1], [], []>, transpose_lhs_hint = false} : vector<256x16xf32>, vector<16x2048xf32>, vector<256x2048xf32> -> vector<256x2048xf32>
    %add3A_223 = arith.addf %dot_general3A_217, %dot_general3A_222 : vector<256x2048xf32>
    %get3A_224 = arith.constant 0 : index
    %get3A_225 = arith.constant 0 : index
    %get3A_226 = vector.load %arg6[%get3A_224, %get3A_225] : memref<256x1xf32, #tpu.memory_space<vmem>>, vector<256x1xf32>
    %add3A_227 = vector.broadcast %get3A_226 : vector<256x1xf32> to vector<256x2048xf32>
    %add3A_228 = arith.addf %add3A_223, %add3A_227 : vector<256x2048xf32>
    %max3A_229 = arith.constant 0.000000e+00 : f32
    %max3A_230 = vector.broadcast %max3A_229 : f32 to vector<256x2048xf32>
    %max3A_231 = arith.maximumf %add3A_228, %max3A_230 : vector<256x2048xf32>
    %get3A_232 = arith.constant 0 : index
    %get3A_233 = arith.constant 0 : index
    %get3A_234 = vector.load %arg7[%get3A_232, %get3A_233] : memref<128x256xf32, #tpu.memory_space<vmem>>, vector<128x256xf32>
    %dot_general3A_235 = arith.constant dense<0.000000e+00> : vector<128x2048xf32>
    %dot_general3A_236 = tpu.matmul %get3A_234, %max3A_231, %dot_general3A_235 {dimension_numbers = #tpu.dot_dimension_numbers<[1], [0], [0], [1], [0, 0, 1, 1], [], []>, transpose_lhs_hint = false} : vector<128x256xf32>, vector<256x2048xf32>, vector<128x2048xf32> -> vector<128x2048xf32>
    %get3A_237 = arith.constant 0 : index
    %get3A_238 = arith.constant 0 : index
    %get3A_239 = vector.load %arg8[%get3A_237, %get3A_238] : memref<128x1xf32, #tpu.memory_space<vmem>>, vector<128x1xf32>
    %add3A_240 = vector.broadcast %get3A_239 : vector<128x1xf32> to vector<128x2048xf32>
    %add3A_241 = arith.addf %dot_general3A_236, %add3A_240 : vector<128x2048xf32>
    %max3A_242 = arith.constant 0.000000e+00 : f32
    %max3A_243 = vector.broadcast %max3A_242 : f32 to vector<128x2048xf32>
    %max3A_244 = arith.maximumf %add3A_241, %max3A_243 : vector<128x2048xf32>
    %get3A_245 = arith.constant 0 : index
    %get3A_246 = arith.constant 0 : index
    %get3A_247 = vector.load %arg9[%get3A_245, %get3A_246] : memref<4x128xf32, #tpu.memory_space<vmem>>, vector<4x128xf32>
    %dot_general3A_248 = arith.constant dense<0.000000e+00> : vector<4x2048xf32>
    %dot_general3A_249 = tpu.matmul %get3A_247, %max3A_244, %dot_general3A_248 {dimension_numbers = #tpu.dot_dimension_numbers<[1], [0], [0], [1], [0, 0, 1, 1], [], []>, transpose_lhs_hint = false} : vector<4x128xf32>, vector<128x2048xf32>, vector<4x2048xf32> -> vector<4x2048xf32>
    %add3A_250 = vector.broadcast %get3A_12 : f32 to vector<4x2048xf32>
    %add3A_251 = arith.addf %dot_general3A_249, %add3A_250 : vector<4x2048xf32>
    %slice3A_252 = vector.extract_strided_slice %get3A_8 {offsets = [0, 8192], sizes = [1, 2048], strides = [1, 1]} : vector<1x16384xf32> to vector<1x2048xf32>
    %mul3A_253 = vector.broadcast %slice3A_252 : vector<1x2048xf32> to vector<4x2048xf32>
    %mul3A_254 = arith.mulf %add3A_251, %mul3A_253 : vector<4x2048xf32>
    %swap3A_255 = arith.constant 0 : index
    %swap3A_256 = arith.constant 8192 : index
    %swap3A_257 = vector.load %arg11[%swap3A_255, %swap3A_256] : memref<8x16384xf32, #tpu.memory_space<vmem>>, vector<4x2048xf32>
    tpu.vector_store %arg11[%swap3A_255, %swap3A_256], %mul3A_254 {strides = array<i32>} : memref<8x16384xf32, #tpu.memory_space<vmem>>, vector<4x2048xf32>,
    %swap3A_258 = arith.constant 4 : index
    %swap3A_259 = arith.constant 8192 : index
    %swap3A_260 = vector.load %arg11[%swap3A_258, %swap3A_259] : memref<8x16384xf32, #tpu.memory_space<vmem>>, vector<1x2048xf32>
    tpu.vector_store %arg11[%swap3A_258, %swap3A_259], %slice3A_252 {strides = array<i32>} : memref<8x16384xf32, #tpu.memory_space<vmem>>, vector<1x2048xf32>,
    %slice3A_261 = vector.extract_strided_slice %transpose3A {offsets = [80, 0], sizes = [16, 2048], strides = [1, 1]} : vector<128x2048xf32> to vector<16x2048xf32>
    %slice3A_262 = vector.extract_strided_slice %transpose3A_5 {offsets = [80, 0], sizes = [16, 2048], strides = [1, 1]} : vector<128x2048xf32> to vector<16x2048xf32>
    %get3A_263 = arith.constant 0 : index
    %get3A_264 = arith.constant 0 : index
    %get3A_265 = vector.load %arg4[%get3A_263, %get3A_264] : memref<256x16xf32, #tpu.memory_space<vmem>>, vector<256x16xf32>
    %dot_general3A_266 = arith.constant dense<0.000000e+00> : vector<256x2048xf32>
    %dot_general3A_267 = tpu.matmul %get3A_265, %slice3A_261, %dot_general3A_266 {dimension_numbers = #tpu.dot_dimension_numbers<[1], [0], [0], [1], [0, 0, 1, 1], [], []>, transpose_lhs_hint = false} : vector<256x16xf32>, vector<16x2048xf32>, vector<256x2048xf32> -> vector<256x2048xf32>
    %get3A_268 = arith.constant 0 : index
    %get3A_269 = arith.constant 0 : index
    %get3A_270 = vector.load %arg5[%get3A_268, %get3A_269] : memref<256x16xf32, #tpu.memory_space<vmem>>, vector<256x16xf32>
    %dot_general3A_271 = arith.constant dense<0.000000e+00> : vector<256x2048xf32>
    %dot_general3A_272 = tpu.matmul %get3A_270, %slice3A_262, %dot_general3A_271 {dimension_numbers = #tpu.dot_dimension_numbers<[1], [0], [0], [1], [0, 0, 1, 1], [], []>, transpose_lhs_hint = false} : vector<256x16xf32>, vector<16x2048xf32>, vector<256x2048xf32> -> vector<256x2048xf32>
    %add3A_273 = arith.addf %dot_general3A_267, %dot_general3A_272 : vector<256x2048xf32>
    %get3A_274 = arith.constant 0 : index
    %get3A_275 = arith.constant 0 : index
    %get3A_276 = vector.load %arg6[%get3A_274, %get3A_275] : memref<256x1xf32, #tpu.memory_space<vmem>>, vector<256x1xf32>
    %add3A_277 = vector.broadcast %get3A_276 : vector<256x1xf32> to vector<256x2048xf32>
    %add3A_278 = arith.addf %add3A_273, %add3A_277 : vector<256x2048xf32>
    %max3A_279 = arith.constant 0.000000e+00 : f32
    %max3A_280 = vector.broadcast %max3A_279 : f32 to vector<256x2048xf32>
    %max3A_281 = arith.maximumf %add3A_278, %max3A_280 : vector<256x2048xf32>
    %get3A_282 = arith.constant 0 : index
    %get3A_283 = arith.constant 0 : index
    %get3A_284 = vector.load %arg7[%get3A_282, %get3A_283] : memref<128x256xf32, #tpu.memory_space<vmem>>, vector<128x256xf32>
    %dot_general3A_285 = arith.constant dense<0.000000e+00> : vector<128x2048xf32>
    %dot_general3A_286 = tpu.matmul %get3A_284, %max3A_281, %dot_general3A_285 {dimension_numbers = #tpu.dot_dimension_numbers<[1], [0], [0], [1], [0, 0, 1, 1], [], []>, transpose_lhs_hint = false} : vector<128x256xf32>, vector<256x2048xf32>, vector<128x2048xf32> -> vector<128x2048xf32>
    %get3A_287 = arith.constant 0 : index
    %get3A_288 = arith.constant 0 : index
    %get3A_289 = vector.load %arg8[%get3A_287, %get3A_288] : memref<128x1xf32, #tpu.memory_space<vmem>>, vector<128x1xf32>
    %add3A_290 = vector.broadcast %get3A_289 : vector<128x1xf32> to vector<128x2048xf32>
    %add3A_291 = arith.addf %dot_general3A_286, %add3A_290 : vector<128x2048xf32>
    %max3A_292 = arith.constant 0.000000e+00 : f32
    %max3A_293 = vector.broadcast %max3A_292 : f32 to vector<128x2048xf32>
    %max3A_294 = arith.maximumf %add3A_291, %max3A_293 : vector<128x2048xf32>
    %get3A_295 = arith.constant 0 : index
    %get3A_296 = arith.constant 0 : index
    %get3A_297 = vector.load %arg9[%get3A_295, %get3A_296] : memref<4x128xf32, #tpu.memory_space<vmem>>, vector<4x128xf32>
    %dot_general3A_298 = arith.constant dense<0.000000e+00> : vector<4x2048xf32>
    %dot_general3A_299 = tpu.matmul %get3A_297, %max3A_294, %dot_general3A_298 {dimension_numbers = #tpu.dot_dimension_numbers<[1], [0], [0], [1], [0, 0, 1, 1], [], []>, transpose_lhs_hint = false} : vector<4x128xf32>, vector<128x2048xf32>, vector<4x2048xf32> -> vector<4x2048xf32>
    %add3A_300 = vector.broadcast %get3A_12 : f32 to vector<4x2048xf32>
    %add3A_301 = arith.addf %dot_general3A_299, %add3A_300 : vector<4x2048xf32>
    %slice3A_302 = vector.extract_strided_slice %get3A_8 {offsets = [0, 10240], sizes = [1, 2048], strides = [1, 1]} : vector<1x16384xf32> to vector<1x2048xf32>
    %mul3A_303 = vector.broadcast %slice3A_302 : vector<1x2048xf32> to vector<4x2048xf32>
    %mul3A_304 = arith.mulf %add3A_301, %mul3A_303 : vector<4x2048xf32>
    %swap3A_305 = arith.constant 0 : index
    %swap3A_306 = arith.constant 10240 : index
    %swap3A_307 = vector.load %arg11[%swap3A_305, %swap3A_306] : memref<8x16384xf32, #tpu.memory_space<vmem>>, vector<4x2048xf32>
    tpu.vector_store %arg11[%swap3A_305, %swap3A_306], %mul3A_304 {strides = array<i32>} : memref<8x16384xf32, #tpu.memory_space<vmem>>, vector<4x2048xf32>,
    %swap3A_308 = arith.constant 4 : index
    %swap3A_309 = arith.constant 10240 : index
    %swap3A_310 = vector.load %arg11[%swap3A_308, %swap3A_309] : memref<8x16384xf32, #tpu.memory_space<vmem>>, vector<1x2048xf32>
    tpu.vector_store %arg11[%swap3A_308, %swap3A_309], %slice3A_302 {strides = array<i32>} : memref<8x16384xf32, #tpu.memory_space<vmem>>, vector<1x2048xf32>,
    %slice3A_311 = vector.extract_strided_slice %transpose3A {offsets = [96, 0], sizes = [16, 2048], strides = [1, 1]} : vector<128x2048xf32> to vector<16x2048xf32>
    %slice3A_312 = vector.extract_strided_slice %transpose3A_5 {offsets = [96, 0], sizes = [16, 2048], strides = [1, 1]} : vector<128x2048xf32> to vector<16x2048xf32>
    %get3A_313 = arith.constant 0 : index
    %get3A_314 = arith.constant 0 : index
    %get3A_315 = vector.load %arg4[%get3A_313, %get3A_314] : memref<256x16xf32, #tpu.memory_space<vmem>>, vector<256x16xf32>
    %dot_general3A_316 = arith.constant dense<0.000000e+00> : vector<256x2048xf32>
    %dot_general3A_317 = tpu.matmul %get3A_315, %slice3A_311, %dot_general3A_316 {dimension_numbers = #tpu.dot_dimension_numbers<[1], [0], [0], [1], [0, 0, 1, 1], [], []>, transpose_lhs_hint = false} : vector<256x16xf32>, vector<16x2048xf32>, vector<256x2048xf32> -> vector<256x2048xf32>
    %get3A_318 = arith.constant 0 : index
    %get3A_319 = arith.constant 0 : index
    %get3A_320 = vector.load %arg5[%get3A_318, %get3A_319] : memref<256x16xf32, #tpu.memory_space<vmem>>, vector<256x16xf32>
    %dot_general3A_321 = arith.constant dense<0.000000e+00> : vector<256x2048xf32>
    %dot_general3A_322 = tpu.matmul %get3A_320, %slice3A_312, %dot_general3A_321 {dimension_numbers = #tpu.dot_dimension_numbers<[1], [0], [0], [1], [0, 0, 1, 1], [], []>, transpose_lhs_hint = false} : vector<256x16xf32>, vector<16x2048xf32>, vector<256x2048xf32> -> vector<256x2048xf32>
    %add3A_323 = arith.addf %dot_general3A_317, %dot_general3A_322 : vector<256x2048xf32>
    %get3A_324 = arith.constant 0 : index
    %get3A_325 = arith.constant 0 : index
    %get3A_326 = vector.load %arg6[%get3A_324, %get3A_325] : memref<256x1xf32, #tpu.memory_space<vmem>>, vector<256x1xf32>
    %add3A_327 = vector.broadcast %get3A_326 : vector<256x1xf32> to vector<256x2048xf32>
    %add3A_328 = arith.addf %add3A_323, %add3A_327 : vector<256x2048xf32>
    %max3A_329 = arith.constant 0.000000e+00 : f32
    %max3A_330 = vector.broadcast %max3A_329 : f32 to vector<256x2048xf32>
    %max3A_331 = arith.maximumf %add3A_328, %max3A_330 : vector<256x2048xf32>
    %get3A_332 = arith.constant 0 : index
    %get3A_333 = arith.constant 0 : index
    %get3A_334 = vector.load %arg7[%get3A_332, %get3A_333] : memref<128x256xf32, #tpu.memory_space<vmem>>, vector<128x256xf32>
    %dot_general3A_335 = arith.constant dense<0.000000e+00> : vector<128x2048xf32>
    %dot_general3A_336 = tpu.matmul %get3A_334, %max3A_331, %dot_general3A_335 {dimension_numbers = #tpu.dot_dimension_numbers<[1], [0], [0], [1], [0, 0, 1, 1], [], []>, transpose_lhs_hint = false} : vector<128x256xf32>, vector<256x2048xf32>, vector<128x2048xf32> -> vector<128x2048xf32>
    %get3A_337 = arith.constant 0 : index
    %get3A_338 = arith.constant 0 : index
    %get3A_339 = vector.load %arg8[%get3A_337, %get3A_338] : memref<128x1xf32, #tpu.memory_space<vmem>>, vector<128x1xf32>
    %add3A_340 = vector.broadcast %get3A_339 : vector<128x1xf32> to vector<128x2048xf32>
    %add3A_341 = arith.addf %dot_general3A_336, %add3A_340 : vector<128x2048xf32>
    %max3A_342 = arith.constant 0.000000e+00 : f32
    %max3A_343 = vector.broadcast %max3A_342 : f32 to vector<128x2048xf32>
    %max3A_344 = arith.maximumf %add3A_341, %max3A_343 : vector<128x2048xf32>
    %get3A_345 = arith.constant 0 : index
    %get3A_346 = arith.constant 0 : index
    %get3A_347 = vector.load %arg9[%get3A_345, %get3A_346] : memref<4x128xf32, #tpu.memory_space<vmem>>, vector<4x128xf32>
    %dot_general3A_348 = arith.constant dense<0.000000e+00> : vector<4x2048xf32>
    %dot_general3A_349 = tpu.matmul %get3A_347, %max3A_344, %dot_general3A_348 {dimension_numbers = #tpu.dot_dimension_numbers<[1], [0], [0], [1], [0, 0, 1, 1], [], []>, transpose_lhs_hint = false} : vector<4x128xf32>, vector<128x2048xf32>, vector<4x2048xf32> -> vector<4x2048xf32>
    %add3A_350 = vector.broadcast %get3A_12 : f32 to vector<4x2048xf32>
    %add3A_351 = arith.addf %dot_general3A_349, %add3A_350 : vector<4x2048xf32>
    %slice3A_352 = vector.extract_strided_slice %get3A_8 {offsets = [0, 12288], sizes = [1, 2048], strides = [1, 1]} : vector<1x16384xf32> to vector<1x2048xf32>
    %mul3A_353 = vector.broadcast %slice3A_352 : vector<1x2048xf32> to vector<4x2048xf32>
    %mul3A_354 = arith.mulf %add3A_351, %mul3A_353 : vector<4x2048xf32>
    %swap3A_355 = arith.constant 0 : index
    %swap3A_356 = arith.constant 12288 : index
    %swap3A_357 = vector.load %arg11[%swap3A_355, %swap3A_356] : memref<8x16384xf32, #tpu.memory_space<vmem>>, vector<4x2048xf32>
    tpu.vector_store %arg11[%swap3A_355, %swap3A_356], %mul3A_354 {strides = array<i32>} : memref<8x16384xf32, #tpu.memory_space<vmem>>, vector<4x2048xf32>,
    %swap3A_358 = arith.constant 4 : index
    %swap3A_359 = arith.constant 12288 : index
    %swap3A_360 = vector.load %arg11[%swap3A_358, %swap3A_359] : memref<8x16384xf32, #tpu.memory_space<vmem>>, vector<1x2048xf32>
    tpu.vector_store %arg11[%swap3A_358, %swap3A_359], %slice3A_352 {strides = array<i32>} : memref<8x16384xf32, #tpu.memory_space<vmem>>, vector<1x2048xf32>,
    %slice3A_361 = vector.extract_strided_slice %transpose3A {offsets = [112, 0], sizes = [16, 2048], strides = [1, 1]} : vector<128x2048xf32> to vector<16x2048xf32>
    %slice3A_362 = vector.extract_strided_slice %transpose3A_5 {offsets = [112, 0], sizes = [16, 2048], strides = [1, 1]} : vector<128x2048xf32> to vector<16x2048xf32>
    %get3A_363 = arith.constant 0 : index
    %get3A_364 = arith.constant 0 : index
    %get3A_365 = vector.load %arg4[%get3A_363, %get3A_364] : memref<256x16xf32, #tpu.memory_space<vmem>>, vector<256x16xf32>
    %dot_general3A_366 = arith.constant dense<0.000000e+00> : vector<256x2048xf32>
    %dot_general3A_367 = tpu.matmul %get3A_365, %slice3A_361, %dot_general3A_366 {dimension_numbers = #tpu.dot_dimension_numbers<[1], [0], [0], [1], [0, 0, 1, 1], [], []>, transpose_lhs_hint = false} : vector<256x16xf32>, vector<16x2048xf32>, vector<256x2048xf32> -> vector<256x2048xf32>
    %get3A_368 = arith.constant 0 : index
    %get3A_369 = arith.constant 0 : index
    %get3A_370 = vector.load %arg5[%get3A_368, %get3A_369] : memref<256x16xf32, #tpu.memory_space<vmem>>, vector<256x16xf32>
    %dot_general3A_371 = arith.constant dense<0.000000e+00> : vector<256x2048xf32>
    %dot_general3A_372 = tpu.matmul %get3A_370, %slice3A_362, %dot_general3A_371 {dimension_numbers = #tpu.dot_dimension_numbers<[1], [0], [0], [1], [0, 0, 1, 1], [], []>, transpose_lhs_hint = false} : vector<256x16xf32>, vector<16x2048xf32>, vector<256x2048xf32> -> vector<256x2048xf32>
    %add3A_373 = arith.addf %dot_general3A_367, %dot_general3A_372 : vector<256x2048xf32>
    %get3A_374 = arith.constant 0 : index
    %get3A_375 = arith.constant 0 : index
    %get3A_376 = vector.load %arg6[%get3A_374, %get3A_375] : memref<256x1xf32, #tpu.memory_space<vmem>>, vector<256x1xf32>
    %add3A_377 = vector.broadcast %get3A_376 : vector<256x1xf32> to vector<256x2048xf32>
    %add3A_378 = arith.addf %add3A_373, %add3A_377 : vector<256x2048xf32>
    %max3A_379 = arith.constant 0.000000e+00 : f32
    %max3A_380 = vector.broadcast %max3A_379 : f32 to vector<256x2048xf32>
    %max3A_381 = arith.maximumf %add3A_378, %max3A_380 : vector<256x2048xf32>
    %get3A_382 = arith.constant 0 : index
    %get3A_383 = arith.constant 0 : index
    %get3A_384 = vector.load %arg7[%get3A_382, %get3A_383] : memref<128x256xf32, #tpu.memory_space<vmem>>, vector<128x256xf32>
    %dot_general3A_385 = arith.constant dense<0.000000e+00> : vector<128x2048xf32>
    %dot_general3A_386 = tpu.matmul %get3A_384, %max3A_381, %dot_general3A_385 {dimension_numbers = #tpu.dot_dimension_numbers<[1], [0], [0], [1], [0, 0, 1, 1], [], []>, transpose_lhs_hint = false} : vector<128x256xf32>, vector<256x2048xf32>, vector<128x2048xf32> -> vector<128x2048xf32>
    %get3A_387 = arith.constant 0 : index
    %get3A_388 = arith.constant 0 : index
    %get3A_389 = vector.load %arg8[%get3A_387, %get3A_388] : memref<128x1xf32, #tpu.memory_space<vmem>>, vector<128x1xf32>
    %add3A_390 = vector.broadcast %get3A_389 : vector<128x1xf32> to vector<128x2048xf32>
    %add3A_391 = arith.addf %dot_general3A_386, %add3A_390 : vector<128x2048xf32>
    %max3A_392 = arith.constant 0.000000e+00 : f32
    %max3A_393 = vector.broadcast %max3A_392 : f32 to vector<128x2048xf32>
    %max3A_394 = arith.maximumf %add3A_391, %max3A_393 : vector<128x2048xf32>
    %get3A_395 = arith.constant 0 : index
    %get3A_396 = arith.constant 0 : index
    %get3A_397 = vector.load %arg9[%get3A_395, %get3A_396] : memref<4x128xf32, #tpu.memory_space<vmem>>, vector<4x128xf32>
    %dot_general3A_398 = arith.constant dense<0.000000e+00> : vector<4x2048xf32>
    %dot_general3A_399 = tpu.matmul %get3A_397, %max3A_394, %dot_general3A_398 {dimension_numbers = #tpu.dot_dimension_numbers<[1], [0], [0], [1], [0, 0, 1, 1], [], []>, transpose_lhs_hint = false} : vector<4x128xf32>, vector<128x2048xf32>, vector<4x2048xf32> -> vector<4x2048xf32>
    %add3A_400 = vector.broadcast %get3A_12 : f32 to vector<4x2048xf32>
    %add3A_401 = arith.addf %dot_general3A_399, %add3A_400 : vector<4x2048xf32>
    %slice3A_402 = vector.extract_strided_slice %get3A_8 {offsets = [0, 14336], sizes = [1, 2048], strides = [1, 1]} : vector<1x16384xf32> to vector<1x2048xf32>
    %mul3A_403 = vector.broadcast %slice3A_402 : vector<1x2048xf32> to vector<4x2048xf32>
    %mul3A_404 = arith.mulf %add3A_401, %mul3A_403 : vector<4x2048xf32>
    %swap3A_405 = arith.constant 0 : index
    %swap3A_406 = arith.constant 14336 : index
    %swap3A_407 = vector.load %arg11[%swap3A_405, %swap3A_406] : memref<8x16384xf32, #tpu.memory_space<vmem>>, vector<4x2048xf32>
    tpu.vector_store %arg11[%swap3A_405, %swap3A_406], %mul3A_404 {strides = array<i32>} : memref<8x16384xf32, #tpu.memory_space<vmem>>, vector<4x2048xf32>,
    %swap3A_408 = arith.constant 4 : index
    %swap3A_409 = arith.constant 14336 : index
    %swap3A_410 = vector.load %arg11[%swap3A_408, %swap3A_409] : memref<8x16384xf32, #tpu.memory_space<vmem>>, vector<1x2048xf32>
    tpu.vector_store %arg11[%swap3A_408, %swap3A_409], %slice3A_402 {strides = array<i32>} : memref<8x16384xf32, #tpu.memory_space<vmem>>, vector<1x2048xf32>,
    return
  }
  func.func @transform_0(%arg0: i32) -> (i32, i32) {
    %c0_i32 = arith.constant 0 : i32
    %c0_i32_0 = arith.constant 0 : i32
    return %arg0, %c0_i32 : i32, i32
  }
  func.func @transform_1(%arg0: i32) -> (i32, i32) {
    %c0_i32 = arith.constant 0 : i32
    %c0_i32_0 = arith.constant 0 : i32
    return %arg0, %c0_i32 : i32, i32
  }
  func.func @transform_2(%arg0: i32) -> (i32, i32) {
    %c0_i32 = arith.constant 0 : i32
    %c0_i32_0 = arith.constant 0 : i32
    return %c0_i32, %arg0 : i32, i32
  }
  func.func @transform_3(%arg0: i32) -> (i32, i32) {
    %c0_i32 = arith.constant 0 : i32
    %c0_i32_0 = arith.constant 0 : i32
    %c0_i32_1 = arith.constant 0 : i32
    return %c0_i32, %c0_i32_0 : i32, i32
  }
  func.func @transform_4(%arg0: i32) -> (i32, i32) {
    %c0_i32 = arith.constant 0 : i32
    %c0_i32_0 = arith.constant 0 : i32
    %c0_i32_1 = arith.constant 0 : i32
    return %c0_i32, %c0_i32_0 : i32, i32
  }
  func.func @transform_5(%arg0: i32) -> (i32, i32) {
    %c0_i32 = arith.constant 0 : i32
    %c0_i32_0 = arith.constant 0 : i32
    %c0_i32_1 = arith.constant 0 : i32
    return %c0_i32, %c0_i32_0 : i32, i32
  }
  func.func @transform_6(%arg0: i32) -> (i32, i32) {
    %c0_i32 = arith.constant 0 : i32
    %c0_i32_0 = arith.constant 0 : i32
    %c0_i32_1 = arith.constant 0 : i32
    return %c0_i32, %c0_i32_0 : i32, i32
  }
  func.func @transform_7(%arg0: i32) -> (i32, i32) {
    %c0_i32 = arith.constant 0 : i32
    %c0_i32_0 = arith.constant 0 : i32
    %c0_i32_1 = arith.constant 0 : i32
    return %c0_i32, %c0_i32_0 : i32, i32
  }
  func.func @transform_8(%arg0: i32) -> (i32, i32) {
    %c0_i32 = arith.constant 0 : i32
    %c0_i32_0 = arith.constant 0 : i32
    %c0_i32_1 = arith.constant 0 : i32
    return %c0_i32, %c0_i32_0 : i32, i32
  }
  func.func @transform_9(%arg0: i32) -> (i32, i32) {
    %c0_i32 = arith.constant 0 : i32
    %c0_i32_0 = arith.constant 0 : i32
    %c0_i32_1 = arith.constant 0 : i32
    return %c0_i32, %c0_i32_0 : i32, i32
  }
  func.func @transform_10(%arg0: i32) -> (i32, i32) {
    %c0_i32 = arith.constant 0 : i32
    %c0_i32_0 = arith.constant 0 : i32
    return %c0_i32, %arg0 : i32, i32
  }
}

module attributes {stable_mosaic.version = 14 : i64} {
  func.func @_combine_body(%arg0: memref<2x5x10112xf32, #tpu.memory_space<vmem>>, %arg1: memref<4x10112xf32, #tpu.memory_space<vmem>>, %arg2: memref<1x2xf32, #tpu.memory_space<vmem>>, %arg3: memref<4x10112xf32, #tpu.memory_space<vmem>>) attributes {dimension_semantics = [], scalar_prefetch = 0 : i64, scratch_operands = 0 : i64, tpu.core_type = #tpu.core_type<tc>} {
    %get3A = arith.constant 0 : index
    %get3A_0 = arith.constant 0 : index
    %get3A_1 = arith.constant 0 : index
    %get3A_2 = vector.load %arg0[%get3A, %get3A_0, %get3A_1] : memref<2x5x10112xf32, #tpu.memory_space<vmem>>, vector<2x5x10112xf32>
    %slice3A = vector.extract_strided_slice %get3A_2 {offsets = [0, 0, 0], sizes = [1, 5, 10112], strides = [1, 1, 1]} : vector<2x5x10112xf32> to vector<1x5x10112xf32>
    %squeeze3A = vector.shape_cast %slice3A : vector<1x5x10112xf32> to vector<5x10112xf32>
    %slice3A_3 = vector.extract_strided_slice %get3A_2 {offsets = [1, 0, 0], sizes = [1, 5, 10112], strides = [1, 1, 1]} : vector<2x5x10112xf32> to vector<1x5x10112xf32>
    %squeeze3A_4 = vector.shape_cast %slice3A_3 : vector<1x5x10112xf32> to vector<5x10112xf32>
    %add3A = arith.addf %squeeze3A, %squeeze3A_4 : vector<5x10112xf32>
    %slice3A_5 = vector.extract_strided_slice %add3A {offsets = [0, 0], sizes = [4, 10112], strides = [1, 1]} : vector<5x10112xf32> to vector<4x10112xf32>
    %slice3A_6 = vector.extract_strided_slice %add3A {offsets = [4, 0], sizes = [1, 10112], strides = [1, 1]} : vector<5x10112xf32> to vector<1x10112xf32>
    %get3A_7 = arith.constant 0 : index
    %get3A_8 = arith.constant 0 : index
    %get3A_9 = vector.load %arg2[%get3A_7, %get3A_8] : memref<1x2xf32, #tpu.memory_space<vmem>>, vector<1x1xf32>
    %get3A_10 = vector.extract %get3A_9[0, 0] : f32 from vector<1x1xf32>
    %get3A_11 = arith.constant 0 : index
    %get3A_12 = arith.constant 1 : index
    %get3A_13 = vector.load %arg2[%get3A_11, %get3A_12] : memref<1x2xf32, #tpu.memory_space<vmem>>, vector<1x1xf32>
    %get3A_14 = vector.extract %get3A_13[0, 0] : f32 from vector<1x1xf32>
    %get3A_15 = arith.constant 0 : index
    %get3A_16 = arith.constant 0 : index
    %get3A_17 = vector.load %arg1[%get3A_15, %get3A_16] : memref<4x10112xf32, #tpu.memory_space<vmem>>, vector<4x10112xf32>
    %mul3A = vector.broadcast %get3A_14 : f32 to vector<4x10112xf32>
    %mul3A_18 = arith.mulf %mul3A, %get3A_17 : vector<4x10112xf32>
    %div3A = vector.broadcast %slice3A_6 : vector<1x10112xf32> to vector<4x10112xf32>
    %div3A_19 = arith.divf %slice3A_5, %div3A : vector<4x10112xf32>
    %mul3A_20 = vector.broadcast %get3A_10 : f32 to vector<4x10112xf32>
    %mul3A_21 = arith.mulf %mul3A_20, %div3A_19 : vector<4x10112xf32>
    %add3A_22 = arith.addf %mul3A_18, %mul3A_21 : vector<4x10112xf32>
    %swap3A = arith.constant 0 : index
    %swap3A_23 = arith.constant 0 : index
    %swap3A_24 = vector.load %arg3[%swap3A, %swap3A_23] : memref<4x10112xf32, #tpu.memory_space<vmem>>, vector<4x10112xf32>
    tpu.vector_store %arg3[%swap3A, %swap3A_23], %add3A_22 {strides = array<i32>} : memref<4x10112xf32, #tpu.memory_space<vmem>>, vector<4x10112xf32>,
    return
  }
}

</mosaic_0001>

<sc_bundles>
// kernel: kernel.10.cloned.1.call-start
scs
__scs_entry_jumppad:
0x0: {  	(pc) =	sbr.rel $0x88, $3  }
0x1: {  	(tag) =	ssettag $0x0;
	lr =	simm.s32 $0x1  }
0x2: {  	[smem:$0x3F89] =	sst lr;
	_ =	strace $0xD0000000  }
0x3: {  	_ = 	snop  }
0x4: {  	_ = 	snop  }
0x5: {  	_ = 	snop  }
0x6: {  	_ = 	snop  }
0x7: {  	_ = 	snop  }
__scs_overlays_trampoline_lowered:
0x8: {  	[smem:$0x3F98] =	sst s0  }
0x9: {  	[smem:$0x3F99] =	sst s1  }
0xa: {  	[smem:$0x3F9A] =	sst s2  }
0xb: {  	[smem:$0x3F9B] =	sst s3  }
0xc: {  	[smem:$0x3F9C] =	sst s4  }
0xd: {  	[smem:$0x3F9D] =	sst s5  }
0xe: {  	[smem:$0x3F9E] =	sst s6  }
0xf: {  	[smem:$0x3F9F] =	sst s7  }
0x10: {  	[smem:$0x3FA0] =	sst s8  }
0x11: {  	[smem:$0x3FA1] =	sst s9;
	s0 =	simm.s32 @!p0 $0x0  }
0x12: {  	s1 =	sld [smem:$0x3F87];
	s0 =	simm.s32 @p0 $0x1  }
0x13: {  	[smem:$0x3FA2] =	sst s0;
	s0 =	simm.s32 @!p1 $0x0  }
0x14: {  	s2 =	sld [smem:$0x3F86];
	s0 =	simm.s32 @p1 $0x1  }
0x15: {  	[smem:$0x3FA3] =	sst s0;
	s0 =	simm.s32 @!p2 $0x0  }
0x16: {  	s3 =	sld [smem:$0x3FDB];
	s0 =	simm.s32 @p2 $0x1  }
0x17: {  	s4 =	simm.s32 $0x1BF5;
	[smem:$0x3FA5] =	sst s0  }
0x18: {  	s0 =	sld [smem:$0x3F88];
	_ =	swait.ge [sflag:s4], $0x0  }
0x19: {  	s7 =	sld [smem:$0x3F89]  }
0x1a: {  	s8 =	sadd.s32 $0xFFFFE003, lr  }
0x1b: {  	s9 =	sadd.s32 $0xFFFFFEF7, lr;
	s5 =	simm.s32 $0xFFFFFFFF;
	p2 =	slt.u32 s8, $0xFFFFF086  }
0x1c: {  	p1 =	slt.u32 s9, $0xF7A;
	s5 =	simm.s32 @!p2 $0x0  }
0x1d: {  	s5 =	simm.s32 @p1 $0x1;
	p0 =	seq.s32 s7, s2  }
0x1e: {  	s7 =	smul.u32 @!p0 $0xF7A, s2;
	p2 =	seq.s32 @!p0 s5, $0x0  }
0x1f: {  	s9 =	smul.u32 $0xF7A, s1;
	s8 =	simm.s32 @!p0 $0x1BF5;
	p2 =	por !p2, p0  }
0x20: {  	[sflag:s8] =	ssyncset.s32 @!p0 $0xFFFFF086;
	s6 =	sadd.s32 @!p0 s3, s7;
	s7 =	simm.s32 @!p0 $0x108  }
0x21: {  	s3 =	sadd.s32 s3, s9;
	s6 =	sadd.s32 @!p0 $0x88, s6;
	s7 =	simm.s32 @p2 $0x1082  }
0x22: {  	[simem:s7], [sflag:s8] =	dma.local @!p0 [hbm:s6], $0xF7A  }
0x23: {  	s9 =	sor.u32 $0xD0000000, s2;
	s6 =	simm.s32 $0x108;
	_ =	swait.ge @!p0 [sflag:s8], $0x0  }
0x24: {  	s3 =	sadd.s32 $0x88, s3;
	s6 =	simm.s32 @!p1 $0x1082;
	[sflag:s4] =	ssyncset.s32 $0xFFFFF086  }
0x25: {  	[simem:s6], [sflag:s4] =	dma.local [hbm:s3], $0xF7A  }
0x26: {  	[smem:$0x3F89] =	sst s1;
	(tag) =	ssettag s2;
	_ =	strace s9  }
0x27: {  	s1 =	sld [smem:$0x3F99]  }
0x28: {  	s2 =	sld [smem:$0x3F9A]  }
0x29: {  	s4 =	sld [smem:$0x3F9C]  }
0x2a: {  	p0 =	seq.s32 s5, $0x0;
	s5 =	sld [smem:$0x3F9D]  }
0x2b: {  	s6 =	sld [smem:$0x3F9E]  }
0x2c: {  	s7 =	sld [smem:$0x3F9F]  }
0x2d: {  	s3 =	simm.s32 $0x108;
	s8 =	sld [smem:$0x3FA0]  }
0x2e: {  	s3 =	simm.s32 @!p0 $0x1082;
	s9 =	sld [smem:$0x3FA1]  }
0x2f: {  	lr =	sadd.s32 s0, s3;
	s0 =	sld [smem:$0x3F98]  }
0x30: {  	s3 =	sld [smem:$0x3F9B]  }
0x31: {  	[smem:$0x3FA4] =	sst s10  }
0x32: {  	s10 =	sld [smem:$0x3FA2];
	_ =	sdelay $0x3  }
0x33: {  	p0 =	seq.s32 s10, $0x1;
	s10 =	sld [smem:$0x3FA4];
	_ =	sdelay $0x3  }
0x34: {  	[smem:$0x3FA4] =	sst s10  }
0x35: {  	s10 =	sld [smem:$0x3FA3];
	_ =	sdelay $0x3  }
0x36: {  	p1 =	seq.s32 s10, $0x1;
	s10 =	sld [smem:$0x3FA4];
	_ =	sdelay $0x3  }
0x37: {  	[smem:$0x3FA4] =	sst s10  }
0x38: {  	s10 =	sld [smem:$0x3FA5]  }
0x39: {  	_ = 	snop;
	(pc) =	sbr.ind lr, $3  }
0x3a: {  	_ = 	snop  }
0x3b: {  	_ = 	snop  }
0x3c: {  	p2 =	seq.s32 s10, $0x1;
	s10 =	sld [smem:$0x3FA4]  }
0x3d: {  	_ =	shalt  }
0x3e: {  	_ =	shalt  }
0x3f: {  	_ =	shalt  }
0x40: {  	_ =	shalt  }
0x41: {  	_ =	shalt  }
0x42: {  	_ =	shalt  }
0x43: {  	_ =	shalt  }
0x44: {  	_ =	shalt  }
0x45: {  	_ =	shalt  }
0x46: {  	_ =	shalt  }
0x47: {  	_ =	shalt  }
0x48: {  	_ =	shalt  }
0x49: {  	_ =	shalt  }
0x4a: {  	_ =	shalt  }
0x4b: {  	_ =	shalt  }
0x4c: {  	_ =	shalt  }
0x4d: {  	_ =	shalt  }
0x4e: {  	_ =	shalt  }
0x4f: {  	_ =	shalt  }
0x50: {  	_ =	shalt  }
0x51: {  	_ =	shalt  }
0x52: {  	_ =	shalt  }
0x53: {  	_ =	shalt  }
0x54: {  	_ =	shalt  }
0x55: {  	_ =	shalt  }
0x56: {  	_ =	shalt  }
0x57: {  	_ =	shalt  }
0x58: {  	_ =	shalt  }
0x59: {  	_ =	shalt  }
0x5a: {  	_ =	shalt  }
0x5b: {  	_ =	shalt  }
0x5c: {  	_ =	shalt  }
0x5d: {  	_ =	shalt  }
0x5e: {  	_ =	shalt  }
0x5f: {  	_ =	shalt  }
0x60: {  	_ =	shalt  }
0x61: {  	_ =	shalt  }
0x62: {  	_ =	shalt  }
0x63: {  	_ =	shalt  }
0x64: {  	_ =	shalt  }
0x65: {  	_ =	shalt  }
0x66: {  	_ =	shalt  }
0x67: {  	_ =	shalt  }
0x68: {  	_ =	shalt  }
0x69: {  	_ =	shalt  }
0x6a: {  	_ =	shalt  }
0x6b: {  	_ =	shalt  }
0x6c: {  	_ =	shalt  }
0x6d: {  	_ =	shalt  }
0x6e: {  	_ =	shalt  }
0x6f: {  	_ =	shalt  }
0x70: {  	_ =	shalt  }
0x71: {  	_ =	shalt  }
0x72: {  	_ =	shalt  }
0x73: {  	_ =	shalt  }
0x74: {  	_ =	shalt  }
0x75: {  	_ =	shalt  }
0x76: {  	_ =	shalt  }
0x77: {  	_ =	shalt  }
0x78: {  	_ =	shalt  }
0x79: {  	_ =	shalt  }
0x7a: {  	_ =	shalt  }
0x7b: {  	_ =	shalt  }
0x7c: {  	_ =	shalt  }
0x7d: {  	_ =	shalt  }
0x7e: {  	_ =	shalt  }
0x7f: {  	_ =	shalt  }
0x80: {  	_ =	shalt  }
0x81: {  	_ =	shalt  }
0x82: {  	_ =	shalt  }
0x83: {  	_ =	shalt  }
0x84: {  	_ =	shalt  }
0x85: {  	_ =	shalt  }
0x86: {  	_ =	shalt  }
0x87: {  	_ =	shalt  }
.Lfunc_end0:
.L_simem_size_0:
called_computation.1_lowered:
.L_overlay_start_0:
0x88: {  	s2 =	sld [smem:$0x3FD9]  }
0x89: {  	s3 =	sld [smem:$0x3FFE];
	_ =	sdelay $0x1  }
0x8a: {  	s1 =	srdreg.scid  }
0x8b: {  	s0 =	sand.u32 $0x1, s1  }
0x8c: {  	s14 =	sshll.u32 s0, $0xA;
	s2 =	sadd.s32 s3, s2  }
0x8d: {  	s2 =	sadd.s32 s2, s14  }
0x8e: {  	[smem:$0x3FB0] =	sst s2  }
0x8f: {  	_ = 	snop  }
0x90: {  	s2 =	sld [smem:$0x3FD0];
	_ =	sdelay $0x2  }
0x91: {  	s15 =	simm.s32 $0xA;
	s4 =	simm.s32 $0x10  }
0x92: {  	[smem:s4], [sflag:s15] =	dma.local [hbm:s2], $0x1  }
0x93: {  	_ =	swait.eq [sflag:s15], $0x1  }
0x94: {  	[sflag:s15] =	ssyncset.done $0x0  }
0x95: {  	[sflag:s15] =	ssyncadd.s32 $0xFFFFFFFF  }
0x96: {  	s16 =	sld [smem:$0x10];
	(tm) =	ssettm $0x1  }
0x97: {  	s17 =	sld [smem:$0x3FFB];
	_ =	sdelay $0x3  }
0x98: {  	_ =	strace s17  }
0x99: {  	s3 =	sld [smem:$0x3FFC];
	_ =	sdelay $0x3  }
0x9a: {  	_ =	strace s3  }
0x9b: {  	s3 =	sld [smem:$0x3FFD];
	_ =	sdelay $0x3  }
0x9c: {  	_ =	strace s3  }
0x9d: {  	_ =	strace $0x8FFFFFFF  }
0x9e: {  	s18 =	sld [smem:$0x3FDB];
	_ =	sdelay $0x1  }
0x9f: {  	s19 =	simm.s32 $_scs_section_size  }
0xa0: {  	s5 =	simm.s32 $_size__tile_overlayer_lowered;
	s6 =	simm.s32 $_tile_overlayer_lowered  }
0xa1: {  	s22 =	simm.s32 $0x1BFF;
	s21 =	sshll.u32 s6, $0x1;
	s3 =	sadd.s32 s19, s18  }
0xa2: {  	s7 =	simm.s32 $0x0;
	s20 =	sshll.u32 s5, $0x1;
	s5 =	sadd.s32 s21, s3  }
0xa3: {  	[timem:s7], [sflag:s22] =	dma.local [hbm:s5], s20  }
0xa4: {  	_ =	swait.ge [sflag:s22], s20  }
0xa5: {  	s4 =	ssub.s32 $0x0, s20;
	[sflag:s22] =	ssyncset.done $0x0  }
0xa6: {  	[sflag:s22] =	ssyncadd.s32 s4;
	_ =	sdelay $0x1  }
0xa7: {  	s23 =	simm.s32 $0x1B8B  }
0xa8: {  	_ =	swait.ge [sflag:s23], $0x1  }
0xa9: {  	[sflag:s23] =	ssyncset.done $0x0  }
0xaa: {  	s25 =	simm.s32 $0x1B8E;
	s24 =	sld [smem:$0x3FFE];
	[sflag:s23] =	ssyncadd.s32 $0xFFFFFFFF  }
0xab: {  	s26 =	simm.s32 $execute0_lowered;
	[smem:$0x3FD2] =	sst s25  }
0xac: {  	s5 =	sshll.u32 s26, $0x1;
	_ =	strace $0x80000049;
	[dreg:$0x1] =	wrdreg $0xFFFFFFFF  }
0xad: {  	s28 =	simm.s32 $_size_execute0_lowered;
	s3 =	sadd.s32 s3, s5;
	[dreg:$0x0] =	wrdreg $0x0  }
0xae: {  	s5 =	sshll.u32 s28, $0x1;
	[dreg:$0x2] =	wrdreg s3  }
0xaf: {  	[dreg:$0x3] =	wrdreg s5  }
0xb0: {  	[dreg:$0x4] =	wrdreg $0xC0  }
0xb1: {  	_ =	task [dreg:s7], $0x5FFFF  }
0xb2: {  	[dreg:$0x1] =	wrdreg $0xFFFFFFFF  }
0xb3: {  	[dreg:$0x0] =	wrdreg $0x60  }
0xb4: {  	[dreg:$0x2] =	wrdreg s24  }
0xb5: {  	[dreg:$0x3] =	wrdreg s16  }
0xb6: {  	[dreg:$0x4] =	wrdreg $0x18000  }
0xb7: {  	[dreg:$0x5] =	wrdreg $0x1A780  }
0xb8: {  	[dreg:$0x6] =	wrdreg $0x1CF00  }
0xb9: {  	[dreg:$0x7] =	wrdreg $0x1F680  }
0xba: {  	[dreg:$0x8] =	wrdreg $0x21E00  }
0xbb: {  	[dreg:$0x9] =	wrdreg $0x9  }
0xbc: {  	_ =	task.clear_ibuf [dreg:s7], $0xAFFFF;
	_ =	strace $0x90000049  }
0xbd: {  	s29 =	simm.s32 $0x9;
	_ =	strace $0x8000004B  }
0xbe: {  	_ =	swait.ge [sflag:s29], $0x1  }
0xbf: {  	[sflag:s29] =	ssyncadd.s32 $0xFFFFFFFF  }
0xc0: {  	_ =	strace $0x9000004B  }
0xc1: {  	_ =	sfence  }
0xc2: {  	s30 =	sld [smem:$0x0];
	_ =	sdelay $0x2  }
0xc3: {  	s31 =	sshll.u32 s1, $0xD;
	s1 =	sshrl.u32 s1, $0x2  }
0xc4: {  	s3 =	sand.u32 $0x4000, s31;
	s1 =	sadd.s32 s1, s30  }
0xc5: {  	s0 =	sor.u32 s3, s0;
	s1 =	sshll.u32 s1, $0x11  }
0xc6: {  	s0 =	sor.u32 s1, s0  }
0xc7: {  	s0 =	sadd.s32 $0x8F2B, s0  }
0xc8: {  	[sflag:s0] =	ssyncadd.remote.s32 $0x1  }
0xc9: {  	_ =	sfence.sel $0xFFFF  }
0xca: {  	[dreg:$0x0] =	wrdreg $0xFFFFFFFF;
	(pc) =	sbr.abs _section_cstart, $3  }
0xcb: {  	[dreg:$0x1] =	wrdreg $0xFFFFFFFF  }
0xcc: {  	_ =	task.clear_ibuf [dreg:s7], $0x2FFFF;
	_ =	strace $0x9FFFFFFF  }
0xcd: {  	(tm) =	ssettm $0x7FFFFFFF  }
tec
execute0_lowered:
.L_overlay_start_1:
0x0: {  	(tag) =	ssettag $0x1  }
0x1: {  	s4 =	rddreg [dreg:$0x0]  }
0x2: {  	s2 =	rddreg [dreg:$0x1]  }
0x3: {  	s0 =	rddreg [dreg:$0x2]  }
0x4: {  	s1 =	rddreg [dreg:$0x3]  }
0x5: {  	s3 =	rddreg [dreg:$0x4]  }
0x6: {  	s6 =	srdreg.scid;
	s5 =	rddreg [dreg:$0x5]  }
0x7: {  	s7 =	simm.s32 $0x0;
	s8 =	sand.u32 $0x1, s6;
	s6 =	rddreg [dreg:$0x6]  }
0x8: {  	s15 =	simm.s32 $0x280;
	[smem:$0x7FF] =	sst s7  }
0x9: {  	s16 =	simm.s32 $0x300;
	_ =	strace $0x8000004A;
	[dreg:$0x11] =	wrdreg s15  }
0xa: {  	s14 =	stileid.u32;
	s17 =	simm.s32 $0x380;
	[dreg:$0x12] =	wrdreg s16  }
0xb: {  	s10 =	smul.u32 $0x5000, s14;
	[dreg:$0x13] =	wrdreg s17;
	s15 =	simm.s32 $0x900  }
0xc: {  	s9 =	smul.u32 $0x50000, s8;
	s17 =	simm.s32 $0x980;
	[dreg:$0x1c] =	wrdreg s15  }
0xd: {  	s19 =	sadd.s32 $0x2C00, s4;
	[dreg:$0x1d] =	wrdreg s17;
	s15 =	simm.s32 $0xE00  }
0xe: {  	s17 =	simm.s32 $0xE80;
	s9 =	sadd.s32 s10, s9;
	[smem:$0x7F2] =	sst s15  }
0xf: {  	[smem:$0x7F4] =	sst s17;
	s11 =	sshrl.u32 s9, $0x3;
	s13 =	sadd.s32 $0xA0000, s9  }
0x10: {  	s23 =	sadd.s32 $0x140000, s9;
	s12 =	sadd.s32 s11, s4;
	s11 =	sadd.s32 s11, s19  }
0x11: {  	s21 =	sshrl.u32 s13, $0x3;
	s13 =	simm.s32 $0x200;
	[dreg:$0x8] =	wrdreg s11  }
0x12: {  	s24 =	sshrl.u32 s23, $0x3;
	s23 =	simm.s32 $0x680;
	[dreg:$0x10] =	wrdreg s13  }
0x13: {  	s25 =	sadd.s32 $0x1E0000, s9;
	s20 =	sadd.s32 $0x2AAC00, s12;
	[dreg:$0x18] =	wrdreg s23  }
0x14: {  	s9 =	sadd.s32 $0x280000, s9;
	s22 =	sadd.s32 s21, s19;
	[dreg:$0x9] =	wrdreg s20  }
0x15: {  	s9 =	sshrl.u32 s9, $0x3;
	s11 =	sadd.s32 s24, s19;
	[dreg:$0xa] =	wrdreg s22  }
0x16: {  	s9 =	sadd.s32 s9, s19;
	[dreg:$0xb] =	wrdreg s11  }
0x17: {  	s21 =	simm.s32 $0x580;
	[dreg:$0xd] =	wrdreg s9  }
0x18: {  	s24 =	simm.s32 $0x700;
	[dreg:$0x16] =	wrdreg s21  }
0x19: {  	s12 =	sshrl.u32 s25, $0x3;
	s23 =	simm.s32 $0xB80;
	[dreg:$0x19] =	wrdreg s24  }
0x1a: {  	s26 =	sadd.s32 s12, s19;
	[smem:$0x7EA] =	sst s23  }
0x1b: {  	s11 =	simm.s32 $0x100;
	[dreg:$0xc] =	wrdreg s26  }
0x1c: {  	s12 =	simm.s32 $0x180;
	[dreg:$0xe] =	wrdreg s11  }
0x1d: {  	s19 =	simm.s32 $0x480;
	[dreg:$0xf] =	wrdreg s12  }
0x1e: {  	s18 =	smul.u32 $0xC580, s8;
	s20 =	simm.s32 $0x500;
	[dreg:$0x14] =	wrdreg s19  }
0x1f: {  	s8 =	ssub.s32 $0x2, s8;
	s22 =	simm.s32 $0x600;
	[dreg:$0x15] =	wrdreg s20  }
0x20: {  	s25 =	sshrl.u32 s8, $0x1;
	s21 =	simm.s32 $0xB00;
	[dreg:$0x17] =	wrdreg s22  }
0x21: {  	s8 =	ssub.s32 s8, s25;
	s25 =	simm.s32 $0xC80;
	[smem:$0x7E8] =	sst s21  }
0x22: {  	s26 =	simm.s32 $0x780;
	[smem:$0x7EC] =	sst s25  }
0x23: {  	s28 =	simm.s32 $0x80;
	s12 =	simm.s32 $0x880;
	[dreg:$0x1a] =	wrdreg s26  }
0x24: {  	s29 =	simm.s32 $0x1480;
	s20 =	simm.s32 $0xA80;
	[dreg:$0x1b] =	wrdreg s12  }
0x25: {  	s30 =	simm.s32 $0x1500;
	s21 =	simm.s32 $0xF80;
	[dreg:$0x1f] =	wrdreg s20  }
0x26: {  	s31 =	simm.s32 $0x1580;
	s23 =	smax.u32 s8, $0x1;
	[smem:$0x7F8] =	sst s21  }
0x27: {  	s11 =	smul.u32 $0x278, s14;
	s25 =	simm.s32 $0x1180;
	[smem:$0x7F9] =	sst s23  }
0x28: {  	s15 =	simm.s32 $0x1;
	s12 =	simm.s32 $0xD00;
	[smem:$0x7FC] =	sst s25  }
0x29: {  	s19 =	sshll.u32 s14, $0x6;
	s13 =	sadd.s32 s11, s0;
	[smem:$0x7EE] =	sst s12  }
0x2a: {  	s10 =	sadd.s32 s11, s18;
	s18 =	simm.s32 $0xA00;
	[smem:$0x7E6] =	sst s13  }
0x2b: {  	s8 =	simm.s32 $0x1700;
	s22 =	sadd.s32 s11, s1;
	[dreg:$0x1e] =	wrdreg s18  }
0x2c: {  	s21 =	simm.s32 $0x2;
	s24 =	sadd.s32 s11, s3;
	[smem:$0x7E7] =	sst s22  }
0x2d: {  	s23 =	simm.s32 $0x400;
	s26 =	sadd.s32 s11, s5;
	[smem:$0x7E9] =	sst s24  }
0x2e: {  	s16 =	sshrl.u32 s11, $0x3;
	s11 =	sadd.s32 s11, s6;
	[smem:$0x7EB] =	sst s26  }
0x2f: {  	s25 =	simm.s32 $0xC00;
	[smem:$0x7ED] =	sst s11;
	s13 =	simm.s32 $0xD80  }
0x30: {  	s12 =	simm.s32 $0x1280;
	s22 =	simm.s32 $0x1080;
	[smem:$0x7F0] =	sst s13  }
0x31: {  	s10 =	sshrl.u32 s10, $0x3;
	s24 =	simm.s32 $0x1100;
	[smem:$0x7FA] =	sst s22  }
0x32: {  	s26 =	simm.s32 $0x1200;
	s4 =	sadd.s32 s10, s4;
	[smem:$0x7FB] =	sst s24  }
0x33: {  	s10 =	sor.u32 $0x1C02, s19;
	s19 =	simm.s32 $0xF00;
	[smem:$0x7FD] =	sst s26  }
0x34: {  	s9 =	sadd.s32 s2, s16;
	s14 =	sadd.s32 $0xA2C00, s4;
	[smem:$0x7F6] =	sst s19  }
0x35: {  	s2 =	simm.s32 $0x1680;
	s16 =	sadd.s32 $0xA30F0, s4;
	[smem:$0x7EF] =	sst s14  }
0x36: {  	s11 =	simm.s32 $0x1780;
	s18 =	sadd.s32 $0xA35E0, s4;
	[smem:$0x7F1] =	sst s16  }
0x37: {  	s22 =	simm.s32 $0x1400;
	s20 =	sadd.s32 $0xA3AD0, s4;
	[smem:$0x7F3] =	sst s18  }
0x38: {  	s24 =	simm.s32 $0x800;
	s4 =	sadd.s32 $0xA3FC0, s4;
	[smem:$0x7F5] =	sst s20  }
0x39: {  	s26 =	simm.s32 $0x1000;
	s13 =	simm.s32 $0x1300;
	[smem:$0x7F7] =	sst s4  }
0x3a: {  	s4 =	simm.s32 $0x1600;
	s14 =	simm.s32 $0x1380;
	s16 =	simm.s32 $0x0  }
.LBB2_1:
0x3b: {  	s17 =	sld [smem:$0x7E6];
	_ =	sdelay $0x2  }
0x3c: {  	s17 =	sshrl.u32 s17, $0x3  }
0x3d: {  	[smem:$0x7E1] =	sst s17  }
0x3e: {  	[spmem:s17], [sflag:s10] =	dma.local [hbm:s9], $0x4F  }
0x3f: {  	_ =	swait.ge [sflag:s21], $0x4F  }
0x40: {  	s19 =	sld [smem:$0x7E7];
	_ =	sdelay $0x2  }
0x41: {  	[sflag:s21] =	ssyncset.done $0x0;
	s17 =	sshrl.u32 s19, $0x3  }
0x42: {  	[sflag:s21] =	ssyncadd.s32 $0xFFFFFFB1;
	[smem:$0x7E2] =	sst s17  }
0x43: {  	[spmem:s17], [sflag:s10] =	dma.local [hbm:s9], $0x4F  }
0x44: {  	_ =	swait.ge [sflag:s21], $0x4F  }
0x45: {  	s20 =	sld [smem:$0x7E9];
	_ =	sdelay $0x2  }
0x46: {  	[sflag:s21] =	ssyncset.done $0x0;
	s17 =	sshrl.u32 s20, $0x3  }
0x47: {  	[sflag:s21] =	ssyncadd.s32 $0xFFFFFFB1;
	[smem:$0x7E3] =	sst s17  }
0x48: {  	[spmem:s17], [sflag:s10] =	dma.local [hbm:s9], $0x4F  }
0x49: {  	_ =	swait.ge [sflag:s21], $0x4F  }
0x4a: {  	s18 =	sld [smem:$0x7EB];
	_ =	sdelay $0x2  }
0x4b: {  	[sflag:s21] =	ssyncset.done $0x0;
	s17 =	sshrl.u32 s18, $0x3  }
0x4c: {  	[sflag:s21] =	ssyncadd.s32 $0xFFFFFFB1;
	[smem:$0x7E4] =	sst s17  }
0x4d: {  	[spmem:s17], [sflag:s10] =	dma.local [hbm:s9], $0x4F  }
0x4e: {  	_ =	swait.ge [sflag:s21], $0x4F  }
0x4f: {  	s19 =	sld [smem:$0x7ED];
	_ =	sdelay $0x2  }
0x50: {  	[sflag:s21] =	ssyncset.done $0x0;
	s17 =	sshrl.u32 s19, $0x3  }
0x51: {  	[sflag:s21] =	ssyncadd.s32 $0xFFFFFFB1;
	[smem:$0x7E5] =	sst s17  }
0x52: {  	[spmem:s17], [sflag:s10] =	dma.local [hbm:s9], $0x4F  }
0x53: {  	_ =	swait.ge [sflag:s21], $0x4F  }
0x54: {  	[sflag:s21] =	ssyncset.done $0x0  }
0x55: {  	[sflag:s21] =	ssyncadd.s32 $0xFFFFFFB1  }
0x56: {  	[bflag:$0x0] =	sbarrier.arrive $0xFFFF  }
0x57: {  	s20 =	rddreg [dreg:$0x9]  }
0x58: {  	s17 =	sadd.s32 $0x0, s20  }
0x59: {  	[tilespmem:s22], [sflag:$0x2] =	stream.linear.gather [hbm4b:s17+s7], $0x400, $0x38;
	[tilespmem:$0x2458] =	vst v63  }
0x5a: {  	_ =	swait.ge [sflag:s21], $0x400  }
0x5b: {  	s18 =	rddreg [dreg:$0x8];
	[sflag:s21] =	ssyncset.done $0x0  }
0x5c: {  	[sflag:s21] =	ssyncadd.s32 $0xFFFFFC00;
	s17 =	sadd.s32 $0x0, s18  }
0x5d: {  	[tilespmem:s7], [sflag:$0x2] =	stream.linear.gather [hbm4b:s17+s7], $0x400, $0x38;
	[tilespmem:$0x2458] =	vst v63  }
0x5e: {  	_ =	swait.ge [sflag:s21], $0x400  }
0x5f: {  	s19 =	rddreg [dreg:$0xa];
	[sflag:s21] =	ssyncset.done $0x0  }
0x60: {  	[sflag:s21] =	ssyncadd.s32 $0xFFFFFC00;
	s17 =	sadd.s32 $0x0, s19  }
0x61: {  	[tilespmem:s23], [sflag:$0x2] =	stream.linear.gather [hbm4b:s17+s7], $0x400, $0x38;
	[tilespmem:$0x2458] =	vst v63  }
0x62: {  	_ =	swait.ge [sflag:s21], $0x400  }
0x63: {  	s20 =	rddreg [dreg:$0xb];
	[sflag:s21] =	ssyncset.done $0x0  }
0x64: {  	[sflag:s21] =	ssyncadd.s32 $0xFFFFFC00;
	s17 =	sadd.s32 $0x0, s20  }
0x65: {  	[tilespmem:s24], [sflag:$0x2] =	stream.linear.gather [hbm4b:s17+s7], $0x400, $0x38;
	[tilespmem:$0x2458] =	vst v63  }
0x66: {  	_ =	swait.ge [sflag:s21], $0x400  }
0x67: {  	s18 =	rddreg [dreg:$0xc];
	[sflag:s21] =	ssyncset.done $0x0  }
0x68: {  	[sflag:s21] =	ssyncadd.s32 $0xFFFFFC00;
	s17 =	sadd.s32 $0x0, s18  }
0x69: {  	[tilespmem:s25], [sflag:$0x2] =	stream.linear.gather [hbm4b:s17+s7], $0x400, $0x38;
	[tilespmem:$0x2458] =	vst v63  }
0x6a: {  	_ =	swait.ge [sflag:s21], $0x400  }
0x6b: {  	s19 =	rddreg [dreg:$0xd];
	[sflag:s21] =	ssyncset.done $0x0  }
0x6c: {  	[sflag:s21] =	ssyncadd.s32 $0xFFFFFC00;
	s17 =	sadd.s32 $0x0, s19  }
0x6d: {  	[tilespmem:s26], [sflag:$0x2] =	stream.linear.gather [hbm4b:s17+s7], $0x400, $0x38;
	[tilespmem:$0x2458] =	vst v63  }
0x6e: {  	_ =	swait.ge [sflag:s21], $0x400  }
0x6f: {  	[sflag:s21] =	ssyncset.done $0x0  }
0x70: {  	[sflag:s21] =	ssyncadd.s32 $0xFFFFFC00  }
0x71: {  	[spmem:s0] =	stream.indirect.scatter.add.f32 [tilespmem:s7], [sflag:$0x1], $0x1, s22, s28, $0xb8;
	[tilespmem:$0x2458] =	vst v63  }
0x72: {  	_ = 	snop  }
0x73: {  	[spmem:s0] =	stream.indirect.scatter.add.f32 [tilespmem:s28], [sflag:$0x1], $0x1, s29, s28, $0xb8;
	[tilespmem:$0x2458] =	vst v63  }
0x74: {  	s20 =	rddreg [dreg:$0xe]  }
0x75: {  	[spmem:s0] =	stream.indirect.scatter.add.f32 [tilespmem:s20], [sflag:$0x1], $0x1, s30, s28, $0xb8;
	[tilespmem:$0x2458] =	vst v63  }
0x76: {  	s18 =	rddreg [dreg:$0xf]  }
0x77: {  	[spmem:s0] =	stream.indirect.scatter.add.f32 [tilespmem:s18], [sflag:$0x1], $0x1, s31, s28, $0xb8;
	[tilespmem:$0x2458] =	vst v63  }
0x78: {  	s19 =	rddreg [dreg:$0x10]  }
0x79: {  	[spmem:s0] =	stream.indirect.scatter.add.f32 [tilespmem:s19], [sflag:$0x1], $0x1, s4, s28, $0xb8;
	[tilespmem:$0x2458] =	vst v63  }
0x7a: {  	s20 =	rddreg [dreg:$0x11]  }
0x7b: {  	[spmem:s0] =	stream.indirect.scatter.add.f32 [tilespmem:s20], [sflag:$0x1], $0x1, s2, s28, $0xb8;
	[tilespmem:$0x2458] =	vst v63  }
0x7c: {  	s19 =	rddreg [dreg:$0x12]  }
0x7d: {  	[spmem:s0] =	stream.indirect.scatter.add.f32 [tilespmem:s19], [sflag:$0x1], $0x1, s8, s28, $0xb8;
	[tilespmem:$0x2458] =	vst v63  }
0x7e: {  	s20 =	rddreg [dreg:$0x13]  }
0x7f: {  	[spmem:s0] =	stream.indirect.scatter.add.f32 [tilespmem:s20], [sflag:$0x1], $0x1, s11, s28, $0xb8;
	[tilespmem:$0x2458] =	vst v63  }
0x80: {  	_ = 	snop  }
0x81: {  	[spmem:s1] =	stream.indirect.scatter.add.f32 [tilespmem:s23], [sflag:$0x1], $0x1, s22, s28, $0xb8;
	[tilespmem:$0x2458] =	vst v63  }
0x82: {  	s18 =	rddreg [dreg:$0x14]  }
0x83: {  	[spmem:s1] =	stream.indirect.scatter.add.f32 [tilespmem:s18], [sflag:$0x1], $0x1, s29, s28, $0xb8;
	[tilespmem:$0x2458] =	vst v63  }
0x84: {  	s19 =	rddreg [dreg:$0x15]  }
0x85: {  	[spmem:s1] =	stream.indirect.scatter.add.f32 [tilespmem:s19], [sflag:$0x1], $0x1, s30, s28, $0xb8;
	[tilespmem:$0x2458] =	vst v63  }
0x86: {  	s20 =	rddreg [dreg:$0x16]  }
0x87: {  	[spmem:s1] =	stream.indirect.scatter.add.f32 [tilespmem:s20], [sflag:$0x1], $0x1, s31, s28, $0xb8;
	[tilespmem:$0x2458] =	vst v63  }
0x88: {  	s19 =	rddreg [dreg:$0x17]  }
0x89: {  	[spmem:s1] =	stream.indirect.scatter.add.f32 [tilespmem:s19], [sflag:$0x1], $0x1, s4, s28, $0xb8;
	[tilespmem:$0x2458] =	vst v63  }
0x8a: {  	s20 =	rddreg [dreg:$0x18]  }
0x8b: {  	[spmem:s1] =	stream.indirect.scatter.add.f32 [tilespmem:s20], [sflag:$0x1], $0x1, s2, s28, $0xb8;
	[tilespmem:$0x2458] =	vst v63  }
0x8c: {  	s19 =	rddreg [dreg:$0x19]  }
0x8d: {  	[spmem:s1] =	stream.indirect.scatter.add.f32 [tilespmem:s19], [sflag:$0x1], $0x1, s8, s28, $0xb8;
	[tilespmem:$0x2458] =	vst v63  }
0x8e: {  	s20 =	rddreg [dreg:$0x1a]  }
0x8f: {  	[spmem:s1] =	stream.indirect.scatter.add.f32 [tilespmem:s20], [sflag:$0x1], $0x1, s11, s28, $0xb8;
	[tilespmem:$0x2458] =	vst v63  }
0x90: {  	s18 =	rddreg [dreg:$0x1b]  }
0x91: {  	[spmem:s3] =	stream.indirect.scatter.add.f32 [tilespmem:s24], [sflag:$0x1], $0x1, s22, s28, $0xb8;
	[tilespmem:$0x2458] =	vst v63  }
0x92: {  	s19 =	rddreg [dreg:$0x1c]  }
0x93: {  	[spmem:s3] =	stream.indirect.scatter.add.f32 [tilespmem:s18], [sflag:$0x1], $0x1, s29, s28, $0xb8;
	[tilespmem:$0x2458] =	vst v63  }
0x94: {  	s20 =	rddreg [dreg:$0x1d]  }
0x95: {  	[spmem:s3] =	stream.indirect.scatter.add.f32 [tilespmem:s19], [sflag:$0x1], $0x1, s30, s28, $0xb8;
	[tilespmem:$0x2458] =	vst v63  }
0x96: {  	s19 =	rddreg [dreg:$0x1e]  }
0x97: {  	[spmem:s3] =	stream.indirect.scatter.add.f32 [tilespmem:s20], [sflag:$0x1], $0x1, s31, s28, $0xb8;
	[tilespmem:$0x2458] =	vst v63  }
0x98: {  	s20 =	rddreg [dreg:$0x1f]  }
0x99: {  	[spmem:s3] =	stream.indirect.scatter.add.f32 [tilespmem:s19], [sflag:$0x1], $0x1, s4, s28, $0xb8;
	[tilespmem:$0x2458] =	vst v63  }
0x9a: {  	s19 =	sld [smem:$0x7E8]  }
0x9b: {  	[spmem:s3] =	stream.indirect.scatter.add.f32 [tilespmem:s20], [sflag:$0x1], $0x1, s2, s28, $0xb8;
	[tilespmem:$0x2458] =	vst v63  }
0x9c: {  	s20 =	sld [smem:$0x7EA]  }
0x9d: {  	[spmem:s3] =	stream.indirect.scatter.add.f32 [tilespmem:s19], [sflag:$0x1], $0x1, s8, s28, $0xb8;
	[tilespmem:$0x2458] =	vst v63  }
0x9e: {  	_ = 	snop  }
0x9f: {  	[spmem:s3] =	stream.indirect.scatter.add.f32 [tilespmem:s20], [sflag:$0x1], $0x1, s11, s28, $0xb8;
	[tilespmem:$0x2458] =	vst v63  }
0xa0: {  	s18 =	sld [smem:$0x7EC]  }
0xa1: {  	[spmem:s5] =	stream.indirect.scatter.add.f32 [tilespmem:s25], [sflag:$0x1], $0x1, s22, s28, $0xb8;
	[tilespmem:$0x2458] =	vst v63  }
0xa2: {  	s19 =	sld [smem:$0x7EE]  }
0xa3: {  	[spmem:s5] =	stream.indirect.scatter.add.f32 [tilespmem:s18], [sflag:$0x1], $0x1, s29, s28, $0xb8;
	[tilespmem:$0x2458] =	vst v63  }
0xa4: {  	s20 =	sld [smem:$0x7F0]  }
0xa5: {  	[spmem:s5] =	stream.indirect.scatter.add.f32 [tilespmem:s19], [sflag:$0x1], $0x1, s30, s28, $0xb8;
	[tilespmem:$0x2458] =	vst v63  }
0xa6: {  	s19 =	sld [smem:$0x7F2]  }
0xa7: {  	[spmem:s5] =	stream.indirect.scatter.add.f32 [tilespmem:s20], [sflag:$0x1], $0x1, s31, s28, $0xb8;
	[tilespmem:$0x2458] =	vst v63  }
0xa8: {  	s20 =	sld [smem:$0x7F4]  }
0xa9: {  	[spmem:s5] =	stream.indirect.scatter.add.f32 [tilespmem:s19], [sflag:$0x1], $0x1, s4, s28, $0xb8;
	[tilespmem:$0x2458] =	vst v63  }
0xaa: {  	s19 =	sld [smem:$0x7F6]  }
0xab: {  	[spmem:s5] =	stream.indirect.scatter.add.f32 [tilespmem:s20], [sflag:$0x1], $0x1, s2, s28, $0xb8;
	[tilespmem:$0x2458] =	vst v63  }
0xac: {  	s20 =	sld [smem:$0x7F8]  }
0xad: {  	[spmem:s5] =	stream.indirect.scatter.add.f32 [tilespmem:s19], [sflag:$0x1], $0x1, s8, s28, $0xb8;
	[tilespmem:$0x2458] =	vst v63  }
0xae: {  	_ = 	snop  }
0xaf: {  	[spmem:s5] =	stream.indirect.scatter.add.f32 [tilespmem:s20], [sflag:$0x1], $0x1, s11, s28, $0xb8;
	[tilespmem:$0x2458] =	vst v63  }
0xb0: {  	s19 =	sld [smem:$0x7FA]  }
0xb1: {  	[spmem:s6] =	stream.indirect.scatter.add.f32 [tilespmem:s26], [sflag:$0x1], $0x1, s22, s28, $0xb8;
	[tilespmem:$0x2458] =	vst v63  }
0xb2: {  	s20 =	sld [smem:$0x7FB]  }
0xb3: {  	[spmem:s6] =	stream.indirect.scatter.add.f32 [tilespmem:s19], [sflag:$0x1], $0x1, s29, s28, $0xb8;
	[tilespmem:$0x2458] =	vst v63  }
0xb4: {  	s19 =	sld [smem:$0x7FC]  }
0xb5: {  	[spmem:s6] =	stream.indirect.scatter.add.f32 [tilespmem:s20], [sflag:$0x1], $0x1, s30, s28, $0xb8;
	[tilespmem:$0x2458] =	vst v63  }
0xb6: {  	s20 =	sld [smem:$0x7FD]  }
0xb7: {  	[spmem:s6] =	stream.indirect.scatter.add.f32 [tilespmem:s19], [sflag:$0x1], $0x1, s31, s28, $0xb8;
	[tilespmem:$0x2458] =	vst v63  }
0xb8: {  	_ = 	snop  }
0xb9: {  	[spmem:s6] =	stream.indirect.scatter.add.f32 [tilespmem:s20], [sflag:$0x1], $0x1, s4, s28, $0xb8;
	[tilespmem:$0x2458] =	vst v63  }
0xba: {  	_ = 	snop  }
0xbb: {  	[spmem:s6] =	stream.indirect.scatter.add.f32 [tilespmem:s12], [sflag:$0x1], $0x1, s2, s28, $0xb8;
	[tilespmem:$0x2458] =	vst v63  }
0xbc: {  	_ = 	snop  }
0xbd: {  	[spmem:s6] =	stream.indirect.scatter.add.f32 [tilespmem:s13], [sflag:$0x1], $0x1, s8, s28, $0xb8;
	[tilespmem:$0x2458] =	vst v63  }
0xbe: {  	_ = 	snop  }
0xbf: {  	[spmem:s6] =	stream.indirect.scatter.add.f32 [tilespmem:s14], [sflag:$0x1], $0x1, s11, s28, $0xb8;
	[tilespmem:$0x2458] =	vst v63  }
0xc0: {  	_ =	swait.ge [sflag:s15], $0x80  }
0xc1: {  	[sflag:s15] =	ssyncset.done $0x0  }
0xc2: {  	[sflag:s15] =	ssyncadd.s32 $0xFFFFFF80  }
0xc3: {  	_ =	swait.ge [sflag:s15], $0x80  }
0xc4: {  	[sflag:s15] =	ssyncset.done $0x0  }
0xc5: {  	[sflag:s15] =	ssyncadd.s32 $0xFFFFFF80  }
0xc6: {  	_ =	swait.ge [sflag:s15], $0x80  }
0xc7: {  	[sflag:s15] =	ssyncset.done $0x0  }
0xc8: {  	[sflag:s15] =	ssyncadd.s32 $0xFFFFFF80  }
0xc9: {  	_ =	swait.ge [sflag:s15], $0x80  }
0xca: {  	[sflag:s15] =	ssyncset.done $0x0  }
0xcb: {  	[sflag:s15] =	ssyncadd.s32 $0xFFFFFF80  }
0xcc: {  	_ =	swait.ge [sflag:s15], $0x80  }
0xcd: {  	[sflag:s15] =	ssyncset.done $0x0  }
0xce: {  	[sflag:s15] =	ssyncadd.s32 $0xFFFFFF80  }
0xcf: {  	_ =	swait.ge [sflag:s15], $0x80  }
0xd0: {  	[sflag:s15] =	ssyncset.done $0x0  }
0xd1: {  	[sflag:s15] =	ssyncadd.s32 $0xFFFFFF80  }
0xd2: {  	_ =	swait.ge [sflag:s15], $0x80  }
0xd3: {  	[sflag:s15] =	ssyncset.done $0x0  }
0xd4: {  	[sflag:s15] =	ssyncadd.s32 $0xFFFFFF80  }
0xd5: {  	_ =	swait.ge [sflag:s15], $0x80  }
0xd6: {  	[sflag:s15] =	ssyncset.done $0x0  }
0xd7: {  	[sflag:s15] =	ssyncadd.s32 $0xFFFFFF80  }
0xd8: {  	_ =	swait.ge [sflag:s15], $0x80  }
0xd9: {  	[sflag:s15] =	ssyncset.done $0x0  }
0xda: {  	[sflag:s15] =	ssyncadd.s32 $0xFFFFFF80  }
0xdb: {  	_ =	swait.ge [sflag:s15], $0x80  }
0xdc: {  	[sflag:s15] =	ssyncset.done $0x0  }
0xdd: {  	[sflag:s15] =	ssyncadd.s32 $0xFFFFFF80  }
0xde: {  	_ =	swait.ge [sflag:s15], $0x80  }
0xdf: {  	[sflag:s15] =	ssyncset.done $0x0  }
0xe0: {  	[sflag:s15] =	ssyncadd.s32 $0xFFFFFF80  }
0xe1: {  	_ =	swait.ge [sflag:s15], $0x80  }
0xe2: {  	[sflag:s15] =	ssyncset.done $0x0  }
0xe3: {  	[sflag:s15] =	ssyncadd.s32 $0xFFFFFF80  }
0xe4: {  	_ =	swait.ge [sflag:s15], $0x80  }
0xe5: {  	[sflag:s15] =	ssyncset.done $0x0  }
0xe6: {  	[sflag:s15] =	ssyncadd.s32 $0xFFFFFF80  }
0xe7: {  	_ =	swait.ge [sflag:s15], $0x80  }
0xe8: {  	[sflag:s15] =	ssyncset.done $0x0  }
0xe9: {  	[sflag:s15] =	ssyncadd.s32 $0xFFFFFF80  }
0xea: {  	_ =	swait.ge [sflag:s15], $0x80  }
0xeb: {  	[sflag:s15] =	ssyncset.done $0x0  }
0xec: {  	[sflag:s15] =	ssyncadd.s32 $0xFFFFFF80  }
0xed: {  	_ =	swait.ge [sflag:s15], $0x80  }
0xee: {  	[sflag:s15] =	ssyncset.done $0x0  }
0xef: {  	[sflag:s15] =	ssyncadd.s32 $0xFFFFFF80  }
0xf0: {  	_ =	swait.ge [sflag:s15], $0x80  }
0xf1: {  	[sflag:s15] =	ssyncset.done $0x0  }
0xf2: {  	[sflag:s15] =	ssyncadd.s32 $0xFFFFFF80  }
0xf3: {  	_ =	swait.ge [sflag:s15], $0x80  }
0xf4: {  	[sflag:s15] =	ssyncset.done $0x0  }
0xf5: {  	[sflag:s15] =	ssyncadd.s32 $0xFFFFFF80  }
0xf6: {  	_ =	swait.ge [sflag:s15], $0x80  }
0xf7: {  	[sflag:s15] =	ssyncset.done $0x0  }
0xf8: {  	[sflag:s15] =	ssyncadd.s32 $0xFFFFFF80  }
0xf9: {  	_ =	swait.ge [sflag:s15], $0x80  }
0xfa: {  	[sflag:s15] =	ssyncset.done $0x0  }
0xfb: {  	[sflag:s15] =	ssyncadd.s32 $0xFFFFFF80  }
0xfc: {  	_ =	swait.ge [sflag:s15], $0x80  }
0xfd: {  	[sflag:s15] =	ssyncset.done $0x0  }
0xfe: {  	[sflag:s15] =	ssyncadd.s32 $0xFFFFFF80  }
0xff: {  	_ =	swait.ge [sflag:s15], $0x80  }
0x100: {  	[sflag:s15] =	ssyncset.done $0x0  }
0x101: {  	[sflag:s15] =	ssyncadd.s32 $0xFFFFFF80  }
0x102: {  	_ =	swait.ge [sflag:s15], $0x80  }
0x103: {  	[sflag:s15] =	ssyncset.done $0x0  }
0x104: {  	[sflag:s15] =	ssyncadd.s32 $0xFFFFFF80  }
0x105: {  	_ =	swait.ge [sflag:s15], $0x80  }
0x106: {  	[sflag:s15] =	ssyncset.done $0x0  }
0x107: {  	[sflag:s15] =	ssyncadd.s32 $0xFFFFFF80  }
0x108: {  	_ =	swait.ge [sflag:s15], $0x80  }
0x109: {  	[sflag:s15] =	ssyncset.done $0x0  }
0x10a: {  	[sflag:s15] =	ssyncadd.s32 $0xFFFFFF80  }
0x10b: {  	_ =	swait.ge [sflag:s15], $0x80  }
0x10c: {  	[sflag:s15] =	ssyncset.done $0x0  }
0x10d: {  	[sflag:s15] =	ssyncadd.s32 $0xFFFFFF80  }
0x10e: {  	_ =	swait.ge [sflag:s15], $0x80  }
0x10f: {  	[sflag:s15] =	ssyncset.done $0x0  }
0x110: {  	[sflag:s15] =	ssyncadd.s32 $0xFFFFFF80  }
0x111: {  	_ =	swait.ge [sflag:s15], $0x80  }
0x112: {  	[sflag:s15] =	ssyncset.done $0x0  }
0x113: {  	[sflag:s15] =	ssyncadd.s32 $0xFFFFFF80  }
0x114: {  	_ =	swait.ge [sflag:s15], $0x80  }
0x115: {  	[sflag:s15] =	ssyncset.done $0x0  }
0x116: {  	[sflag:s15] =	ssyncadd.s32 $0xFFFFFF80  }
0x117: {  	_ =	swait.ge [sflag:s15], $0x80  }
0x118: {  	[sflag:s15] =	ssyncset.done $0x0  }
0x119: {  	[sflag:s15] =	ssyncadd.s32 $0xFFFFFF80  }
0x11a: {  	_ =	swait.ge [sflag:s15], $0x80  }
0x11b: {  	[sflag:s15] =	ssyncset.done $0x0  }
0x11c: {  	[sflag:s15] =	ssyncadd.s32 $0xFFFFFF80  }
0x11d: {  	_ =	swait.ge [sflag:s15], $0x80  }
0x11e: {  	[sflag:s15] =	ssyncset.done $0x0  }
0x11f: {  	[sflag:s15] =	ssyncadd.s32 $0xFFFFFF80  }
0x120: {  	_ =	swait.ge [sflag:s15], $0x80  }
0x121: {  	[sflag:s15] =	ssyncset.done $0x0  }
0x122: {  	[sflag:s15] =	ssyncadd.s32 $0xFFFFFF80  }
0x123: {  	_ =	swait.ge [sflag:s15], $0x80  }
0x124: {  	[sflag:s15] =	ssyncset.done $0x0  }
0x125: {  	[sflag:s15] =	ssyncadd.s32 $0xFFFFFF80  }
0x126: {  	_ =	swait.ge [sflag:s15], $0x80  }
0x127: {  	[sflag:s15] =	ssyncset.done $0x0  }
0x128: {  	[sflag:s15] =	ssyncadd.s32 $0xFFFFFF80  }
0x129: {  	_ =	swait.ge [sflag:s15], $0x80  }
0x12a: {  	[sflag:s15] =	ssyncset.done $0x0  }
0x12b: {  	[sflag:s15] =	ssyncadd.s32 $0xFFFFFF80  }
0x12c: {  	_ =	swait.ge [sflag:s15], $0x80  }
0x12d: {  	[sflag:s15] =	ssyncset.done $0x0  }
0x12e: {  	[sflag:s15] =	ssyncadd.s32 $0xFFFFFF80  }
0x12f: {  	_ =	swait.ge [sflag:s15], $0x80  }
0x130: {  	[sflag:s15] =	ssyncset.done $0x0  }
0x131: {  	[sflag:s15] =	ssyncadd.s32 $0xFFFFFF80  }
0x132: {  	_ =	swait.ge [sflag:s15], $0x80  }
0x133: {  	[sflag:s15] =	ssyncset.done $0x0  }
0x134: {  	[sflag:s15] =	ssyncadd.s32 $0xFFFFFF80  }
0x135: {  	s18 =	simm.s32 $0x80;
	_ =	swait.ge [sflag:s15], $0x80  }
0x136: {  	s19 =	simm.s32 $0x100;
	s17 =	rddreg [dreg:$0x9];
	[sflag:s15] =	ssyncset.done $0x0  }
.LBB2_2:
0x137: {  	[sflag:s15] =	ssyncadd.s32 $0xFFFFFF80;
	s17 =	sadd.s32 s18, s17  }
0x138: {  	[tilespmem:s22], [sflag:$0x2] =	stream.linear.gather [hbm4b:s17+s7], $0x400, $0x38;
	[tilespmem:$0x2458] =	vst v63  }
0x139: {  	_ =	swait.ge [sflag:s21], $0x400  }
0x13a: {  	s17 =	rddreg [dreg:$0x8];
	[sflag:s21] =	ssyncset.done $0x0  }
0x13b: {  	[sflag:s21] =	ssyncadd.s32 $0xFFFFFC00;
	s17 =	sadd.s32 s18, s17  }
0x13c: {  	[tilespmem:s7], [sflag:$0x2] =	stream.linear.gather [hbm4b:s17+s7], $0x400, $0x38;
	[tilespmem:$0x2458] =	vst v63  }
0x13d: {  	_ =	swait.ge [sflag:s21], $0x400  }
0x13e: {  	s17 =	rddreg [dreg:$0xa];
	[sflag:s21] =	ssyncset.done $0x0  }
0x13f: {  	[sflag:s21] =	ssyncadd.s32 $0xFFFFFC00;
	s17 =	sadd.s32 s18, s17  }
0x140: {  	[tilespmem:s23], [sflag:$0x2] =	stream.linear.gather [hbm4b:s17+s7], $0x400, $0x38;
	[tilespmem:$0x2458] =	vst v63  }
0x141: {  	_ =	swait.ge [sflag:s21], $0x400  }
0x142: {  	s17 =	rddreg [dreg:$0xb];
	[sflag:s21] =	ssyncset.done $0x0  }
0x143: {  	[sflag:s21] =	ssyncadd.s32 $0xFFFFFC00;
	s17 =	sadd.s32 s18, s17  }
0x144: {  	[tilespmem:s24], [sflag:$0x2] =	stream.linear.gather [hbm4b:s17+s7], $0x400, $0x38;
	[tilespmem:$0x2458] =	vst v63  }
0x145: {  	_ =	swait.ge [sflag:s21], $0x400  }
0x146: {  	s17 =	rddreg [dreg:$0xc];
	[sflag:s21] =	ssyncset.done $0x0  }
0x147: {  	[sflag:s21] =	ssyncadd.s32 $0xFFFFFC00;
	s17 =	sadd.s32 s18, s17  }
0x148: {  	[tilespmem:s25], [sflag:$0x2] =	stream.linear.gather [hbm4b:s17+s7], $0x400, $0x38;
	[tilespmem:$0x2458] =	vst v63  }
0x149: {  	_ =	swait.ge [sflag:s21], $0x400  }
0x14a: {  	s17 =	rddreg [dreg:$0xd];
	[sflag:s21] =	ssyncset.done $0x0  }
0x14b: {  	[sflag:s21] =	ssyncadd.s32 $0xFFFFFC00;
	s17 =	sadd.s32 s18, s17  }
0x14c: {  	[tilespmem:s26], [sflag:$0x2] =	stream.linear.gather [hbm4b:s17+s7], $0x400, $0x38;
	[tilespmem:$0x2458] =	vst v63  }
0x14d: {  	_ =	swait.ge [sflag:s21], $0x400  }
0x14e: {  	[sflag:s21] =	ssyncset.done $0x0  }
0x14f: {  	[sflag:s21] =	ssyncadd.s32 $0xFFFFFC00  }
0x150: {  	[spmem:s0] =	stream.indirect.scatter.add.f32 [tilespmem:s7], [sflag:$0x1], $0x1, s22, s28, $0xb8;
	[tilespmem:$0x2458] =	vst v63  }
0x151: {  	_ = 	snop  }
0x152: {  	[spmem:s0] =	stream.indirect.scatter.add.f32 [tilespmem:s28], [sflag:$0x1], $0x1, s29, s28, $0xb8;
	[tilespmem:$0x2458] =	vst v63  }
0x153: {  	s20 =	smov.u32 s19;
	s17 =	rddreg [dreg:$0xe]  }
0x154: {  	[spmem:s0] =	stream.indirect.scatter.add.f32 [tilespmem:s17], [sflag:$0x1], $0x1, s30, s28, $0xb8;
	[tilespmem:$0x2458] =	vst v63  }
0x155: {  	s18 =	smov.u32 s20;
	s20 =	rddreg [dreg:$0xf]  }
0x156: {  	[spmem:s0] =	stream.indirect.scatter.add.f32 [tilespmem:s20], [sflag:$0x1], $0x1, s31, s28, $0xb8;
	[tilespmem:$0x2458] =	vst v63  }
0x157: {  	s17 =	rddreg [dreg:$0x10]  }
0x158: {  	[spmem:s0] =	stream.indirect.scatter.add.f32 [tilespmem:s17], [sflag:$0x1], $0x1, s4, s28, $0xb8;
	[tilespmem:$0x2458] =	vst v63  }
0x159: {  	s20 =	rddreg [dreg:$0x11]  }
0x15a: {  	[spmem:s0] =	stream.indirect.scatter.add.f32 [tilespmem:s20], [sflag:$0x1], $0x1, s2, s28, $0xb8;
	[tilespmem:$0x2458] =	vst v63  }
0x15b: {  	s17 =	rddreg [dreg:$0x12]  }
0x15c: {  	[spmem:s0] =	stream.indirect.scatter.add.f32 [tilespmem:s17], [sflag:$0x1], $0x1, s8, s28, $0xb8;
	[tilespmem:$0x2458] =	vst v63  }
0x15d: {  	s20 =	rddreg [dreg:$0x13]  }
0x15e: {  	[spmem:s0] =	stream.indirect.scatter.add.f32 [tilespmem:s20], [sflag:$0x1], $0x1, s11, s28, $0xb8;
	[tilespmem:$0x2458] =	vst v63  }
0x15f: {  	_ = 	snop  }
0x160: {  	[spmem:s1] =	stream.indirect.scatter.add.f32 [tilespmem:s23], [sflag:$0x1], $0x1, s22, s28, $0xb8;
	[tilespmem:$0x2458] =	vst v63  }
0x161: {  	s17 =	rddreg [dreg:$0x14]  }
0x162: {  	[spmem:s1] =	stream.indirect.scatter.add.f32 [tilespmem:s17], [sflag:$0x1], $0x1, s29, s28, $0xb8;
	[tilespmem:$0x2458] =	vst v63  }
0x163: {  	s20 =	rddreg [dreg:$0x15]  }
0x164: {  	[spmem:s1] =	stream.indirect.scatter.add.f32 [tilespmem:s20], [sflag:$0x1], $0x1, s30, s28, $0xb8;
	[tilespmem:$0x2458] =	vst v63  }
0x165: {  	s17 =	rddreg [dreg:$0x16]  }
0x166: {  	[spmem:s1] =	stream.indirect.scatter.add.f32 [tilespmem:s17], [sflag:$0x1], $0x1, s31, s28, $0xb8;
	[tilespmem:$0x2458] =	vst v63  }
0x167: {  	s20 =	rddreg [dreg:$0x17]  }
0x168: {  	[spmem:s1] =	stream.indirect.scatter.add.f32 [tilespmem:s20], [sflag:$0x1], $0x1, s4, s28, $0xb8;
	[tilespmem:$0x2458] =	vst v63  }
0x169: {  	s17 =	rddreg [dreg:$0x18]  }
0x16a: {  	[spmem:s1] =	stream.indirect.scatter.add.f32 [tilespmem:s17], [sflag:$0x1], $0x1, s2, s28, $0xb8;
	[tilespmem:$0x2458] =	vst v63  }
0x16b: {  	s20 =	rddreg [dreg:$0x19]  }
0x16c: {  	[spmem:s1] =	stream.indirect.scatter.add.f32 [tilespmem:s20], [sflag:$0x1], $0x1, s8, s28, $0xb8;
	[tilespmem:$0x2458] =	vst v63  }
0x16d: {  	s17 =	rddreg [dreg:$0x1a]  }
0x16e: {  	[spmem:s1] =	stream.indirect.scatter.add.f32 [tilespmem:s17], [sflag:$0x1], $0x1, s11, s28, $0xb8;
	[tilespmem:$0x2458] =	vst v63  }
0x16f: {  	s20 =	rddreg [dreg:$0x1c]  }
0x170: {  	[spmem:s3] =	stream.indirect.scatter.add.f32 [tilespmem:s24], [sflag:$0x1], $0x1, s22, s28, $0xb8;
	[tilespmem:$0x2458] =	vst v63  }
0x171: {  	s17 =	rddreg [dreg:$0x1b]  }
0x172: {  	[spmem:s3] =	stream.indirect.scatter.add.f32 [tilespmem:s17], [sflag:$0x1], $0x1, s29, s28, $0xb8;
	[tilespmem:$0x2458] =	vst v63  }
0x173: {  	s17 =	rddreg [dreg:$0x1d]  }
0x174: {  	[spmem:s3] =	stream.indirect.scatter.add.f32 [tilespmem:s20], [sflag:$0x1], $0x1, s30, s28, $0xb8;
	[tilespmem:$0x2458] =	vst v63  }
0x175: {  	s20 =	rddreg [dreg:$0x1e]  }
0x176: {  	[spmem:s3] =	stream.indirect.scatter.add.f32 [tilespmem:s17], [sflag:$0x1], $0x1, s31, s28, $0xb8;
	[tilespmem:$0x2458] =	vst v63  }
0x177: {  	s17 =	rddreg [dreg:$0x1f]  }
0x178: {  	[spmem:s3] =	stream.indirect.scatter.add.f32 [tilespmem:s20], [sflag:$0x1], $0x1, s4, s28, $0xb8;
	[tilespmem:$0x2458] =	vst v63  }
0x179: {  	s20 =	sld [smem:$0x7E8]  }
0x17a: {  	[spmem:s3] =	stream.indirect.scatter.add.f32 [tilespmem:s17], [sflag:$0x1], $0x1, s2, s28, $0xb8;
	[tilespmem:$0x2458] =	vst v63  }
0x17b: {  	s17 =	sld [smem:$0x7EA]  }
0x17c: {  	[spmem:s3] =	stream.indirect.scatter.add.f32 [tilespmem:s20], [sflag:$0x1], $0x1, s8, s28, $0xb8;
	[tilespmem:$0x2458] =	vst v63  }
0x17d: {  	_ = 	snop  }
0x17e: {  	[spmem:s3] =	stream.indirect.scatter.add.f32 [tilespmem:s17], [sflag:$0x1], $0x1, s11, s28, $0xb8;
	[tilespmem:$0x2458] =	vst v63  }
0x17f: {  	s17 =	sld [smem:$0x7EC]  }
0x180: {  	[spmem:s5] =	stream.indirect.scatter.add.f32 [tilespmem:s25], [sflag:$0x1], $0x1, s22, s28, $0xb8;
	[tilespmem:$0x2458] =	vst v63  }
0x181: {  	s20 =	sld [smem:$0x7EE]  }
0x182: {  	[spmem:s5] =	stream.indirect.scatter.add.f32 [tilespmem:s17], [sflag:$0x1], $0x1, s29, s28, $0xb8;
	[tilespmem:$0x2458] =	vst v63  }
0x183: {  	s17 =	sld [smem:$0x7F0]  }
0x184: {  	[spmem:s5] =	stream.indirect.scatter.add.f32 [tilespmem:s20], [sflag:$0x1], $0x1, s30, s28, $0xb8;
	[tilespmem:$0x2458] =	vst v63  }
0x185: {  	s20 =	sld [smem:$0x7F2]  }
0x186: {  	[spmem:s5] =	stream.indirect.scatter.add.f32 [tilespmem:s17], [sflag:$0x1], $0x1, s31, s28, $0xb8;
	[tilespmem:$0x2458] =	vst v63  }
0x187: {  	s17 =	sld [smem:$0x7F4]  }
0x188: {  	[spmem:s5] =	stream.indirect.scatter.add.f32 [tilespmem:s20], [sflag:$0x1], $0x1, s4, s28, $0xb8;
	[tilespmem:$0x2458] =	vst v63  }
0x189: {  	s20 =	sld [smem:$0x7F6]  }
0x18a: {  	[spmem:s5] =	stream.indirect.scatter.add.f32 [tilespmem:s17], [sflag:$0x1], $0x1, s2, s28, $0xb8;
	[tilespmem:$0x2458] =	vst v63  }
0x18b: {  	s17 =	sld [smem:$0x7F8]  }
0x18c: {  	[spmem:s5] =	stream.indirect.scatter.add.f32 [tilespmem:s20], [sflag:$0x1], $0x1, s8, s28, $0xb8;
	[tilespmem:$0x2458] =	vst v63  }
0x18d: {  	_ = 	snop  }
0x18e: {  	[spmem:s5] =	stream.indirect.scatter.add.f32 [tilespmem:s17], [sflag:$0x1], $0x1, s11, s28, $0xb8;
	[tilespmem:$0x2458] =	vst v63  }
0x18f: {  	s17 =	sld [smem:$0x7FA]  }
0x190: {  	[spmem:s6] =	stream.indirect.scatter.add.f32 [tilespmem:s26], [sflag:$0x1], $0x1, s22, s28, $0xb8;
	[tilespmem:$0x2458] =	vst v63  }
0x191: {  	s20 =	sld [smem:$0x7FB]  }
0x192: {  	[spmem:s6] =	stream.indirect.scatter.add.f32 [tilespmem:s17], [sflag:$0x1], $0x1, s29, s28, $0xb8;
	[tilespmem:$0x2458] =	vst v63  }
0x193: {  	s17 =	sld [smem:$0x7FC]  }
0x194: {  	[spmem:s6] =	stream.indirect.scatter.add.f32 [tilespmem:s20], [sflag:$0x1], $0x1, s30, s28, $0xb8;
	[tilespmem:$0x2458] =	vst v63  }
0x195: {  	s20 =	sld [smem:$0x7FD]  }
0x196: {  	[spmem:s6] =	stream.indirect.scatter.add.f32 [tilespmem:s17], [sflag:$0x1], $0x1, s31, s28, $0xb8;
	[tilespmem:$0x2458] =	vst v63  }
0x197: {  	_ = 	snop  }
0x198: {  	[spmem:s6] =	stream.indirect.scatter.add.f32 [tilespmem:s20], [sflag:$0x1], $0x1, s4, s28, $0xb8;
	[tilespmem:$0x2458] =	vst v63  }
0x199: {  	_ = 	snop  }
0x19a: {  	[spmem:s6] =	stream.indirect.scatter.add.f32 [tilespmem:s12], [sflag:$0x1], $0x1, s2, s28, $0xb8;
	[tilespmem:$0x2458] =	vst v63  }
0x19b: {  	_ = 	snop  }
0x19c: {  	[spmem:s6] =	stream.indirect.scatter.add.f32 [tilespmem:s13], [sflag:$0x1], $0x1, s8, s28, $0xb8;
	[tilespmem:$0x2458] =	vst v63  }
0x19d: {  	_ = 	snop  }
0x19e: {  	[spmem:s6] =	stream.indirect.scatter.add.f32 [tilespmem:s14], [sflag:$0x1], $0x1, s11, s28, $0xb8;
	[tilespmem:$0x2458] =	vst v63  }
0x19f: {  	_ =	swait.ge [sflag:s15], $0x80  }
0x1a0: {  	[sflag:s15] =	ssyncset.done $0x0  }
0x1a1: {  	[sflag:s15] =	ssyncadd.s32 $0xFFFFFF80  }
0x1a2: {  	_ =	swait.ge [sflag:s15], $0x80  }
0x1a3: {  	[sflag:s15] =	ssyncset.done $0x0  }
0x1a4: {  	[sflag:s15] =	ssyncadd.s32 $0xFFFFFF80  }
0x1a5: {  	_ =	swait.ge [sflag:s15], $0x80  }
0x1a6: {  	[sflag:s15] =	ssyncset.done $0x0  }
0x1a7: {  	[sflag:s15] =	ssyncadd.s32 $0xFFFFFF80  }
0x1a8: {  	_ =	swait.ge [sflag:s15], $0x80  }
0x1a9: {  	[sflag:s15] =	ssyncset.done $0x0  }
0x1aa: {  	[sflag:s15] =	ssyncadd.s32 $0xFFFFFF80  }
0x1ab: {  	_ =	swait.ge [sflag:s15], $0x80  }
0x1ac: {  	[sflag:s15] =	ssyncset.done $0x0  }
0x1ad: {  	[sflag:s15] =	ssyncadd.s32 $0xFFFFFF80  }
0x1ae: {  	_ =	swait.ge [sflag:s15], $0x80  }
0x1af: {  	[sflag:s15] =	ssyncset.done $0x0  }
0x1b0: {  	[sflag:s15] =	ssyncadd.s32 $0xFFFFFF80  }
0x1b1: {  	_ =	swait.ge [sflag:s15], $0x80  }
0x1b2: {  	[sflag:s15] =	ssyncset.done $0x0  }
0x1b3: {  	[sflag:s15] =	ssyncadd.s32 $0xFFFFFF80  }
0x1b4: {  	_ =	swait.ge [sflag:s15], $0x80  }
0x1b5: {  	[sflag:s15] =	ssyncset.done $0x0  }
0x1b6: {  	[sflag:s15] =	ssyncadd.s32 $0xFFFFFF80  }
0x1b7: {  	_ =	swait.ge [sflag:s15], $0x80  }
0x1b8: {  	[sflag:s15] =	ssyncset.done $0x0  }
0x1b9: {  	[sflag:s15] =	ssyncadd.s32 $0xFFFFFF80  }
0x1ba: {  	_ =	swait.ge [sflag:s15], $0x80  }
0x1bb: {  	[sflag:s15] =	ssyncset.done $0x0  }
0x1bc: {  	[sflag:s15] =	ssyncadd.s32 $0xFFFFFF80  }
0x1bd: {  	_ =	swait.ge [sflag:s15], $0x80  }
0x1be: {  	[sflag:s15] =	ssyncset.done $0x0  }
0x1bf: {  	[sflag:s15] =	ssyncadd.s32 $0xFFFFFF80  }
0x1c0: {  	_ =	swait.ge [sflag:s15], $0x80  }
0x1c1: {  	[sflag:s15] =	ssyncset.done $0x0  }
0x1c2: {  	[sflag:s15] =	ssyncadd.s32 $0xFFFFFF80  }
0x1c3: {  	_ =	swait.ge [sflag:s15], $0x80  }
0x1c4: {  	[sflag:s15] =	ssyncset.done $0x0  }
0x1c5: {  	[sflag:s15] =	ssyncadd.s32 $0xFFFFFF80  }
0x1c6: {  	_ =	swait.ge [sflag:s15], $0x80  }
0x1c7: {  	[sflag:s15] =	ssyncset.done $0x0  }
0x1c8: {  	[sflag:s15] =	ssyncadd.s32 $0xFFFFFF80  }
0x1c9: {  	_ =	swait.ge [sflag:s15], $0x80  }
0x1ca: {  	[sflag:s15] =	ssyncset.done $0x0  }
0x1cb: {  	[sflag:s15] =	ssyncadd.s32 $0xFFFFFF80  }
0x1cc: {  	_ =	swait.ge [sflag:s15], $0x80  }
0x1cd: {  	[sflag:s15] =	ssyncset.done $0x0  }
0x1ce: {  	[sflag:s15] =	ssyncadd.s32 $0xFFFFFF80  }
0x1cf: {  	_ =	swait.ge [sflag:s15], $0x80  }
0x1d0: {  	[sflag:s15] =	ssyncset.done $0x0  }
0x1d1: {  	[sflag:s15] =	ssyncadd.s32 $0xFFFFFF80  }
0x1d2: {  	_ =	swait.ge [sflag:s15], $0x80  }
0x1d3: {  	[sflag:s15] =	ssyncset.done $0x0  }
0x1d4: {  	[sflag:s15] =	ssyncadd.s32 $0xFFFFFF80  }
0x1d5: {  	_ =	swait.ge [sflag:s15], $0x80  }
0x1d6: {  	[sflag:s15] =	ssyncset.done $0x0  }
0x1d7: {  	[sflag:s15] =	ssyncadd.s32 $0xFFFFFF80  }
0x1d8: {  	_ =	swait.ge [sflag:s15], $0x80  }
0x1d9: {  	[sflag:s15] =	ssyncset.done $0x0  }
0x1da: {  	[sflag:s15] =	ssyncadd.s32 $0xFFFFFF80  }
0x1db: {  	_ =	swait.ge [sflag:s15], $0x80  }
0x1dc: {  	[sflag:s15] =	ssyncset.done $0x0  }
0x1dd: {  	[sflag:s15] =	ssyncadd.s32 $0xFFFFFF80  }
0x1de: {  	_ =	swait.ge [sflag:s15], $0x80  }
0x1df: {  	[sflag:s15] =	ssyncset.done $0x0  }
0x1e0: {  	[sflag:s15] =	ssyncadd.s32 $0xFFFFFF80  }
0x1e1: {  	_ =	swait.ge [sflag:s15], $0x80  }
0x1e2: {  	[sflag:s15] =	ssyncset.done $0x0  }
0x1e3: {  	[sflag:s15] =	ssyncadd.s32 $0xFFFFFF80  }
0x1e4: {  	_ =	swait.ge [sflag:s15], $0x80  }
0x1e5: {  	[sflag:s15] =	ssyncset.done $0x0  }
0x1e6: {  	[sflag:s15] =	ssyncadd.s32 $0xFFFFFF80  }
0x1e7: {  	_ =	swait.ge [sflag:s15], $0x80  }
0x1e8: {  	[sflag:s15] =	ssyncset.done $0x0  }
0x1e9: {  	[sflag:s15] =	ssyncadd.s32 $0xFFFFFF80  }
0x1ea: {  	_ =	swait.ge [sflag:s15], $0x80  }
0x1eb: {  	[sflag:s15] =	ssyncset.done $0x0  }
0x1ec: {  	[sflag:s15] =	ssyncadd.s32 $0xFFFFFF80  }
0x1ed: {  	_ =	swait.ge [sflag:s15], $0x80  }
0x1ee: {  	[sflag:s15] =	ssyncset.done $0x0  }
0x1ef: {  	[sflag:s15] =	ssyncadd.s32 $0xFFFFFF80  }
0x1f0: {  	_ =	swait.ge [sflag:s15], $0x80  }
0x1f1: {  	[sflag:s15] =	ssyncset.done $0x0  }
0x1f2: {  	[sflag:s15] =	ssyncadd.s32 $0xFFFFFF80  }
0x1f3: {  	_ =	swait.ge [sflag:s15], $0x80  }
0x1f4: {  	[sflag:s15] =	ssyncset.done $0x0  }
0x1f5: {  	[sflag:s15] =	ssyncadd.s32 $0xFFFFFF80  }
0x1f6: {  	_ =	swait.ge [sflag:s15], $0x80  }
0x1f7: {  	[sflag:s15] =	ssyncset.done $0x0  }
0x1f8: {  	[sflag:s15] =	ssyncadd.s32 $0xFFFFFF80  }
0x1f9: {  	_ =	swait.ge [sflag:s15], $0x80  }
0x1fa: {  	[sflag:s15] =	ssyncset.done $0x0  }
0x1fb: {  	[sflag:s15] =	ssyncadd.s32 $0xFFFFFF80  }
0x1fc: {  	_ =	swait.ge [sflag:s15], $0x80  }
0x1fd: {  	[sflag:s15] =	ssyncset.done $0x0  }
0x1fe: {  	[sflag:s15] =	ssyncadd.s32 $0xFFFFFF80  }
0x1ff: {  	_ =	swait.ge [sflag:s15], $0x80  }
0x200: {  	[sflag:s15] =	ssyncset.done $0x0  }
0x201: {  	[sflag:s15] =	ssyncadd.s32 $0xFFFFFF80  }
0x202: {  	_ =	swait.ge [sflag:s15], $0x80  }
0x203: {  	[sflag:s15] =	ssyncset.done $0x0  }
0x204: {  	[sflag:s15] =	ssyncadd.s32 $0xFFFFFF80  }
0x205: {  	_ =	swait.ge [sflag:s15], $0x80  }
0x206: {  	[sflag:s15] =	ssyncset.done $0x0  }
0x207: {  	[sflag:s15] =	ssyncadd.s32 $0xFFFFFF80  }
0x208: {  	_ =	swait.ge [sflag:s15], $0x80  }
0x209: {  	[sflag:s15] =	ssyncset.done $0x0  }
0x20a: {  	[sflag:s15] =	ssyncadd.s32 $0xFFFFFF80  }
0x20b: {  	_ =	swait.ge [sflag:s15], $0x80  }
0x20c: {  	[sflag:s15] =	ssyncset.done $0x0  }
0x20d: {  	[sflag:s15] =	ssyncadd.s32 $0xFFFFFF80  }
0x20e: {  	_ =	swait.ge [sflag:s15], $0x80  }
0x20f: {  	[sflag:s15] =	ssyncset.done $0x0  }
0x210: {  	p0 =	sne.s32 s19, $0x980;
	[sflag:s15] =	ssyncadd.s32 $0xFFFFFF80  }
.Ltmp0:
0x211: {  	_ =	swait.ge [sflag:s15], $0x80;
	(pc) =	sbr.rel @p0 .LBB2_2-.Ltmp0, $4  }
0x212: {  	[sflag:s15] =	ssyncset.done $0x0  }
0x213: {  	[sflag:s15] =	ssyncadd.s32 $0xFFFFFF80  }
0x214: {  	_ =	swait.ge [sflag:s15], $0x80  }
0x215: {  	s19 =	sadd.s32 $0x80, s19;
	s17 =	rddreg [dreg:$0x9];
	[sflag:s15] =	ssyncset.done $0x0  }
0x216: {  	[sflag:s15] =	ssyncadd.s32 $0xFFFFFF80;
	s17 =	sadd.s32 s18, s17  }
0x217: {  	[tilespmem:s22], [sflag:$0x2] =	stream.linear.gather [hbm4b:s17+s7], $0x400, $0x38;
	[tilespmem:$0x2458] =	vst v63  }
0x218: {  	_ =	swait.ge [sflag:s21], $0x400  }
0x219: {  	s20 =	rddreg [dreg:$0x8];
	[sflag:s21] =	ssyncset.done $0x0  }
0x21a: {  	[sflag:s21] =	ssyncadd.s32 $0xFFFFFC00;
	s17 =	sadd.s32 s18, s20  }
0x21b: {  	[tilespmem:s7], [sflag:$0x2] =	stream.linear.gather [hbm4b:s17+s7], $0x400, $0x38;
	[tilespmem:$0x2458] =	vst v63  }
0x21c: {  	_ =	swait.ge [sflag:s21], $0x400  }
0x21d: {  	s19 =	rddreg [dreg:$0xa];
	[sflag:s21] =	ssyncset.done $0x0  }
0x21e: {  	[sflag:s21] =	ssyncadd.s32 $0xFFFFFC00;
	s17 =	sadd.s32 s18, s19  }
0x21f: {  	[tilespmem:s23], [sflag:$0x2] =	stream.linear.gather [hbm4b:s17+s7], $0x400, $0x38;
	[tilespmem:$0x2458] =	vst v63  }
0x220: {  	_ =	swait.ge [sflag:s21], $0x400  }
0x221: {  	s20 =	rddreg [dreg:$0xb];
	[sflag:s21] =	ssyncset.done $0x0  }
0x222: {  	[sflag:s21] =	ssyncadd.s32 $0xFFFFFC00;
	s17 =	sadd.s32 s18, s20  }
0x223: {  	[tilespmem:s24], [sflag:$0x2] =	stream.linear.gather [hbm4b:s17+s7], $0x400, $0x38;
	[tilespmem:$0x2458] =	vst v63  }
0x224: {  	_ =	swait.ge [sflag:s21], $0x400  }
0x225: {  	s19 =	rddreg [dreg:$0xc];
	[sflag:s21] =	ssyncset.done $0x0  }
0x226: {  	[sflag:s21] =	ssyncadd.s32 $0xFFFFFC00;
	s17 =	sadd.s32 s18, s19  }
0x227: {  	[tilespmem:s25], [sflag:$0x2] =	stream.linear.gather [hbm4b:s17+s7], $0x400, $0x38;
	[tilespmem:$0x2458] =	vst v63  }
0x228: {  	_ =	swait.ge [sflag:s21], $0x400  }
0x229: {  	s20 =	rddreg [dreg:$0xd];
	[sflag:s21] =	ssyncset.done $0x0  }
0x22a: {  	[sflag:s21] =	ssyncadd.s32 $0xFFFFFC00;
	s17 =	sadd.s32 s18, s20  }
0x22b: {  	[tilespmem:s26], [sflag:$0x2] =	stream.linear.gather [hbm4b:s17+s7], $0x400, $0x38;
	[tilespmem:$0x2458] =	vst v63  }
0x22c: {  	_ =	swait.ge [sflag:s21], $0x400  }
0x22d: {  	[sflag:s21] =	ssyncset.done $0x0  }
0x22e: {  	[sflag:s21] =	ssyncadd.s32 $0xFFFFFC00  }
0x22f: {  	[spmem:s0] =	stream.indirect.scatter.add.f32 [tilespmem:s7], [sflag:$0x1], $0x1, s22, s28, $0xb8;
	[tilespmem:$0x2458] =	vst v63  }
0x230: {  	_ = 	snop  }
0x231: {  	[spmem:s0] =	stream.indirect.scatter.add.f32 [tilespmem:s28], [sflag:$0x1], $0x1, s29, s28, $0xb8;
	[tilespmem:$0x2458] =	vst v63  }
0x232: {  	s19 =	rddreg [dreg:$0xe]  }
0x233: {  	[spmem:s0] =	stream.indirect.scatter.add.f32 [tilespmem:s19], [sflag:$0x1], $0x1, s30, s28, $0xb8;
	[tilespmem:$0x2458] =	vst v63  }
0x234: {  	s20 =	rddreg [dreg:$0xf]  }
0x235: {  	[spmem:s0] =	stream.indirect.scatter.add.f32 [tilespmem:s20], [sflag:$0x1], $0x1, s31, s28, $0xb8;
	[tilespmem:$0x2458] =	vst v63  }
0x236: {  	s19 =	rddreg [dreg:$0x10]  }
0x237: {  	[spmem:s0] =	stream.indirect.scatter.add.f32 [tilespmem:s19], [sflag:$0x1], $0x1, s4, s28, $0xb8;
	[tilespmem:$0x2458] =	vst v63  }
0x238: {  	s20 =	rddreg [dreg:$0x11]  }
0x239: {  	[spmem:s0] =	stream.indirect.scatter.add.f32 [tilespmem:s20], [sflag:$0x1], $0x1, s2, s28, $0xb8;
	[tilespmem:$0x2458] =	vst v63  }
0x23a: {  	s19 =	rddreg [dreg:$0x12]  }
0x23b: {  	[spmem:s0] =	stream.indirect.scatter.add.f32 [tilespmem:s19], [sflag:$0x1], $0x1, s8, s28, $0xb8;
	[tilespmem:$0x2458] =	vst v63  }
0x23c: {  	s20 =	rddreg [dreg:$0x13]  }
0x23d: {  	[spmem:s0] =	stream.indirect.scatter.add.f32 [tilespmem:s20], [sflag:$0x1], $0x1, s11, s28, $0xb8;
	[tilespmem:$0x2458] =	vst v63  }
0x23e: {  	_ = 	snop  }
0x23f: {  	[spmem:s1] =	stream.indirect.scatter.add.f32 [tilespmem:s23], [sflag:$0x1], $0x1, s22, s28, $0xb8;
	[tilespmem:$0x2458] =	vst v63  }
0x240: {  	s18 =	rddreg [dreg:$0x14]  }
0x241: {  	[spmem:s1] =	stream.indirect.scatter.add.f32 [tilespmem:s18], [sflag:$0x1], $0x1, s29, s28, $0xb8;
	[tilespmem:$0x2458] =	vst v63  }
0x242: {  	s19 =	rddreg [dreg:$0x15]  }
0x243: {  	[spmem:s1] =	stream.indirect.scatter.add.f32 [tilespmem:s19], [sflag:$0x1], $0x1, s30, s28, $0xb8;
	[tilespmem:$0x2458] =	vst v63  }
0x244: {  	s20 =	rddreg [dreg:$0x16]  }
0x245: {  	[spmem:s1] =	stream.indirect.scatter.add.f32 [tilespmem:s20], [sflag:$0x1], $0x1, s31, s28, $0xb8;
	[tilespmem:$0x2458] =	vst v63  }
0x246: {  	s19 =	rddreg [dreg:$0x17]  }
0x247: {  	[spmem:s1] =	stream.indirect.scatter.add.f32 [tilespmem:s19], [sflag:$0x1], $0x1, s4, s28, $0xb8;
	[tilespmem:$0x2458] =	vst v63  }
0x248: {  	s20 =	rddreg [dreg:$0x18]  }
0x249: {  	[spmem:s1] =	stream.indirect.scatter.add.f32 [tilespmem:s20], [sflag:$0x1], $0x1, s2, s28, $0xb8;
	[tilespmem:$0x2458] =	vst v63  }
0x24a: {  	s19 =	rddreg [dreg:$0x19]  }
0x24b: {  	[spmem:s1] =	stream.indirect.scatter.add.f32 [tilespmem:s19], [sflag:$0x1], $0x1, s8, s28, $0xb8;
	[tilespmem:$0x2458] =	vst v63  }
0x24c: {  	s20 =	rddreg [dreg:$0x1a]  }
0x24d: {  	[spmem:s1] =	stream.indirect.scatter.add.f32 [tilespmem:s20], [sflag:$0x1], $0x1, s11, s28, $0xb8;
	[tilespmem:$0x2458] =	vst v63  }
0x24e: {  	s18 =	rddreg [dreg:$0x1b]  }
0x24f: {  	[spmem:s3] =	stream.indirect.scatter.add.f32 [tilespmem:s24], [sflag:$0x1], $0x1, s22, s28, $0xb8;
	[tilespmem:$0x2458] =	vst v63  }
0x250: {  	s19 =	rddreg [dreg:$0x1c]  }
0x251: {  	[spmem:s3] =	stream.indirect.scatter.add.f32 [tilespmem:s18], [sflag:$0x1], $0x1, s29, s28, $0xb8;
	[tilespmem:$0x2458] =	vst v63  }
0x252: {  	s20 =	rddreg [dreg:$0x1d]  }
0x253: {  	[spmem:s3] =	stream.indirect.scatter.add.f32 [tilespmem:s19], [sflag:$0x1], $0x1, s30, s28, $0xb8;
	[tilespmem:$0x2458] =	vst v63  }
0x254: {  	s19 =	rddreg [dreg:$0x1e]  }
0x255: {  	[spmem:s3] =	stream.indirect.scatter.add.f32 [tilespmem:s20], [sflag:$0x1], $0x1, s31, s28, $0xb8;
	[tilespmem:$0x2458] =	vst v63  }
0x256: {  	s20 =	rddreg [dreg:$0x1f]  }
0x257: {  	[spmem:s3] =	stream.indirect.scatter.add.f32 [tilespmem:s19], [sflag:$0x1], $0x1, s4, s28, $0xb8;
	[tilespmem:$0x2458] =	vst v63  }
0x258: {  	s19 =	sld [smem:$0x7E8]  }
0x259: {  	[spmem:s3] =	stream.indirect.scatter.add.f32 [tilespmem:s20], [sflag:$0x1], $0x1, s2, s28, $0xb8;
	[tilespmem:$0x2458] =	vst v63  }
0x25a: {  	s20 =	sld [smem:$0x7EA]  }
0x25b: {  	[spmem:s3] =	stream.indirect.scatter.add.f32 [tilespmem:s19], [sflag:$0x1], $0x1, s8, s28, $0xb8;
	[tilespmem:$0x2458] =	vst v63  }
0x25c: {  	_ = 	snop  }
0x25d: {  	[spmem:s3] =	stream.indirect.scatter.add.f32 [tilespmem:s20], [sflag:$0x1], $0x1, s11, s28, $0xb8;
	[tilespmem:$0x2458] =	vst v63  }
0x25e: {  	s18 =	sld [smem:$0x7EC]  }
0x25f: {  	[spmem:s5] =	stream.indirect.scatter.add.f32 [tilespmem:s25], [sflag:$0x1], $0x1, s22, s28, $0xb8;
	[tilespmem:$0x2458] =	vst v63  }
0x260: {  	s19 =	sld [smem:$0x7EE]  }
0x261: {  	[spmem:s5] =	stream.indirect.scatter.add.f32 [tilespmem:s18], [sflag:$0x1], $0x1, s29, s28, $0xb8;
	[tilespmem:$0x2458] =	vst v63  }
0x262: {  	s20 =	sld [smem:$0x7F0]  }
0x263: {  	[spmem:s5] =	stream.indirect.scatter.add.f32 [tilespmem:s19], [sflag:$0x1], $0x1, s30, s28, $0xb8;
	[tilespmem:$0x2458] =	vst v63  }
0x264: {  	s19 =	sld [smem:$0x7F2]  }
0x265: {  	[spmem:s5] =	stream.indirect.scatter.add.f32 [tilespmem:s20], [sflag:$0x1], $0x1, s31, s28, $0xb8;
	[tilespmem:$0x2458] =	vst v63  }
0x266: {  	s20 =	sld [smem:$0x7F4]  }
0x267: {  	[spmem:s5] =	stream.indirect.scatter.add.f32 [tilespmem:s19], [sflag:$0x1], $0x1, s4, s28, $0xb8;
	[tilespmem:$0x2458] =	vst v63  }
0x268: {  	s19 =	sld [smem:$0x7F6]  }
0x269: {  	[spmem:s5] =	stream.indirect.scatter.add.f32 [tilespmem:s20], [sflag:$0x1], $0x1, s2, s28, $0xb8;
	[tilespmem:$0x2458] =	vst v63  }
0x26a: {  	s20 =	sld [smem:$0x7F8]  }
0x26b: {  	[spmem:s5] =	stream.indirect.scatter.add.f32 [tilespmem:s19], [sflag:$0x1], $0x1, s8, s28, $0xb8;
	[tilespmem:$0x2458] =	vst v63  }
0x26c: {  	_ = 	snop  }
0x26d: {  	[spmem:s5] =	stream.indirect.scatter.add.f32 [tilespmem:s20], [sflag:$0x1], $0x1, s11, s28, $0xb8;
	[tilespmem:$0x2458] =	vst v63  }
0x26e: {  	s19 =	sld [smem:$0x7FA]  }
0x26f: {  	[spmem:s6] =	stream.indirect.scatter.add.f32 [tilespmem:s26], [sflag:$0x1], $0x1, s22, s28, $0xb8;
	[tilespmem:$0x2458] =	vst v63  }
0x270: {  	s20 =	sld [smem:$0x7FB]  }
0x271: {  	[spmem:s6] =	stream.indirect.scatter.add.f32 [tilespmem:s19], [sflag:$0x1], $0x1, s29, s28, $0xb8;
	[tilespmem:$0x2458] =	vst v63  }
0x272: {  	s19 =	sld [smem:$0x7FC]  }
0x273: {  	[spmem:s6] =	stream.indirect.scatter.add.f32 [tilespmem:s20], [sflag:$0x1], $0x1, s30, s28, $0xb8;
	[tilespmem:$0x2458] =	vst v63  }
0x274: {  	s20 =	sld [smem:$0x7FD]  }
0x275: {  	[spmem:s6] =	stream.indirect.scatter.add.f32 [tilespmem:s19], [sflag:$0x1], $0x1, s31, s28, $0xb8;
	[tilespmem:$0x2458] =	vst v63  }
0x276: {  	_ = 	snop  }
0x277: {  	[spmem:s6] =	stream.indirect.scatter.add.f32 [tilespmem:s20], [sflag:$0x1], $0x1, s4, s28, $0xb8;
	[tilespmem:$0x2458] =	vst v63  }
0x278: {  	_ = 	snop  }
0x279: {  	[spmem:s6] =	stream.indirect.scatter.add.f32 [tilespmem:s12], [sflag:$0x1], $0x1, s2, s28, $0xb8;
	[tilespmem:$0x2458] =	vst v63  }
0x27a: {  	_ = 	snop  }
0x27b: {  	[spmem:s6] =	stream.indirect.scatter.add.f32 [tilespmem:s13], [sflag:$0x1], $0x1, s8, s28, $0xb8;
	[tilespmem:$0x2458] =	vst v63  }
0x27c: {  	_ = 	snop  }
0x27d: {  	[spmem:s6] =	stream.indirect.scatter.add.f32 [tilespmem:s14], [sflag:$0x1], $0x1, s11, s28, $0xb8;
	[tilespmem:$0x2458] =	vst v63  }
0x27e: {  	_ =	swait.ge [sflag:s15], $0x80  }
0x27f: {  	[sflag:s15] =	ssyncset.done $0x0  }
0x280: {  	[sflag:s15] =	ssyncadd.s32 $0xFFFFFF80  }
0x281: {  	_ =	swait.ge [sflag:s15], $0x80  }
0x282: {  	[sflag:s15] =	ssyncset.done $0x0  }
0x283: {  	[sflag:s15] =	ssyncadd.s32 $0xFFFFFF80  }
0x284: {  	_ =	swait.ge [sflag:s15], $0x80  }
0x285: {  	[sflag:s15] =	ssyncset.done $0x0  }
0x286: {  	[sflag:s15] =	ssyncadd.s32 $0xFFFFFF80  }
0x287: {  	_ =	swait.ge [sflag:s15], $0x80  }
0x288: {  	[sflag:s15] =	ssyncset.done $0x0  }
0x289: {  	[sflag:s15] =	ssyncadd.s32 $0xFFFFFF80  }
0x28a: {  	_ =	swait.ge [sflag:s15], $0x80  }
0x28b: {  	[sflag:s15] =	ssyncset.done $0x0  }
0x28c: {  	[sflag:s15] =	ssyncadd.s32 $0xFFFFFF80  }
0x28d: {  	_ =	swait.ge [sflag:s15], $0x80  }
0x28e: {  	[sflag:s15] =	ssyncset.done $0x0  }
0x28f: {  	[sflag:s15] =	ssyncadd.s32 $0xFFFFFF80  }
0x290: {  	_ =	swait.ge [sflag:s15], $0x80  }
0x291: {  	[sflag:s15] =	ssyncset.done $0x0  }
0x292: {  	[sflag:s15] =	ssyncadd.s32 $0xFFFFFF80  }
0x293: {  	_ =	swait.ge [sflag:s15], $0x80  }
0x294: {  	[sflag:s15] =	ssyncset.done $0x0  }
0x295: {  	[sflag:s15] =	ssyncadd.s32 $0xFFFFFF80  }
0x296: {  	_ =	swait.ge [sflag:s15], $0x80  }
0x297: {  	[sflag:s15] =	ssyncset.done $0x0  }
0x298: {  	[sflag:s15] =	ssyncadd.s32 $0xFFFFFF80  }
0x299: {  	_ =	swait.ge [sflag:s15], $0x80  }
0x29a: {  	[sflag:s15] =	ssyncset.done $0x0  }
0x29b: {  	[sflag:s15] =	ssyncadd.s32 $0xFFFFFF80  }
0x29c: {  	_ =	swait.ge [sflag:s15], $0x80  }
0x29d: {  	[sflag:s15] =	ssyncset.done $0x0  }
0x29e: {  	[sflag:s15] =	ssyncadd.s32 $0xFFFFFF80  }
0x29f: {  	_ =	swait.ge [sflag:s15], $0x80  }
0x2a0: {  	[sflag:s15] =	ssyncset.done $0x0  }
0x2a1: {  	[sflag:s15] =	ssyncadd.s32 $0xFFFFFF80  }
0x2a2: {  	_ =	swait.ge [sflag:s15], $0x80  }
0x2a3: {  	[sflag:s15] =	ssyncset.done $0x0  }
0x2a4: {  	[sflag:s15] =	ssyncadd.s32 $0xFFFFFF80  }
0x2a5: {  	_ =	swait.ge [sflag:s15], $0x80  }
0x2a6: {  	[sflag:s15] =	ssyncset.done $0x0  }
0x2a7: {  	[sflag:s15] =	ssyncadd.s32 $0xFFFFFF80  }
0x2a8: {  	_ =	swait.ge [sflag:s15], $0x80  }
0x2a9: {  	[sflag:s15] =	ssyncset.done $0x0  }
0x2aa: {  	[sflag:s15] =	ssyncadd.s32 $0xFFFFFF80  }
0x2ab: {  	_ =	swait.ge [sflag:s15], $0x80  }
0x2ac: {  	[sflag:s15] =	ssyncset.done $0x0  }
0x2ad: {  	[sflag:s15] =	ssyncadd.s32 $0xFFFFFF80  }
0x2ae: {  	_ =	swait.ge [sflag:s15], $0x80  }
0x2af: {  	[sflag:s15] =	ssyncset.done $0x0  }
0x2b0: {  	[sflag:s15] =	ssyncadd.s32 $0xFFFFFF80  }
0x2b1: {  	_ =	swait.ge [sflag:s15], $0x80  }
0x2b2: {  	[sflag:s15] =	ssyncset.done $0x0  }
0x2b3: {  	[sflag:s15] =	ssyncadd.s32 $0xFFFFFF80  }
0x2b4: {  	_ =	swait.ge [sflag:s15], $0x80  }
0x2b5: {  	[sflag:s15] =	ssyncset.done $0x0  }
0x2b6: {  	[sflag:s15] =	ssyncadd.s32 $0xFFFFFF80  }
0x2b7: {  	_ =	swait.ge [sflag:s15], $0x80  }
0x2b8: {  	[sflag:s15] =	ssyncset.done $0x0  }
0x2b9: {  	[sflag:s15] =	ssyncadd.s32 $0xFFFFFF80  }
0x2ba: {  	_ =	swait.ge [sflag:s15], $0x80  }
0x2bb: {  	[sflag:s15] =	ssyncset.done $0x0  }
0x2bc: {  	[sflag:s15] =	ssyncadd.s32 $0xFFFFFF80  }
0x2bd: {  	_ =	swait.ge [sflag:s15], $0x80  }
0x2be: {  	[sflag:s15] =	ssyncset.done $0x0  }
0x2bf: {  	[sflag:s15] =	ssyncadd.s32 $0xFFFFFF80  }
0x2c0: {  	_ =	swait.ge [sflag:s15], $0x80  }
0x2c1: {  	[sflag:s15] =	ssyncset.done $0x0  }
0x2c2: {  	[sflag:s15] =	ssyncadd.s32 $0xFFFFFF80  }
0x2c3: {  	_ =	swait.ge [sflag:s15], $0x80  }
0x2c4: {  	[sflag:s15] =	ssyncset.done $0x0  }
0x2c5: {  	[sflag:s15] =	ssyncadd.s32 $0xFFFFFF80  }
0x2c6: {  	_ =	swait.ge [sflag:s15], $0x80  }
0x2c7: {  	[sflag:s15] =	ssyncset.done $0x0  }
0x2c8: {  	[sflag:s15] =	ssyncadd.s32 $0xFFFFFF80  }
0x2c9: {  	_ =	swait.ge [sflag:s15], $0x80  }
0x2ca: {  	[sflag:s15] =	ssyncset.done $0x0  }
0x2cb: {  	[sflag:s15] =	ssyncadd.s32 $0xFFFFFF80  }
0x2cc: {  	_ =	swait.ge [sflag:s15], $0x80  }
0x2cd: {  	[sflag:s15] =	ssyncset.done $0x0  }
0x2ce: {  	[sflag:s15] =	ssyncadd.s32 $0xFFFFFF80  }
0x2cf: {  	_ =	swait.ge [sflag:s15], $0x80  }
0x2d0: {  	[sflag:s15] =	ssyncset.done $0x0  }
0x2d1: {  	[sflag:s15] =	ssyncadd.s32 $0xFFFFFF80  }
0x2d2: {  	_ =	swait.ge [sflag:s15], $0x80  }
0x2d3: {  	[sflag:s15] =	ssyncset.done $0x0  }
0x2d4: {  	[sflag:s15] =	ssyncadd.s32 $0xFFFFFF80  }
0x2d5: {  	_ =	swait.ge [sflag:s15], $0x80  }
0x2d6: {  	[sflag:s15] =	ssyncset.done $0x0  }
0x2d7: {  	[sflag:s15] =	ssyncadd.s32 $0xFFFFFF80  }
0x2d8: {  	_ =	swait.ge [sflag:s15], $0x80  }
0x2d9: {  	[sflag:s15] =	ssyncset.done $0x0  }
0x2da: {  	[sflag:s15] =	ssyncadd.s32 $0xFFFFFF80  }
0x2db: {  	_ =	swait.ge [sflag:s15], $0x80  }
0x2dc: {  	[sflag:s15] =	ssyncset.done $0x0  }
0x2dd: {  	[sflag:s15] =	ssyncadd.s32 $0xFFFFFF80  }
0x2de: {  	_ =	swait.ge [sflag:s15], $0x80  }
0x2df: {  	[sflag:s15] =	ssyncset.done $0x0  }
0x2e0: {  	[sflag:s15] =	ssyncadd.s32 $0xFFFFFF80  }
0x2e1: {  	_ =	swait.ge [sflag:s15], $0x80  }
0x2e2: {  	[sflag:s15] =	ssyncset.done $0x0  }
0x2e3: {  	[sflag:s15] =	ssyncadd.s32 $0xFFFFFF80  }
0x2e4: {  	_ =	swait.ge [sflag:s15], $0x80  }
0x2e5: {  	[sflag:s15] =	ssyncset.done $0x0  }
0x2e6: {  	[sflag:s15] =	ssyncadd.s32 $0xFFFFFF80  }
0x2e7: {  	_ =	swait.ge [sflag:s15], $0x80  }
0x2e8: {  	[sflag:s15] =	ssyncset.done $0x0  }
0x2e9: {  	[sflag:s15] =	ssyncadd.s32 $0xFFFFFF80  }
0x2ea: {  	_ =	swait.ge [sflag:s15], $0x80  }
0x2eb: {  	[sflag:s15] =	ssyncset.done $0x0  }
0x2ec: {  	[sflag:s15] =	ssyncadd.s32 $0xFFFFFF80  }
0x2ed: {  	_ =	swait.ge [sflag:s15], $0x80  }
0x2ee: {  	[sflag:s15] =	ssyncset.done $0x0  }
0x2ef: {  	[sflag:s15] =	ssyncadd.s32 $0xFFFFFF80  }
0x2f0: {  	_ =	swait.ge [sflag:s15], $0x80  }
0x2f1: {  	[sflag:s15] =	ssyncset.done $0x0  }
0x2f2: {  	[sflag:s15] =	ssyncadd.s32 $0xFFFFFF80  }
0x2f3: {  	_ =	swait.ge [sflag:s15], $0x80  }
0x2f4: {  	[sflag:s15] =	ssyncset.done $0x0  }
0x2f5: {  	[sflag:s15] =	ssyncadd.s32 $0xFFFFFF80  }
0x2f6: {  	[bflag:$0x0] =	sbarrier.arrive $0xFFFF  }
0x2f7: {  	s19 =	sld [smem:$0x7EF]  }
0x2f8: {  	s20 =	sld [smem:$0x7E1];
	_ =	sdelay $0x2  }
0x2f9: {  	[hbm:s19], [sflag:s10] =	dma.local [spmem:s20], $0x4F  }
0x2fa: {  	_ =	swait.ge [sflag:s21], $0x4F  }
0x2fb: {  	s19 =	sld [smem:$0x7F1]  }
0x2fc: {  	s20 =	sld [smem:$0x7E2]  }
0x2fd: {  	[sflag:s21] =	ssyncset.done $0x0  }
0x2fe: {  	[sflag:s21] =	ssyncadd.s32 $0xFFFFFFB1  }
0x2ff: {  	[hbm:s19], [sflag:s10] =	dma.local [spmem:s20], $0x4F  }
0x300: {  	_ =	swait.ge [sflag:s21], $0x4F  }
0x301: {  	s19 =	sld [smem:$0x7F3]  }
0x302: {  	s20 =	sld [smem:$0x7E3]  }
0x303: {  	[sflag:s21] =	ssyncset.done $0x0  }
0x304: {  	[sflag:s21] =	ssyncadd.s32 $0xFFFFFFB1  }
0x305: {  	[hbm:s19], [sflag:s10] =	dma.local [spmem:s20], $0x4F  }
0x306: {  	_ =	swait.ge [sflag:s21], $0x4F  }
0x307: {  	s19 =	sld [smem:$0x7F5]  }
0x308: {  	s20 =	sld [smem:$0x7E4]  }
0x309: {  	[sflag:s21] =	ssyncset.done $0x0  }
0x30a: {  	[sflag:s21] =	ssyncadd.s32 $0xFFFFFFB1  }
0x30b: {  	[hbm:s19], [sflag:s10] =	dma.local [spmem:s20], $0x4F  }
0x30c: {  	_ =	swait.ge [sflag:s21], $0x4F  }
0x30d: {  	s18 =	sld [smem:$0x7F7]  }
0x30e: {  	s19 =	sld [smem:$0x7E5]  }
0x30f: {  	[sflag:s21] =	ssyncset.done $0x0  }
0x310: {  	[sflag:s21] =	ssyncadd.s32 $0xFFFFFFB1  }
0x311: {  	[hbm:s18], [sflag:s10] =	dma.local [spmem:s19], $0x4F  }
0x312: {  	_ =	swait.ge [sflag:s21], $0x4F  }
0x313: {  	s20 =	sld [smem:$0x7F9];
	_ =	sdelay $0x1  }
0x314: {  	s16 =	sadd.s32 $0x1, s16  }
0x315: {  	p0 =	sne.s32 s16, s20  }
.Ltmp1:
0x316: {  	_ = 	snop;
	(pc) =	sbr.rel @p0 .LBB2_1-.Ltmp1, $3  }
0x317: {  	_ =	sdelay $0x1  }
0x318: {  	[sflag:s21] =	ssyncset.done $0x0  }
0x319: {  	[sflag:s21] =	ssyncadd.s32 $0xFFFFFFB1  }
0x31a: {  	_ =	sfence.sel $0x180000  }
0x31b: {  	[bflag:$0x0] =	sbarrier.arrive $0xFFFF  }
0x31c: {  	_ =	strace $0x9000004A  }
0x31d: {  	s0 =	stileid.u32;
	[bflag:$0x2] =	sbarrier.arrive $0xFFFF  }
0x31e: {  	p0 =	sne.s32 s0, $0x0;
	s0 =	rddreg [dreg:$0x7]  }
0x31f: {  	s0 =	sadd.s32 @!p0 $0x100000, s0  }
0x320: {  	[sflag:s0] =	ssyncadd.tile.s32 @!p0 $0x1;
	_ =	shalt  }
.Lfunc_end2:
_tile_overlayer_lowered:
.L_overlay_start_2:
0x321: {  	(tag) =	ssettag $0x2  }
0x322: {  	s0 =	rddreg [dreg:$0x0];
	s2 =	stileid.u32  }
0x323: {  	s1 =	rddreg [dreg:$0x1];
	p0 =	sne.s32 s2, $0x0  }
0x324: {  	s3 =	rddreg [dreg:$0x2];
	[bflag:$0x3] =	sbarrier.arrive $0xFFFF;
	s2 =	simm.s32 @!p0 $0x1C02  }
0x325: {  	[timem:s3], [sflag:s2] =	dma.local @!p0 [hbm:s0], s1  }
0x326: {  	s0 =	simm.s32 @!p0 $0x2  }
0x327: {  	_ =	swait.ge @!p0 [sflag:s0], s1  }
0x328: {  	s1 =	ssub.s32 @!p0 $0x0, s1;
	[sflag:s0] =	ssyncset.done @!p0 $0x0  }
0x329: {  	[sflag:s0] =	ssyncadd.s32 @!p0 s1  }
0x32a: {  	[bflag:$0x3] =	sbarrier.arrive $0xFFFF  }
0x32b: {  	_ =	shalt  }

// kernel: kernel.7.cloned.1.call-start
scs
__scs_entry_jumppad:
0x0: {  	(pc) =	sbr.rel $0x88, $3  }
0x1: {  	(tag) =	ssettag $0x0;
	lr =	simm.s32 $0x1  }
0x2: {  	[smem:$0x3F89] =	sst lr;
	_ =	strace $0xD0000000  }
0x3: {  	_ = 	snop  }
0x4: {  	_ = 	snop  }
0x5: {  	_ = 	snop  }
0x6: {  	_ = 	snop  }
0x7: {  	_ = 	snop  }
__scs_overlays_trampoline_lowered:
0x8: {  	[smem:$0x3F98] =	sst s0  }
0x9: {  	[smem:$0x3F99] =	sst s1  }
0xa: {  	[smem:$0x3F9A] =	sst s2  }
0xb: {  	[smem:$0x3F9B] =	sst s3  }
0xc: {  	[smem:$0x3F9C] =	sst s4  }
0xd: {  	[smem:$0x3F9D] =	sst s5  }
0xe: {  	[smem:$0x3F9E] =	sst s6  }
0xf: {  	[smem:$0x3F9F] =	sst s7  }
0x10: {  	[smem:$0x3FA0] =	sst s8  }
0x11: {  	[smem:$0x3FA1] =	sst s9;
	s0 =	simm.s32 @!p0 $0x0  }
0x12: {  	s1 =	sld [smem:$0x3F87];
	s0 =	simm.s32 @p0 $0x1  }
0x13: {  	[smem:$0x3FA2] =	sst s0;
	s0 =	simm.s32 @!p1 $0x0  }
0x14: {  	s2 =	sld [smem:$0x3F86];
	s0 =	simm.s32 @p1 $0x1  }
0x15: {  	[smem:$0x3FA3] =	sst s0;
	s0 =	simm.s32 @!p2 $0x0  }
0x16: {  	s3 =	sld [smem:$0x3FDB];
	s0 =	simm.s32 @p2 $0x1  }
0x17: {  	s4 =	simm.s32 $0x1BF5;
	[smem:$0x3FA5] =	sst s0  }
0x18: {  	s0 =	sld [smem:$0x3F88];
	_ =	swait.ge [sflag:s4], $0x0  }
0x19: {  	s7 =	sld [smem:$0x3F89]  }
0x1a: {  	s8 =	sadd.s32 $0xFFFFE003, lr  }
0x1b: {  	s9 =	sadd.s32 $0xFFFFFEF7, lr;
	s5 =	simm.s32 $0xFFFFFFFF;
	p2 =	slt.u32 s8, $0xFFFFF086  }
0x1c: {  	p1 =	slt.u32 s9, $0xF7A;
	s5 =	simm.s32 @!p2 $0x0  }
0x1d: {  	s5 =	simm.s32 @p1 $0x1;
	p0 =	seq.s32 s7, s2  }
0x1e: {  	s7 =	smul.u32 @!p0 $0xF7A, s2;
	p2 =	seq.s32 @!p0 s5, $0x0  }
0x1f: {  	s9 =	smul.u32 $0xF7A, s1;
	s8 =	simm.s32 @!p0 $0x1BF5;
	p2 =	por !p2, p0  }
0x20: {  	[sflag:s8] =	ssyncset.s32 @!p0 $0xFFFFF086;
	s6 =	sadd.s32 @!p0 s3, s7;
	s7 =	simm.s32 @!p0 $0x108  }
0x21: {  	s3 =	sadd.s32 s3, s9;
	s6 =	sadd.s32 @!p0 $0x88, s6;
	s7 =	simm.s32 @p2 $0x1082  }
0x22: {  	[simem:s7], [sflag:s8] =	dma.local @!p0 [hbm:s6], $0xF7A  }
0x23: {  	s9 =	sor.u32 $0xD0000000, s2;
	s6 =	simm.s32 $0x108;
	_ =	swait.ge @!p0 [sflag:s8], $0x0  }
0x24: {  	s3 =	sadd.s32 $0x88, s3;
	s6 =	simm.s32 @!p1 $0x1082;
	[sflag:s4] =	ssyncset.s32 $0xFFFFF086  }
0x25: {  	[simem:s6], [sflag:s4] =	dma.local [hbm:s3], $0xF7A  }
0x26: {  	[smem:$0x3F89] =	sst s1;
	(tag) =	ssettag s2;
	_ =	strace s9  }
0x27: {  	s1 =	sld [smem:$0x3F99]  }
0x28: {  	s2 =	sld [smem:$0x3F9A]  }
0x29: {  	s4 =	sld [smem:$0x3F9C]  }
0x2a: {  	p0 =	seq.s32 s5, $0x0;
	s5 =	sld [smem:$0x3F9D]  }
0x2b: {  	s6 =	sld [smem:$0x3F9E]  }
0x2c: {  	s7 =	sld [smem:$0x3F9F]  }
0x2d: {  	s3 =	simm.s32 $0x108;
	s8 =	sld [smem:$0x3FA0]  }
0x2e: {  	s3 =	simm.s32 @!p0 $0x1082;
	s9 =	sld [smem:$0x3FA1]  }
0x2f: {  	lr =	sadd.s32 s0, s3;
	s0 =	sld [smem:$0x3F98]  }
0x30: {  	s3 =	sld [smem:$0x3F9B]  }
0x31: {  	[smem:$0x3FA4] =	sst s10  }
0x32: {  	s10 =	sld [smem:$0x3FA2];
	_ =	sdelay $0x3  }
0x33: {  	p0 =	seq.s32 s10, $0x1;
	s10 =	sld [smem:$0x3FA4];
	_ =	sdelay $0x3  }
0x34: {  	[smem:$0x3FA4] =	sst s10  }
0x35: {  	s10 =	sld [smem:$0x3FA3];
	_ =	sdelay $0x3  }
0x36: {  	p1 =	seq.s32 s10, $0x1;
	s10 =	sld [smem:$0x3FA4];
	_ =	sdelay $0x3  }
0x37: {  	[smem:$0x3FA4] =	sst s10  }
0x38: {  	s10 =	sld [smem:$0x3FA5]  }
0x39: {  	_ = 	snop;
	(pc) =	sbr.ind lr, $3  }
0x3a: {  	_ = 	snop  }
0x3b: {  	_ = 	snop  }
0x3c: {  	p2 =	seq.s32 s10, $0x1;
	s10 =	sld [smem:$0x3FA4]  }
0x3d: {  	_ =	shalt  }
0x3e: {  	_ =	shalt  }
0x3f: {  	_ =	shalt  }
0x40: {  	_ =	shalt  }
0x41: {  	_ =	shalt  }
0x42: {  	_ =	shalt  }
0x43: {  	_ =	shalt  }
0x44: {  	_ =	shalt  }
0x45: {  	_ =	shalt  }
0x46: {  	_ =	shalt  }
0x47: {  	_ =	shalt  }
0x48: {  	_ =	shalt  }
0x49: {  	_ =	shalt  }
0x4a: {  	_ =	shalt  }
0x4b: {  	_ =	shalt  }
0x4c: {  	_ =	shalt  }
0x4d: {  	_ =	shalt  }
0x4e: {  	_ =	shalt  }
0x4f: {  	_ =	shalt  }
0x50: {  	_ =	shalt  }
0x51: {  	_ =	shalt  }
0x52: {  	_ =	shalt  }
0x53: {  	_ =	shalt  }
0x54: {  	_ =	shalt  }
0x55: {  	_ =	shalt  }
0x56: {  	_ =	shalt  }
0x57: {  	_ =	shalt  }
0x58: {  	_ =	shalt  }
0x59: {  	_ =	shalt  }
0x5a: {  	_ =	shalt  }
0x5b: {  	_ =	shalt  }
0x5c: {  	_ =	shalt  }
0x5d: {  	_ =	shalt  }
0x5e: {  	_ =	shalt  }
0x5f: {  	_ =	shalt  }
0x60: {  	_ =	shalt  }
0x61: {  	_ =	shalt  }
0x62: {  	_ =	shalt  }
0x63: {  	_ =	shalt  }
0x64: {  	_ =	shalt  }
0x65: {  	_ =	shalt  }
0x66: {  	_ =	shalt  }
0x67: {  	_ =	shalt  }
0x68: {  	_ =	shalt  }
0x69: {  	_ =	shalt  }
0x6a: {  	_ =	shalt  }
0x6b: {  	_ =	shalt  }
0x6c: {  	_ =	shalt  }
0x6d: {  	_ =	shalt  }
0x6e: {  	_ =	shalt  }
0x6f: {  	_ =	shalt  }
0x70: {  	_ =	shalt  }
0x71: {  	_ =	shalt  }
0x72: {  	_ =	shalt  }
0x73: {  	_ =	shalt  }
0x74: {  	_ =	shalt  }
0x75: {  	_ =	shalt  }
0x76: {  	_ =	shalt  }
0x77: {  	_ =	shalt  }
0x78: {  	_ =	shalt  }
0x79: {  	_ =	shalt  }
0x7a: {  	_ =	shalt  }
0x7b: {  	_ =	shalt  }
0x7c: {  	_ =	shalt  }
0x7d: {  	_ =	shalt  }
0x7e: {  	_ =	shalt  }
0x7f: {  	_ =	shalt  }
0x80: {  	_ =	shalt  }
0x81: {  	_ =	shalt  }
0x82: {  	_ =	shalt  }
0x83: {  	_ =	shalt  }
0x84: {  	_ =	shalt  }
0x85: {  	_ =	shalt  }
0x86: {  	_ =	shalt  }
0x87: {  	_ =	shalt  }
.Lfunc_end0:
.L_simem_size_0:
called_computation_lowered:
.L_overlay_start_0:
0x88: {  	s2 =	sld [smem:$0x3FD9]  }
0x89: {  	s3 =	sld [smem:$0x3FFE];
	_ =	sdelay $0x1  }
0x8a: {  	s1 =	srdreg.scid  }
0x8b: {  	s0 =	sand.u32 $0x1, s1  }
0x8c: {  	s14 =	sshll.u32 s0, $0xA;
	s2 =	sadd.s32 s3, s2  }
0x8d: {  	s2 =	sadd.s32 s2, s14  }
0x8e: {  	[smem:$0x3FB0] =	sst s2  }
0x8f: {  	_ = 	snop  }
0x90: {  	s2 =	sld [smem:$0x3FD0];
	_ =	sdelay $0x2  }
0x91: {  	s15 =	simm.s32 $0xA;
	s4 =	simm.s32 $0x10  }
0x92: {  	[smem:s4], [sflag:s15] =	dma.local [hbm:s2], $0x1  }
0x93: {  	_ =	swait.eq [sflag:s15], $0x1  }
0x94: {  	[sflag:s15] =	ssyncset.done $0x0  }
0x95: {  	[sflag:s15] =	ssyncadd.s32 $0xFFFFFFFF  }
0x96: {  	s16 =	sld [smem:$0x11];
	(tm) =	ssettm $0x1  }
0x97: {  	s17 =	sld [smem:$0x3FFB];
	_ =	sdelay $0x3  }
0x98: {  	_ =	strace s17  }
0x99: {  	s3 =	sld [smem:$0x3FFC];
	_ =	sdelay $0x3  }
0x9a: {  	_ =	strace s3  }
0x9b: {  	s3 =	sld [smem:$0x3FFD];
	_ =	sdelay $0x3  }
0x9c: {  	_ =	strace s3  }
0x9d: {  	_ =	strace $0x8FFFFFFF  }
0x9e: {  	s18 =	sld [smem:$0x3FDB];
	_ =	sdelay $0x1  }
0x9f: {  	s19 =	simm.s32 $_scs_section_size  }
0xa0: {  	s5 =	simm.s32 $_size__tile_overlayer_lowered;
	s6 =	simm.s32 $_tile_overlayer_lowered  }
0xa1: {  	s22 =	simm.s32 $0x1BFF;
	s21 =	sshll.u32 s6, $0x1;
	s3 =	sadd.s32 s19, s18  }
0xa2: {  	s7 =	simm.s32 $0x0;
	s20 =	sshll.u32 s5, $0x1;
	s5 =	sadd.s32 s21, s3  }
0xa3: {  	[timem:s7], [sflag:s22] =	dma.local [hbm:s5], s20  }
0xa4: {  	_ =	swait.ge [sflag:s22], s20  }
0xa5: {  	s4 =	ssub.s32 $0x0, s20;
	[sflag:s22] =	ssyncset.done $0x0  }
0xa6: {  	[sflag:s22] =	ssyncadd.s32 s4;
	_ =	sdelay $0x1  }
0xa7: {  	s23 =	simm.s32 $0x1B8B  }
0xa8: {  	_ =	swait.ge [sflag:s23], $0x1  }
0xa9: {  	[sflag:s23] =	ssyncset.done $0x0  }
0xaa: {  	s25 =	simm.s32 $0x1B8E;
	s24 =	sld [smem:$0x3FFE];
	[sflag:s23] =	ssyncadd.s32 $0xFFFFFFFF  }
0xab: {  	s26 =	simm.s32 $execute0_lowered;
	[smem:$0x3FD2] =	sst s25  }
0xac: {  	s5 =	sshll.u32 s26, $0x1;
	_ =	strace $0x80000046;
	[dreg:$0x1] =	wrdreg $0xFFFFFFFF  }
0xad: {  	s28 =	simm.s32 $_size_execute0_lowered;
	s3 =	sadd.s32 s3, s5;
	[dreg:$0x0] =	wrdreg $0x0  }
0xae: {  	s5 =	sshll.u32 s28, $0x1;
	[dreg:$0x2] =	wrdreg s3  }
0xaf: {  	[dreg:$0x3] =	wrdreg s5  }
0xb0: {  	[dreg:$0x4] =	wrdreg $0xC0  }
0xb1: {  	_ =	task [dreg:s7], $0x5FFFF  }
0xb2: {  	[dreg:$0x1] =	wrdreg $0xFFFFFFFF  }
0xb3: {  	[dreg:$0x0] =	wrdreg $0x60  }
0xb4: {  	[dreg:$0x2] =	wrdreg s16  }
0xb5: {  	[dreg:$0x3] =	wrdreg s24  }
0xb6: {  	[dreg:$0x4] =	wrdreg $0x9  }
0xb7: {  	_ =	task.clear_ibuf [dreg:s7], $0x5FFFF;
	_ =	strace $0x90000046  }
0xb8: {  	s29 =	simm.s32 $0x9;
	_ =	strace $0x80000048  }
0xb9: {  	_ =	swait.ge [sflag:s29], $0x1  }
0xba: {  	[sflag:s29] =	ssyncadd.s32 $0xFFFFFFFF  }
0xbb: {  	_ =	strace $0x90000048  }
0xbc: {  	_ =	sfence  }
0xbd: {  	s30 =	sld [smem:$0x0];
	_ =	sdelay $0x2  }
0xbe: {  	s31 =	sshll.u32 s1, $0xD;
	s1 =	sshrl.u32 s1, $0x2  }
0xbf: {  	s3 =	sand.u32 $0x4000, s31;
	s1 =	sadd.s32 s1, s30  }
0xc0: {  	s0 =	sor.u32 s3, s0;
	s1 =	sshll.u32 s1, $0x11  }
0xc1: {  	s0 =	sor.u32 s1, s0  }
0xc2: {  	s0 =	sadd.s32 $0x8F2B, s0  }
0xc3: {  	[sflag:s0] =	ssyncadd.remote.s32 $0x1  }
0xc4: {  	_ =	sfence.sel $0xFFFF  }
0xc5: {  	[dreg:$0x0] =	wrdreg $0xFFFFFFFF;
	(pc) =	sbr.abs _section_cstart, $3  }
0xc6: {  	[dreg:$0x1] =	wrdreg $0xFFFFFFFF  }
0xc7: {  	_ =	task.clear_ibuf [dreg:s7], $0x2FFFF;
	_ =	strace $0x9FFFFFFF  }
0xc8: {  	(tm) =	ssettm $0x7FFFFFFF  }
0xc9: {  	_ =	shalt  }
tec
execute0_lowered:
.L_overlay_start_1:
0x0: {  	(tag) =	ssettag $0x1  }
0x1: {  	s0 =	srdreg.scid;
	s2 =	rddreg [dreg:$0x0]  }
0x2: {  	s7 =	rddreg [dreg:$0x1];
	s23 =	stileid.u32  }
0x3: {  	s3 =	simm.s32 $0x0;
	s16 =	simm.s32 $0x8C00;
	s17 =	simm.s32 $0x9000  }
0x4: {  	s18 =	simm.s32 $0xD000;
	s19 =	simm.s32 $0x1;
	s20 =	simm.s32 $0x2  }
0x5: {  	s21 =	simm.s32 $0x3;
	s22 =	simm.s32 $0x4;
	s6 =	sand.u32 $0x1, s0  }
0x6: {  	[smem:$0x7FF] =	sst s3;
	s5 =	sadd.s32 $0x2C00, s7;
	s11 =	smul.u32 $0x50000, s23  }
0x7: {  	s10 =	sadd.s32 $0x2AC00, s7;
	s12 =	sadd.s32 $0x16AC00, s7;
	s14 =	smul.u32 $0x5000, s23  }
0x8: {  	s4 =	sshll.u32 s6, $0x4;
	_ =	strace $0x80000047;
	s9 =	smul.u32 $0x500000, s6  }
0x9: {  	s24 =	ssub.s32 $0x2, s6;
	s13 =	smul.u32 $0x50000, s6;
	s4 =	sor.u32 s23, s4  }
0xa: {  	s25 =	sshrl.u32 s24, $0x1;
	s23 =	simm.s32 $0x0;
	s8 =	smul.u32 $0x5000, s4  }
0xb: {  	s4 =	sadd.s32 $0x16C00, s7;
	s15 =	ssub.s32 s24, s25;
	s9 =	sadd.s32 s11, s9  }
0xc: {  	s26 =	sadd.s32 s14, s13;
	s11 =	simm.s32 $0x5;
	s13 =	simm.s32 $0x800  }
0xd: {  	s9 =	sshrl.u32 s9, $0x3;
	s14 =	sor.u32 $0x400, s26;
	s30 =	sor.u32 $0x800, s26  }
0xe: {  	s8 =	sshrl.u32 s8, $0x3;
	s28 =	sadd.s32 s9, s12;
	s9 =	sadd.s32 s9, s10  }
0xf: {  	s29 =	sshll.u32 s14, $0x1;
	s6 =	sadd.s32 s4, s8;
	[dreg:$0x3] =	wrdreg s28  }
0x10: {  	s7 =	sadd.s32 s5, s8;
	s8 =	smax.u32 s15, $0x1;
	[dreg:$0x4] =	wrdreg s9  }
0x11: {  	s10 =	sadd.s32 s29, s10;
	s9 =	sshrl.u32 s30, $0x3;
	s31 =	sadd.s32 s29, s12  }
0x12: {  	s12 =	simm.s32 $0x400;
	s15 =	simm.s32 $0x8800;
	[dreg:$0x5] =	wrdreg s10  }
0x13: {  	[dreg:$0x6] =	wrdreg s31;
	s10 =	sshrl.u32 s14, $0x3;
	s14 =	simm.s32 $0x4800  }
.LBB2_1:
0x14: {  	[tilespmem:s3], [sflag:$0x5] =	stream.linear.gather [hbm4b:s6+s3], $0x400, $0x38;
	[tilespmem:$0x11000] =	vst v63  }
0x15: {  	_ =	swait.ge [sflag:s11], $0x400  }
0x16: {  	[sflag:s11] =	ssyncset.done $0x0  }
0x17: {  	[sflag:s11] =	ssyncadd.s32 $0xFFFFFC00  }
0x18: {  	[tilespmem:s12], [sflag:$0x5] =	stream.linear.gather [hbm4b:s7+s3], $0x400, $0x38;
	[tilespmem:$0x11000] =	vst v63  }
0x19: {  	_ =	swait.ge [sflag:s11], $0x400  }
0x1a: {  	[sflag:s11] =	ssyncset.done $0x0  }
0x1b: {  	[sflag:s11] =	ssyncadd.s32 $0xFFFFFC00  }
0x1c: {  	[tilespmem:s13], [sflag:$0x1] =	stream.indirect.gather [hbm4b:s2+s12], $0x10, s3, s12, $0xb8;
	[tilespmem:$0x11000] =	vst v63  }
0x1d: {  	_ = 	snop  }
0x1e: {  	[tilespmem:s14], [sflag:$0x2] =	stream.indirect.gather [hbm4b:s2+s12], $0x10, s12, s12, $0xb8;
	[tilespmem:$0x11000] =	vst v63  }
0x1f: {  	s24 =	sadd.s32 s4, s10  }
0x20: {  	[tilespmem:s15], [sflag:$0x5] =	stream.linear.gather [hbm4b:s24+s3], $0x400, $0x38;
	[tilespmem:$0x11000] =	vst v63  }
0x21: {  	_ =	swait.ge [sflag:s11], $0x400  }
0x22: {  	[sflag:s11] =	ssyncset.done $0x0  }
0x23: {  	s25 =	sadd.s32 s5, s10;
	[sflag:s11] =	ssyncadd.s32 $0xFFFFFC00  }
0x24: {  	[tilespmem:s16], [sflag:$0x5] =	stream.linear.gather [hbm4b:s25+s3], $0x400, $0x38;
	[tilespmem:$0x11000] =	vst v63  }
0x25: {  	_ =	swait.ge [sflag:s11], $0x400  }
0x26: {  	[sflag:s11] =	ssyncset.done $0x0  }
0x27: {  	[sflag:s11] =	ssyncadd.s32 $0xFFFFFC00  }
0x28: {  	[tilespmem:s17], [sflag:$0x3] =	stream.indirect.gather [hbm4b:s2+s12], $0x10, s15, s12, $0xb8;
	[tilespmem:$0x11000] =	vst v63  }
0x29: {  	_ = 	snop  }
0x2a: {  	[tilespmem:s18], [sflag:$0x4] =	stream.indirect.gather [hbm4b:s2+s12], $0x10, s16, s12, $0xb8;
	[tilespmem:$0x11000] =	vst v63  }
0x2b: {  	_ =	swait.ge [sflag:s19], $0x4000  }
0x2c: {  	[sflag:s19] =	ssyncset.done $0x0  }
0x2d: {  	[sflag:s19] =	ssyncadd.s32 $0xFFFFC000  }
0x2e: {  	_ =	swait.ge [sflag:s20], $0x4000  }
0x2f: {  	s26 =	rddreg [dreg:$0x4];
	[sflag:s20] =	ssyncset.done $0x0  }
0x30: {  	[sflag:s20] =	ssyncadd.s32 $0xFFFFC000;
	s24 =	sadd.s32 $0x0, s26  }
0x31: {  	[hbm4b:s24+s3] =	stream.linear.scatter [tilespmem:s13], [sflag:$0x5], $0x4000, $0x38;
	[tilespmem:$0x11000] =	vst v63  }
0x32: {  	_ =	swait.ge [sflag:s11], $0x4000  }
0x33: {  	s29 =	rddreg [dreg:$0x3];
	[sflag:s11] =	ssyncset.done $0x0  }
0x34: {  	[sflag:s11] =	ssyncadd.s32 $0xFFFFC000;
	s24 =	sadd.s32 $0x0, s29  }
0x35: {  	[hbm4b:s24+s3] =	stream.linear.scatter [tilespmem:s14], [sflag:$0x5], $0x4000, $0x38;
	[tilespmem:$0x11000] =	vst v63  }
0x36: {  	p0 =	por $0x0, $0x0;
	_ =	swait.ge [sflag:s11], $0x4000  }
0x37: {  	s25 =	simm.s32 @!p0 $0x0;
	[sflag:s11] =	ssyncset.done $0x0  }
0x38: {  	s26 =	simm.s32 @!p0 $0x5;
	s24 =	sadd.s32 @!p0 s4, s9;
	[sflag:s11] =	ssyncadd.s32 $0xFFFFC000  }
0x39: {  	[tilespmem:s25], [sflag:$0x5] =	stream.linear.gather @!p0 [hbm4b:s24+s25], $0x400, $0x38;
	[tilespmem:$0x11000] =	vst v63  }
0x3a: {  	_ =	swait.ge @!p0 [sflag:s26], $0x400  }
0x3b: {  	[sflag:s26] =	ssyncset.done @!p0 $0x0  }
0x3c: {  	s28 =	simm.s32 @!p0 $0x400;
	s24 =	sadd.s32 @!p0 s5, s9;
	[sflag:s26] =	ssyncadd.s32 @!p0 $0xFFFFFC00  }
0x3d: {  	[tilespmem:s28], [sflag:$0x5] =	stream.linear.gather @!p0 [hbm4b:s24+s25], $0x400, $0x38;
	[tilespmem:$0x11000] =	vst v63  }
0x3e: {  	_ =	swait.ge @!p0 [sflag:s26], $0x400  }
0x3f: {  	[sflag:s26] =	ssyncset.done @!p0 $0x0  }
0x40: {  	s24 =	simm.s32 @!p0 $0x800;
	[sflag:s26] =	ssyncadd.s32 @!p0 $0xFFFFFC00  }
0x41: {  	[tilespmem:s24], [sflag:$0x1] =	stream.indirect.gather @!p0 [hbm4b:s2+s28], $0x10, s25, s28, $0xb8;
	[tilespmem:$0x11000] =	vst v63  }
0x42: {  	s24 =	simm.s32 @!p0 $0x4800  }
0x43: {  	[tilespmem:s24], [sflag:$0x2] =	stream.indirect.gather @!p0 [hbm4b:s2+s28], $0x10, s28, s28, $0xb8;
	[tilespmem:$0x11000] =	vst v63  }
0x44: {  	_ =	swait.ge [sflag:s21], $0x4000  }
0x45: {  	[sflag:s21] =	ssyncset.done $0x0  }
0x46: {  	[sflag:s21] =	ssyncadd.s32 $0xFFFFC000  }
0x47: {  	_ =	swait.ge [sflag:s22], $0x4000  }
0x48: {  	s30 =	rddreg [dreg:$0x5];
	[sflag:s22] =	ssyncset.done $0x0  }
0x49: {  	[sflag:s22] =	ssyncadd.s32 $0xFFFFC000;
	s24 =	sadd.s32 $0x0, s30  }
0x4a: {  	[hbm4b:s24+s3] =	stream.linear.scatter [tilespmem:s17], [sflag:$0x5], $0x4000, $0x38;
	[tilespmem:$0x11000] =	vst v63  }
0x4b: {  	_ =	swait.ge [sflag:s11], $0x4000  }
0x4c: {  	s26 =	sadd.s32 $0x100, s4;
	s31 =	rddreg [dreg:$0x6];
	[sflag:s11] =	ssyncset.done $0x0  }
0x4d: {  	s25 =	sadd.s32 $0x100, s5;
	[sflag:s11] =	ssyncadd.s32 $0xFFFFC000;
	s24 =	sadd.s32 $0x0, s31  }
0x4e: {  	[hbm4b:s24+s3] =	stream.linear.scatter [tilespmem:s18], [sflag:$0x5], $0x4000, $0x38;
	[tilespmem:$0x11000] =	vst v63  }
0x4f: {  	s28 =	simm.s32 $0x2000;
	s24 =	simm.s32 $0x1000;
	_ =	swait.ge [sflag:s11], $0x4000  }
.LBB2_2:
0x50: {  	[sflag:s11] =	ssyncset.done $0x0  }
0x51: {  	s30 =	sadd.s32 s26, s10;
	[sflag:s11] =	ssyncadd.s32 $0xFFFFC000  }
0x52: {  	[tilespmem:s15], [sflag:$0x5] =	stream.linear.gather [hbm4b:s30+s3], $0x400, $0x38;
	[tilespmem:$0x11000] =	vst v63  }
0x53: {  	_ =	swait.ge [sflag:s11], $0x400  }
0x54: {  	[sflag:s11] =	ssyncset.done $0x0  }
0x55: {  	s31 =	sadd.s32 s25, s10;
	[sflag:s11] =	ssyncadd.s32 $0xFFFFFC00  }
0x56: {  	[tilespmem:s16], [sflag:$0x5] =	stream.linear.gather [hbm4b:s31+s3], $0x400, $0x38;
	[tilespmem:$0x11000] =	vst v63  }
0x57: {  	_ =	swait.ge [sflag:s11], $0x400  }
0x58: {  	[sflag:s11] =	ssyncset.done $0x0  }
0x59: {  	[sflag:s11] =	ssyncadd.s32 $0xFFFFFC00  }
0x5a: {  	[tilespmem:s17], [sflag:$0x3] =	stream.indirect.gather [hbm4b:s2+s12], $0x10, s15, s12, $0xb8;
	[tilespmem:$0x11000] =	vst v63  }
0x5b: {  	_ = 	snop  }
0x5c: {  	[tilespmem:s18], [sflag:$0x4] =	stream.indirect.gather [hbm4b:s2+s12], $0x10, s16, s12, $0xb8;
	[tilespmem:$0x11000] =	vst v63  }
0x5d: {  	_ =	swait.ge [sflag:s19], $0x4000  }
0x5e: {  	[sflag:s19] =	ssyncset.done $0x0  }
0x5f: {  	[sflag:s19] =	ssyncadd.s32 $0xFFFFC000  }
0x60: {  	_ =	swait.ge [sflag:s20], $0x4000  }
0x61: {  	s0 =	rddreg [dreg:$0x4];
	[sflag:s20] =	ssyncset.done $0x0  }
0x62: {  	[sflag:s20] =	ssyncadd.s32 $0xFFFFC000;
	s30 =	sadd.s32 s24, s0  }
0x63: {  	[hbm4b:s30+s3] =	stream.linear.scatter [tilespmem:s13], [sflag:$0x5], $0x4000, $0x38;
	[tilespmem:$0x11000] =	vst v63  }
0x64: {  	_ =	swait.ge [sflag:s11], $0x4000  }
0x65: {  	s1 =	rddreg [dreg:$0x3];
	[sflag:s11] =	ssyncset.done $0x0  }
0x66: {  	[sflag:s11] =	ssyncadd.s32 $0xFFFFC000;
	s30 =	sadd.s32 s24, s1  }
0x67: {  	[hbm4b:s30+s3] =	stream.linear.scatter [tilespmem:s14], [sflag:$0x5], $0x4000, $0x38;
	[tilespmem:$0x11000] =	vst v63  }
0x68: {  	p1 =	seq.s32 s24, $0x9000;
	_ =	swait.ge [sflag:s11], $0x4000  }
0x69: {  	s31 =	simm.s32 @!p1 $0x0;
	[sflag:s11] =	ssyncset.done $0x0  }
0x6a: {  	s0 =	simm.s32 @!p1 $0x5;
	s30 =	sadd.s32 @!p1 s26, s9;
	[sflag:s11] =	ssyncadd.s32 $0xFFFFC000  }
0x6b: {  	[tilespmem:s31], [sflag:$0x5] =	stream.linear.gather @!p1 [hbm4b:s30+s31], $0x400, $0x38;
	[tilespmem:$0x11000] =	vst v63  }
0x6c: {  	_ =	swait.ge @!p1 [sflag:s0], $0x400  }
0x6d: {  	[sflag:s0] =	ssyncset.done @!p1 $0x0  }
0x6e: {  	s1 =	simm.s32 @!p1 $0x400;
	s30 =	sadd.s32 @!p1 s25, s9;
	[sflag:s0] =	ssyncadd.s32 @!p1 $0xFFFFFC00  }
0x6f: {  	[tilespmem:s1], [sflag:$0x5] =	stream.linear.gather @!p1 [hbm4b:s30+s31], $0x400, $0x38;
	[tilespmem:$0x11000] =	vst v63  }
0x70: {  	_ =	swait.ge @!p1 [sflag:s0], $0x400  }
0x71: {  	[sflag:s0] =	ssyncset.done @!p1 $0x0  }
0x72: {  	s30 =	simm.s32 @!p1 $0x800;
	[sflag:s0] =	ssyncadd.s32 @!p1 $0xFFFFFC00  }
0x73: {  	[tilespmem:s30], [sflag:$0x1] =	stream.indirect.gather @!p1 [hbm4b:s2+s1], $0x10, s31, s1, $0xb8;
	[tilespmem:$0x11000] =	vst v63  }
0x74: {  	s0 =	simm.s32 @!p1 $0x4800  }
0x75: {  	[tilespmem:s0], [sflag:$0x2] =	stream.indirect.gather @!p1 [hbm4b:s2+s1], $0x10, s1, s1, $0xb8;
	[tilespmem:$0x11000] =	vst v63  }
0x76: {  	_ =	swait.ge [sflag:s21], $0x4000  }
0x77: {  	[sflag:s21] =	ssyncset.done $0x0  }
0x78: {  	[sflag:s21] =	ssyncadd.s32 $0xFFFFC000  }
0x79: {  	s29 =	smov.u32 s28;
	_ =	swait.ge [sflag:s22], $0x4000  }
0x7a: {  	s28 =	sadd.s32 $0x1000, s28;
	s30 =	rddreg [dreg:$0x5];
	[sflag:s22] =	ssyncset.done $0x0  }
0x7b: {  	p0 =	sne.s32 s28, $0xA000;
	[sflag:s22] =	ssyncadd.s32 $0xFFFFC000;
	s0 =	sadd.s32 s24, s30  }
0x7c: {  	[hbm4b:s0+s3] =	stream.linear.scatter [tilespmem:s17], [sflag:$0x5], $0x4000, $0x38;
	[tilespmem:$0x11000] =	vst v63  }
.Ltmp0:
0x7d: {  	_ =	swait.ge [sflag:s11], $0x4000;
	(pc) =	sbr.rel @p0 .LBB2_2-.Ltmp0, $4  }
0x7e: {  	s31 =	rddreg [dreg:$0x6];
	[sflag:s11] =	ssyncset.done $0x0  }
0x7f: {  	s26 =	sadd.s32 $0x100, s26;
	[sflag:s11] =	ssyncadd.s32 $0xFFFFC000;
	s0 =	sadd.s32 s24, s31  }
0x80: {  	[hbm4b:s0+s3] =	stream.linear.scatter [tilespmem:s18], [sflag:$0x5], $0x4000, $0x38;
	[tilespmem:$0x11000] =	vst v63  }
0x81: {  	s25 =	sadd.s32 $0x100, s25;
	s24 =	smov.u32 s29;
	_ =	swait.ge [sflag:s11], $0x4000  }
0x82: {  	[sflag:s11] =	ssyncset.done $0x0  }
0x83: {  	s0 =	sadd.s32 s26, s10;
	[sflag:s11] =	ssyncadd.s32 $0xFFFFC000  }
0x84: {  	[tilespmem:s15], [sflag:$0x5] =	stream.linear.gather [hbm4b:s0+s3], $0x400, $0x38;
	[tilespmem:$0x11000] =	vst v63  }
0x85: {  	_ =	swait.ge [sflag:s11], $0x400  }
0x86: {  	[sflag:s11] =	ssyncset.done $0x0  }
0x87: {  	s1 =	sadd.s32 s25, s10;
	[sflag:s11] =	ssyncadd.s32 $0xFFFFFC00  }
0x88: {  	[tilespmem:s16], [sflag:$0x5] =	stream.linear.gather [hbm4b:s1+s3], $0x400, $0x38;
	[tilespmem:$0x11000] =	vst v63  }
0x89: {  	_ =	swait.ge [sflag:s11], $0x400  }
0x8a: {  	[sflag:s11] =	ssyncset.done $0x0  }
0x8b: {  	[sflag:s11] =	ssyncadd.s32 $0xFFFFFC00  }
0x8c: {  	[tilespmem:s17], [sflag:$0x3] =	stream.indirect.gather [hbm4b:s2+s12], $0x10, s15, s12, $0xb8;
	[tilespmem:$0x11000] =	vst v63  }
0x8d: {  	_ = 	snop  }
0x8e: {  	[tilespmem:s18], [sflag:$0x4] =	stream.indirect.gather [hbm4b:s2+s12], $0x10, s16, s12, $0xb8;
	[tilespmem:$0x11000] =	vst v63  }
0x8f: {  	_ =	swait.ge [sflag:s19], $0x4000  }
0x90: {  	[sflag:s19] =	ssyncset.done $0x0  }
0x91: {  	[sflag:s19] =	ssyncadd.s32 $0xFFFFC000  }
0x92: {  	_ =	swait.ge [sflag:s20], $0x4000  }
0x93: {  	s28 =	rddreg [dreg:$0x4];
	[sflag:s20] =	ssyncset.done $0x0  }
0x94: {  	[sflag:s20] =	ssyncadd.s32 $0xFFFFC000;
	s0 =	sadd.s32 s24, s28  }
0x95: {  	[hbm4b:s0+s3] =	stream.linear.scatter [tilespmem:s13], [sflag:$0x5], $0x4000, $0x38;
	[tilespmem:$0x11000] =	vst v63  }
0x96: {  	_ =	swait.ge [sflag:s11], $0x4000  }
0x97: {  	s29 =	rddreg [dreg:$0x3];
	[sflag:s11] =	ssyncset.done $0x0  }
0x98: {  	[sflag:s11] =	ssyncadd.s32 $0xFFFFC000;
	s0 =	sadd.s32 s24, s29  }
0x99: {  	[hbm4b:s0+s3] =	stream.linear.scatter [tilespmem:s14], [sflag:$0x5], $0x4000, $0x38;
	[tilespmem:$0x11000] =	vst v63  }
0x9a: {  	p0 =	seq.s32 s24, $0x9000;
	_ =	swait.ge [sflag:s11], $0x4000  }
0x9b: {  	s1 =	simm.s32 @!p0 $0x0;
	[sflag:s11] =	ssyncset.done $0x0  }
0x9c: {  	s0 =	sadd.s32 @!p0 s26, s9;
	s26 =	simm.s32 @!p0 $0x5;
	[sflag:s11] =	ssyncadd.s32 $0xFFFFC000  }
0x9d: {  	[tilespmem:s1], [sflag:$0x5] =	stream.linear.gather @!p0 [hbm4b:s0+s1], $0x400, $0x38;
	[tilespmem:$0x11000] =	vst v63  }
0x9e: {  	_ =	swait.ge @!p0 [sflag:s26], $0x400  }
0x9f: {  	[sflag:s26] =	ssyncset.done @!p0 $0x0  }
0xa0: {  	s0 =	sadd.s32 @!p0 s25, s9;
	s25 =	simm.s32 @!p0 $0x400;
	[sflag:s26] =	ssyncadd.s32 @!p0 $0xFFFFFC00  }
0xa1: {  	[tilespmem:s25], [sflag:$0x5] =	stream.linear.gather @!p0 [hbm4b:s0+s1], $0x400, $0x38;
	[tilespmem:$0x11000] =	vst v63  }
0xa2: {  	_ =	swait.ge @!p0 [sflag:s26], $0x400  }
0xa3: {  	[sflag:s26] =	ssyncset.done @!p0 $0x0  }
0xa4: {  	s0 =	simm.s32 @!p0 $0x800;
	[sflag:s26] =	ssyncadd.s32 @!p0 $0xFFFFFC00  }
0xa5: {  	[tilespmem:s0], [sflag:$0x1] =	stream.indirect.gather @!p0 [hbm4b:s2+s25], $0x10, s1, s25, $0xb8;
	[tilespmem:$0x11000] =	vst v63  }
0xa6: {  	s0 =	simm.s32 @!p0 $0x4800  }
0xa7: {  	[tilespmem:s0], [sflag:$0x2] =	stream.indirect.gather @!p0 [hbm4b:s2+s25], $0x10, s25, s25, $0xb8;
	[tilespmem:$0x11000] =	vst v63  }
0xa8: {  	_ =	swait.ge [sflag:s21], $0x4000  }
0xa9: {  	[sflag:s21] =	ssyncset.done $0x0  }
0xaa: {  	[sflag:s21] =	ssyncadd.s32 $0xFFFFC000  }
0xab: {  	_ =	swait.ge [sflag:s22], $0x4000  }
0xac: {  	s30 =	rddreg [dreg:$0x5];
	[sflag:s22] =	ssyncset.done $0x0  }
0xad: {  	[sflag:s22] =	ssyncadd.s32 $0xFFFFC000;
	s0 =	sadd.s32 s24, s30  }
0xae: {  	[hbm4b:s0+s3] =	stream.linear.scatter [tilespmem:s17], [sflag:$0x5], $0x4000, $0x38;
	[tilespmem:$0x11000] =	vst v63  }
0xaf: {  	s23 =	sadd.s32 $0x1, s23;
	_ =	swait.ge [sflag:s11], $0x4000  }
0xb0: {  	p0 =	sne.s32 s23, s8;
	s31 =	rddreg [dreg:$0x6];
	[sflag:s11] =	ssyncset.done $0x0  }
.Ltmp1:
0xb1: {  	[sflag:s11] =	ssyncadd.s32 $0xFFFFC000;
	s0 =	sadd.s32 s24, s31;
	(pc) =	sbr.rel @p0 .LBB2_1-.Ltmp1, $4  }
0xb2: {  	[hbm4b:s0+s3] =	stream.linear.scatter [tilespmem:s18], [sflag:$0x5], $0x4000, $0x38;
	[tilespmem:$0x11000] =	vst v63  }
0xb3: {  	_ =	swait.ge [sflag:s11], $0x4000  }
0xb4: {  	[sflag:s11] =	ssyncset.done $0x0  }
0xb5: {  	[sflag:s11] =	ssyncadd.s32 $0xFFFFC000  }
0xb6: {  	_ =	sfence.sel $0x180000  }
0xb7: {  	[bflag:$0x0] =	sbarrier.arrive $0xFFFF  }
0xb8: {  	_ =	strace $0x90000047  }
0xb9: {  	s0 =	stileid.u32;
	[bflag:$0x2] =	sbarrier.arrive $0xFFFF  }
0xba: {  	p0 =	sne.s32 s0, $0x0;
	s0 =	rddreg [dreg:$0x2]  }
0xbb: {  	s0 =	sadd.s32 @!p0 $0x100000, s0  }
0xbc: {  	[sflag:s0] =	ssyncadd.tile.s32 @!p0 $0x1;
	_ =	shalt  }
.Lfunc_end2:
_tile_overlayer_lowered:
.L_overlay_start_2:
0xbd: {  	(tag) =	ssettag $0x2  }
0xbe: {  	s0 =	rddreg [dreg:$0x0];
	s2 =	stileid.u32  }
0xbf: {  	s1 =	rddreg [dreg:$0x1];
	p0 =	sne.s32 s2, $0x0  }
0xc0: {  	s3 =	rddreg [dreg:$0x2];
	[bflag:$0x3] =	sbarrier.arrive $0xFFFF;
	s2 =	simm.s32 @!p0 $0x1C05  }
0xc1: {  	[timem:s3], [sflag:s2] =	dma.local @!p0 [hbm:s0], s1  }
0xc2: {  	s0 =	simm.s32 @!p0 $0x5  }
0xc3: {  	_ =	swait.ge @!p0 [sflag:s0], s1  }
0xc4: {  	s1 =	ssub.s32 @!p0 $0x0, s1;
	[sflag:s0] =	ssyncset.done @!p0 $0x0  }
0xc5: {  	[sflag:s0] =	ssyncadd.s32 @!p0 s1  }
0xc6: {  	[bflag:$0x3] =	sbarrier.arrive $0xFFFF  }
0xc7: {  	_ =	shalt  }

</sc_bundles>
